<compile_context>
chip_gen: v7x
topology: tpu7x:2x2x1
jax: 0.10.2.dev20260603
libtpu: 0.0.44.dev20260713+nightly
codegen_flags: <defaults>
</compile_context>

<pallas_src>
import functools

import jax
import jax.numpy as jnp
from jax import lax
from jax.experimental import pallas as pl
from jax.experimental.pallas import tpu as pltpu
from jax.experimental.pallas import tpu_sc as plsc

N_NODES = 10000
DEG = 32
D = 128
ALPHA = 0.2
LANES = 16

NSC = 2
NTILE = 16
N_PAD = 10240
NODES_SC = N_PAD // NSC
SLAB = D // NTILE
PC = 80
NCH = NODES_SC // PC
NT = NCH // 2
PAIRS_IT = 8
INNER = PC // (2 * PAIRS_IT)
RB = NODES_SC // NTILE


def _chain_sum(vals):
    chains = list(vals[:4])
    for j in range(4, len(vals)):
        chains[j % 4] = chains[j % 4] + vals[j]
    return (chains[0] + chains[1]) + (chains[2] + chains[3])


def _perm(x, patt):
    return lax.gather(
        x, patt.reshape(LANES, 1),
        lax.GatherDimensionNumbers(
            offset_dims=(), collapsed_slice_dims=(0,), start_index_map=(0,)),
        (1,), mode=lax.GatherScatterMode.PROMISE_IN_BOUNDS)


def _sc_aggregate(h, adj2d, scale):
    mesh = plsc.VectorSubcoreMesh(core_axis_name="c", subcore_axis_name="s")

    @functools.partial(
        pl.kernel,
        mesh=mesh,
        out_type=jax.ShapeDtypeStruct((N_PAD, D), jnp.float32),
        compiler_params=pltpu.CompilerParams(
            needs_layout_passes=False, use_tc_tiling_on_sc=False),
        scratch_types=[
            pltpu.VMEM((N_PAD, SLAB), jnp.float32),
            pltpu.VMEM((NODES_SC, SLAB), jnp.float32),
            pltpu.VMEM((PC * DEG,), jnp.int32),
            pltpu.VMEM((PC * DEG,), jnp.int32),
            pltpu.SemaphoreType.DMA,
            pltpu.SemaphoreType.DMA,
            pltpu.SemaphoreType.DMA,
        ],
    )
    def agg(h_hbm, adj_hbm, out_hbm, slab_v, out_v, adj0, adj1,
            sem0, sem1, semw):
        c = lax.axis_index("c")
        t = lax.axis_index("s")

        pltpu.sync_copy(
            h_hbm.at[pl.ds(0, N_NODES), pl.ds(t * SLAB, SLAB)],
            slab_v.at[pl.ds(0, N_NODES)])
        pltpu.async_copy(adj_hbm.at[c * NCH], adj0, sem0)

        iota = lax.iota(jnp.int32, LANES)
        coloff = jnp.bitwise_and(iota, SLAB - 1)
        hi8 = lax.shift_right_logical(iota, 3)
        patts = [hi8 + (2 * k) for k in range(DEG // 4)]
        rot8 = jnp.bitwise_xor(iota, 8)
        mask8 = iota < 8
        node0_sc = c * NODES_SC

        def node_sums(av0, av1):
            vals = []
            for av in (av0, av1):
                for k in range(DEG // 4):
                    rows = _perm(av, patts[k])
                    vals.append(plsc.load_gather(slab_v, [rows, coloff]))
            return _chain_sum(vals)

        def compute(g, adj_v):
            def inner(p0, carry):
                for q in range(PAIRS_IT):
                    pair = p0 * PAIRS_IT + q
                    aoff = pair * 2 * DEG
                    av0 = adj_v[pl.ds(aoff, LANES)]
                    av1 = adj_v[pl.ds(aoff + LANES, LANES)]
                    bv0 = adj_v[pl.ds(aoff + 2 * LANES, LANES)]
                    bv1 = adj_v[pl.ds(aoff + 3 * LANES, LANES)]
                    acc_i = node_sums(av0, av1)
                    acc_j = node_sums(bv0, bv1)
                    u = jnp.where(mask8, acc_i, acc_j)
                    v = jnp.where(mask8, _perm(acc_i, rot8),
                                  _perm(acc_j, rot8))
                    tot = u + v
                    nloc = g * PC + pair * 2
                    rows_l = jnp.full((LANES,), nloc, jnp.int32) + hi8
                    slf = plsc.load_gather(slab_v, [rows_l + node0_sc, coloff])
                    plsc.store_scatter(out_v, [rows_l, coloff],
                                       (tot + slf) * scale)
                return carry

            lax.fori_loop(0, INNER, inner, 0)
            pltpu.async_copy(
                out_v.at[pl.ds(g * PC, PC)],
                out_hbm.at[pl.ds(node0_sc + g * PC, PC),
                           pl.ds(t * SLAB, SLAB)],
                semw)

        def body(it, carry):
            g0 = 2 * it
            pltpu.async_copy(adj_hbm.at[c * NCH + g0 + 1], adj1, sem1)
            pltpu.make_async_copy(adj_hbm.at[0], adj0, sem0).wait()
            compute(g0, adj0)
            pltpu.async_copy(adj_hbm.at[c * NCH + g0 + 2], adj0, sem0)
            pltpu.make_async_copy(adj_hbm.at[0], adj1, sem1).wait()
            compute(g0 + 1, adj1)
            return carry

        lax.fori_loop(0, NT, body, 0)
        pltpu.make_async_copy(adj_hbm.at[0], adj0, sem0).wait()

        def drain(g, carry):
            pltpu.make_async_copy(
                out_v.at[pl.ds(0, PC)],
                out_hbm.at[pl.ds(node0_sc, PC), pl.ds(t * SLAB, SLAB)],
                semw).wait()
            return carry

        lax.fori_loop(0, NCH, drain, 0)

    return agg(h, adj2d)


def _tc_mlp(feat, w):
    blk = 400

    def body(f_ref, w_ref, o_ref):
        x = jnp.dot(f_ref[...], w_ref[...], preferred_element_type=jnp.float32)
        x = jnp.where(x >= 0, x, ALPHA * x)
        nrm = jnp.sqrt(jnp.sum(x * x, axis=1, keepdims=True))
        o_ref[...] = x / jnp.maximum(nrm, 1e-12)

    return pl.pallas_call(
        body,
        grid=(N_NODES // blk,),
        in_specs=[
            pl.BlockSpec((blk, D), lambda i: (i, 0)),
            pl.BlockSpec((D, D), lambda i: (0, 0)),
        ],
        out_specs=pl.BlockSpec((blk, D), lambda i: (i, 0)),
        out_shape=jax.ShapeDtypeStruct((N_NODES, D), jnp.float32),
    )(feat, w)


def kernel(h, adj, aggregate_num, W_gcn):
    del aggregate_num
    h = h.astype(jnp.float32)
    adj32 = adj.astype(jnp.int32)
    scale = 1.0 / (adj.shape[1] + 1)
    adj2d = jnp.zeros((NSC * NCH + 1, PC * DEG), jnp.int32)
    adj2d = adj2d.at[:N_NODES * DEG // (PC * DEG)].set(
        adj32.reshape(N_NODES * DEG // (PC * DEG), PC * DEG))
    feat = _sc_aggregate(h, adj2d, scale)
    return _tc_mlp(feat, W_gcn)

# --- scband reference (transcript-rebuilt; emitter-appended) ---
"""Pipeline reference for scband-graph-sagelayer-46772193853697 (READ-ONLY COPY).

The authoritative reference and input builder live on the scoring server;
editing this copy changes nothing except your own understanding.
"""

import jax, jax.numpy as jnp
import numpy as np

N_NODES = 10000
DEG = 32
D_FEAT = 128
D_OUT = 128
ALPHA = 0.2


def setup_inputs(seed: int = 0) -> dict:
    key = jax.random.key(seed)
    k1, k2, k3 = jax.random.split(key, 3)
    h = jax.random.normal(k1, (N_NODES, D_FEAT), dtype=jnp.float32)
    adj = jax.random.randint(k2, (N_NODES, DEG), 0, N_NODES, dtype=jnp.int64)
    # xavier_uniform init for W_gcn [features_dim, out_feat_dim]
    limit = float(np.sqrt(6.0 / (D_FEAT + D_OUT)))
    W_gcn = jax.random.uniform(k3, (D_FEAT, D_OUT), dtype=jnp.float32, minval=-limit, maxval=limit)
    return {"h": h, "adj": adj, "aggregate_num": DEG, "W_gcn": W_gcn}


def reference(h, adj, aggregate_num, W_gcn):
    # GCN-style neighbor aggregation: feat_i = (h_i + sum_j h_{adj[i,j]}) / (deg + 1)
    # (dropout is a no-op in eval mode, training=False)
    neigh = jnp.take(h, adj, axis=0)            # [N, K, d] gather
    feat = (h + neigh.sum(axis=1)) / (adj.shape[1] + 1)
    out = feat @ W_gcn                           # [N, d_out]
    out = jnp.where(out >= 0, out, ALPHA * out)  # LeakyReLU(alpha)
    # F.normalize(p=2, dim=1), eps=1e-12
    norm = jnp.sqrt(jnp.sum(out * out, axis=1, keepdims=True))
    out = out / jnp.maximum(norm, 1e-12)
    return out

if __name__ == "__main__":
    import jax
    _d = setup_inputs()
    print(jax.jit(kernel)(*tuple(_d.values())))

</pallas_src>

<mosaic_0001>
#map = affine_map<(d0, d1) -> (0, 0)>
module attributes {stable_mosaic.version = 14 : i64} {
  func.func @agg(%arg0: i32, %arg1: i32, %arg2: memref<10000x128xf32, #tpu.memory_space<hbm>>, %arg3: memref<129x2560xi32, #tpu.memory_space<hbm>>, %arg4: memref<10240x128xf32, #tpu.memory_space<hbm>>, %arg5: memref<10240x8xf32, #tpu.memory_space<vmem>>, %arg6: memref<5120x8xf32, #tpu.memory_space<vmem>>, %arg7: memref<2560xi32, #tpu.memory_space<vmem>>, %arg8: memref<2560xi32, #tpu.memory_space<vmem>>, %arg9: memref<!tpu.dma_semaphore, #tpu.memory_space<semaphore_mem>>, %arg10: memref<!tpu.dma_semaphore, #tpu.memory_space<semaphore_mem>>, %arg11: memref<!tpu.dma_semaphore, #tpu.memory_space<semaphore_mem>>) attributes {dimension_semantics = [#tpu.dimension_semantics<core_parallel>, #tpu.dimension_semantics<subcore_parallel>], iteration_bounds = array<i64: 2, 16>, scalar_prefetch = 0 : i64, scratch_operands = 7 : i64, tpu.core_type = #tpu.core_type<sc_vector_subcore>, window_params = [{transform_indices = #map}, {transform_indices = #map}, {transform_indices = #map}]} {
    %mul3A = arith.constant 8 : i32
    %mul3A_0 = arith.muli %arg1, %mul3A : i32
    "tpu.region"() ({
      %run_scoped3A = tpu.sem_alloc : memref<!tpu.dma_semaphore, #tpu.memory_space<semaphore_mem>>
      %dma_start3A_58 = arith.constant 0 : i32
      %dma_start3A_59 = arith.constant 0 : i32
      %dma_start3A_60 = tpu.memref_slice %arg5[%dma_start3A_58, %dma_start3A_59] : memref<10240x8xf32, #tpu.memory_space<vmem>> -> memref<10000x8xf32, #tpu.memory_space<vmem>>
      %dma_start3A_61 = arith.constant 0 : i32
      %dma_start3A_62 = tpu.memref_slice %arg2[%dma_start3A_61, %mul3A_0] : memref<10000x128xf32, #tpu.memory_space<hbm>> -> memref<10000x8xf32, #tpu.memory_space<hbm>>
      %dma_start3A_63 = arith.constant 0 : i32
      %dma_start3A_64 = arith.constant 0 : i32
      %dma_start3A_65 = tpu.memref_slice %arg5[%dma_start3A_63, %dma_start3A_64] : memref<10240x8xf32, #tpu.memory_space<vmem>> -> memref<10000x8xf32, #tpu.memory_space<vmem>>
      %dma_start3A_66 = arith.constant 0 : i32
      %dma_start3A_67 = tpu.memref_slice %arg2[%dma_start3A_66, %mul3A_0] : memref<10000x128xf32, #tpu.memory_space<hbm>> -> memref<10000x8xf32, #tpu.memory_space<hbm>>
      tpu.enqueue_dma source(%dma_start3A_67 : memref<10000x8xf32, #tpu.memory_space<hbm>>) target(%dma_start3A_65 : memref<10000x8xf32, #tpu.memory_space<vmem>>) target_semaphore(%run_scoped3A : memref<!tpu.dma_semaphore, #tpu.memory_space<semaphore_mem>>)
      %dma_wait3A_68 = arith.constant 0 : i32
      %dma_wait3A_69 = arith.constant 0 : i32
      %dma_wait3A_70 = tpu.memref_slice %arg5[%dma_wait3A_68, %dma_wait3A_69] : memref<10240x8xf32, #tpu.memory_space<vmem>> -> memref<10000x8xf32, #tpu.memory_space<vmem>>
      %dma_wait3A_71 = arith.constant 0 : i32
      %dma_wait3A_72 = tpu.memref_slice %arg2[%dma_wait3A_71, %mul3A_0] : memref<10000x128xf32, #tpu.memory_space<hbm>> -> memref<10000x8xf32, #tpu.memory_space<hbm>>
      %dma_wait3A_73 = arith.constant 0 : i32
      %dma_wait3A_74 = arith.constant 0 : i32
      %dma_wait3A_75 = tpu.memref_slice %arg5[%dma_wait3A_73, %dma_wait3A_74] : memref<10240x8xf32, #tpu.memory_space<vmem>> -> memref<10000x8xf32, #tpu.memory_space<vmem>>
      %dma_wait3A_76 = arith.constant 0 : i32
      %dma_wait3A_77 = tpu.memref_slice %arg2[%dma_wait3A_76, %mul3A_0] : memref<10000x128xf32, #tpu.memory_space<hbm>> -> memref<10000x8xf32, #tpu.memory_space<hbm>>
      tpu.wait_dma2 semaphore(%run_scoped3A : memref<!tpu.dma_semaphore, #tpu.memory_space<semaphore_mem>>) src(%dma_wait3A_77 : memref<10000x8xf32, #tpu.memory_space<hbm>>) dst(%dma_wait3A_75 : memref<10000x8xf32, #tpu.memory_space<vmem>>)
      tpu.yield
    }) : () -> ()
    %mul3A_1 = arith.constant 64 : i32
    %mul3A_2 = arith.muli %arg0, %mul3A_1 : i32
    %dma_start3A = arith.constant 0 : i32
    %dma_start3A_3 = tpu.memref_slice %arg3[%mul3A_2, %dma_start3A] : memref<129x2560xi32, #tpu.memory_space<hbm>> -> memref<1x2560xi32, #tpu.memory_space<hbm>>
    %dma_start3A_4 = tpu.memref_squeeze %dma_start3A_3 : memref<1x2560xi32, #tpu.memory_space<hbm>> -> memref<2560xi32, #tpu.memory_space<hbm>>
    %dma_start3A_5 = arith.constant 0 : i32
    %dma_start3A_6 = tpu.memref_slice %arg3[%mul3A_2, %dma_start3A_5] : memref<129x2560xi32, #tpu.memory_space<hbm>> -> memref<1x2560xi32, #tpu.memory_space<hbm>>
    %dma_start3A_7 = tpu.memref_squeeze %dma_start3A_6 : memref<1x2560xi32, #tpu.memory_space<hbm>> -> memref<2560xi32, #tpu.memory_space<hbm>>
    tpu.enqueue_dma source(%dma_start3A_7 : memref<2560xi32, #tpu.memory_space<hbm>>) target(%arg7 : memref<2560xi32, #tpu.memory_space<vmem>>) target_semaphore(%arg9 : memref<!tpu.dma_semaphore, #tpu.memory_space<semaphore_mem>>)
    %iota3A = tpu.iota {dimensions = array<i32: 0>} : vector<16xi32>
    %and3A = arith.constant 7 : i32
    %and3A_8 = vector.broadcast %and3A : i32 to vector<16xi32>
    %and3A_9 = arith.andi %iota3A, %and3A_8 : vector<16xi32>
    %shift_right_logical3A = arith.constant 3 : i32
    %shift_right_logical3A_10 = vector.broadcast %shift_right_logical3A : i32 to vector<16xi32>
    %shift_right_logical3A_11 = arith.shrui %iota3A, %shift_right_logical3A_10 : vector<16xi32>
    %add3A = arith.constant 0 : i32
    %add3A_12 = vector.broadcast %add3A : i32 to vector<16xi32>
    %add3A_13 = arith.addi %shift_right_logical3A_11, %add3A_12 : vector<16xi32>
    %add3A_14 = arith.constant 2 : i32
    %add3A_15 = vector.broadcast %add3A_14 : i32 to vector<16xi32>
    %add3A_16 = arith.addi %shift_right_logical3A_11, %add3A_15 : vector<16xi32>
    %add3A_17 = arith.constant 4 : i32
    %add3A_18 = vector.broadcast %add3A_17 : i32 to vector<16xi32>
    %add3A_19 = arith.addi %shift_right_logical3A_11, %add3A_18 : vector<16xi32>
    %add3A_20 = arith.constant 6 : i32
    %add3A_21 = vector.broadcast %add3A_20 : i32 to vector<16xi32>
    %add3A_22 = arith.addi %shift_right_logical3A_11, %add3A_21 : vector<16xi32>
    %add3A_23 = arith.constant 8 : i32
    %add3A_24 = vector.broadcast %add3A_23 : i32 to vector<16xi32>
    %add3A_25 = arith.addi %shift_right_logical3A_11, %add3A_24 : vector<16xi32>
    %add3A_26 = arith.constant 10 : i32
    %add3A_27 = vector.broadcast %add3A_26 : i32 to vector<16xi32>
    %add3A_28 = arith.addi %shift_right_logical3A_11, %add3A_27 : vector<16xi32>
    %add3A_29 = arith.constant 12 : i32
    %add3A_30 = vector.broadcast %add3A_29 : i32 to vector<16xi32>
    %add3A_31 = arith.addi %shift_right_logical3A_11, %add3A_30 : vector<16xi32>
    %add3A_32 = arith.constant 14 : i32
    %add3A_33 = vector.broadcast %add3A_32 : i32 to vector<16xi32>
    %add3A_34 = arith.addi %shift_right_logical3A_11, %add3A_33 : vector<16xi32>
    %xor3A = arith.constant 8 : i32
    %xor3A_35 = vector.broadcast %xor3A : i32 to vector<16xi32>
    %xor3A_36 = arith.xori %iota3A, %xor3A_35 : vector<16xi32>
    %lt3A = arith.constant 8 : i32
    %lt3A_37 = vector.broadcast %lt3A : i32 to vector<16xi32>
    %lt3A_38 = arith.cmpi slt, %iota3A, %lt3A_37 : vector<16xi32>
    %mul3A_39 = arith.constant 5120 : i32
    %mul3A_40 = arith.muli %arg0, %mul3A_39 : i32
    %scan3A = arith.constant 0 : i32
    %scan3A_41 = arith.constant 0 : i32
    %scan3A_42 = arith.constant 32 : i32
    %scan3A_43 = arith.addi %scan3A_41, %scan3A_42 : i32
    %scan3A_44 = arith.constant 1 : i32
    scf.for %scan3A_58 = %scan3A_41 to %scan3A_43 step %scan3A_44  : i32 {
      %mul3A_59 = arith.constant 2 : i32
      %mul3A_60 = arith.muli %mul3A_59, %scan3A_58 : i32
      %mul3A_61 = arith.constant 64 : i32
      %mul3A_62 = arith.muli %arg0, %mul3A_61 : i32
      %add3A_63 = arith.addi %mul3A_62, %mul3A_60 : i32
      %add3A_64 = arith.constant 1 : i32
      %add3A_65 = arith.addi %add3A_63, %add3A_64 : i32
      %dma_start3A_66 = arith.constant 0 : i32
      %dma_start3A_67 = tpu.memref_slice %arg3[%add3A_65, %dma_start3A_66] : memref<129x2560xi32, #tpu.memory_space<hbm>> -> memref<1x2560xi32, #tpu.memory_space<hbm>>
      %dma_start3A_68 = tpu.memref_squeeze %dma_start3A_67 : memref<1x2560xi32, #tpu.memory_space<hbm>> -> memref<2560xi32, #tpu.memory_space<hbm>>
      %dma_start3A_69 = arith.constant 0 : i32
      %dma_start3A_70 = tpu.memref_slice %arg3[%add3A_65, %dma_start3A_69] : memref<129x2560xi32, #tpu.memory_space<hbm>> -> memref<1x2560xi32, #tpu.memory_space<hbm>>
      %dma_start3A_71 = tpu.memref_squeeze %dma_start3A_70 : memref<1x2560xi32, #tpu.memory_space<hbm>> -> memref<2560xi32, #tpu.memory_space<hbm>>
      tpu.enqueue_dma source(%dma_start3A_71 : memref<2560xi32, #tpu.memory_space<hbm>>) target(%arg8 : memref<2560xi32, #tpu.memory_space<vmem>>) target_semaphore(%arg10 : memref<!tpu.dma_semaphore, #tpu.memory_space<semaphore_mem>>)
      %dma_wait3A_72 = arith.constant 0 : i32
      %dma_wait3A_73 = arith.constant 0 : i32
      %dma_wait3A_74 = tpu.memref_slice %arg3[%dma_wait3A_72, %dma_wait3A_73] : memref<129x2560xi32, #tpu.memory_space<hbm>> -> memref<1x2560xi32, #tpu.memory_space<hbm>>
      %dma_wait3A_75 = tpu.memref_squeeze %dma_wait3A_74 : memref<1x2560xi32, #tpu.memory_space<hbm>> -> memref<2560xi32, #tpu.memory_space<hbm>>
      %dma_wait3A_76 = arith.constant 0 : i32
      %dma_wait3A_77 = tpu.memref_slice %arg3[%dma_wait3A_72, %dma_wait3A_76] : memref<129x2560xi32, #tpu.memory_space<hbm>> -> memref<1x2560xi32, #tpu.memory_space<hbm>>
      %dma_wait3A_78 = tpu.memref_squeeze %dma_wait3A_77 : memref<1x2560xi32, #tpu.memory_space<hbm>> -> memref<2560xi32, #tpu.memory_space<hbm>>
      tpu.wait_dma2 semaphore(%arg9 : memref<!tpu.dma_semaphore, #tpu.memory_space<semaphore_mem>>) src(%dma_wait3A_78 : memref<2560xi32, #tpu.memory_space<hbm>>) dst(%arg7 : memref<2560xi32, #tpu.memory_space<vmem>>)
      %scan3A_79 = arith.constant 0 : i32
      %scan3A_80 = arith.constant 0 : i32
      %scan3A_81 = arith.constant 5 : i32
      %scan3A_82 = arith.addi %scan3A_80, %scan3A_81 : i32
      %scan3A_83 = arith.constant 1 : i32
      scf.for %scan3A_137 = %scan3A_80 to %scan3A_82 step %scan3A_83  : i32 {
        %mul3A_138 = arith.constant 8 : i32
        %mul3A_139 = arith.muli %scan3A_137, %mul3A_138 : i32
        %add3A_140 = arith.constant 0 : i32
        %add3A_141 = arith.addi %mul3A_139, %add3A_140 : i32
        %mul3A_142 = arith.constant 2 : i32
        %mul3A_143 = arith.muli %add3A_141, %mul3A_142 : i32
        %mul3A_144 = arith.constant 32 : i32
        %mul3A_145 = arith.muli %mul3A_143, %mul3A_144 : i32
        %get3A = arith.index_cast %mul3A_145 : i32 to index
        %get3A_146 = tpu.vector_load %arg7[%get3A] {strides = array<i32>} : memref<2560xi32, #tpu.memory_space<vmem>>, vector<16xi32>,
        %add3A_147 = arith.constant 16 : i32
        %add3A_148 = arith.addi %mul3A_145, %add3A_147 : i32
        %get3A_149 = arith.index_cast %add3A_148 : i32 to index
        %get3A_150 = tpu.vector_load %arg7[%get3A_149] {strides = array<i32>} : memref<2560xi32, #tpu.memory_space<vmem>>, vector<16xi32>,
        %add3A_151 = arith.constant 32 : i32
        %add3A_152 = arith.addi %mul3A_145, %add3A_151 : i32
        %get3A_153 = arith.index_cast %add3A_152 : i32 to index
        %get3A_154 = tpu.vector_load %arg7[%get3A_153] {strides = array<i32>} : memref<2560xi32, #tpu.memory_space<vmem>>, vector<16xi32>,
        %add3A_155 = arith.constant 48 : i32
        %add3A_156 = arith.addi %mul3A_145, %add3A_155 : i32
        %get3A_157 = arith.index_cast %add3A_156 : i32 to index
        %get3A_158 = tpu.vector_load %arg7[%get3A_157] {strides = array<i32>} : memref<2560xi32, #tpu.memory_space<vmem>>, vector<16xi32>,
        %reshape3A = vector.shape_cast %add3A_13 : vector<16xi32> to vector<16x1xi32>
        %gather3A = vector.shape_cast %reshape3A : vector<16x1xi32> to vector<16xi32>
        %gather3A_159 = tpu.dynamic_gather %get3A_146[%gather3A] in [0] : vector<16xi32>, vector<16xi32> -> vector<16xi32>
        %gather3A_160 = tpu.vector_load_idx %arg5[%gather3A_159, %and3A_9] : memref<10240x8xf32, #tpu.memory_space<vmem>>[vector<16xi32>, vector<16xi32>], vector<16xf32>,
        %reshape3A_161 = vector.shape_cast %add3A_16 : vector<16xi32> to vector<16x1xi32>
        %gather3A_162 = vector.shape_cast %reshape3A_161 : vector<16x1xi32> to vector<16xi32>
        %gather3A_163 = tpu.dynamic_gather %get3A_146[%gather3A_162] in [0] : vector<16xi32>, vector<16xi32> -> vector<16xi32>
        %gather3A_164 = tpu.vector_load_idx %arg5[%gather3A_163, %and3A_9] : memref<10240x8xf32, #tpu.memory_space<vmem>>[vector<16xi32>, vector<16xi32>], vector<16xf32>,
        %reshape3A_165 = vector.shape_cast %add3A_19 : vector<16xi32> to vector<16x1xi32>
        %gather3A_166 = vector.shape_cast %reshape3A_165 : vector<16x1xi32> to vector<16xi32>
        %gather3A_167 = tpu.dynamic_gather %get3A_146[%gather3A_166] in [0] : vector<16xi32>, vector<16xi32> -> vector<16xi32>
        %gather3A_168 = tpu.vector_load_idx %arg5[%gather3A_167, %and3A_9] : memref<10240x8xf32, #tpu.memory_space<vmem>>[vector<16xi32>, vector<16xi32>], vector<16xf32>,
        %reshape3A_169 = vector.shape_cast %add3A_22 : vector<16xi32> to vector<16x1xi32>
        %gather3A_170 = vector.shape_cast %reshape3A_169 : vector<16x1xi32> to vector<16xi32>
        %gather3A_171 = tpu.dynamic_gather %get3A_146[%gather3A_170] in [0] : vector<16xi32>, vector<16xi32> -> vector<16xi32>
        %gather3A_172 = tpu.vector_load_idx %arg5[%gather3A_171, %and3A_9] : memref<10240x8xf32, #tpu.memory_space<vmem>>[vector<16xi32>, vector<16xi32>], vector<16xf32>,
        %reshape3A_173 = vector.shape_cast %add3A_25 : vector<16xi32> to vector<16x1xi32>
        %gather3A_174 = vector.shape_cast %reshape3A_173 : vector<16x1xi32> to vector<16xi32>
        %gather3A_175 = tpu.dynamic_gather %get3A_146[%gather3A_174] in [0] : vector<16xi32>, vector<16xi32> -> vector<16xi32>
        %gather3A_176 = tpu.vector_load_idx %arg5[%gather3A_175, %and3A_9] : memref<10240x8xf32, #tpu.memory_space<vmem>>[vector<16xi32>, vector<16xi32>], vector<16xf32>,
        %reshape3A_177 = vector.shape_cast %add3A_28 : vector<16xi32> to vector<16x1xi32>
        %gather3A_178 = vector.shape_cast %reshape3A_177 : vector<16x1xi32> to vector<16xi32>
        %gather3A_179 = tpu.dynamic_gather %get3A_146[%gather3A_178] in [0] : vector<16xi32>, vector<16xi32> -> vector<16xi32>
        %gather3A_180 = tpu.vector_load_idx %arg5[%gather3A_179, %and3A_9] : memref<10240x8xf32, #tpu.memory_space<vmem>>[vector<16xi32>, vector<16xi32>], vector<16xf32>,
        %reshape3A_181 = vector.shape_cast %add3A_31 : vector<16xi32> to vector<16x1xi32>
        %gather3A_182 = vector.shape_cast %reshape3A_181 : vector<16x1xi32> to vector<16xi32>
        %gather3A_183 = tpu.dynamic_gather %get3A_146[%gather3A_182] in [0] : vector<16xi32>, vector<16xi32> -> vector<16xi32>
        %gather3A_184 = tpu.vector_load_idx %arg5[%gather3A_183, %and3A_9] : memref<10240x8xf32, #tpu.memory_space<vmem>>[vector<16xi32>, vector<16xi32>], vector<16xf32>,
        %reshape3A_185 = vector.shape_cast %add3A_34 : vector<16xi32> to vector<16x1xi32>
        %gather3A_186 = vector.shape_cast %reshape3A_185 : vector<16x1xi32> to vector<16xi32>
        %gather3A_187 = tpu.dynamic_gather %get3A_146[%gather3A_186] in [0] : vector<16xi32>, vector<16xi32> -> vector<16xi32>
        %gather3A_188 = tpu.vector_load_idx %arg5[%gather3A_187, %and3A_9] : memref<10240x8xf32, #tpu.memory_space<vmem>>[vector<16xi32>, vector<16xi32>], vector<16xf32>,
        %reshape3A_189 = vector.shape_cast %add3A_13 : vector<16xi32> to vector<16x1xi32>
        %gather3A_190 = vector.shape_cast %reshape3A_189 : vector<16x1xi32> to vector<16xi32>
        %gather3A_191 = tpu.dynamic_gather %get3A_150[%gather3A_190] in [0] : vector<16xi32>, vector<16xi32> -> vector<16xi32>
        %gather3A_192 = tpu.vector_load_idx %arg5[%gather3A_191, %and3A_9] : memref<10240x8xf32, #tpu.memory_space<vmem>>[vector<16xi32>, vector<16xi32>], vector<16xf32>,
        %reshape3A_193 = vector.shape_cast %add3A_16 : vector<16xi32> to vector<16x1xi32>
        %gather3A_194 = vector.shape_cast %reshape3A_193 : vector<16x1xi32> to vector<16xi32>
        %gather3A_195 = tpu.dynamic_gather %get3A_150[%gather3A_194] in [0] : vector<16xi32>, vector<16xi32> -> vector<16xi32>
        %gather3A_196 = tpu.vector_load_idx %arg5[%gather3A_195, %and3A_9] : memref<10240x8xf32, #tpu.memory_space<vmem>>[vector<16xi32>, vector<16xi32>], vector<16xf32>,
        %reshape3A_197 = vector.shape_cast %add3A_19 : vector<16xi32> to vector<16x1xi32>
        %gather3A_198 = vector.shape_cast %reshape3A_197 : vector<16x1xi32> to vector<16xi32>
        %gather3A_199 = tpu.dynamic_gather %get3A_150[%gather3A_198] in [0] : vector<16xi32>, vector<16xi32> -> vector<16xi32>
        %gather3A_200 = tpu.vector_load_idx %arg5[%gather3A_199, %and3A_9] : memref<10240x8xf32, #tpu.memory_space<vmem>>[vector<16xi32>, vector<16xi32>], vector<16xf32>,
        %reshape3A_201 = vector.shape_cast %add3A_22 : vector<16xi32> to vector<16x1xi32>
        %gather3A_202 = vector.shape_cast %reshape3A_201 : vector<16x1xi32> to vector<16xi32>
        %gather3A_203 = tpu.dynamic_gather %get3A_150[%gather3A_202] in [0] : vector<16xi32>, vector<16xi32> -> vector<16xi32>
        %gather3A_204 = tpu.vector_load_idx %arg5[%gather3A_203, %and3A_9] : memref<10240x8xf32, #tpu.memory_space<vmem>>[vector<16xi32>, vector<16xi32>], vector<16xf32>,
        %reshape3A_205 = vector.shape_cast %add3A_25 : vector<16xi32> to vector<16x1xi32>
        %gather3A_206 = vector.shape_cast %reshape3A_205 : vector<16x1xi32> to vector<16xi32>
        %gather3A_207 = tpu.dynamic_gather %get3A_150[%gather3A_206] in [0] : vector<16xi32>, vector<16xi32> -> vector<16xi32>
        %gather3A_208 = tpu.vector_load_idx %arg5[%gather3A_207, %and3A_9] : memref<10240x8xf32, #tpu.memory_space<vmem>>[vector<16xi32>, vector<16xi32>], vector<16xf32>,
        %reshape3A_209 = vector.shape_cast %add3A_28 : vector<16xi32> to vector<16x1xi32>
        %gather3A_210 = vector.shape_cast %reshape3A_209 : vector<16x1xi32> to vector<16xi32>
        %gather3A_211 = tpu.dynamic_gather %get3A_150[%gather3A_210] in [0] : vector<16xi32>, vector<16xi32> -> vector<16xi32>
        %gather3A_212 = tpu.vector_load_idx %arg5[%gather3A_211, %and3A_9] : memref<10240x8xf32, #tpu.memory_space<vmem>>[vector<16xi32>, vector<16xi32>], vector<16xf32>,
        %reshape3A_213 = vector.shape_cast %add3A_31 : vector<16xi32> to vector<16x1xi32>
        %gather3A_214 = vector.shape_cast %reshape3A_213 : vector<16x1xi32> to vector<16xi32>
        %gather3A_215 = tpu.dynamic_gather %get3A_150[%gather3A_214] in [0] : vector<16xi32>, vector<16xi32> -> vector<16xi32>
        %gather3A_216 = tpu.vector_load_idx %arg5[%gather3A_215, %and3A_9] : memref<10240x8xf32, #tpu.memory_space<vmem>>[vector<16xi32>, vector<16xi32>], vector<16xf32>,
        %reshape3A_217 = vector.shape_cast %add3A_34 : vector<16xi32> to vector<16x1xi32>
        %gather3A_218 = vector.shape_cast %reshape3A_217 : vector<16x1xi32> to vector<16xi32>
        %gather3A_219 = tpu.dynamic_gather %get3A_150[%gather3A_218] in [0] : vector<16xi32>, vector<16xi32> -> vector<16xi32>
        %gather3A_220 = tpu.vector_load_idx %arg5[%gather3A_219, %and3A_9] : memref<10240x8xf32, #tpu.memory_space<vmem>>[vector<16xi32>, vector<16xi32>], vector<16xf32>,
        %add3A_221 = arith.addf %gather3A_160, %gather3A_176 : vector<16xf32>
        %add3A_222 = arith.addf %gather3A_164, %gather3A_180 : vector<16xf32>
        %add3A_223 = arith.addf %gather3A_168, %gather3A_184 : vector<16xf32>
        %add3A_224 = arith.addf %gather3A_172, %gather3A_188 : vector<16xf32>
        %add3A_225 = arith.addf %add3A_221, %gather3A_192 : vector<16xf32>
        %add3A_226 = arith.addf %add3A_222, %gather3A_196 : vector<16xf32>
        %add3A_227 = arith.addf %add3A_223, %gather3A_200 : vector<16xf32>
        %add3A_228 = arith.addf %add3A_224, %gather3A_204 : vector<16xf32>
        %add3A_229 = arith.addf %add3A_225, %gather3A_208 : vector<16xf32>
        %add3A_230 = arith.addf %add3A_226, %gather3A_212 : vector<16xf32>
        %add3A_231 = arith.addf %add3A_227, %gather3A_216 : vector<16xf32>
        %add3A_232 = arith.addf %add3A_228, %gather3A_220 : vector<16xf32>
        %add3A_233 = arith.addf %add3A_229, %add3A_230 : vector<16xf32>
        %add3A_234 = arith.addf %add3A_231, %add3A_232 : vector<16xf32>
        %add3A_235 = arith.addf %add3A_233, %add3A_234 : vector<16xf32>
        %reshape3A_236 = vector.shape_cast %add3A_13 : vector<16xi32> to vector<16x1xi32>
        %gather3A_237 = vector.shape_cast %reshape3A_236 : vector<16x1xi32> to vector<16xi32>
        %gather3A_238 = tpu.dynamic_gather %get3A_154[%gather3A_237] in [0] : vector<16xi32>, vector<16xi32> -> vector<16xi32>
        %gather3A_239 = tpu.vector_load_idx %arg5[%gather3A_238, %and3A_9] : memref<10240x8xf32, #tpu.memory_space<vmem>>[vector<16xi32>, vector<16xi32>], vector<16xf32>,
        %reshape3A_240 = vector.shape_cast %add3A_16 : vector<16xi32> to vector<16x1xi32>
        %gather3A_241 = vector.shape_cast %reshape3A_240 : vector<16x1xi32> to vector<16xi32>
        %gather3A_242 = tpu.dynamic_gather %get3A_154[%gather3A_241] in [0] : vector<16xi32>, vector<16xi32> -> vector<16xi32>
        %gather3A_243 = tpu.vector_load_idx %arg5[%gather3A_242, %and3A_9] : memref<10240x8xf32, #tpu.memory_space<vmem>>[vector<16xi32>, vector<16xi32>], vector<16xf32>,
        %reshape3A_244 = vector.shape_cast %add3A_19 : vector<16xi32> to vector<16x1xi32>
        %gather3A_245 = vector.shape_cast %reshape3A_244 : vector<16x1xi32> to vector<16xi32>
        %gather3A_246 = tpu.dynamic_gather %get3A_154[%gather3A_245] in [0] : vector<16xi32>, vector<16xi32> -> vector<16xi32>
        %gather3A_247 = tpu.vector_load_idx %arg5[%gather3A_246, %and3A_9] : memref<10240x8xf32, #tpu.memory_space<vmem>>[vector<16xi32>, vector<16xi32>], vector<16xf32>,
        %reshape3A_248 = vector.shape_cast %add3A_22 : vector<16xi32> to vector<16x1xi32>
        %gather3A_249 = vector.shape_cast %reshape3A_248 : vector<16x1xi32> to vector<16xi32>
        %gather3A_250 = tpu.dynamic_gather %get3A_154[%gather3A_249] in [0] : vector<16xi32>, vector<16xi32> -> vector<16xi32>
        %gather3A_251 = tpu.vector_load_idx %arg5[%gather3A_250, %and3A_9] : memref<10240x8xf32, #tpu.memory_space<vmem>>[vector<16xi32>, vector<16xi32>], vector<16xf32>,
        %reshape3A_252 = vector.shape_cast %add3A_25 : vector<16xi32> to vector<16x1xi32>
        %gather3A_253 = vector.shape_cast %reshape3A_252 : vector<16x1xi32> to vector<16xi32>
        %gather3A_254 = tpu.dynamic_gather %get3A_154[%gather3A_253] in [0] : vector<16xi32>, vector<16xi32> -> vector<16xi32>
        %gather3A_255 = tpu.vector_load_idx %arg5[%gather3A_254, %and3A_9] : memref<10240x8xf32, #tpu.memory_space<vmem>>[vector<16xi32>, vector<16xi32>], vector<16xf32>,
        %reshape3A_256 = vector.shape_cast %add3A_28 : vector<16xi32> to vector<16x1xi32>
        %gather3A_257 = vector.shape_cast %reshape3A_256 : vector<16x1xi32> to vector<16xi32>
        %gather3A_258 = tpu.dynamic_gather %get3A_154[%gather3A_257] in [0] : vector<16xi32>, vector<16xi32> -> vector<16xi32>
        %gather3A_259 = tpu.vector_load_idx %arg5[%gather3A_258, %and3A_9] : memref<10240x8xf32, #tpu.memory_space<vmem>>[vector<16xi32>, vector<16xi32>], vector<16xf32>,
        %reshape3A_260 = vector.shape_cast %add3A_31 : vector<16xi32> to vector<16x1xi32>
        %gather3A_261 = vector.shape_cast %reshape3A_260 : vector<16x1xi32> to vector<16xi32>
        %gather3A_262 = tpu.dynamic_gather %get3A_154[%gather3A_261] in [0] : vector<16xi32>, vector<16xi32> -> vector<16xi32>
        %gather3A_263 = tpu.vector_load_idx %arg5[%gather3A_262, %and3A_9] : memref<10240x8xf32, #tpu.memory_space<vmem>>[vector<16xi32>, vector<16xi32>], vector<16xf32>,
        %reshape3A_264 = vector.shape_cast %add3A_34 : vector<16xi32> to vector<16x1xi32>
        %gather3A_265 = vector.shape_cast %reshape3A_264 : vector<16x1xi32> to vector<16xi32>
        %gather3A_266 = tpu.dynamic_gather %get3A_154[%gather3A_265] in [0] : vector<16xi32>, vector<16xi32> -> vector<16xi32>
        %gather3A_267 = tpu.vector_load_idx %arg5[%gather3A_266, %and3A_9] : memref<10240x8xf32, #tpu.memory_space<vmem>>[vector<16xi32>, vector<16xi32>], vector<16xf32>,
        %reshape3A_268 = vector.shape_cast %add3A_13 : vector<16xi32> to vector<16x1xi32>
        %gather3A_269 = vector.shape_cast %reshape3A_268 : vector<16x1xi32> to vector<16xi32>
        %gather3A_270 = tpu.dynamic_gather %get3A_158[%gather3A_269] in [0] : vector<16xi32>, vector<16xi32> -> vector<16xi32>
        %gather3A_271 = tpu.vector_load_idx %arg5[%gather3A_270, %and3A_9] : memref<10240x8xf32, #tpu.memory_space<vmem>>[vector<16xi32>, vector<16xi32>], vector<16xf32>,
        %reshape3A_272 = vector.shape_cast %add3A_16 : vector<16xi32> to vector<16x1xi32>
        %gather3A_273 = vector.shape_cast %reshape3A_272 : vector<16x1xi32> to vector<16xi32>
        %gather3A_274 = tpu.dynamic_gather %get3A_158[%gather3A_273] in [0] : vector<16xi32>, vector<16xi32> -> vector<16xi32>
        %gather3A_275 = tpu.vector_load_idx %arg5[%gather3A_274, %and3A_9] : memref<10240x8xf32, #tpu.memory_space<vmem>>[vector<16xi32>, vector<16xi32>], vector<16xf32>,
        %reshape3A_276 = vector.shape_cast %add3A_19 : vector<16xi32> to vector<16x1xi32>
        %gather3A_277 = vector.shape_cast %reshape3A_276 : vector<16x1xi32> to vector<16xi32>
        %gather3A_278 = tpu.dynamic_gather %get3A_158[%gather3A_277] in [0] : vector<16xi32>, vector<16xi32> -> vector<16xi32>
        %gather3A_279 = tpu.vector_load_idx %arg5[%gather3A_278, %and3A_9] : memref<10240x8xf32, #tpu.memory_space<vmem>>[vector<16xi32>, vector<16xi32>], vector<16xf32>,
        %reshape3A_280 = vector.shape_cast %add3A_22 : vector<16xi32> to vector<16x1xi32>
        %gather3A_281 = vector.shape_cast %reshape3A_280 : vector<16x1xi32> to vector<16xi32>
        %gather3A_282 = tpu.dynamic_gather %get3A_158[%gather3A_281] in [0] : vector<16xi32>, vector<16xi32> -> vector<16xi32>
        %gather3A_283 = tpu.vector_load_idx %arg5[%gather3A_282, %and3A_9] : memref<10240x8xf32, #tpu.memory_space<vmem>>[vector<16xi32>, vector<16xi32>], vector<16xf32>,
        %reshape3A_284 = vector.shape_cast %add3A_25 : vector<16xi32> to vector<16x1xi32>
        %gather3A_285 = vector.shape_cast %reshape3A_284 : vector<16x1xi32> to vector<16xi32>
        %gather3A_286 = tpu.dynamic_gather %get3A_158[%gather3A_285] in [0] : vector<16xi32>, vector<16xi32> -> vector<16xi32>
        %gather3A_287 = tpu.vector_load_idx %arg5[%gather3A_286, %and3A_9] : memref<10240x8xf32, #tpu.memory_space<vmem>>[vector<16xi32>, vector<16xi32>], vector<16xf32>,
        %reshape3A_288 = vector.shape_cast %add3A_28 : vector<16xi32> to vector<16x1xi32>
        %gather3A_289 = vector.shape_cast %reshape3A_288 : vector<16x1xi32> to vector<16xi32>
        %gather3A_290 = tpu.dynamic_gather %get3A_158[%gather3A_289] in [0] : vector<16xi32>, vector<16xi32> -> vector<16xi32>
        %gather3A_291 = tpu.vector_load_idx %arg5[%gather3A_290, %and3A_9] : memref<10240x8xf32, #tpu.memory_space<vmem>>[vector<16xi32>, vector<16xi32>], vector<16xf32>,
        %reshape3A_292 = vector.shape_cast %add3A_31 : vector<16xi32> to vector<16x1xi32>
        %gather3A_293 = vector.shape_cast %reshape3A_292 : vector<16x1xi32> to vector<16xi32>
        %gather3A_294 = tpu.dynamic_gather %get3A_158[%gather3A_293] in [0] : vector<16xi32>, vector<16xi32> -> vector<16xi32>
        %gather3A_295 = tpu.vector_load_idx %arg5[%gather3A_294, %and3A_9] : memref<10240x8xf32, #tpu.memory_space<vmem>>[vector<16xi32>, vector<16xi32>], vector<16xf32>,
        %reshape3A_296 = vector.shape_cast %add3A_34 : vector<16xi32> to vector<16x1xi32>
        %gather3A_297 = vector.shape_cast %reshape3A_296 : vector<16x1xi32> to vector<16xi32>
        %gather3A_298 = tpu.dynamic_gather %get3A_158[%gather3A_297] in [0] : vector<16xi32>, vector<16xi32> -> vector<16xi32>
        %gather3A_299 = tpu.vector_load_idx %arg5[%gather3A_298, %and3A_9] : memref<10240x8xf32, #tpu.memory_space<vmem>>[vector<16xi32>, vector<16xi32>], vector<16xf32>,
        %add3A_300 = arith.addf %gather3A_239, %gather3A_255 : vector<16xf32>
        %add3A_301 = arith.addf %gather3A_243, %gather3A_259 : vector<16xf32>
        %add3A_302 = arith.addf %gather3A_247, %gather3A_263 : vector<16xf32>
        %add3A_303 = arith.addf %gather3A_251, %gather3A_267 : vector<16xf32>
        %add3A_304 = arith.addf %add3A_300, %gather3A_271 : vector<16xf32>
        %add3A_305 = arith.addf %add3A_301, %gather3A_275 : vector<16xf32>
        %add3A_306 = arith.addf %add3A_302, %gather3A_279 : vector<16xf32>
        %add3A_307 = arith.addf %add3A_303, %gather3A_283 : vector<16xf32>
        %add3A_308 = arith.addf %add3A_304, %gather3A_287 : vector<16xf32>
        %add3A_309 = arith.addf %add3A_305, %gather3A_291 : vector<16xf32>
        %add3A_310 = arith.addf %add3A_306, %gather3A_295 : vector<16xf32>
        %add3A_311 = arith.addf %add3A_307, %gather3A_299 : vector<16xf32>
        %add3A_312 = arith.addf %add3A_308, %add3A_309 : vector<16xf32>
        %add3A_313 = arith.addf %add3A_310, %add3A_311 : vector<16xf32>
        %add3A_314 = arith.addf %add3A_312, %add3A_313 : vector<16xf32>
        %select_n3A = arith.select %lt3A_38, %add3A_235, %add3A_314 : vector<16xi1>, vector<16xf32>
        %reshape3A_315 = vector.shape_cast %xor3A_36 : vector<16xi32> to vector<16x1xi32>
        %gather3A_316 = vector.shape_cast %reshape3A_315 : vector<16x1xi32> to vector<16xi32>
        %gather3A_317 = tpu.dynamic_gather %add3A_235[%gather3A_316] in [0] : vector<16xf32>, vector<16xi32> -> vector<16xf32>
        %reshape3A_318 = vector.shape_cast %xor3A_36 : vector<16xi32> to vector<16x1xi32>
        %gather3A_319 = vector.shape_cast %reshape3A_318 : vector<16x1xi32> to vector<16xi32>
        %gather3A_320 = tpu.dynamic_gather %add3A_314[%gather3A_319] in [0] : vector<16xf32>, vector<16xi32> -> vector<16xf32>
        %select_n3A_321 = arith.select %lt3A_38, %gather3A_317, %gather3A_320 : vector<16xi1>, vector<16xf32>
        %add3A_322 = arith.addf %select_n3A, %select_n3A_321 : vector<16xf32>
        %mul3A_323 = arith.constant 80 : i32
        %mul3A_324 = arith.muli %mul3A_60, %mul3A_323 : i32
        %mul3A_325 = arith.constant 2 : i32
        %mul3A_326 = arith.muli %add3A_141, %mul3A_325 : i32
        %add3A_327 = arith.addi %mul3A_324, %mul3A_326 : i32
        %broadcast_in_dim3A = vector.broadcast %add3A_327 : i32 to vector<16xi32>
        %add3A_328 = arith.addi %broadcast_in_dim3A, %shift_right_logical3A_11 : vector<16xi32>
        %add3A_329 = vector.broadcast %mul3A_40 : i32 to vector<16xi32>
        %add3A_330 = arith.addi %add3A_328, %add3A_329 : vector<16xi32>
        %gather3A_331 = tpu.vector_load_idx %arg5[%add3A_330, %and3A_9] : memref<10240x8xf32, #tpu.memory_space<vmem>>[vector<16xi32>, vector<16xi32>], vector<16xf32>,
        %add3A_332 = arith.addf %add3A_322, %gather3A_331 : vector<16xf32>
        %mul3A_333 = arith.constant 0.0303030312 : f32
        %mul3A_334 = vector.broadcast %mul3A_333 : f32 to vector<16xf32>
        %mul3A_335 = arith.mulf %add3A_332, %mul3A_334 : vector<16xf32>
        tpu.vector_store_idx %arg6[%add3A_328, %and3A_9], %mul3A_335 : memref<5120x8xf32, #tpu.memory_space<vmem>>[vector<16xi32>, vector<16xi32>], vector<16xf32>,
        %mul3A_336 = arith.constant 8 : i32
        %mul3A_337 = arith.muli %scan3A_137, %mul3A_336 : i32
        %add3A_338 = arith.constant 1 : i32
        %add3A_339 = arith.addi %mul3A_337, %add3A_338 : i32
        %mul3A_340 = arith.constant 2 : i32
        %mul3A_341 = arith.muli %add3A_339, %mul3A_340 : i32
        %mul3A_342 = arith.constant 32 : i32
        %mul3A_343 = arith.muli %mul3A_341, %mul3A_342 : i32
        %get3A_344 = arith.index_cast %mul3A_343 : i32 to index
        %get3A_345 = tpu.vector_load %arg7[%get3A_344] {strides = array<i32>} : memref<2560xi32, #tpu.memory_space<vmem>>, vector<16xi32>,
        %add3A_346 = arith.constant 16 : i32
        %add3A_347 = arith.addi %mul3A_343, %add3A_346 : i32
        %get3A_348 = arith.index_cast %add3A_347 : i32 to index
        %get3A_349 = tpu.vector_load %arg7[%get3A_348] {strides = array<i32>} : memref<2560xi32, #tpu.memory_space<vmem>>, vector<16xi32>,
        %add3A_350 = arith.constant 32 : i32
        %add3A_351 = arith.addi %mul3A_343, %add3A_350 : i32
        %get3A_352 = arith.index_cast %add3A_351 : i32 to index
        %get3A_353 = tpu.vector_load %arg7[%get3A_352] {strides = array<i32>} : memref<2560xi32, #tpu.memory_space<vmem>>, vector<16xi32>,
        %add3A_354 = arith.constant 48 : i32
        %add3A_355 = arith.addi %mul3A_343, %add3A_354 : i32
        %get3A_356 = arith.index_cast %add3A_355 : i32 to index
        %get3A_357 = tpu.vector_load %arg7[%get3A_356] {strides = array<i32>} : memref<2560xi32, #tpu.memory_space<vmem>>, vector<16xi32>,
        %reshape3A_358 = vector.shape_cast %add3A_13 : vector<16xi32> to vector<16x1xi32>
        %gather3A_359 = vector.shape_cast %reshape3A_358 : vector<16x1xi32> to vector<16xi32>
        %gather3A_360 = tpu.dynamic_gather %get3A_345[%gather3A_359] in [0] : vector<16xi32>, vector<16xi32> -> vector<16xi32>
        %gather3A_361 = tpu.vector_load_idx %arg5[%gather3A_360, %and3A_9] : memref<10240x8xf32, #tpu.memory_space<vmem>>[vector<16xi32>, vector<16xi32>], vector<16xf32>,
        %reshape3A_362 = vector.shape_cast %add3A_16 : vector<16xi32> to vector<16x1xi32>
        %gather3A_363 = vector.shape_cast %reshape3A_362 : vector<16x1xi32> to vector<16xi32>
        %gather3A_364 = tpu.dynamic_gather %get3A_345[%gather3A_363] in [0] : vector<16xi32>, vector<16xi32> -> vector<16xi32>
        %gather3A_365 = tpu.vector_load_idx %arg5[%gather3A_364, %and3A_9] : memref<10240x8xf32, #tpu.memory_space<vmem>>[vector<16xi32>, vector<16xi32>], vector<16xf32>,
        %reshape3A_366 = vector.shape_cast %add3A_19 : vector<16xi32> to vector<16x1xi32>
        %gather3A_367 = vector.shape_cast %reshape3A_366 : vector<16x1xi32> to vector<16xi32>
        %gather3A_368 = tpu.dynamic_gather %get3A_345[%gather3A_367] in [0] : vector<16xi32>, vector<16xi32> -> vector<16xi32>
        %gather3A_369 = tpu.vector_load_idx %arg5[%gather3A_368, %and3A_9] : memref<10240x8xf32, #tpu.memory_space<vmem>>[vector<16xi32>, vector<16xi32>], vector<16xf32>,
        %reshape3A_370 = vector.shape_cast %add3A_22 : vector<16xi32> to vector<16x1xi32>
        %gather3A_371 = vector.shape_cast %reshape3A_370 : vector<16x1xi32> to vector<16xi32>
        %gather3A_372 = tpu.dynamic_gather %get3A_345[%gather3A_371] in [0] : vector<16xi32>, vector<16xi32> -> vector<16xi32>
        %gather3A_373 = tpu.vector_load_idx %arg5[%gather3A_372, %and3A_9] : memref<10240x8xf32, #tpu.memory_space<vmem>>[vector<16xi32>, vector<16xi32>], vector<16xf32>,
        %reshape3A_374 = vector.shape_cast %add3A_25 : vector<16xi32> to vector<16x1xi32>
        %gather3A_375 = vector.shape_cast %reshape3A_374 : vector<16x1xi32> to vector<16xi32>
        %gather3A_376 = tpu.dynamic_gather %get3A_345[%gather3A_375] in [0] : vector<16xi32>, vector<16xi32> -> vector<16xi32>
        %gather3A_377 = tpu.vector_load_idx %arg5[%gather3A_376, %and3A_9] : memref<10240x8xf32, #tpu.memory_space<vmem>>[vector<16xi32>, vector<16xi32>], vector<16xf32>,
        %reshape3A_378 = vector.shape_cast %add3A_28 : vector<16xi32> to vector<16x1xi32>
        %gather3A_379 = vector.shape_cast %reshape3A_378 : vector<16x1xi32> to vector<16xi32>
        %gather3A_380 = tpu.dynamic_gather %get3A_345[%gather3A_379] in [0] : vector<16xi32>, vector<16xi32> -> vector<16xi32>
        %gather3A_381 = tpu.vector_load_idx %arg5[%gather3A_380, %and3A_9] : memref<10240x8xf32, #tpu.memory_space<vmem>>[vector<16xi32>, vector<16xi32>], vector<16xf32>,
        %reshape3A_382 = vector.shape_cast %add3A_31 : vector<16xi32> to vector<16x1xi32>
        %gather3A_383 = vector.shape_cast %reshape3A_382 : vector<16x1xi32> to vector<16xi32>
        %gather3A_384 = tpu.dynamic_gather %get3A_345[%gather3A_383] in [0] : vector<16xi32>, vector<16xi32> -> vector<16xi32>
        %gather3A_385 = tpu.vector_load_idx %arg5[%gather3A_384, %and3A_9] : memref<10240x8xf32, #tpu.memory_space<vmem>>[vector<16xi32>, vector<16xi32>], vector<16xf32>,
        %reshape3A_386 = vector.shape_cast %add3A_34 : vector<16xi32> to vector<16x1xi32>
        %gather3A_387 = vector.shape_cast %reshape3A_386 : vector<16x1xi32> to vector<16xi32>
        %gather3A_388 = tpu.dynamic_gather %get3A_345[%gather3A_387] in [0] : vector<16xi32>, vector<16xi32> -> vector<16xi32>
        %gather3A_389 = tpu.vector_load_idx %arg5[%gather3A_388, %and3A_9] : memref<10240x8xf32, #tpu.memory_space<vmem>>[vector<16xi32>, vector<16xi32>], vector<16xf32>,
        %reshape3A_390 = vector.shape_cast %add3A_13 : vector<16xi32> to vector<16x1xi32>
        %gather3A_391 = vector.shape_cast %reshape3A_390 : vector<16x1xi32> to vector<16xi32>
        %gather3A_392 = tpu.dynamic_gather %get3A_349[%gather3A_391] in [0] : vector<16xi32>, vector<16xi32> -> vector<16xi32>
        %gather3A_393 = tpu.vector_load_idx %arg5[%gather3A_392, %and3A_9] : memref<10240x8xf32, #tpu.memory_space<vmem>>[vector<16xi32>, vector<16xi32>], vector<16xf32>,
        %reshape3A_394 = vector.shape_cast %add3A_16 : vector<16xi32> to vector<16x1xi32>
        %gather3A_395 = vector.shape_cast %reshape3A_394 : vector<16x1xi32> to vector<16xi32>
        %gather3A_396 = tpu.dynamic_gather %get3A_349[%gather3A_395] in [0] : vector<16xi32>, vector<16xi32> -> vector<16xi32>
        %gather3A_397 = tpu.vector_load_idx %arg5[%gather3A_396, %and3A_9] : memref<10240x8xf32, #tpu.memory_space<vmem>>[vector<16xi32>, vector<16xi32>], vector<16xf32>,
        %reshape3A_398 = vector.shape_cast %add3A_19 : vector<16xi32> to vector<16x1xi32>
        %gather3A_399 = vector.shape_cast %reshape3A_398 : vector<16x1xi32> to vector<16xi32>
        %gather3A_400 = tpu.dynamic_gather %get3A_349[%gather3A_399] in [0] : vector<16xi32>, vector<16xi32> -> vector<16xi32>
        %gather3A_401 = tpu.vector_load_idx %arg5[%gather3A_400, %and3A_9] : memref<10240x8xf32, #tpu.memory_space<vmem>>[vector<16xi32>, vector<16xi32>], vector<16xf32>,
        %reshape3A_402 = vector.shape_cast %add3A_22 : vector<16xi32> to vector<16x1xi32>
        %gather3A_403 = vector.shape_cast %reshape3A_402 : vector<16x1xi32> to vector<16xi32>
        %gather3A_404 = tpu.dynamic_gather %get3A_349[%gather3A_403] in [0] : vector<16xi32>, vector<16xi32> -> vector<16xi32>
        %gather3A_405 = tpu.vector_load_idx %arg5[%gather3A_404, %and3A_9] : memref<10240x8xf32, #tpu.memory_space<vmem>>[vector<16xi32>, vector<16xi32>], vector<16xf32>,
        %reshape3A_406 = vector.shape_cast %add3A_25 : vector<16xi32> to vector<16x1xi32>
        %gather3A_407 = vector.shape_cast %reshape3A_406 : vector<16x1xi32> to vector<16xi32>
        %gather3A_408 = tpu.dynamic_gather %get3A_349[%gather3A_407] in [0] : vector<16xi32>, vector<16xi32> -> vector<16xi32>
        %gather3A_409 = tpu.vector_load_idx %arg5[%gather3A_408, %and3A_9] : memref<10240x8xf32, #tpu.memory_space<vmem>>[vector<16xi32>, vector<16xi32>], vector<16xf32>,
        %reshape3A_410 = vector.shape_cast %add3A_28 : vector<16xi32> to vector<16x1xi32>
        %gather3A_411 = vector.shape_cast %reshape3A_410 : vector<16x1xi32> to vector<16xi32>
        %gather3A_412 = tpu.dynamic_gather %get3A_349[%gather3A_411] in [0] : vector<16xi32>, vector<16xi32> -> vector<16xi32>
        %gather3A_413 = tpu.vector_load_idx %arg5[%gather3A_412, %and3A_9] : memref<10240x8xf32, #tpu.memory_space<vmem>>[vector<16xi32>, vector<16xi32>], vector<16xf32>,
        %reshape3A_414 = vector.shape_cast %add3A_31 : vector<16xi32> to vector<16x1xi32>
        %gather3A_415 = vector.shape_cast %reshape3A_414 : vector<16x1xi32> to vector<16xi32>
        %gather3A_416 = tpu.dynamic_gather %get3A_349[%gather3A_415] in [0] : vector<16xi32>, vector<16xi32> -> vector<16xi32>
        %gather3A_417 = tpu.vector_load_idx %arg5[%gather3A_416, %and3A_9] : memref<10240x8xf32, #tpu.memory_space<vmem>>[vector<16xi32>, vector<16xi32>], vector<16xf32>,
        %reshape3A_418 = vector.shape_cast %add3A_34 : vector<16xi32> to vector<16x1xi32>
        %gather3A_419 = vector.shape_cast %reshape3A_418 : vector<16x1xi32> to vector<16xi32>
        %gather3A_420 = tpu.dynamic_gather %get3A_349[%gather3A_419] in [0] : vector<16xi32>, vector<16xi32> -> vector<16xi32>
        %gather3A_421 = tpu.vector_load_idx %arg5[%gather3A_420, %and3A_9] : memref<10240x8xf32, #tpu.memory_space<vmem>>[vector<16xi32>, vector<16xi32>], vector<16xf32>,
        %add3A_422 = arith.addf %gather3A_361, %gather3A_377 : vector<16xf32>
        %add3A_423 = arith.addf %gather3A_365, %gather3A_381 : vector<16xf32>
        %add3A_424 = arith.addf %gather3A_369, %gather3A_385 : vector<16xf32>
        %add3A_425 = arith.addf %gather3A_373, %gather3A_389 : vector<16xf32>
        %add3A_426 = arith.addf %add3A_422, %gather3A_393 : vector<16xf32>
        %add3A_427 = arith.addf %add3A_423, %gather3A_397 : vector<16xf32>
        %add3A_428 = arith.addf %add3A_424, %gather3A_401 : vector<16xf32>
        %add3A_429 = arith.addf %add3A_425, %gather3A_405 : vector<16xf32>
        %add3A_430 = arith.addf %add3A_426, %gather3A_409 : vector<16xf32>
        %add3A_431 = arith.addf %add3A_427, %gather3A_413 : vector<16xf32>
        %add3A_432 = arith.addf %add3A_428, %gather3A_417 : vector<16xf32>
        %add3A_433 = arith.addf %add3A_429, %gather3A_421 : vector<16xf32>
        %add3A_434 = arith.addf %add3A_430, %add3A_431 : vector<16xf32>
        %add3A_435 = arith.addf %add3A_432, %add3A_433 : vector<16xf32>
        %add3A_436 = arith.addf %add3A_434, %add3A_435 : vector<16xf32>
        %reshape3A_437 = vector.shape_cast %add3A_13 : vector<16xi32> to vector<16x1xi32>
        %gather3A_438 = vector.shape_cast %reshape3A_437 : vector<16x1xi32> to vector<16xi32>
        %gather3A_439 = tpu.dynamic_gather %get3A_353[%gather3A_438] in [0] : vector<16xi32>, vector<16xi32> -> vector<16xi32>
        %gather3A_440 = tpu.vector_load_idx %arg5[%gather3A_439, %and3A_9] : memref<10240x8xf32, #tpu.memory_space<vmem>>[vector<16xi32>, vector<16xi32>], vector<16xf32>,
        %reshape3A_441 = vector.shape_cast %add3A_16 : vector<16xi32> to vector<16x1xi32>
        %gather3A_442 = vector.shape_cast %reshape3A_441 : vector<16x1xi32> to vector<16xi32>
        %gather3A_443 = tpu.dynamic_gather %get3A_353[%gather3A_442] in [0] : vector<16xi32>, vector<16xi32> -> vector<16xi32>
        %gather3A_444 = tpu.vector_load_idx %arg5[%gather3A_443, %and3A_9] : memref<10240x8xf32, #tpu.memory_space<vmem>>[vector<16xi32>, vector<16xi32>], vector<16xf32>,
        %reshape3A_445 = vector.shape_cast %add3A_19 : vector<16xi32> to vector<16x1xi32>
        %gather3A_446 = vector.shape_cast %reshape3A_445 : vector<16x1xi32> to vector<16xi32>
        %gather3A_447 = tpu.dynamic_gather %get3A_353[%gather3A_446] in [0] : vector<16xi32>, vector<16xi32> -> vector<16xi32>
        %gather3A_448 = tpu.vector_load_idx %arg5[%gather3A_447, %and3A_9] : memref<10240x8xf32, #tpu.memory_space<vmem>>[vector<16xi32>, vector<16xi32>], vector<16xf32>,
        %reshape3A_449 = vector.shape_cast %add3A_22 : vector<16xi32> to vector<16x1xi32>
        %gather3A_450 = vector.shape_cast %reshape3A_449 : vector<16x1xi32> to vector<16xi32>
        %gather3A_451 = tpu.dynamic_gather %get3A_353[%gather3A_450] in [0] : vector<16xi32>, vector<16xi32> -> vector<16xi32>
        %gather3A_452 = tpu.vector_load_idx %arg5[%gather3A_451, %and3A_9] : memref<10240x8xf32, #tpu.memory_space<vmem>>[vector<16xi32>, vector<16xi32>], vector<16xf32>,
        %reshape3A_453 = vector.shape_cast %add3A_25 : vector<16xi32> to vector<16x1xi32>
        %gather3A_454 = vector.shape_cast %reshape3A_453 : vector<16x1xi32> to vector<16xi32>
        %gather3A_455 = tpu.dynamic_gather %get3A_353[%gather3A_454] in [0] : vector<16xi32>, vector<16xi32> -> vector<16xi32>
        %gather3A_456 = tpu.vector_load_idx %arg5[%gather3A_455, %and3A_9] : memref<10240x8xf32, #tpu.memory_space<vmem>>[vector<16xi32>, vector<16xi32>], vector<16xf32>,
        %reshape3A_457 = vector.shape_cast %add3A_28 : vector<16xi32> to vector<16x1xi32>
        %gather3A_458 = vector.shape_cast %reshape3A_457 : vector<16x1xi32> to vector<16xi32>
        %gather3A_459 = tpu.dynamic_gather %get3A_353[%gather3A_458] in [0] : vector<16xi32>, vector<16xi32> -> vector<16xi32>
        %gather3A_460 = tpu.vector_load_idx %arg5[%gather3A_459, %and3A_9] : memref<10240x8xf32, #tpu.memory_space<vmem>>[vector<16xi32>, vector<16xi32>], vector<16xf32>,
        %reshape3A_461 = vector.shape_cast %add3A_31 : vector<16xi32> to vector<16x1xi32>
        %gather3A_462 = vector.shape_cast %reshape3A_461 : vector<16x1xi32> to vector<16xi32>
        %gather3A_463 = tpu.dynamic_gather %get3A_353[%gather3A_462] in [0] : vector<16xi32>, vector<16xi32> -> vector<16xi32>
        %gather3A_464 = tpu.vector_load_idx %arg5[%gather3A_463, %and3A_9] : memref<10240x8xf32, #tpu.memory_space<vmem>>[vector<16xi32>, vector<16xi32>], vector<16xf32>,
        %reshape3A_465 = vector.shape_cast %add3A_34 : vector<16xi32> to vector<16x1xi32>
        %gather3A_466 = vector.shape_cast %reshape3A_465 : vector<16x1xi32> to vector<16xi32>
        %gather3A_467 = tpu.dynamic_gather %get3A_353[%gather3A_466] in [0] : vector<16xi32>, vector<16xi32> -> vector<16xi32>
        %gather3A_468 = tpu.vector_load_idx %arg5[%gather3A_467, %and3A_9] : memref<10240x8xf32, #tpu.memory_space<vmem>>[vector<16xi32>, vector<16xi32>], vector<16xf32>,
        %reshape3A_469 = vector.shape_cast %add3A_13 : vector<16xi32> to vector<16x1xi32>
        %gather3A_470 = vector.shape_cast %reshape3A_469 : vector<16x1xi32> to vector<16xi32>
        %gather3A_471 = tpu.dynamic_gather %get3A_357[%gather3A_470] in [0] : vector<16xi32>, vector<16xi32> -> vector<16xi32>
        %gather3A_472 = tpu.vector_load_idx %arg5[%gather3A_471, %and3A_9] : memref<10240x8xf32, #tpu.memory_space<vmem>>[vector<16xi32>, vector<16xi32>], vector<16xf32>,
        %reshape3A_473 = vector.shape_cast %add3A_16 : vector<16xi32> to vector<16x1xi32>
        %gather3A_474 = vector.shape_cast %reshape3A_473 : vector<16x1xi32> to vector<16xi32>
        %gather3A_475 = tpu.dynamic_gather %get3A_357[%gather3A_474] in [0] : vector<16xi32>, vector<16xi32> -> vector<16xi32>
        %gather3A_476 = tpu.vector_load_idx %arg5[%gather3A_475, %and3A_9] : memref<10240x8xf32, #tpu.memory_space<vmem>>[vector<16xi32>, vector<16xi32>], vector<16xf32>,
        %reshape3A_477 = vector.shape_cast %add3A_19 : vector<16xi32> to vector<16x1xi32>
        %gather3A_478 = vector.shape_cast %reshape3A_477 : vector<16x1xi32> to vector<16xi32>
        %gather3A_479 = tpu.dynamic_gather %get3A_357[%gather3A_478] in [0] : vector<16xi32>, vector<16xi32> -> vector<16xi32>
        %gather3A_480 = tpu.vector_load_idx %arg5[%gather3A_479, %and3A_9] : memref<10240x8xf32, #tpu.memory_space<vmem>>[vector<16xi32>, vector<16xi32>], vector<16xf32>,
        %reshape3A_481 = vector.shape_cast %add3A_22 : vector<16xi32> to vector<16x1xi32>
        %gather3A_482 = vector.shape_cast %reshape3A_481 : vector<16x1xi32> to vector<16xi32>
        %gather3A_483 = tpu.dynamic_gather %get3A_357[%gather3A_482] in [0] : vector<16xi32>, vector<16xi32> -> vector<16xi32>
        %gather3A_484 = tpu.vector_load_idx %arg5[%gather3A_483, %and3A_9] : memref<10240x8xf32, #tpu.memory_space<vmem>>[vector<16xi32>, vector<16xi32>], vector<16xf32>,
        %reshape3A_485 = vector.shape_cast %add3A_25 : vector<16xi32> to vector<16x1xi32>
        %gather3A_486 = vector.shape_cast %reshape3A_485 : vector<16x1xi32> to vector<16xi32>
        %gather3A_487 = tpu.dynamic_gather %get3A_357[%gather3A_486] in [0] : vector<16xi32>, vector<16xi32> -> vector<16xi32>
        %gather3A_488 = tpu.vector_load_idx %arg5[%gather3A_487, %and3A_9] : memref<10240x8xf32, #tpu.memory_space<vmem>>[vector<16xi32>, vector<16xi32>], vector<16xf32>,
        %reshape3A_489 = vector.shape_cast %add3A_28 : vector<16xi32> to vector<16x1xi32>
        %gather3A_490 = vector.shape_cast %reshape3A_489 : vector<16x1xi32> to vector<16xi32>
        %gather3A_491 = tpu.dynamic_gather %get3A_357[%gather3A_490] in [0] : vector<16xi32>, vector<16xi32> -> vector<16xi32>
        %gather3A_492 = tpu.vector_load_idx %arg5[%gather3A_491, %and3A_9] : memref<10240x8xf32, #tpu.memory_space<vmem>>[vector<16xi32>, vector<16xi32>], vector<16xf32>,
        %reshape3A_493 = vector.shape_cast %add3A_31 : vector<16xi32> to vector<16x1xi32>
        %gather3A_494 = vector.shape_cast %reshape3A_493 : vector<16x1xi32> to vector<16xi32>
        %gather3A_495 = tpu.dynamic_gather %get3A_357[%gather3A_494] in [0] : vector<16xi32>, vector<16xi32> -> vector<16xi32>
        %gather3A_496 = tpu.vector_load_idx %arg5[%gather3A_495, %and3A_9] : memref<10240x8xf32, #tpu.memory_space<vmem>>[vector<16xi32>, vector<16xi32>], vector<16xf32>,
        %reshape3A_497 = vector.shape_cast %add3A_34 : vector<16xi32> to vector<16x1xi32>
        %gather3A_498 = vector.shape_cast %reshape3A_497 : vector<16x1xi32> to vector<16xi32>
        %gather3A_499 = tpu.dynamic_gather %get3A_357[%gather3A_498] in [0] : vector<16xi32>, vector<16xi32> -> vector<16xi32>
        %gather3A_500 = tpu.vector_load_idx %arg5[%gather3A_499, %and3A_9] : memref<10240x8xf32, #tpu.memory_space<vmem>>[vector<16xi32>, vector<16xi32>], vector<16xf32>,
        %add3A_501 = arith.addf %gather3A_440, %gather3A_456 : vector<16xf32>
        %add3A_502 = arith.addf %gather3A_444, %gather3A_460 : vector<16xf32>
        %add3A_503 = arith.addf %gather3A_448, %gather3A_464 : vector<16xf32>
        %add3A_504 = arith.addf %gather3A_452, %gather3A_468 : vector<16xf32>
        %add3A_505 = arith.addf %add3A_501, %gather3A_472 : vector<16xf32>
        %add3A_506 = arith.addf %add3A_502, %gather3A_476 : vector<16xf32>
        %add3A_507 = arith.addf %add3A_503, %gather3A_480 : vector<16xf32>
        %add3A_508 = arith.addf %add3A_504, %gather3A_484 : vector<16xf32>
        %add3A_509 = arith.addf %add3A_505, %gather3A_488 : vector<16xf32>
        %add3A_510 = arith.addf %add3A_506, %gather3A_492 : vector<16xf32>
        %add3A_511 = arith.addf %add3A_507, %gather3A_496 : vector<16xf32>
        %add3A_512 = arith.addf %add3A_508, %gather3A_500 : vector<16xf32>
        %add3A_513 = arith.addf %add3A_509, %add3A_510 : vector<16xf32>
        %add3A_514 = arith.addf %add3A_511, %add3A_512 : vector<16xf32>
        %add3A_515 = arith.addf %add3A_513, %add3A_514 : vector<16xf32>
        %select_n3A_516 = arith.select %lt3A_38, %add3A_436, %add3A_515 : vector<16xi1>, vector<16xf32>
        %reshape3A_517 = vector.shape_cast %xor3A_36 : vector<16xi32> to vector<16x1xi32>
        %gather3A_518 = vector.shape_cast %reshape3A_517 : vector<16x1xi32> to vector<16xi32>
        %gather3A_519 = tpu.dynamic_gather %add3A_436[%gather3A_518] in [0] : vector<16xf32>, vector<16xi32> -> vector<16xf32>
        %reshape3A_520 = vector.shape_cast %xor3A_36 : vector<16xi32> to vector<16x1xi32>
        %gather3A_521 = vector.shape_cast %reshape3A_520 : vector<16x1xi32> to vector<16xi32>
        %gather3A_522 = tpu.dynamic_gather %add3A_515[%gather3A_521] in [0] : vector<16xf32>, vector<16xi32> -> vector<16xf32>
        %select_n3A_523 = arith.select %lt3A_38, %gather3A_519, %gather3A_522 : vector<16xi1>, vector<16xf32>
        %add3A_524 = arith.addf %select_n3A_516, %select_n3A_523 : vector<16xf32>
        %mul3A_525 = arith.constant 80 : i32
        %mul3A_526 = arith.muli %mul3A_60, %mul3A_525 : i32
        %mul3A_527 = arith.constant 2 : i32
        %mul3A_528 = arith.muli %add3A_339, %mul3A_527 : i32
        %add3A_529 = arith.addi %mul3A_526, %mul3A_528 : i32
        %broadcast_in_dim3A_530 = vector.broadcast %add3A_529 : i32 to vector<16xi32>
        %add3A_531 = arith.addi %broadcast_in_dim3A_530, %shift_right_logical3A_11 : vector<16xi32>
        %add3A_532 = vector.broadcast %mul3A_40 : i32 to vector<16xi32>
        %add3A_533 = arith.addi %add3A_531, %add3A_532 : vector<16xi32>
        %gather3A_534 = tpu.vector_load_idx %arg5[%add3A_533, %and3A_9] : memref<10240x8xf32, #tpu.memory_space<vmem>>[vector<16xi32>, vector<16xi32>], vector<16xf32>,
        %add3A_535 = arith.addf %add3A_524, %gather3A_534 : vector<16xf32>
        %mul3A_536 = arith.constant 0.0303030312 : f32
        %mul3A_537 = vector.broadcast %mul3A_536 : f32 to vector<16xf32>
        %mul3A_538 = arith.mulf %add3A_535, %mul3A_537 : vector<16xf32>
        tpu.vector_store_idx %arg6[%add3A_531, %and3A_9], %mul3A_538 : memref<5120x8xf32, #tpu.memory_space<vmem>>[vector<16xi32>, vector<16xi32>], vector<16xf32>,
        %mul3A_539 = arith.constant 8 : i32
        %mul3A_540 = arith.muli %scan3A_137, %mul3A_539 : i32
        %add3A_541 = arith.constant 2 : i32
        %add3A_542 = arith.addi %mul3A_540, %add3A_541 : i32
        %mul3A_543 = arith.constant 2 : i32
        %mul3A_544 = arith.muli %add3A_542, %mul3A_543 : i32
        %mul3A_545 = arith.constant 32 : i32
        %mul3A_546 = arith.muli %mul3A_544, %mul3A_545 : i32
        %get3A_547 = arith.index_cast %mul3A_546 : i32 to index
        %get3A_548 = tpu.vector_load %arg7[%get3A_547] {strides = array<i32>} : memref<2560xi32, #tpu.memory_space<vmem>>, vector<16xi32>,
        %add3A_549 = arith.constant 16 : i32
        %add3A_550 = arith.addi %mul3A_546, %add3A_549 : i32
        %get3A_551 = arith.index_cast %add3A_550 : i32 to index
        %get3A_552 = tpu.vector_load %arg7[%get3A_551] {strides = array<i32>} : memref<2560xi32, #tpu.memory_space<vmem>>, vector<16xi32>,
        %add3A_553 = arith.constant 32 : i32
        %add3A_554 = arith.addi %mul3A_546, %add3A_553 : i32
        %get3A_555 = arith.index_cast %add3A_554 : i32 to index
        %get3A_556 = tpu.vector_load %arg7[%get3A_555] {strides = array<i32>} : memref<2560xi32, #tpu.memory_space<vmem>>, vector<16xi32>,
        %add3A_557 = arith.constant 48 : i32
        %add3A_558 = arith.addi %mul3A_546, %add3A_557 : i32
        %get3A_559 = arith.index_cast %add3A_558 : i32 to index
        %get3A_560 = tpu.vector_load %arg7[%get3A_559] {strides = array<i32>} : memref<2560xi32, #tpu.memory_space<vmem>>, vector<16xi32>,
        %reshape3A_561 = vector.shape_cast %add3A_13 : vector<16xi32> to vector<16x1xi32>
        %gather3A_562 = vector.shape_cast %reshape3A_561 : vector<16x1xi32> to vector<16xi32>
        %gather3A_563 = tpu.dynamic_gather %get3A_548[%gather3A_562] in [0] : vector<16xi32>, vector<16xi32> -> vector<16xi32>
        %gather3A_564 = tpu.vector_load_idx %arg5[%gather3A_563, %and3A_9] : memref<10240x8xf32, #tpu.memory_space<vmem>>[vector<16xi32>, vector<16xi32>], vector<16xf32>,
        %reshape3A_565 = vector.shape_cast %add3A_16 : vector<16xi32> to vector<16x1xi32>
        %gather3A_566 = vector.shape_cast %reshape3A_565 : vector<16x1xi32> to vector<16xi32>
        %gather3A_567 = tpu.dynamic_gather %get3A_548[%gather3A_566] in [0] : vector<16xi32>, vector<16xi32> -> vector<16xi32>
        %gather3A_568 = tpu.vector_load_idx %arg5[%gather3A_567, %and3A_9] : memref<10240x8xf32, #tpu.memory_space<vmem>>[vector<16xi32>, vector<16xi32>], vector<16xf32>,
        %reshape3A_569 = vector.shape_cast %add3A_19 : vector<16xi32> to vector<16x1xi32>
        %gather3A_570 = vector.shape_cast %reshape3A_569 : vector<16x1xi32> to vector<16xi32>
        %gather3A_571 = tpu.dynamic_gather %get3A_548[%gather3A_570] in [0] : vector<16xi32>, vector<16xi32> -> vector<16xi32>
        %gather3A_572 = tpu.vector_load_idx %arg5[%gather3A_571, %and3A_9] : memref<10240x8xf32, #tpu.memory_space<vmem>>[vector<16xi32>, vector<16xi32>], vector<16xf32>,
        %reshape3A_573 = vector.shape_cast %add3A_22 : vector<16xi32> to vector<16x1xi32>
        %gather3A_574 = vector.shape_cast %reshape3A_573 : vector<16x1xi32> to vector<16xi32>
        %gather3A_575 = tpu.dynamic_gather %get3A_548[%gather3A_574] in [0] : vector<16xi32>, vector<16xi32> -> vector<16xi32>
        %gather3A_576 = tpu.vector_load_idx %arg5[%gather3A_575, %and3A_9] : memref<10240x8xf32, #tpu.memory_space<vmem>>[vector<16xi32>, vector<16xi32>], vector<16xf32>,
        %reshape3A_577 = vector.shape_cast %add3A_25 : vector<16xi32> to vector<16x1xi32>
        %gather3A_578 = vector.shape_cast %reshape3A_577 : vector<16x1xi32> to vector<16xi32>
        %gather3A_579 = tpu.dynamic_gather %get3A_548[%gather3A_578] in [0] : vector<16xi32>, vector<16xi32> -> vector<16xi32>
        %gather3A_580 = tpu.vector_load_idx %arg5[%gather3A_579, %and3A_9] : memref<10240x8xf32, #tpu.memory_space<vmem>>[vector<16xi32>, vector<16xi32>], vector<16xf32>,
        %reshape3A_581 = vector.shape_cast %add3A_28 : vector<16xi32> to vector<16x1xi32>
        %gather3A_582 = vector.shape_cast %reshape3A_581 : vector<16x1xi32> to vector<16xi32>
        %gather3A_583 = tpu.dynamic_gather %get3A_548[%gather3A_582] in [0] : vector<16xi32>, vector<16xi32> -> vector<16xi32>
        %gather3A_584 = tpu.vector_load_idx %arg5[%gather3A_583, %and3A_9] : memref<10240x8xf32, #tpu.memory_space<vmem>>[vector<16xi32>, vector<16xi32>], vector<16xf32>,
        %reshape3A_585 = vector.shape_cast %add3A_31 : vector<16xi32> to vector<16x1xi32>
        %gather3A_586 = vector.shape_cast %reshape3A_585 : vector<16x1xi32> to vector<16xi32>
        %gather3A_587 = tpu.dynamic_gather %get3A_548[%gather3A_586] in [0] : vector<16xi32>, vector<16xi32> -> vector<16xi32>
        %gather3A_588 = tpu.vector_load_idx %arg5[%gather3A_587, %and3A_9] : memref<10240x8xf32, #tpu.memory_space<vmem>>[vector<16xi32>, vector<16xi32>], vector<16xf32>,
        %reshape3A_589 = vector.shape_cast %add3A_34 : vector<16xi32> to vector<16x1xi32>
        %gather3A_590 = vector.shape_cast %reshape3A_589 : vector<16x1xi32> to vector<16xi32>
        %gather3A_591 = tpu.dynamic_gather %get3A_548[%gather3A_590] in [0] : vector<16xi32>, vector<16xi32> -> vector<16xi32>
        %gather3A_592 = tpu.vector_load_idx %arg5[%gather3A_591, %and3A_9] : memref<10240x8xf32, #tpu.memory_space<vmem>>[vector<16xi32>, vector<16xi32>], vector<16xf32>,
        %reshape3A_593 = vector.shape_cast %add3A_13 : vector<16xi32> to vector<16x1xi32>
        %gather3A_594 = vector.shape_cast %reshape3A_593 : vector<16x1xi32> to vector<16xi32>
        %gather3A_595 = tpu.dynamic_gather %get3A_552[%gather3A_594] in [0] : vector<16xi32>, vector<16xi32> -> vector<16xi32>
        %gather3A_596 = tpu.vector_load_idx %arg5[%gather3A_595, %and3A_9] : memref<10240x8xf32, #tpu.memory_space<vmem>>[vector<16xi32>, vector<16xi32>], vector<16xf32>,
        %reshape3A_597 = vector.shape_cast %add3A_16 : vector<16xi32> to vector<16x1xi32>
        %gather3A_598 = vector.shape_cast %reshape3A_597 : vector<16x1xi32> to vector<16xi32>
        %gather3A_599 = tpu.dynamic_gather %get3A_552[%gather3A_598] in [0] : vector<16xi32>, vector<16xi32> -> vector<16xi32>
        %gather3A_600 = tpu.vector_load_idx %arg5[%gather3A_599, %and3A_9] : memref<10240x8xf32, #tpu.memory_space<vmem>>[vector<16xi32>, vector<16xi32>], vector<16xf32>,
        %reshape3A_601 = vector.shape_cast %add3A_19 : vector<16xi32> to vector<16x1xi32>
        %gather3A_602 = vector.shape_cast %reshape3A_601 : vector<16x1xi32> to vector<16xi32>
        %gather3A_603 = tpu.dynamic_gather %get3A_552[%gather3A_602] in [0] : vector<16xi32>, vector<16xi32> -> vector<16xi32>
        %gather3A_604 = tpu.vector_load_idx %arg5[%gather3A_603, %and3A_9] : memref<10240x8xf32, #tpu.memory_space<vmem>>[vector<16xi32>, vector<16xi32>], vector<16xf32>,
        %reshape3A_605 = vector.shape_cast %add3A_22 : vector<16xi32> to vector<16x1xi32>
        %gather3A_606 = vector.shape_cast %reshape3A_605 : vector<16x1xi32> to vector<16xi32>
        %gather3A_607 = tpu.dynamic_gather %get3A_552[%gather3A_606] in [0] : vector<16xi32>, vector<16xi32> -> vector<16xi32>
        %gather3A_608 = tpu.vector_load_idx %arg5[%gather3A_607, %and3A_9] : memref<10240x8xf32, #tpu.memory_space<vmem>>[vector<16xi32>, vector<16xi32>], vector<16xf32>,
        %reshape3A_609 = vector.shape_cast %add3A_25 : vector<16xi32> to vector<16x1xi32>
        %gather3A_610 = vector.shape_cast %reshape3A_609 : vector<16x1xi32> to vector<16xi32>
        %gather3A_611 = tpu.dynamic_gather %get3A_552[%gather3A_610] in [0] : vector<16xi32>, vector<16xi32> -> vector<16xi32>
        %gather3A_612 = tpu.vector_load_idx %arg5[%gather3A_611, %and3A_9] : memref<10240x8xf32, #tpu.memory_space<vmem>>[vector<16xi32>, vector<16xi32>], vector<16xf32>,
        %reshape3A_613 = vector.shape_cast %add3A_28 : vector<16xi32> to vector<16x1xi32>
        %gather3A_614 = vector.shape_cast %reshape3A_613 : vector<16x1xi32> to vector<16xi32>
        %gather3A_615 = tpu.dynamic_gather %get3A_552[%gather3A_614] in [0] : vector<16xi32>, vector<16xi32> -> vector<16xi32>
        %gather3A_616 = tpu.vector_load_idx %arg5[%gather3A_615, %and3A_9] : memref<10240x8xf32, #tpu.memory_space<vmem>>[vector<16xi32>, vector<16xi32>], vector<16xf32>,
        %reshape3A_617 = vector.shape_cast %add3A_31 : vector<16xi32> to vector<16x1xi32>
        %gather3A_618 = vector.shape_cast %reshape3A_617 : vector<16x1xi32> to vector<16xi32>
        %gather3A_619 = tpu.dynamic_gather %get3A_552[%gather3A_618] in [0] : vector<16xi32>, vector<16xi32> -> vector<16xi32>
        %gather3A_620 = tpu.vector_load_idx %arg5[%gather3A_619, %and3A_9] : memref<10240x8xf32, #tpu.memory_space<vmem>>[vector<16xi32>, vector<16xi32>], vector<16xf32>,
        %reshape3A_621 = vector.shape_cast %add3A_34 : vector<16xi32> to vector<16x1xi32>
        %gather3A_622 = vector.shape_cast %reshape3A_621 : vector<16x1xi32> to vector<16xi32>
        %gather3A_623 = tpu.dynamic_gather %get3A_552[%gather3A_622] in [0] : vector<16xi32>, vector<16xi32> -> vector<16xi32>
        %gather3A_624 = tpu.vector_load_idx %arg5[%gather3A_623, %and3A_9] : memref<10240x8xf32, #tpu.memory_space<vmem>>[vector<16xi32>, vector<16xi32>], vector<16xf32>,
        %add3A_625 = arith.addf %gather3A_564, %gather3A_580 : vector<16xf32>
        %add3A_626 = arith.addf %gather3A_568, %gather3A_584 : vector<16xf32>
        %add3A_627 = arith.addf %gather3A_572, %gather3A_588 : vector<16xf32>
        %add3A_628 = arith.addf %gather3A_576, %gather3A_592 : vector<16xf32>
        %add3A_629 = arith.addf %add3A_625, %gather3A_596 : vector<16xf32>
        %add3A_630 = arith.addf %add3A_626, %gather3A_600 : vector<16xf32>
        %add3A_631 = arith.addf %add3A_627, %gather3A_604 : vector<16xf32>
        %add3A_632 = arith.addf %add3A_628, %gather3A_608 : vector<16xf32>
        %add3A_633 = arith.addf %add3A_629, %gather3A_612 : vector<16xf32>
        %add3A_634 = arith.addf %add3A_630, %gather3A_616 : vector<16xf32>
        %add3A_635 = arith.addf %add3A_631, %gather3A_620 : vector<16xf32>
        %add3A_636 = arith.addf %add3A_632, %gather3A_624 : vector<16xf32>
        %add3A_637 = arith.addf %add3A_633, %add3A_634 : vector<16xf32>
        %add3A_638 = arith.addf %add3A_635, %add3A_636 : vector<16xf32>
        %add3A_639 = arith.addf %add3A_637, %add3A_638 : vector<16xf32>
        %reshape3A_640 = vector.shape_cast %add3A_13 : vector<16xi32> to vector<16x1xi32>
        %gather3A_641 = vector.shape_cast %reshape3A_640 : vector<16x1xi32> to vector<16xi32>
        %gather3A_642 = tpu.dynamic_gather %get3A_556[%gather3A_641] in [0] : vector<16xi32>, vector<16xi32> -> vector<16xi32>
        %gather3A_643 = tpu.vector_load_idx %arg5[%gather3A_642, %and3A_9] : memref<10240x8xf32, #tpu.memory_space<vmem>>[vector<16xi32>, vector<16xi32>], vector<16xf32>,
        %reshape3A_644 = vector.shape_cast %add3A_16 : vector<16xi32> to vector<16x1xi32>
        %gather3A_645 = vector.shape_cast %reshape3A_644 : vector<16x1xi32> to vector<16xi32>
        %gather3A_646 = tpu.dynamic_gather %get3A_556[%gather3A_645] in [0] : vector<16xi32>, vector<16xi32> -> vector<16xi32>
        %gather3A_647 = tpu.vector_load_idx %arg5[%gather3A_646, %and3A_9] : memref<10240x8xf32, #tpu.memory_space<vmem>>[vector<16xi32>, vector<16xi32>], vector<16xf32>,
        %reshape3A_648 = vector.shape_cast %add3A_19 : vector<16xi32> to vector<16x1xi32>
        %gather3A_649 = vector.shape_cast %reshape3A_648 : vector<16x1xi32> to vector<16xi32>
        %gather3A_650 = tpu.dynamic_gather %get3A_556[%gather3A_649] in [0] : vector<16xi32>, vector<16xi32> -> vector<16xi32>
        %gather3A_651 = tpu.vector_load_idx %arg5[%gather3A_650, %and3A_9] : memref<10240x8xf32, #tpu.memory_space<vmem>>[vector<16xi32>, vector<16xi32>], vector<16xf32>,
        %reshape3A_652 = vector.shape_cast %add3A_22 : vector<16xi32> to vector<16x1xi32>
        %gather3A_653 = vector.shape_cast %reshape3A_652 : vector<16x1xi32> to vector<16xi32>
        %gather3A_654 = tpu.dynamic_gather %get3A_556[%gather3A_653] in [0] : vector<16xi32>, vector<16xi32> -> vector<16xi32>
        %gather3A_655 = tpu.vector_load_idx %arg5[%gather3A_654, %and3A_9] : memref<10240x8xf32, #tpu.memory_space<vmem>>[vector<16xi32>, vector<16xi32>], vector<16xf32>,
        %reshape3A_656 = vector.shape_cast %add3A_25 : vector<16xi32> to vector<16x1xi32>
        %gather3A_657 = vector.shape_cast %reshape3A_656 : vector<16x1xi32> to vector<16xi32>
        %gather3A_658 = tpu.dynamic_gather %get3A_556[%gather3A_657] in [0] : vector<16xi32>, vector<16xi32> -> vector<16xi32>
        %gather3A_659 = tpu.vector_load_idx %arg5[%gather3A_658, %and3A_9] : memref<10240x8xf32, #tpu.memory_space<vmem>>[vector<16xi32>, vector<16xi32>], vector<16xf32>,
        %reshape3A_660 = vector.shape_cast %add3A_28 : vector<16xi32> to vector<16x1xi32>
        %gather3A_661 = vector.shape_cast %reshape3A_660 : vector<16x1xi32> to vector<16xi32>
        %gather3A_662 = tpu.dynamic_gather %get3A_556[%gather3A_661] in [0] : vector<16xi32>, vector<16xi32> -> vector<16xi32>
        %gather3A_663 = tpu.vector_load_idx %arg5[%gather3A_662, %and3A_9] : memref<10240x8xf32, #tpu.memory_space<vmem>>[vector<16xi32>, vector<16xi32>], vector<16xf32>,
        %reshape3A_664 = vector.shape_cast %add3A_31 : vector<16xi32> to vector<16x1xi32>
        %gather3A_665 = vector.shape_cast %reshape3A_664 : vector<16x1xi32> to vector<16xi32>
        %gather3A_666 = tpu.dynamic_gather %get3A_556[%gather3A_665] in [0] : vector<16xi32>, vector<16xi32> -> vector<16xi32>
        %gather3A_667 = tpu.vector_load_idx %arg5[%gather3A_666, %and3A_9] : memref<10240x8xf32, #tpu.memory_space<vmem>>[vector<16xi32>, vector<16xi32>], vector<16xf32>,
        %reshape3A_668 = vector.shape_cast %add3A_34 : vector<16xi32> to vector<16x1xi32>
        %gather3A_669 = vector.shape_cast %reshape3A_668 : vector<16x1xi32> to vector<16xi32>
        %gather3A_670 = tpu.dynamic_gather %get3A_556[%gather3A_669] in [0] : vector<16xi32>, vector<16xi32> -> vector<16xi32>
        %gather3A_671 = tpu.vector_load_idx %arg5[%gather3A_670, %and3A_9] : memref<10240x8xf32, #tpu.memory_space<vmem>>[vector<16xi32>, vector<16xi32>], vector<16xf32>,
        %reshape3A_672 = vector.shape_cast %add3A_13 : vector<16xi32> to vector<16x1xi32>
        %gather3A_673 = vector.shape_cast %reshape3A_672 : vector<16x1xi32> to vector<16xi32>
        %gather3A_674 = tpu.dynamic_gather %get3A_560[%gather3A_673] in [0] : vector<16xi32>, vector<16xi32> -> vector<16xi32>
        %gather3A_675 = tpu.vector_load_idx %arg5[%gather3A_674, %and3A_9] : memref<10240x8xf32, #tpu.memory_space<vmem>>[vector<16xi32>, vector<16xi32>], vector<16xf32>,
        %reshape3A_676 = vector.shape_cast %add3A_16 : vector<16xi32> to vector<16x1xi32>
        %gather3A_677 = vector.shape_cast %reshape3A_676 : vector<16x1xi32> to vector<16xi32>
        %gather3A_678 = tpu.dynamic_gather %get3A_560[%gather3A_677] in [0] : vector<16xi32>, vector<16xi32> -> vector<16xi32>
        %gather3A_679 = tpu.vector_load_idx %arg5[%gather3A_678, %and3A_9] : memref<10240x8xf32, #tpu.memory_space<vmem>>[vector<16xi32>, vector<16xi32>], vector<16xf32>,
        %reshape3A_680 = vector.shape_cast %add3A_19 : vector<16xi32> to vector<16x1xi32>
        %gather3A_681 = vector.shape_cast %reshape3A_680 : vector<16x1xi32> to vector<16xi32>
        %gather3A_682 = tpu.dynamic_gather %get3A_560[%gather3A_681] in [0] : vector<16xi32>, vector<16xi32> -> vector<16xi32>
        %gather3A_683 = tpu.vector_load_idx %arg5[%gather3A_682, %and3A_9] : memref<10240x8xf32, #tpu.memory_space<vmem>>[vector<16xi32>, vector<16xi32>], vector<16xf32>,
        %reshape3A_684 = vector.shape_cast %add3A_22 : vector<16xi32> to vector<16x1xi32>
        %gather3A_685 = vector.shape_cast %reshape3A_684 : vector<16x1xi32> to vector<16xi32>
        %gather3A_686 = tpu.dynamic_gather %get3A_560[%gather3A_685] in [0] : vector<16xi32>, vector<16xi32> -> vector<16xi32>
        %gather3A_687 = tpu.vector_load_idx %arg5[%gather3A_686, %and3A_9] : memref<10240x8xf32, #tpu.memory_space<vmem>>[vector<16xi32>, vector<16xi32>], vector<16xf32>,
        %reshape3A_688 = vector.shape_cast %add3A_25 : vector<16xi32> to vector<16x1xi32>
        %gather3A_689 = vector.shape_cast %reshape3A_688 : vector<16x1xi32> to vector<16xi32>
        %gather3A_690 = tpu.dynamic_gather %get3A_560[%gather3A_689] in [0] : vector<16xi32>, vector<16xi32> -> vector<16xi32>
        %gather3A_691 = tpu.vector_load_idx %arg5[%gather3A_690, %and3A_9] : memref<10240x8xf32, #tpu.memory_space<vmem>>[vector<16xi32>, vector<16xi32>], vector<16xf32>,
        %reshape3A_692 = vector.shape_cast %add3A_28 : vector<16xi32> to vector<16x1xi32>
        %gather3A_693 = vector.shape_cast %reshape3A_692 : vector<16x1xi32> to vector<16xi32>
        %gather3A_694 = tpu.dynamic_gather %get3A_560[%gather3A_693] in [0] : vector<16xi32>, vector<16xi32> -> vector<16xi32>
        %gather3A_695 = tpu.vector_load_idx %arg5[%gather3A_694, %and3A_9] : memref<10240x8xf32, #tpu.memory_space<vmem>>[vector<16xi32>, vector<16xi32>], vector<16xf32>,
        %reshape3A_696 = vector.shape_cast %add3A_31 : vector<16xi32> to vector<16x1xi32>
        %gather3A_697 = vector.shape_cast %reshape3A_696 : vector<16x1xi32> to vector<16xi32>
        %gather3A_698 = tpu.dynamic_gather %get3A_560[%gather3A_697] in [0] : vector<16xi32>, vector<16xi32> -> vector<16xi32>
        %gather3A_699 = tpu.vector_load_idx %arg5[%gather3A_698, %and3A_9] : memref<10240x8xf32, #tpu.memory_space<vmem>>[vector<16xi32>, vector<16xi32>], vector<16xf32>,
        %reshape3A_700 = vector.shape_cast %add3A_34 : vector<16xi32> to vector<16x1xi32>
        %gather3A_701 = vector.shape_cast %reshape3A_700 : vector<16x1xi32> to vector<16xi32>
        %gather3A_702 = tpu.dynamic_gather %get3A_560[%gather3A_701] in [0] : vector<16xi32>, vector<16xi32> -> vector<16xi32>
        %gather3A_703 = tpu.vector_load_idx %arg5[%gather3A_702, %and3A_9] : memref<10240x8xf32, #tpu.memory_space<vmem>>[vector<16xi32>, vector<16xi32>], vector<16xf32>,
        %add3A_704 = arith.addf %gather3A_643, %gather3A_659 : vector<16xf32>
        %add3A_705 = arith.addf %gather3A_647, %gather3A_663 : vector<16xf32>
        %add3A_706 = arith.addf %gather3A_651, %gather3A_667 : vector<16xf32>
        %add3A_707 = arith.addf %gather3A_655, %gather3A_671 : vector<16xf32>
        %add3A_708 = arith.addf %add3A_704, %gather3A_675 : vector<16xf32>
        %add3A_709 = arith.addf %add3A_705, %gather3A_679 : vector<16xf32>
        %add3A_710 = arith.addf %add3A_706, %gather3A_683 : vector<16xf32>
        %add3A_711 = arith.addf %add3A_707, %gather3A_687 : vector<16xf32>
        %add3A_712 = arith.addf %add3A_708, %gather3A_691 : vector<16xf32>
        %add3A_713 = arith.addf %add3A_709, %gather3A_695 : vector<16xf32>
        %add3A_714 = arith.addf %add3A_710, %gather3A_699 : vector<16xf32>
        %add3A_715 = arith.addf %add3A_711, %gather3A_703 : vector<16xf32>
        %add3A_716 = arith.addf %add3A_712, %add3A_713 : vector<16xf32>
        %add3A_717 = arith.addf %add3A_714, %add3A_715 : vector<16xf32>
        %add3A_718 = arith.addf %add3A_716, %add3A_717 : vector<16xf32>
        %select_n3A_719 = arith.select %lt3A_38, %add3A_639, %add3A_718 : vector<16xi1>, vector<16xf32>
        %reshape3A_720 = vector.shape_cast %xor3A_36 : vector<16xi32> to vector<16x1xi32>
        %gather3A_721 = vector.shape_cast %reshape3A_720 : vector<16x1xi32> to vector<16xi32>
        %gather3A_722 = tpu.dynamic_gather %add3A_639[%gather3A_721] in [0] : vector<16xf32>, vector<16xi32> -> vector<16xf32>
        %reshape3A_723 = vector.shape_cast %xor3A_36 : vector<16xi32> to vector<16x1xi32>
        %gather3A_724 = vector.shape_cast %reshape3A_723 : vector<16x1xi32> to vector<16xi32>
        %gather3A_725 = tpu.dynamic_gather %add3A_718[%gather3A_724] in [0] : vector<16xf32>, vector<16xi32> -> vector<16xf32>
        %select_n3A_726 = arith.select %lt3A_38, %gather3A_722, %gather3A_725 : vector<16xi1>, vector<16xf32>
        %add3A_727 = arith.addf %select_n3A_719, %select_n3A_726 : vector<16xf32>
        %mul3A_728 = arith.constant 80 : i32
        %mul3A_729 = arith.muli %mul3A_60, %mul3A_728 : i32
        %mul3A_730 = arith.constant 2 : i32
        %mul3A_731 = arith.muli %add3A_542, %mul3A_730 : i32
        %add3A_732 = arith.addi %mul3A_729, %mul3A_731 : i32
        %broadcast_in_dim3A_733 = vector.broadcast %add3A_732 : i32 to vector<16xi32>
        %add3A_734 = arith.addi %broadcast_in_dim3A_733, %shift_right_logical3A_11 : vector<16xi32>
        %add3A_735 = vector.broadcast %mul3A_40 : i32 to vector<16xi32>
        %add3A_736 = arith.addi %add3A_734, %add3A_735 : vector<16xi32>
        %gather3A_737 = tpu.vector_load_idx %arg5[%add3A_736, %and3A_9] : memref<10240x8xf32, #tpu.memory_space<vmem>>[vector<16xi32>, vector<16xi32>], vector<16xf32>,
        %add3A_738 = arith.addf %add3A_727, %gather3A_737 : vector<16xf32>
        %mul3A_739 = arith.constant 0.0303030312 : f32
        %mul3A_740 = vector.broadcast %mul3A_739 : f32 to vector<16xf32>
        %mul3A_741 = arith.mulf %add3A_738, %mul3A_740 : vector<16xf32>
        tpu.vector_store_idx %arg6[%add3A_734, %and3A_9], %mul3A_741 : memref<5120x8xf32, #tpu.memory_space<vmem>>[vector<16xi32>, vector<16xi32>], vector<16xf32>,
        %mul3A_742 = arith.constant 8 : i32
        %mul3A_743 = arith.muli %scan3A_137, %mul3A_742 : i32
        %add3A_744 = arith.constant 3 : i32
        %add3A_745 = arith.addi %mul3A_743, %add3A_744 : i32
        %mul3A_746 = arith.constant 2 : i32
        %mul3A_747 = arith.muli %add3A_745, %mul3A_746 : i32
        %mul3A_748 = arith.constant 32 : i32
        %mul3A_749 = arith.muli %mul3A_747, %mul3A_748 : i32
        %get3A_750 = arith.index_cast %mul3A_749 : i32 to index
        %get3A_751 = tpu.vector_load %arg7[%get3A_750] {strides = array<i32>} : memref<2560xi32, #tpu.memory_space<vmem>>, vector<16xi32>,
        %add3A_752 = arith.constant 16 : i32
        %add3A_753 = arith.addi %mul3A_749, %add3A_752 : i32
        %get3A_754 = arith.index_cast %add3A_753 : i32 to index
        %get3A_755 = tpu.vector_load %arg7[%get3A_754] {strides = array<i32>} : memref<2560xi32, #tpu.memory_space<vmem>>, vector<16xi32>,
        %add3A_756 = arith.constant 32 : i32
        %add3A_757 = arith.addi %mul3A_749, %add3A_756 : i32
        %get3A_758 = arith.index_cast %add3A_757 : i32 to index
        %get3A_759 = tpu.vector_load %arg7[%get3A_758] {strides = array<i32>} : memref<2560xi32, #tpu.memory_space<vmem>>, vector<16xi32>,
        %add3A_760 = arith.constant 48 : i32
        %add3A_761 = arith.addi %mul3A_749, %add3A_760 : i32
        %get3A_762 = arith.index_cast %add3A_761 : i32 to index
        %get3A_763 = tpu.vector_load %arg7[%get3A_762] {strides = array<i32>} : memref<2560xi32, #tpu.memory_space<vmem>>, vector<16xi32>,
        %reshape3A_764 = vector.shape_cast %add3A_13 : vector<16xi32> to vector<16x1xi32>
        %gather3A_765 = vector.shape_cast %reshape3A_764 : vector<16x1xi32> to vector<16xi32>
        %gather3A_766 = tpu.dynamic_gather %get3A_751[%gather3A_765] in [0] : vector<16xi32>, vector<16xi32> -> vector<16xi32>
        %gather3A_767 = tpu.vector_load_idx %arg5[%gather3A_766, %and3A_9] : memref<10240x8xf32, #tpu.memory_space<vmem>>[vector<16xi32>, vector<16xi32>], vector<16xf32>,
        %reshape3A_768 = vector.shape_cast %add3A_16 : vector<16xi32> to vector<16x1xi32>
        %gather3A_769 = vector.shape_cast %reshape3A_768 : vector<16x1xi32> to vector<16xi32>
        %gather3A_770 = tpu.dynamic_gather %get3A_751[%gather3A_769] in [0] : vector<16xi32>, vector<16xi32> -> vector<16xi32>
        %gather3A_771 = tpu.vector_load_idx %arg5[%gather3A_770, %and3A_9] : memref<10240x8xf32, #tpu.memory_space<vmem>>[vector<16xi32>, vector<16xi32>], vector<16xf32>,
        %reshape3A_772 = vector.shape_cast %add3A_19 : vector<16xi32> to vector<16x1xi32>
        %gather3A_773 = vector.shape_cast %reshape3A_772 : vector<16x1xi32> to vector<16xi32>
        %gather3A_774 = tpu.dynamic_gather %get3A_751[%gather3A_773] in [0] : vector<16xi32>, vector<16xi32> -> vector<16xi32>
        %gather3A_775 = tpu.vector_load_idx %arg5[%gather3A_774, %and3A_9] : memref<10240x8xf32, #tpu.memory_space<vmem>>[vector<16xi32>, vector<16xi32>], vector<16xf32>,
        %reshape3A_776 = vector.shape_cast %add3A_22 : vector<16xi32> to vector<16x1xi32>
        %gather3A_777 = vector.shape_cast %reshape3A_776 : vector<16x1xi32> to vector<16xi32>
        %gather3A_778 = tpu.dynamic_gather %get3A_751[%gather3A_777] in [0] : vector<16xi32>, vector<16xi32> -> vector<16xi32>
        %gather3A_779 = tpu.vector_load_idx %arg5[%gather3A_778, %and3A_9] : memref<10240x8xf32, #tpu.memory_space<vmem>>[vector<16xi32>, vector<16xi32>], vector<16xf32>,
        %reshape3A_780 = vector.shape_cast %add3A_25 : vector<16xi32> to vector<16x1xi32>
        %gather3A_781 = vector.shape_cast %reshape3A_780 : vector<16x1xi32> to vector<16xi32>
        %gather3A_782 = tpu.dynamic_gather %get3A_751[%gather3A_781] in [0] : vector<16xi32>, vector<16xi32> -> vector<16xi32>
        %gather3A_783 = tpu.vector_load_idx %arg5[%gather3A_782, %and3A_9] : memref<10240x8xf32, #tpu.memory_space<vmem>>[vector<16xi32>, vector<16xi32>], vector<16xf32>,
        %reshape3A_784 = vector.shape_cast %add3A_28 : vector<16xi32> to vector<16x1xi32>
        %gather3A_785 = vector.shape_cast %reshape3A_784 : vector<16x1xi32> to vector<16xi32>
        %gather3A_786 = tpu.dynamic_gather %get3A_751[%gather3A_785] in [0] : vector<16xi32>, vector<16xi32> -> vector<16xi32>
        %gather3A_787 = tpu.vector_load_idx %arg5[%gather3A_786, %and3A_9] : memref<10240x8xf32, #tpu.memory_space<vmem>>[vector<16xi32>, vector<16xi32>], vector<16xf32>,
        %reshape3A_788 = vector.shape_cast %add3A_31 : vector<16xi32> to vector<16x1xi32>
        %gather3A_789 = vector.shape_cast %reshape3A_788 : vector<16x1xi32> to vector<16xi32>
        %gather3A_790 = tpu.dynamic_gather %get3A_751[%gather3A_789] in [0] : vector<16xi32>, vector<16xi32> -> vector<16xi32>
        %gather3A_791 = tpu.vector_load_idx %arg5[%gather3A_790, %and3A_9] : memref<10240x8xf32, #tpu.memory_space<vmem>>[vector<16xi32>, vector<16xi32>], vector<16xf32>,
        %reshape3A_792 = vector.shape_cast %add3A_34 : vector<16xi32> to vector<16x1xi32>
        %gather3A_793 = vector.shape_cast %reshape3A_792 : vector<16x1xi32> to vector<16xi32>
        %gather3A_794 = tpu.dynamic_gather %get3A_751[%gather3A_793] in [0] : vector<16xi32>, vector<16xi32> -> vector<16xi32>
        %gather3A_795 = tpu.vector_load_idx %arg5[%gather3A_794, %and3A_9] : memref<10240x8xf32, #tpu.memory_space<vmem>>[vector<16xi32>, vector<16xi32>], vector<16xf32>,
        %reshape3A_796 = vector.shape_cast %add3A_13 : vector<16xi32> to vector<16x1xi32>
        %gather3A_797 = vector.shape_cast %reshape3A_796 : vector<16x1xi32> to vector<16xi32>
        %gather3A_798 = tpu.dynamic_gather %get3A_755[%gather3A_797] in [0] : vector<16xi32>, vector<16xi32> -> vector<16xi32>
        %gather3A_799 = tpu.vector_load_idx %arg5[%gather3A_798, %and3A_9] : memref<10240x8xf32, #tpu.memory_space<vmem>>[vector<16xi32>, vector<16xi32>], vector<16xf32>,
        %reshape3A_800 = vector.shape_cast %add3A_16 : vector<16xi32> to vector<16x1xi32>
        %gather3A_801 = vector.shape_cast %reshape3A_800 : vector<16x1xi32> to vector<16xi32>
        %gather3A_802 = tpu.dynamic_gather %get3A_755[%gather3A_801] in [0] : vector<16xi32>, vector<16xi32> -> vector<16xi32>
        %gather3A_803 = tpu.vector_load_idx %arg5[%gather3A_802, %and3A_9] : memref<10240x8xf32, #tpu.memory_space<vmem>>[vector<16xi32>, vector<16xi32>], vector<16xf32>,
        %reshape3A_804 = vector.shape_cast %add3A_19 : vector<16xi32> to vector<16x1xi32>
        %gather3A_805 = vector.shape_cast %reshape3A_804 : vector<16x1xi32> to vector<16xi32>
        %gather3A_806 = tpu.dynamic_gather %get3A_755[%gather3A_805] in [0] : vector<16xi32>, vector<16xi32> -> vector<16xi32>
        %gather3A_807 = tpu.vector_load_idx %arg5[%gather3A_806, %and3A_9] : memref<10240x8xf32, #tpu.memory_space<vmem>>[vector<16xi32>, vector<16xi32>], vector<16xf32>,
        %reshape3A_808 = vector.shape_cast %add3A_22 : vector<16xi32> to vector<16x1xi32>
        %gather3A_809 = vector.shape_cast %reshape3A_808 : vector<16x1xi32> to vector<16xi32>
        %gather3A_810 = tpu.dynamic_gather %get3A_755[%gather3A_809] in [0] : vector<16xi32>, vector<16xi32> -> vector<16xi32>
        %gather3A_811 = tpu.vector_load_idx %arg5[%gather3A_810, %and3A_9] : memref<10240x8xf32, #tpu.memory_space<vmem>>[vector<16xi32>, vector<16xi32>], vector<16xf32>,
        %reshape3A_812 = vector.shape_cast %add3A_25 : vector<16xi32> to vector<16x1xi32>
        %gather3A_813 = vector.shape_cast %reshape3A_812 : vector<16x1xi32> to vector<16xi32>
        %gather3A_814 = tpu.dynamic_gather %get3A_755[%gather3A_813] in [0] : vector<16xi32>, vector<16xi32> -> vector<16xi32>
        %gather3A_815 = tpu.vector_load_idx %arg5[%gather3A_814, %and3A_9] : memref<10240x8xf32, #tpu.memory_space<vmem>>[vector<16xi32>, vector<16xi32>], vector<16xf32>,
        %reshape3A_816 = vector.shape_cast %add3A_28 : vector<16xi32> to vector<16x1xi32>
        %gather3A_817 = vector.shape_cast %reshape3A_816 : vector<16x1xi32> to vector<16xi32>
        %gather3A_818 = tpu.dynamic_gather %get3A_755[%gather3A_817] in [0] : vector<16xi32>, vector<16xi32> -> vector<16xi32>
        %gather3A_819 = tpu.vector_load_idx %arg5[%gather3A_818, %and3A_9] : memref<10240x8xf32, #tpu.memory_space<vmem>>[vector<16xi32>, vector<16xi32>], vector<16xf32>,
        %reshape3A_820 = vector.shape_cast %add3A_31 : vector<16xi32> to vector<16x1xi32>
        %gather3A_821 = vector.shape_cast %reshape3A_820 : vector<16x1xi32> to vector<16xi32>
        %gather3A_822 = tpu.dynamic_gather %get3A_755[%gather3A_821] in [0] : vector<16xi32>, vector<16xi32> -> vector<16xi32>
        %gather3A_823 = tpu.vector_load_idx %arg5[%gather3A_822, %and3A_9] : memref<10240x8xf32, #tpu.memory_space<vmem>>[vector<16xi32>, vector<16xi32>], vector<16xf32>,
        %reshape3A_824 = vector.shape_cast %add3A_34 : vector<16xi32> to vector<16x1xi32>
        %gather3A_825 = vector.shape_cast %reshape3A_824 : vector<16x1xi32> to vector<16xi32>
        %gather3A_826 = tpu.dynamic_gather %get3A_755[%gather3A_825] in [0] : vector<16xi32>, vector<16xi32> -> vector<16xi32>
        %gather3A_827 = tpu.vector_load_idx %arg5[%gather3A_826, %and3A_9] : memref<10240x8xf32, #tpu.memory_space<vmem>>[vector<16xi32>, vector<16xi32>], vector<16xf32>,
        %add3A_828 = arith.addf %gather3A_767, %gather3A_783 : vector<16xf32>
        %add3A_829 = arith.addf %gather3A_771, %gather3A_787 : vector<16xf32>
        %add3A_830 = arith.addf %gather3A_775, %gather3A_791 : vector<16xf32>
        %add3A_831 = arith.addf %gather3A_779, %gather3A_795 : vector<16xf32>
        %add3A_832 = arith.addf %add3A_828, %gather3A_799 : vector<16xf32>
        %add3A_833 = arith.addf %add3A_829, %gather3A_803 : vector<16xf32>
        %add3A_834 = arith.addf %add3A_830, %gather3A_807 : vector<16xf32>
        %add3A_835 = arith.addf %add3A_831, %gather3A_811 : vector<16xf32>
        %add3A_836 = arith.addf %add3A_832, %gather3A_815 : vector<16xf32>
        %add3A_837 = arith.addf %add3A_833, %gather3A_819 : vector<16xf32>
        %add3A_838 = arith.addf %add3A_834, %gather3A_823 : vector<16xf32>
        %add3A_839 = arith.addf %add3A_835, %gather3A_827 : vector<16xf32>
        %add3A_840 = arith.addf %add3A_836, %add3A_837 : vector<16xf32>
        %add3A_841 = arith.addf %add3A_838, %add3A_839 : vector<16xf32>
        %add3A_842 = arith.addf %add3A_840, %add3A_841 : vector<16xf32>
        %reshape3A_843 = vector.shape_cast %add3A_13 : vector<16xi32> to vector<16x1xi32>
        %gather3A_844 = vector.shape_cast %reshape3A_843 : vector<16x1xi32> to vector<16xi32>
        %gather3A_845 = tpu.dynamic_gather %get3A_759[%gather3A_844] in [0] : vector<16xi32>, vector<16xi32> -> vector<16xi32>
        %gather3A_846 = tpu.vector_load_idx %arg5[%gather3A_845, %and3A_9] : memref<10240x8xf32, #tpu.memory_space<vmem>>[vector<16xi32>, vector<16xi32>], vector<16xf32>,
        %reshape3A_847 = vector.shape_cast %add3A_16 : vector<16xi32> to vector<16x1xi32>
        %gather3A_848 = vector.shape_cast %reshape3A_847 : vector<16x1xi32> to vector<16xi32>
        %gather3A_849 = tpu.dynamic_gather %get3A_759[%gather3A_848] in [0] : vector<16xi32>, vector<16xi32> -> vector<16xi32>
        %gather3A_850 = tpu.vector_load_idx %arg5[%gather3A_849, %and3A_9] : memref<10240x8xf32, #tpu.memory_space<vmem>>[vector<16xi32>, vector<16xi32>], vector<16xf32>,
        %reshape3A_851 = vector.shape_cast %add3A_19 : vector<16xi32> to vector<16x1xi32>
        %gather3A_852 = vector.shape_cast %reshape3A_851 : vector<16x1xi32> to vector<16xi32>
        %gather3A_853 = tpu.dynamic_gather %get3A_759[%gather3A_852] in [0] : vector<16xi32>, vector<16xi32> -> vector<16xi32>
        %gather3A_854 = tpu.vector_load_idx %arg5[%gather3A_853, %and3A_9] : memref<10240x8xf32, #tpu.memory_space<vmem>>[vector<16xi32>, vector<16xi32>], vector<16xf32>,
        %reshape3A_855 = vector.shape_cast %add3A_22 : vector<16xi32> to vector<16x1xi32>
        %gather3A_856 = vector.shape_cast %reshape3A_855 : vector<16x1xi32> to vector<16xi32>
        %gather3A_857 = tpu.dynamic_gather %get3A_759[%gather3A_856] in [0] : vector<16xi32>, vector<16xi32> -> vector<16xi32>
        %gather3A_858 = tpu.vector_load_idx %arg5[%gather3A_857, %and3A_9] : memref<10240x8xf32, #tpu.memory_space<vmem>>[vector<16xi32>, vector<16xi32>], vector<16xf32>,
        %reshape3A_859 = vector.shape_cast %add3A_25 : vector<16xi32> to vector<16x1xi32>
        %gather3A_860 = vector.shape_cast %reshape3A_859 : vector<16x1xi32> to vector<16xi32>
        %gather3A_861 = tpu.dynamic_gather %get3A_759[%gather3A_860] in [0] : vector<16xi32>, vector<16xi32> -> vector<16xi32>
        %gather3A_862 = tpu.vector_load_idx %arg5[%gather3A_861, %and3A_9] : memref<10240x8xf32, #tpu.memory_space<vmem>>[vector<16xi32>, vector<16xi32>], vector<16xf32>,
        %reshape3A_863 = vector.shape_cast %add3A_28 : vector<16xi32> to vector<16x1xi32>
        %gather3A_864 = vector.shape_cast %reshape3A_863 : vector<16x1xi32> to vector<16xi32>
        %gather3A_865 = tpu.dynamic_gather %get3A_759[%gather3A_864] in [0] : vector<16xi32>, vector<16xi32> -> vector<16xi32>
        %gather3A_866 = tpu.vector_load_idx %arg5[%gather3A_865, %and3A_9] : memref<10240x8xf32, #tpu.memory_space<vmem>>[vector<16xi32>, vector<16xi32>], vector<16xf32>,
        %reshape3A_867 = vector.shape_cast %add3A_31 : vector<16xi32> to vector<16x1xi32>
        %gather3A_868 = vector.shape_cast %reshape3A_867 : vector<16x1xi32> to vector<16xi32>
        %gather3A_869 = tpu.dynamic_gather %get3A_759[%gather3A_868] in [0] : vector<16xi32>, vector<16xi32> -> vector<16xi32>
        %gather3A_870 = tpu.vector_load_idx %arg5[%gather3A_869, %and3A_9] : memref<10240x8xf32, #tpu.memory_space<vmem>>[vector<16xi32>, vector<16xi32>], vector<16xf32>,
        %reshape3A_871 = vector.shape_cast %add3A_34 : vector<16xi32> to vector<16x1xi32>
        %gather3A_872 = vector.shape_cast %reshape3A_871 : vector<16x1xi32> to vector<16xi32>
        %gather3A_873 = tpu.dynamic_gather %get3A_759[%gather3A_872] in [0] : vector<16xi32>, vector<16xi32> -> vector<16xi32>
        %gather3A_874 = tpu.vector_load_idx %arg5[%gather3A_873, %and3A_9] : memref<10240x8xf32, #tpu.memory_space<vmem>>[vector<16xi32>, vector<16xi32>], vector<16xf32>,
        %reshape3A_875 = vector.shape_cast %add3A_13 : vector<16xi32> to vector<16x1xi32>
        %gather3A_876 = vector.shape_cast %reshape3A_875 : vector<16x1xi32> to vector<16xi32>
        %gather3A_877 = tpu.dynamic_gather %get3A_763[%gather3A_876] in [0] : vector<16xi32>, vector<16xi32> -> vector<16xi32>
        %gather3A_878 = tpu.vector_load_idx %arg5[%gather3A_877, %and3A_9] : memref<10240x8xf32, #tpu.memory_space<vmem>>[vector<16xi32>, vector<16xi32>], vector<16xf32>,
        %reshape3A_879 = vector.shape_cast %add3A_16 : vector<16xi32> to vector<16x1xi32>
        %gather3A_880 = vector.shape_cast %reshape3A_879 : vector<16x1xi32> to vector<16xi32>
        %gather3A_881 = tpu.dynamic_gather %get3A_763[%gather3A_880] in [0] : vector<16xi32>, vector<16xi32> -> vector<16xi32>
        %gather3A_882 = tpu.vector_load_idx %arg5[%gather3A_881, %and3A_9] : memref<10240x8xf32, #tpu.memory_space<vmem>>[vector<16xi32>, vector<16xi32>], vector<16xf32>,
        %reshape3A_883 = vector.shape_cast %add3A_19 : vector<16xi32> to vector<16x1xi32>
        %gather3A_884 = vector.shape_cast %reshape3A_883 : vector<16x1xi32> to vector<16xi32>
        %gather3A_885 = tpu.dynamic_gather %get3A_763[%gather3A_884] in [0] : vector<16xi32>, vector<16xi32> -> vector<16xi32>
        %gather3A_886 = tpu.vector_load_idx %arg5[%gather3A_885, %and3A_9] : memref<10240x8xf32, #tpu.memory_space<vmem>>[vector<16xi32>, vector<16xi32>], vector<16xf32>,
        %reshape3A_887 = vector.shape_cast %add3A_22 : vector<16xi32> to vector<16x1xi32>
        %gather3A_888 = vector.shape_cast %reshape3A_887 : vector<16x1xi32> to vector<16xi32>
        %gather3A_889 = tpu.dynamic_gather %get3A_763[%gather3A_888] in [0] : vector<16xi32>, vector<16xi32> -> vector<16xi32>
        %gather3A_890 = tpu.vector_load_idx %arg5[%gather3A_889, %and3A_9] : memref<10240x8xf32, #tpu.memory_space<vmem>>[vector<16xi32>, vector<16xi32>], vector<16xf32>,
        %reshape3A_891 = vector.shape_cast %add3A_25 : vector<16xi32> to vector<16x1xi32>
        %gather3A_892 = vector.shape_cast %reshape3A_891 : vector<16x1xi32> to vector<16xi32>
        %gather3A_893 = tpu.dynamic_gather %get3A_763[%gather3A_892] in [0] : vector<16xi32>, vector<16xi32> -> vector<16xi32>
        %gather3A_894 = tpu.vector_load_idx %arg5[%gather3A_893, %and3A_9] : memref<10240x8xf32, #tpu.memory_space<vmem>>[vector<16xi32>, vector<16xi32>], vector<16xf32>,
        %reshape3A_895 = vector.shape_cast %add3A_28 : vector<16xi32> to vector<16x1xi32>
        %gather3A_896 = vector.shape_cast %reshape3A_895 : vector<16x1xi32> to vector<16xi32>
        %gather3A_897 = tpu.dynamic_gather %get3A_763[%gather3A_896] in [0] : vector<16xi32>, vector<16xi32> -> vector<16xi32>
        %gather3A_898 = tpu.vector_load_idx %arg5[%gather3A_897, %and3A_9] : memref<10240x8xf32, #tpu.memory_space<vmem>>[vector<16xi32>, vector<16xi32>], vector<16xf32>,
        %reshape3A_899 = vector.shape_cast %add3A_31 : vector<16xi32> to vector<16x1xi32>
        %gather3A_900 = vector.shape_cast %reshape3A_899 : vector<16x1xi32> to vector<16xi32>
        %gather3A_901 = tpu.dynamic_gather %get3A_763[%gather3A_900] in [0] : vector<16xi32>, vector<16xi32> -> vector<16xi32>
        %gather3A_902 = tpu.vector_load_idx %arg5[%gather3A_901, %and3A_9] : memref<10240x8xf32, #tpu.memory_space<vmem>>[vector<16xi32>, vector<16xi32>], vector<16xf32>,
        %reshape3A_903 = vector.shape_cast %add3A_34 : vector<16xi32> to vector<16x1xi32>
        %gather3A_904 = vector.shape_cast %reshape3A_903 : vector<16x1xi32> to vector<16xi32>
        %gather3A_905 = tpu.dynamic_gather %get3A_763[%gather3A_904] in [0] : vector<16xi32>, vector<16xi32> -> vector<16xi32>
        %gather3A_906 = tpu.vector_load_idx %arg5[%gather3A_905, %and3A_9] : memref<10240x8xf32, #tpu.memory_space<vmem>>[vector<16xi32>, vector<16xi32>], vector<16xf32>,
        %add3A_907 = arith.addf %gather3A_846, %gather3A_862 : vector<16xf32>
        %add3A_908 = arith.addf %gather3A_850, %gather3A_866 : vector<16xf32>
        %add3A_909 = arith.addf %gather3A_854, %gather3A_870 : vector<16xf32>
        %add3A_910 = arith.addf %gather3A_858, %gather3A_874 : vector<16xf32>
        %add3A_911 = arith.addf %add3A_907, %gather3A_878 : vector<16xf32>
        %add3A_912 = arith.addf %add3A_908, %gather3A_882 : vector<16xf32>
        %add3A_913 = arith.addf %add3A_909, %gather3A_886 : vector<16xf32>
        %add3A_914 = arith.addf %add3A_910, %gather3A_890 : vector<16xf32>
        %add3A_915 = arith.addf %add3A_911, %gather3A_894 : vector<16xf32>
        %add3A_916 = arith.addf %add3A_912, %gather3A_898 : vector<16xf32>
        %add3A_917 = arith.addf %add3A_913, %gather3A_902 : vector<16xf32>
        %add3A_918 = arith.addf %add3A_914, %gather3A_906 : vector<16xf32>
        %add3A_919 = arith.addf %add3A_915, %add3A_916 : vector<16xf32>
        %add3A_920 = arith.addf %add3A_917, %add3A_918 : vector<16xf32>
        %add3A_921 = arith.addf %add3A_919, %add3A_920 : vector<16xf32>
        %select_n3A_922 = arith.select %lt3A_38, %add3A_842, %add3A_921 : vector<16xi1>, vector<16xf32>
        %reshape3A_923 = vector.shape_cast %xor3A_36 : vector<16xi32> to vector<16x1xi32>
        %gather3A_924 = vector.shape_cast %reshape3A_923 : vector<16x1xi32> to vector<16xi32>
        %gather3A_925 = tpu.dynamic_gather %add3A_842[%gather3A_924] in [0] : vector<16xf32>, vector<16xi32> -> vector<16xf32>
        %reshape3A_926 = vector.shape_cast %xor3A_36 : vector<16xi32> to vector<16x1xi32>
        %gather3A_927 = vector.shape_cast %reshape3A_926 : vector<16x1xi32> to vector<16xi32>
        %gather3A_928 = tpu.dynamic_gather %add3A_921[%gather3A_927] in [0] : vector<16xf32>, vector<16xi32> -> vector<16xf32>
        %select_n3A_929 = arith.select %lt3A_38, %gather3A_925, %gather3A_928 : vector<16xi1>, vector<16xf32>
        %add3A_930 = arith.addf %select_n3A_922, %select_n3A_929 : vector<16xf32>
        %mul3A_931 = arith.constant 80 : i32
        %mul3A_932 = arith.muli %mul3A_60, %mul3A_931 : i32
        %mul3A_933 = arith.constant 2 : i32
        %mul3A_934 = arith.muli %add3A_745, %mul3A_933 : i32
        %add3A_935 = arith.addi %mul3A_932, %mul3A_934 : i32
        %broadcast_in_dim3A_936 = vector.broadcast %add3A_935 : i32 to vector<16xi32>
        %add3A_937 = arith.addi %broadcast_in_dim3A_936, %shift_right_logical3A_11 : vector<16xi32>
        %add3A_938 = vector.broadcast %mul3A_40 : i32 to vector<16xi32>
        %add3A_939 = arith.addi %add3A_937, %add3A_938 : vector<16xi32>
        %gather3A_940 = tpu.vector_load_idx %arg5[%add3A_939, %and3A_9] : memref<10240x8xf32, #tpu.memory_space<vmem>>[vector<16xi32>, vector<16xi32>], vector<16xf32>,
        %add3A_941 = arith.addf %add3A_930, %gather3A_940 : vector<16xf32>
        %mul3A_942 = arith.constant 0.0303030312 : f32
        %mul3A_943 = vector.broadcast %mul3A_942 : f32 to vector<16xf32>
        %mul3A_944 = arith.mulf %add3A_941, %mul3A_943 : vector<16xf32>
        tpu.vector_store_idx %arg6[%add3A_937, %and3A_9], %mul3A_944 : memref<5120x8xf32, #tpu.memory_space<vmem>>[vector<16xi32>, vector<16xi32>], vector<16xf32>,
        %mul3A_945 = arith.constant 8 : i32
        %mul3A_946 = arith.muli %scan3A_137, %mul3A_945 : i32
        %add3A_947 = arith.constant 4 : i32
        %add3A_948 = arith.addi %mul3A_946, %add3A_947 : i32
        %mul3A_949 = arith.constant 2 : i32
        %mul3A_950 = arith.muli %add3A_948, %mul3A_949 : i32
        %mul3A_951 = arith.constant 32 : i32
        %mul3A_952 = arith.muli %mul3A_950, %mul3A_951 : i32
        %get3A_953 = arith.index_cast %mul3A_952 : i32 to index
        %get3A_954 = tpu.vector_load %arg7[%get3A_953] {strides = array<i32>} : memref<2560xi32, #tpu.memory_space<vmem>>, vector<16xi32>,
        %add3A_955 = arith.constant 16 : i32
        %add3A_956 = arith.addi %mul3A_952, %add3A_955 : i32
        %get3A_957 = arith.index_cast %add3A_956 : i32 to index
        %get3A_958 = tpu.vector_load %arg7[%get3A_957] {strides = array<i32>} : memref<2560xi32, #tpu.memory_space<vmem>>, vector<16xi32>,
        %add3A_959 = arith.constant 32 : i32
        %add3A_960 = arith.addi %mul3A_952, %add3A_959 : i32
        %get3A_961 = arith.index_cast %add3A_960 : i32 to index
        %get3A_962 = tpu.vector_load %arg7[%get3A_961] {strides = array<i32>} : memref<2560xi32, #tpu.memory_space<vmem>>, vector<16xi32>,
        %add3A_963 = arith.constant 48 : i32
        %add3A_964 = arith.addi %mul3A_952, %add3A_963 : i32
        %get3A_965 = arith.index_cast %add3A_964 : i32 to index
        %get3A_966 = tpu.vector_load %arg7[%get3A_965] {strides = array<i32>} : memref<2560xi32, #tpu.memory_space<vmem>>, vector<16xi32>,
        %reshape3A_967 = vector.shape_cast %add3A_13 : vector<16xi32> to vector<16x1xi32>
        %gather3A_968 = vector.shape_cast %reshape3A_967 : vector<16x1xi32> to vector<16xi32>
        %gather3A_969 = tpu.dynamic_gather %get3A_954[%gather3A_968] in [0] : vector<16xi32>, vector<16xi32> -> vector<16xi32>
        %gather3A_970 = tpu.vector_load_idx %arg5[%gather3A_969, %and3A_9] : memref<10240x8xf32, #tpu.memory_space<vmem>>[vector<16xi32>, vector<16xi32>], vector<16xf32>,
        %reshape3A_971 = vector.shape_cast %add3A_16 : vector<16xi32> to vector<16x1xi32>
        %gather3A_972 = vector.shape_cast %reshape3A_971 : vector<16x1xi32> to vector<16xi32>
        %gather3A_973 = tpu.dynamic_gather %get3A_954[%gather3A_972] in [0] : vector<16xi32>, vector<16xi32> -> vector<16xi32>
        %gather3A_974 = tpu.vector_load_idx %arg5[%gather3A_973, %and3A_9] : memref<10240x8xf32, #tpu.memory_space<vmem>>[vector<16xi32>, vector<16xi32>], vector<16xf32>,
        %reshape3A_975 = vector.shape_cast %add3A_19 : vector<16xi32> to vector<16x1xi32>
        %gather3A_976 = vector.shape_cast %reshape3A_975 : vector<16x1xi32> to vector<16xi32>
        %gather3A_977 = tpu.dynamic_gather %get3A_954[%gather3A_976] in [0] : vector<16xi32>, vector<16xi32> -> vector<16xi32>
        %gather3A_978 = tpu.vector_load_idx %arg5[%gather3A_977, %and3A_9] : memref<10240x8xf32, #tpu.memory_space<vmem>>[vector<16xi32>, vector<16xi32>], vector<16xf32>,
        %reshape3A_979 = vector.shape_cast %add3A_22 : vector<16xi32> to vector<16x1xi32>
        %gather3A_980 = vector.shape_cast %reshape3A_979 : vector<16x1xi32> to vector<16xi32>
        %gather3A_981 = tpu.dynamic_gather %get3A_954[%gather3A_980] in [0] : vector<16xi32>, vector<16xi32> -> vector<16xi32>
        %gather3A_982 = tpu.vector_load_idx %arg5[%gather3A_981, %and3A_9] : memref<10240x8xf32, #tpu.memory_space<vmem>>[vector<16xi32>, vector<16xi32>], vector<16xf32>,
        %reshape3A_983 = vector.shape_cast %add3A_25 : vector<16xi32> to vector<16x1xi32>
        %gather3A_984 = vector.shape_cast %reshape3A_983 : vector<16x1xi32> to vector<16xi32>
        %gather3A_985 = tpu.dynamic_gather %get3A_954[%gather3A_984] in [0] : vector<16xi32>, vector<16xi32> -> vector<16xi32>
        %gather3A_986 = tpu.vector_load_idx %arg5[%gather3A_985, %and3A_9] : memref<10240x8xf32, #tpu.memory_space<vmem>>[vector<16xi32>, vector<16xi32>], vector<16xf32>,
        %reshape3A_987 = vector.shape_cast %add3A_28 : vector<16xi32> to vector<16x1xi32>
        %gather3A_988 = vector.shape_cast %reshape3A_987 : vector<16x1xi32> to vector<16xi32>
        %gather3A_989 = tpu.dynamic_gather %get3A_954[%gather3A_988] in [0] : vector<16xi32>, vector<16xi32> -> vector<16xi32>
        %gather3A_990 = tpu.vector_load_idx %arg5[%gather3A_989, %and3A_9] : memref<10240x8xf32, #tpu.memory_space<vmem>>[vector<16xi32>, vector<16xi32>], vector<16xf32>,
        %reshape3A_991 = vector.shape_cast %add3A_31 : vector<16xi32> to vector<16x1xi32>
        %gather3A_992 = vector.shape_cast %reshape3A_991 : vector<16x1xi32> to vector<16xi32>
        %gather3A_993 = tpu.dynamic_gather %get3A_954[%gather3A_992] in [0] : vector<16xi32>, vector<16xi32> -> vector<16xi32>
        %gather3A_994 = tpu.vector_load_idx %arg5[%gather3A_993, %and3A_9] : memref<10240x8xf32, #tpu.memory_space<vmem>>[vector<16xi32>, vector<16xi32>], vector<16xf32>,
        %reshape3A_995 = vector.shape_cast %add3A_34 : vector<16xi32> to vector<16x1xi32>
        %gather3A_996 = vector.shape_cast %reshape3A_995 : vector<16x1xi32> to vector<16xi32>
        %gather3A_997 = tpu.dynamic_gather %get3A_954[%gather3A_996] in [0] : vector<16xi32>, vector<16xi32> -> vector<16xi32>
        %gather3A_998 = tpu.vector_load_idx %arg5[%gather3A_997, %and3A_9] : memref<10240x8xf32, #tpu.memory_space<vmem>>[vector<16xi32>, vector<16xi32>], vector<16xf32>,
        %reshape3A_999 = vector.shape_cast %add3A_13 : vector<16xi32> to vector<16x1xi32>
        %gather3A_1000 = vector.shape_cast %reshape3A_999 : vector<16x1xi32> to vector<16xi32>
        %gather3A_1001 = tpu.dynamic_gather %get3A_958[%gather3A_1000] in [0] : vector<16xi32>, vector<16xi32> -> vector<16xi32>
        %gather3A_1002 = tpu.vector_load_idx %arg5[%gather3A_1001, %and3A_9] : memref<10240x8xf32, #tpu.memory_space<vmem>>[vector<16xi32>, vector<16xi32>], vector<16xf32>,
        %reshape3A_1003 = vector.shape_cast %add3A_16 : vector<16xi32> to vector<16x1xi32>
        %gather3A_1004 = vector.shape_cast %reshape3A_1003 : vector<16x1xi32> to vector<16xi32>
        %gather3A_1005 = tpu.dynamic_gather %get3A_958[%gather3A_1004] in [0] : vector<16xi32>, vector<16xi32> -> vector<16xi32>
        %gather3A_1006 = tpu.vector_load_idx %arg5[%gather3A_1005, %and3A_9] : memref<10240x8xf32, #tpu.memory_space<vmem>>[vector<16xi32>, vector<16xi32>], vector<16xf32>,
        %reshape3A_1007 = vector.shape_cast %add3A_19 : vector<16xi32> to vector<16x1xi32>
        %gather3A_1008 = vector.shape_cast %reshape3A_1007 : vector<16x1xi32> to vector<16xi32>
        %gather3A_1009 = tpu.dynamic_gather %get3A_958[%gather3A_1008] in [0] : vector<16xi32>, vector<16xi32> -> vector<16xi32>
        %gather3A_1010 = tpu.vector_load_idx %arg5[%gather3A_1009, %and3A_9] : memref<10240x8xf32, #tpu.memory_space<vmem>>[vector<16xi32>, vector<16xi32>], vector<16xf32>,
        %reshape3A_1011 = vector.shape_cast %add3A_22 : vector<16xi32> to vector<16x1xi32>
        %gather3A_1012 = vector.shape_cast %reshape3A_1011 : vector<16x1xi32> to vector<16xi32>
        %gather3A_1013 = tpu.dynamic_gather %get3A_958[%gather3A_1012] in [0] : vector<16xi32>, vector<16xi32> -> vector<16xi32>
        %gather3A_1014 = tpu.vector_load_idx %arg5[%gather3A_1013, %and3A_9] : memref<10240x8xf32, #tpu.memory_space<vmem>>[vector<16xi32>, vector<16xi32>], vector<16xf32>,
        %reshape3A_1015 = vector.shape_cast %add3A_25 : vector<16xi32> to vector<16x1xi32>
        %gather3A_1016 = vector.shape_cast %reshape3A_1015 : vector<16x1xi32> to vector<16xi32>
        %gather3A_1017 = tpu.dynamic_gather %get3A_958[%gather3A_1016] in [0] : vector<16xi32>, vector<16xi32> -> vector<16xi32>
        %gather3A_1018 = tpu.vector_load_idx %arg5[%gather3A_1017, %and3A_9] : memref<10240x8xf32, #tpu.memory_space<vmem>>[vector<16xi32>, vector<16xi32>], vector<16xf32>,
        %reshape3A_1019 = vector.shape_cast %add3A_28 : vector<16xi32> to vector<16x1xi32>
        %gather3A_1020 = vector.shape_cast %reshape3A_1019 : vector<16x1xi32> to vector<16xi32>
        %gather3A_1021 = tpu.dynamic_gather %get3A_958[%gather3A_1020] in [0] : vector<16xi32>, vector<16xi32> -> vector<16xi32>
        %gather3A_1022 = tpu.vector_load_idx %arg5[%gather3A_1021, %and3A_9] : memref<10240x8xf32, #tpu.memory_space<vmem>>[vector<16xi32>, vector<16xi32>], vector<16xf32>,
        %reshape3A_1023 = vector.shape_cast %add3A_31 : vector<16xi32> to vector<16x1xi32>
        %gather3A_1024 = vector.shape_cast %reshape3A_1023 : vector<16x1xi32> to vector<16xi32>
        %gather3A_1025 = tpu.dynamic_gather %get3A_958[%gather3A_1024] in [0] : vector<16xi32>, vector<16xi32> -> vector<16xi32>
        %gather3A_1026 = tpu.vector_load_idx %arg5[%gather3A_1025, %and3A_9] : memref<10240x8xf32, #tpu.memory_space<vmem>>[vector<16xi32>, vector<16xi32>], vector<16xf32>,
        %reshape3A_1027 = vector.shape_cast %add3A_34 : vector<16xi32> to vector<16x1xi32>
        %gather3A_1028 = vector.shape_cast %reshape3A_1027 : vector<16x1xi32> to vector<16xi32>
        %gather3A_1029 = tpu.dynamic_gather %get3A_958[%gather3A_1028] in [0] : vector<16xi32>, vector<16xi32> -> vector<16xi32>
        %gather3A_1030 = tpu.vector_load_idx %arg5[%gather3A_1029, %and3A_9] : memref<10240x8xf32, #tpu.memory_space<vmem>>[vector<16xi32>, vector<16xi32>], vector<16xf32>,
        %add3A_1031 = arith.addf %gather3A_970, %gather3A_986 : vector<16xf32>
        %add3A_1032 = arith.addf %gather3A_974, %gather3A_990 : vector<16xf32>
        %add3A_1033 = arith.addf %gather3A_978, %gather3A_994 : vector<16xf32>
        %add3A_1034 = arith.addf %gather3A_982, %gather3A_998 : vector<16xf32>
        %add3A_1035 = arith.addf %add3A_1031, %gather3A_1002 : vector<16xf32>
        %add3A_1036 = arith.addf %add3A_1032, %gather3A_1006 : vector<16xf32>
        %add3A_1037 = arith.addf %add3A_1033, %gather3A_1010 : vector<16xf32>
        %add3A_1038 = arith.addf %add3A_1034, %gather3A_1014 : vector<16xf32>
        %add3A_1039 = arith.addf %add3A_1035, %gather3A_1018 : vector<16xf32>
        %add3A_1040 = arith.addf %add3A_1036, %gather3A_1022 : vector<16xf32>
        %add3A_1041 = arith.addf %add3A_1037, %gather3A_1026 : vector<16xf32>
        %add3A_1042 = arith.addf %add3A_1038, %gather3A_1030 : vector<16xf32>
        %add3A_1043 = arith.addf %add3A_1039, %add3A_1040 : vector<16xf32>
        %add3A_1044 = arith.addf %add3A_1041, %add3A_1042 : vector<16xf32>
        %add3A_1045 = arith.addf %add3A_1043, %add3A_1044 : vector<16xf32>
        %reshape3A_1046 = vector.shape_cast %add3A_13 : vector<16xi32> to vector<16x1xi32>
        %gather3A_1047 = vector.shape_cast %reshape3A_1046 : vector<16x1xi32> to vector<16xi32>
        %gather3A_1048 = tpu.dynamic_gather %get3A_962[%gather3A_1047] in [0] : vector<16xi32>, vector<16xi32> -> vector<16xi32>
        %gather3A_1049 = tpu.vector_load_idx %arg5[%gather3A_1048, %and3A_9] : memref<10240x8xf32, #tpu.memory_space<vmem>>[vector<16xi32>, vector<16xi32>], vector<16xf32>,
        %reshape3A_1050 = vector.shape_cast %add3A_16 : vector<16xi32> to vector<16x1xi32>
        %gather3A_1051 = vector.shape_cast %reshape3A_1050 : vector<16x1xi32> to vector<16xi32>
        %gather3A_1052 = tpu.dynamic_gather %get3A_962[%gather3A_1051] in [0] : vector<16xi32>, vector<16xi32> -> vector<16xi32>
        %gather3A_1053 = tpu.vector_load_idx %arg5[%gather3A_1052, %and3A_9] : memref<10240x8xf32, #tpu.memory_space<vmem>>[vector<16xi32>, vector<16xi32>], vector<16xf32>,
        %reshape3A_1054 = vector.shape_cast %add3A_19 : vector<16xi32> to vector<16x1xi32>
        %gather3A_1055 = vector.shape_cast %reshape3A_1054 : vector<16x1xi32> to vector<16xi32>
        %gather3A_1056 = tpu.dynamic_gather %get3A_962[%gather3A_1055] in [0] : vector<16xi32>, vector<16xi32> -> vector<16xi32>
        %gather3A_1057 = tpu.vector_load_idx %arg5[%gather3A_1056, %and3A_9] : memref<10240x8xf32, #tpu.memory_space<vmem>>[vector<16xi32>, vector<16xi32>], vector<16xf32>,
        %reshape3A_1058 = vector.shape_cast %add3A_22 : vector<16xi32> to vector<16x1xi32>
        %gather3A_1059 = vector.shape_cast %reshape3A_1058 : vector<16x1xi32> to vector<16xi32>
        %gather3A_1060 = tpu.dynamic_gather %get3A_962[%gather3A_1059] in [0] : vector<16xi32>, vector<16xi32> -> vector<16xi32>
        %gather3A_1061 = tpu.vector_load_idx %arg5[%gather3A_1060, %and3A_9] : memref<10240x8xf32, #tpu.memory_space<vmem>>[vector<16xi32>, vector<16xi32>], vector<16xf32>,
        %reshape3A_1062 = vector.shape_cast %add3A_25 : vector<16xi32> to vector<16x1xi32>
        %gather3A_1063 = vector.shape_cast %reshape3A_1062 : vector<16x1xi32> to vector<16xi32>
        %gather3A_1064 = tpu.dynamic_gather %get3A_962[%gather3A_1063] in [0] : vector<16xi32>, vector<16xi32> -> vector<16xi32>
        %gather3A_1065 = tpu.vector_load_idx %arg5[%gather3A_1064, %and3A_9] : memref<10240x8xf32, #tpu.memory_space<vmem>>[vector<16xi32>, vector<16xi32>], vector<16xf32>,
        %reshape3A_1066 = vector.shape_cast %add3A_28 : vector<16xi32> to vector<16x1xi32>
        %gather3A_1067 = vector.shape_cast %reshape3A_1066 : vector<16x1xi32> to vector<16xi32>
        %gather3A_1068 = tpu.dynamic_gather %get3A_962[%gather3A_1067] in [0] : vector<16xi32>, vector<16xi32> -> vector<16xi32>
        %gather3A_1069 = tpu.vector_load_idx %arg5[%gather3A_1068, %and3A_9] : memref<10240x8xf32, #tpu.memory_space<vmem>>[vector<16xi32>, vector<16xi32>], vector<16xf32>,
        %reshape3A_1070 = vector.shape_cast %add3A_31 : vector<16xi32> to vector<16x1xi32>
        %gather3A_1071 = vector.shape_cast %reshape3A_1070 : vector<16x1xi32> to vector<16xi32>
        %gather3A_1072 = tpu.dynamic_gather %get3A_962[%gather3A_1071] in [0] : vector<16xi32>, vector<16xi32> -> vector<16xi32>
        %gather3A_1073 = tpu.vector_load_idx %arg5[%gather3A_1072, %and3A_9] : memref<10240x8xf32, #tpu.memory_space<vmem>>[vector<16xi32>, vector<16xi32>], vector<16xf32>,
        %reshape3A_1074 = vector.shape_cast %add3A_34 : vector<16xi32> to vector<16x1xi32>
        %gather3A_1075 = vector.shape_cast %reshape3A_1074 : vector<16x1xi32> to vector<16xi32>
        %gather3A_1076 = tpu.dynamic_gather %get3A_962[%gather3A_1075] in [0] : vector<16xi32>, vector<16xi32> -> vector<16xi32>
        %gather3A_1077 = tpu.vector_load_idx %arg5[%gather3A_1076, %and3A_9] : memref<10240x8xf32, #tpu.memory_space<vmem>>[vector<16xi32>, vector<16xi32>], vector<16xf32>,
        %reshape3A_1078 = vector.shape_cast %add3A_13 : vector<16xi32> to vector<16x1xi32>
        %gather3A_1079 = vector.shape_cast %reshape3A_1078 : vector<16x1xi32> to vector<16xi32>
        %gather3A_1080 = tpu.dynamic_gather %get3A_966[%gather3A_1079] in [0] : vector<16xi32>, vector<16xi32> -> vector<16xi32>
        %gather3A_1081 = tpu.vector_load_idx %arg5[%gather3A_1080, %and3A_9] : memref<10240x8xf32, #tpu.memory_space<vmem>>[vector<16xi32>, vector<16xi32>], vector<16xf32>,
        %reshape3A_1082 = vector.shape_cast %add3A_16 : vector<16xi32> to vector<16x1xi32>
        %gather3A_1083 = vector.shape_cast %reshape3A_1082 : vector<16x1xi32> to vector<16xi32>
        %gather3A_1084 = tpu.dynamic_gather %get3A_966[%gather3A_1083] in [0] : vector<16xi32>, vector<16xi32> -> vector<16xi32>
        %gather3A_1085 = tpu.vector_load_idx %arg5[%gather3A_1084, %and3A_9] : memref<10240x8xf32, #tpu.memory_space<vmem>>[vector<16xi32>, vector<16xi32>], vector<16xf32>,
        %reshape3A_1086 = vector.shape_cast %add3A_19 : vector<16xi32> to vector<16x1xi32>
        %gather3A_1087 = vector.shape_cast %reshape3A_1086 : vector<16x1xi32> to vector<16xi32>
        %gather3A_1088 = tpu.dynamic_gather %get3A_966[%gather3A_1087] in [0] : vector<16xi32>, vector<16xi32> -> vector<16xi32>
        %gather3A_1089 = tpu.vector_load_idx %arg5[%gather3A_1088, %and3A_9] : memref<10240x8xf32, #tpu.memory_space<vmem>>[vector<16xi32>, vector<16xi32>], vector<16xf32>,
        %reshape3A_1090 = vector.shape_cast %add3A_22 : vector<16xi32> to vector<16x1xi32>
        %gather3A_1091 = vector.shape_cast %reshape3A_1090 : vector<16x1xi32> to vector<16xi32>
        %gather3A_1092 = tpu.dynamic_gather %get3A_966[%gather3A_1091] in [0] : vector<16xi32>, vector<16xi32> -> vector<16xi32>
        %gather3A_1093 = tpu.vector_load_idx %arg5[%gather3A_1092, %and3A_9] : memref<10240x8xf32, #tpu.memory_space<vmem>>[vector<16xi32>, vector<16xi32>], vector<16xf32>,
        %reshape3A_1094 = vector.shape_cast %add3A_25 : vector<16xi32> to vector<16x1xi32>
        %gather3A_1095 = vector.shape_cast %reshape3A_1094 : vector<16x1xi32> to vector<16xi32>
        %gather3A_1096 = tpu.dynamic_gather %get3A_966[%gather3A_1095] in [0] : vector<16xi32>, vector<16xi32> -> vector<16xi32>
        %gather3A_1097 = tpu.vector_load_idx %arg5[%gather3A_1096, %and3A_9] : memref<10240x8xf32, #tpu.memory_space<vmem>>[vector<16xi32>, vector<16xi32>], vector<16xf32>,
        %reshape3A_1098 = vector.shape_cast %add3A_28 : vector<16xi32> to vector<16x1xi32>
        %gather3A_1099 = vector.shape_cast %reshape3A_1098 : vector<16x1xi32> to vector<16xi32>
        %gather3A_1100 = tpu.dynamic_gather %get3A_966[%gather3A_1099] in [0] : vector<16xi32>, vector<16xi32> -> vector<16xi32>
        %gather3A_1101 = tpu.vector_load_idx %arg5[%gather3A_1100, %and3A_9] : memref<10240x8xf32, #tpu.memory_space<vmem>>[vector<16xi32>, vector<16xi32>], vector<16xf32>,
        %reshape3A_1102 = vector.shape_cast %add3A_31 : vector<16xi32> to vector<16x1xi32>
        %gather3A_1103 = vector.shape_cast %reshape3A_1102 : vector<16x1xi32> to vector<16xi32>
        %gather3A_1104 = tpu.dynamic_gather %get3A_966[%gather3A_1103] in [0] : vector<16xi32>, vector<16xi32> -> vector<16xi32>
        %gather3A_1105 = tpu.vector_load_idx %arg5[%gather3A_1104, %and3A_9] : memref<10240x8xf32, #tpu.memory_space<vmem>>[vector<16xi32>, vector<16xi32>], vector<16xf32>,
        %reshape3A_1106 = vector.shape_cast %add3A_34 : vector<16xi32> to vector<16x1xi32>
        %gather3A_1107 = vector.shape_cast %reshape3A_1106 : vector<16x1xi32> to vector<16xi32>
        %gather3A_1108 = tpu.dynamic_gather %get3A_966[%gather3A_1107] in [0] : vector<16xi32>, vector<16xi32> -> vector<16xi32>
        %gather3A_1109 = tpu.vector_load_idx %arg5[%gather3A_1108, %and3A_9] : memref<10240x8xf32, #tpu.memory_space<vmem>>[vector<16xi32>, vector<16xi32>], vector<16xf32>,
        %add3A_1110 = arith.addf %gather3A_1049, %gather3A_1065 : vector<16xf32>
        %add3A_1111 = arith.addf %gather3A_1053, %gather3A_1069 : vector<16xf32>
        %add3A_1112 = arith.addf %gather3A_1057, %gather3A_1073 : vector<16xf32>
        %add3A_1113 = arith.addf %gather3A_1061, %gather3A_1077 : vector<16xf32>
        %add3A_1114 = arith.addf %add3A_1110, %gather3A_1081 : vector<16xf32>
        %add3A_1115 = arith.addf %add3A_1111, %gather3A_1085 : vector<16xf32>
        %add3A_1116 = arith.addf %add3A_1112, %gather3A_1089 : vector<16xf32>
        %add3A_1117 = arith.addf %add3A_1113, %gather3A_1093 : vector<16xf32>
        %add3A_1118 = arith.addf %add3A_1114, %gather3A_1097 : vector<16xf32>
        %add3A_1119 = arith.addf %add3A_1115, %gather3A_1101 : vector<16xf32>
        %add3A_1120 = arith.addf %add3A_1116, %gather3A_1105 : vector<16xf32>
        %add3A_1121 = arith.addf %add3A_1117, %gather3A_1109 : vector<16xf32>
        %add3A_1122 = arith.addf %add3A_1118, %add3A_1119 : vector<16xf32>
        %add3A_1123 = arith.addf %add3A_1120, %add3A_1121 : vector<16xf32>
        %add3A_1124 = arith.addf %add3A_1122, %add3A_1123 : vector<16xf32>
        %select_n3A_1125 = arith.select %lt3A_38, %add3A_1045, %add3A_1124 : vector<16xi1>, vector<16xf32>
        %reshape3A_1126 = vector.shape_cast %xor3A_36 : vector<16xi32> to vector<16x1xi32>
        %gather3A_1127 = vector.shape_cast %reshape3A_1126 : vector<16x1xi32> to vector<16xi32>
        %gather3A_1128 = tpu.dynamic_gather %add3A_1045[%gather3A_1127] in [0] : vector<16xf32>, vector<16xi32> -> vector<16xf32>
        %reshape3A_1129 = vector.shape_cast %xor3A_36 : vector<16xi32> to vector<16x1xi32>
        %gather3A_1130 = vector.shape_cast %reshape3A_1129 : vector<16x1xi32> to vector<16xi32>
        %gather3A_1131 = tpu.dynamic_gather %add3A_1124[%gather3A_1130] in [0] : vector<16xf32>, vector<16xi32> -> vector<16xf32>
        %select_n3A_1132 = arith.select %lt3A_38, %gather3A_1128, %gather3A_1131 : vector<16xi1>, vector<16xf32>
        %add3A_1133 = arith.addf %select_n3A_1125, %select_n3A_1132 : vector<16xf32>
        %mul3A_1134 = arith.constant 80 : i32
        %mul3A_1135 = arith.muli %mul3A_60, %mul3A_1134 : i32
        %mul3A_1136 = arith.constant 2 : i32
        %mul3A_1137 = arith.muli %add3A_948, %mul3A_1136 : i32
        %add3A_1138 = arith.addi %mul3A_1135, %mul3A_1137 : i32
        %broadcast_in_dim3A_1139 = vector.broadcast %add3A_1138 : i32 to vector<16xi32>
        %add3A_1140 = arith.addi %broadcast_in_dim3A_1139, %shift_right_logical3A_11 : vector<16xi32>
        %add3A_1141 = vector.broadcast %mul3A_40 : i32 to vector<16xi32>
        %add3A_1142 = arith.addi %add3A_1140, %add3A_1141 : vector<16xi32>
        %gather3A_1143 = tpu.vector_load_idx %arg5[%add3A_1142, %and3A_9] : memref<10240x8xf32, #tpu.memory_space<vmem>>[vector<16xi32>, vector<16xi32>], vector<16xf32>,
        %add3A_1144 = arith.addf %add3A_1133, %gather3A_1143 : vector<16xf32>
        %mul3A_1145 = arith.constant 0.0303030312 : f32
        %mul3A_1146 = vector.broadcast %mul3A_1145 : f32 to vector<16xf32>
        %mul3A_1147 = arith.mulf %add3A_1144, %mul3A_1146 : vector<16xf32>
        tpu.vector_store_idx %arg6[%add3A_1140, %and3A_9], %mul3A_1147 : memref<5120x8xf32, #tpu.memory_space<vmem>>[vector<16xi32>, vector<16xi32>], vector<16xf32>,
        %mul3A_1148 = arith.constant 8 : i32
        %mul3A_1149 = arith.muli %scan3A_137, %mul3A_1148 : i32
        %add3A_1150 = arith.constant 5 : i32
        %add3A_1151 = arith.addi %mul3A_1149, %add3A_1150 : i32
        %mul3A_1152 = arith.constant 2 : i32
        %mul3A_1153 = arith.muli %add3A_1151, %mul3A_1152 : i32
        %mul3A_1154 = arith.constant 32 : i32
        %mul3A_1155 = arith.muli %mul3A_1153, %mul3A_1154 : i32
        %get3A_1156 = arith.index_cast %mul3A_1155 : i32 to index
        %get3A_1157 = tpu.vector_load %arg7[%get3A_1156] {strides = array<i32>} : memref<2560xi32, #tpu.memory_space<vmem>>, vector<16xi32>,
        %add3A_1158 = arith.constant 16 : i32
        %add3A_1159 = arith.addi %mul3A_1155, %add3A_1158 : i32
        %get3A_1160 = arith.index_cast %add3A_1159 : i32 to index
        %get3A_1161 = tpu.vector_load %arg7[%get3A_1160] {strides = array<i32>} : memref<2560xi32, #tpu.memory_space<vmem>>, vector<16xi32>,
        %add3A_1162 = arith.constant 32 : i32
        %add3A_1163 = arith.addi %mul3A_1155, %add3A_1162 : i32
        %get3A_1164 = arith.index_cast %add3A_1163 : i32 to index
        %get3A_1165 = tpu.vector_load %arg7[%get3A_1164] {strides = array<i32>} : memref<2560xi32, #tpu.memory_space<vmem>>, vector<16xi32>,
        %add3A_1166 = arith.constant 48 : i32
        %add3A_1167 = arith.addi %mul3A_1155, %add3A_1166 : i32
        %get3A_1168 = arith.index_cast %add3A_1167 : i32 to index
        %get3A_1169 = tpu.vector_load %arg7[%get3A_1168] {strides = array<i32>} : memref<2560xi32, #tpu.memory_space<vmem>>, vector<16xi32>,
        %reshape3A_1170 = vector.shape_cast %add3A_13 : vector<16xi32> to vector<16x1xi32>
        %gather3A_1171 = vector.shape_cast %reshape3A_1170 : vector<16x1xi32> to vector<16xi32>
        %gather3A_1172 = tpu.dynamic_gather %get3A_1157[%gather3A_1171] in [0] : vector<16xi32>, vector<16xi32> -> vector<16xi32>
        %gather3A_1173 = tpu.vector_load_idx %arg5[%gather3A_1172, %and3A_9] : memref<10240x8xf32, #tpu.memory_space<vmem>>[vector<16xi32>, vector<16xi32>], vector<16xf32>,
        %reshape3A_1174 = vector.shape_cast %add3A_16 : vector<16xi32> to vector<16x1xi32>
        %gather3A_1175 = vector.shape_cast %reshape3A_1174 : vector<16x1xi32> to vector<16xi32>
        %gather3A_1176 = tpu.dynamic_gather %get3A_1157[%gather3A_1175] in [0] : vector<16xi32>, vector<16xi32> -> vector<16xi32>
        %gather3A_1177 = tpu.vector_load_idx %arg5[%gather3A_1176, %and3A_9] : memref<10240x8xf32, #tpu.memory_space<vmem>>[vector<16xi32>, vector<16xi32>], vector<16xf32>,
        %reshape3A_1178 = vector.shape_cast %add3A_19 : vector<16xi32> to vector<16x1xi32>
        %gather3A_1179 = vector.shape_cast %reshape3A_1178 : vector<16x1xi32> to vector<16xi32>
        %gather3A_1180 = tpu.dynamic_gather %get3A_1157[%gather3A_1179] in [0] : vector<16xi32>, vector<16xi32> -> vector<16xi32>
        %gather3A_1181 = tpu.vector_load_idx %arg5[%gather3A_1180, %and3A_9] : memref<10240x8xf32, #tpu.memory_space<vmem>>[vector<16xi32>, vector<16xi32>], vector<16xf32>,
        %reshape3A_1182 = vector.shape_cast %add3A_22 : vector<16xi32> to vector<16x1xi32>
        %gather3A_1183 = vector.shape_cast %reshape3A_1182 : vector<16x1xi32> to vector<16xi32>
        %gather3A_1184 = tpu.dynamic_gather %get3A_1157[%gather3A_1183] in [0] : vector<16xi32>, vector<16xi32> -> vector<16xi32>
        %gather3A_1185 = tpu.vector_load_idx %arg5[%gather3A_1184, %and3A_9] : memref<10240x8xf32, #tpu.memory_space<vmem>>[vector<16xi32>, vector<16xi32>], vector<16xf32>,
        %reshape3A_1186 = vector.shape_cast %add3A_25 : vector<16xi32> to vector<16x1xi32>
        %gather3A_1187 = vector.shape_cast %reshape3A_1186 : vector<16x1xi32> to vector<16xi32>
        %gather3A_1188 = tpu.dynamic_gather %get3A_1157[%gather3A_1187] in [0] : vector<16xi32>, vector<16xi32> -> vector<16xi32>
        %gather3A_1189 = tpu.vector_load_idx %arg5[%gather3A_1188, %and3A_9] : memref<10240x8xf32, #tpu.memory_space<vmem>>[vector<16xi32>, vector<16xi32>], vector<16xf32>,
        %reshape3A_1190 = vector.shape_cast %add3A_28 : vector<16xi32> to vector<16x1xi32>
        %gather3A_1191 = vector.shape_cast %reshape3A_1190 : vector<16x1xi32> to vector<16xi32>
        %gather3A_1192 = tpu.dynamic_gather %get3A_1157[%gather3A_1191] in [0] : vector<16xi32>, vector<16xi32> -> vector<16xi32>
        %gather3A_1193 = tpu.vector_load_idx %arg5[%gather3A_1192, %and3A_9] : memref<10240x8xf32, #tpu.memory_space<vmem>>[vector<16xi32>, vector<16xi32>], vector<16xf32>,
        %reshape3A_1194 = vector.shape_cast %add3A_31 : vector<16xi32> to vector<16x1xi32>
        %gather3A_1195 = vector.shape_cast %reshape3A_1194 : vector<16x1xi32> to vector<16xi32>
        %gather3A_1196 = tpu.dynamic_gather %get3A_1157[%gather3A_1195] in [0] : vector<16xi32>, vector<16xi32> -> vector<16xi32>
        %gather3A_1197 = tpu.vector_load_idx %arg5[%gather3A_1196, %and3A_9] : memref<10240x8xf32, #tpu.memory_space<vmem>>[vector<16xi32>, vector<16xi32>], vector<16xf32>,
        %reshape3A_1198 = vector.shape_cast %add3A_34 : vector<16xi32> to vector<16x1xi32>
        %gather3A_1199 = vector.shape_cast %reshape3A_1198 : vector<16x1xi32> to vector<16xi32>
        %gather3A_1200 = tpu.dynamic_gather %get3A_1157[%gather3A_1199] in [0] : vector<16xi32>, vector<16xi32> -> vector<16xi32>
        %gather3A_1201 = tpu.vector_load_idx %arg5[%gather3A_1200, %and3A_9] : memref<10240x8xf32, #tpu.memory_space<vmem>>[vector<16xi32>, vector<16xi32>], vector<16xf32>,
        %reshape3A_1202 = vector.shape_cast %add3A_13 : vector<16xi32> to vector<16x1xi32>
        %gather3A_1203 = vector.shape_cast %reshape3A_1202 : vector<16x1xi32> to vector<16xi32>
        %gather3A_1204 = tpu.dynamic_gather %get3A_1161[%gather3A_1203] in [0] : vector<16xi32>, vector<16xi32> -> vector<16xi32>
        %gather3A_1205 = tpu.vector_load_idx %arg5[%gather3A_1204, %and3A_9] : memref<10240x8xf32, #tpu.memory_space<vmem>>[vector<16xi32>, vector<16xi32>], vector<16xf32>,
        %reshape3A_1206 = vector.shape_cast %add3A_16 : vector<16xi32> to vector<16x1xi32>
        %gather3A_1207 = vector.shape_cast %reshape3A_1206 : vector<16x1xi32> to vector<16xi32>
        %gather3A_1208 = tpu.dynamic_gather %get3A_1161[%gather3A_1207] in [0] : vector<16xi32>, vector<16xi32> -> vector<16xi32>
        %gather3A_1209 = tpu.vector_load_idx %arg5[%gather3A_1208, %and3A_9] : memref<10240x8xf32, #tpu.memory_space<vmem>>[vector<16xi32>, vector<16xi32>], vector<16xf32>,
        %reshape3A_1210 = vector.shape_cast %add3A_19 : vector<16xi32> to vector<16x1xi32>
        %gather3A_1211 = vector.shape_cast %reshape3A_1210 : vector<16x1xi32> to vector<16xi32>
        %gather3A_1212 = tpu.dynamic_gather %get3A_1161[%gather3A_1211] in [0] : vector<16xi32>, vector<16xi32> -> vector<16xi32>
        %gather3A_1213 = tpu.vector_load_idx %arg5[%gather3A_1212, %and3A_9] : memref<10240x8xf32, #tpu.memory_space<vmem>>[vector<16xi32>, vector<16xi32>], vector<16xf32>,
        %reshape3A_1214 = vector.shape_cast %add3A_22 : vector<16xi32> to vector<16x1xi32>
        %gather3A_1215 = vector.shape_cast %reshape3A_1214 : vector<16x1xi32> to vector<16xi32>
        %gather3A_1216 = tpu.dynamic_gather %get3A_1161[%gather3A_1215] in [0] : vector<16xi32>, vector<16xi32> -> vector<16xi32>
        %gather3A_1217 = tpu.vector_load_idx %arg5[%gather3A_1216, %and3A_9] : memref<10240x8xf32, #tpu.memory_space<vmem>>[vector<16xi32>, vector<16xi32>], vector<16xf32>,
        %reshape3A_1218 = vector.shape_cast %add3A_25 : vector<16xi32> to vector<16x1xi32>
        %gather3A_1219 = vector.shape_cast %reshape3A_1218 : vector<16x1xi32> to vector<16xi32>
        %gather3A_1220 = tpu.dynamic_gather %get3A_1161[%gather3A_1219] in [0] : vector<16xi32>, vector<16xi32> -> vector<16xi32>
        %gather3A_1221 = tpu.vector_load_idx %arg5[%gather3A_1220, %and3A_9] : memref<10240x8xf32, #tpu.memory_space<vmem>>[vector<16xi32>, vector<16xi32>], vector<16xf32>,
        %reshape3A_1222 = vector.shape_cast %add3A_28 : vector<16xi32> to vector<16x1xi32>
        %gather3A_1223 = vector.shape_cast %reshape3A_1222 : vector<16x1xi32> to vector<16xi32>
        %gather3A_1224 = tpu.dynamic_gather %get3A_1161[%gather3A_1223] in [0] : vector<16xi32>, vector<16xi32> -> vector<16xi32>
        %gather3A_1225 = tpu.vector_load_idx %arg5[%gather3A_1224, %and3A_9] : memref<10240x8xf32, #tpu.memory_space<vmem>>[vector<16xi32>, vector<16xi32>], vector<16xf32>,
        %reshape3A_1226 = vector.shape_cast %add3A_31 : vector<16xi32> to vector<16x1xi32>
        %gather3A_1227 = vector.shape_cast %reshape3A_1226 : vector<16x1xi32> to vector<16xi32>
        %gather3A_1228 = tpu.dynamic_gather %get3A_1161[%gather3A_1227] in [0] : vector<16xi32>, vector<16xi32> -> vector<16xi32>
        %gather3A_1229 = tpu.vector_load_idx %arg5[%gather3A_1228, %and3A_9] : memref<10240x8xf32, #tpu.memory_space<vmem>>[vector<16xi32>, vector<16xi32>], vector<16xf32>,
        %reshape3A_1230 = vector.shape_cast %add3A_34 : vector<16xi32> to vector<16x1xi32>
        %gather3A_1231 = vector.shape_cast %reshape3A_1230 : vector<16x1xi32> to vector<16xi32>
        %gather3A_1232 = tpu.dynamic_gather %get3A_1161[%gather3A_1231] in [0] : vector<16xi32>, vector<16xi32> -> vector<16xi32>
        %gather3A_1233 = tpu.vector_load_idx %arg5[%gather3A_1232, %and3A_9] : memref<10240x8xf32, #tpu.memory_space<vmem>>[vector<16xi32>, vector<16xi32>], vector<16xf32>,
        %add3A_1234 = arith.addf %gather3A_1173, %gather3A_1189 : vector<16xf32>
        %add3A_1235 = arith.addf %gather3A_1177, %gather3A_1193 : vector<16xf32>
        %add3A_1236 = arith.addf %gather3A_1181, %gather3A_1197 : vector<16xf32>
        %add3A_1237 = arith.addf %gather3A_1185, %gather3A_1201 : vector<16xf32>
        %add3A_1238 = arith.addf %add3A_1234, %gather3A_1205 : vector<16xf32>
        %add3A_1239 = arith.addf %add3A_1235, %gather3A_1209 : vector<16xf32>
        %add3A_1240 = arith.addf %add3A_1236, %gather3A_1213 : vector<16xf32>
        %add3A_1241 = arith.addf %add3A_1237, %gather3A_1217 : vector<16xf32>
        %add3A_1242 = arith.addf %add3A_1238, %gather3A_1221 : vector<16xf32>
        %add3A_1243 = arith.addf %add3A_1239, %gather3A_1225 : vector<16xf32>
        %add3A_1244 = arith.addf %add3A_1240, %gather3A_1229 : vector<16xf32>
        %add3A_1245 = arith.addf %add3A_1241, %gather3A_1233 : vector<16xf32>
        %add3A_1246 = arith.addf %add3A_1242, %add3A_1243 : vector<16xf32>
        %add3A_1247 = arith.addf %add3A_1244, %add3A_1245 : vector<16xf32>
        %add3A_1248 = arith.addf %add3A_1246, %add3A_1247 : vector<16xf32>
        %reshape3A_1249 = vector.shape_cast %add3A_13 : vector<16xi32> to vector<16x1xi32>
        %gather3A_1250 = vector.shape_cast %reshape3A_1249 : vector<16x1xi32> to vector<16xi32>
        %gather3A_1251 = tpu.dynamic_gather %get3A_1165[%gather3A_1250] in [0] : vector<16xi32>, vector<16xi32> -> vector<16xi32>
        %gather3A_1252 = tpu.vector_load_idx %arg5[%gather3A_1251, %and3A_9] : memref<10240x8xf32, #tpu.memory_space<vmem>>[vector<16xi32>, vector<16xi32>], vector<16xf32>,
        %reshape3A_1253 = vector.shape_cast %add3A_16 : vector<16xi32> to vector<16x1xi32>
        %gather3A_1254 = vector.shape_cast %reshape3A_1253 : vector<16x1xi32> to vector<16xi32>
        %gather3A_1255 = tpu.dynamic_gather %get3A_1165[%gather3A_1254] in [0] : vector<16xi32>, vector<16xi32> -> vector<16xi32>
        %gather3A_1256 = tpu.vector_load_idx %arg5[%gather3A_1255, %and3A_9] : memref<10240x8xf32, #tpu.memory_space<vmem>>[vector<16xi32>, vector<16xi32>], vector<16xf32>,
        %reshape3A_1257 = vector.shape_cast %add3A_19 : vector<16xi32> to vector<16x1xi32>
        %gather3A_1258 = vector.shape_cast %reshape3A_1257 : vector<16x1xi32> to vector<16xi32>
        %gather3A_1259 = tpu.dynamic_gather %get3A_1165[%gather3A_1258] in [0] : vector<16xi32>, vector<16xi32> -> vector<16xi32>
        %gather3A_1260 = tpu.vector_load_idx %arg5[%gather3A_1259, %and3A_9] : memref<10240x8xf32, #tpu.memory_space<vmem>>[vector<16xi32>, vector<16xi32>], vector<16xf32>,
        %reshape3A_1261 = vector.shape_cast %add3A_22 : vector<16xi32> to vector<16x1xi32>
        %gather3A_1262 = vector.shape_cast %reshape3A_1261 : vector<16x1xi32> to vector<16xi32>
        %gather3A_1263 = tpu.dynamic_gather %get3A_1165[%gather3A_1262] in [0] : vector<16xi32>, vector<16xi32> -> vector<16xi32>
        %gather3A_1264 = tpu.vector_load_idx %arg5[%gather3A_1263, %and3A_9] : memref<10240x8xf32, #tpu.memory_space<vmem>>[vector<16xi32>, vector<16xi32>], vector<16xf32>,
        %reshape3A_1265 = vector.shape_cast %add3A_25 : vector<16xi32> to vector<16x1xi32>
        %gather3A_1266 = vector.shape_cast %reshape3A_1265 : vector<16x1xi32> to vector<16xi32>
        %gather3A_1267 = tpu.dynamic_gather %get3A_1165[%gather3A_1266] in [0] : vector<16xi32>, vector<16xi32> -> vector<16xi32>
        %gather3A_1268 = tpu.vector_load_idx %arg5[%gather3A_1267, %and3A_9] : memref<10240x8xf32, #tpu.memory_space<vmem>>[vector<16xi32>, vector<16xi32>], vector<16xf32>,
        %reshape3A_1269 = vector.shape_cast %add3A_28 : vector<16xi32> to vector<16x1xi32>
        %gather3A_1270 = vector.shape_cast %reshape3A_1269 : vector<16x1xi32> to vector<16xi32>
        %gather3A_1271 = tpu.dynamic_gather %get3A_1165[%gather3A_1270] in [0] : vector<16xi32>, vector<16xi32> -> vector<16xi32>
        %gather3A_1272 = tpu.vector_load_idx %arg5[%gather3A_1271, %and3A_9] : memref<10240x8xf32, #tpu.memory_space<vmem>>[vector<16xi32>, vector<16xi32>], vector<16xf32>,
        %reshape3A_1273 = vector.shape_cast %add3A_31 : vector<16xi32> to vector<16x1xi32>
        %gather3A_1274 = vector.shape_cast %reshape3A_1273 : vector<16x1xi32> to vector<16xi32>
        %gather3A_1275 = tpu.dynamic_gather %get3A_1165[%gather3A_1274] in [0] : vector<16xi32>, vector<16xi32> -> vector<16xi32>
        %gather3A_1276 = tpu.vector_load_idx %arg5[%gather3A_1275, %and3A_9] : memref<10240x8xf32, #tpu.memory_space<vmem>>[vector<16xi32>, vector<16xi32>], vector<16xf32>,
        %reshape3A_1277 = vector.shape_cast %add3A_34 : vector<16xi32> to vector<16x1xi32>
        %gather3A_1278 = vector.shape_cast %reshape3A_1277 : vector<16x1xi32> to vector<16xi32>
        %gather3A_1279 = tpu.dynamic_gather %get3A_1165[%gather3A_1278] in [0] : vector<16xi32>, vector<16xi32> -> vector<16xi32>
        %gather3A_1280 = tpu.vector_load_idx %arg5[%gather3A_1279, %and3A_9] : memref<10240x8xf32, #tpu.memory_space<vmem>>[vector<16xi32>, vector<16xi32>], vector<16xf32>,
        %reshape3A_1281 = vector.shape_cast %add3A_13 : vector<16xi32> to vector<16x1xi32>
        %gather3A_1282 = vector.shape_cast %reshape3A_1281 : vector<16x1xi32> to vector<16xi32>
        %gather3A_1283 = tpu.dynamic_gather %get3A_1169[%gather3A_1282] in [0] : vector<16xi32>, vector<16xi32> -> vector<16xi32>
        %gather3A_1284 = tpu.vector_load_idx %arg5[%gather3A_1283, %and3A_9] : memref<10240x8xf32, #tpu.memory_space<vmem>>[vector<16xi32>, vector<16xi32>], vector<16xf32>,
        %reshape3A_1285 = vector.shape_cast %add3A_16 : vector<16xi32> to vector<16x1xi32>
        %gather3A_1286 = vector.shape_cast %reshape3A_1285 : vector<16x1xi32> to vector<16xi32>
        %gather3A_1287 = tpu.dynamic_gather %get3A_1169[%gather3A_1286] in [0] : vector<16xi32>, vector<16xi32> -> vector<16xi32>
        %gather3A_1288 = tpu.vector_load_idx %arg5[%gather3A_1287, %and3A_9] : memref<10240x8xf32, #tpu.memory_space<vmem>>[vector<16xi32>, vector<16xi32>], vector<16xf32>,
        %reshape3A_1289 = vector.shape_cast %add3A_19 : vector<16xi32> to vector<16x1xi32>
        %gather3A_1290 = vector.shape_cast %reshape3A_1289 : vector<16x1xi32> to vector<16xi32>
        %gather3A_1291 = tpu.dynamic_gather %get3A_1169[%gather3A_1290] in [0] : vector<16xi32>, vector<16xi32> -> vector<16xi32>
        %gather3A_1292 = tpu.vector_load_idx %arg5[%gather3A_1291, %and3A_9] : memref<10240x8xf32, #tpu.memory_space<vmem>>[vector<16xi32>, vector<16xi32>], vector<16xf32>,
        %reshape3A_1293 = vector.shape_cast %add3A_22 : vector<16xi32> to vector<16x1xi32>
        %gather3A_1294 = vector.shape_cast %reshape3A_1293 : vector<16x1xi32> to vector<16xi32>
        %gather3A_1295 = tpu.dynamic_gather %get3A_1169[%gather3A_1294] in [0] : vector<16xi32>, vector<16xi32> -> vector<16xi32>
        %gather3A_1296 = tpu.vector_load_idx %arg5[%gather3A_1295, %and3A_9] : memref<10240x8xf32, #tpu.memory_space<vmem>>[vector<16xi32>, vector<16xi32>], vector<16xf32>,
        %reshape3A_1297 = vector.shape_cast %add3A_25 : vector<16xi32> to vector<16x1xi32>
        %gather3A_1298 = vector.shape_cast %reshape3A_1297 : vector<16x1xi32> to vector<16xi32>
        %gather3A_1299 = tpu.dynamic_gather %get3A_1169[%gather3A_1298] in [0] : vector<16xi32>, vector<16xi32> -> vector<16xi32>
        %gather3A_1300 = tpu.vector_load_idx %arg5[%gather3A_1299, %and3A_9] : memref<10240x8xf32, #tpu.memory_space<vmem>>[vector<16xi32>, vector<16xi32>], vector<16xf32>,
        %reshape3A_1301 = vector.shape_cast %add3A_28 : vector<16xi32> to vector<16x1xi32>
        %gather3A_1302 = vector.shape_cast %reshape3A_1301 : vector<16x1xi32> to vector<16xi32>
        %gather3A_1303 = tpu.dynamic_gather %get3A_1169[%gather3A_1302] in [0] : vector<16xi32>, vector<16xi32> -> vector<16xi32>
        %gather3A_1304 = tpu.vector_load_idx %arg5[%gather3A_1303, %and3A_9] : memref<10240x8xf32, #tpu.memory_space<vmem>>[vector<16xi32>, vector<16xi32>], vector<16xf32>,
        %reshape3A_1305 = vector.shape_cast %add3A_31 : vector<16xi32> to vector<16x1xi32>
        %gather3A_1306 = vector.shape_cast %reshape3A_1305 : vector<16x1xi32> to vector<16xi32>
        %gather3A_1307 = tpu.dynamic_gather %get3A_1169[%gather3A_1306] in [0] : vector<16xi32>, vector<16xi32> -> vector<16xi32>
        %gather3A_1308 = tpu.vector_load_idx %arg5[%gather3A_1307, %and3A_9] : memref<10240x8xf32, #tpu.memory_space<vmem>>[vector<16xi32>, vector<16xi32>], vector<16xf32>,
        %reshape3A_1309 = vector.shape_cast %add3A_34 : vector<16xi32> to vector<16x1xi32>
        %gather3A_1310 = vector.shape_cast %reshape3A_1309 : vector<16x1xi32> to vector<16xi32>
        %gather3A_1311 = tpu.dynamic_gather %get3A_1169[%gather3A_1310] in [0] : vector<16xi32>, vector<16xi32> -> vector<16xi32>
        %gather3A_1312 = tpu.vector_load_idx %arg5[%gather3A_1311, %and3A_9] : memref<10240x8xf32, #tpu.memory_space<vmem>>[vector<16xi32>, vector<16xi32>], vector<16xf32>,
        %add3A_1313 = arith.addf %gather3A_1252, %gather3A_1268 : vector<16xf32>
        %add3A_1314 = arith.addf %gather3A_1256, %gather3A_1272 : vector<16xf32>
        %add3A_1315 = arith.addf %gather3A_1260, %gather3A_1276 : vector<16xf32>
        %add3A_1316 = arith.addf %gather3A_1264, %gather3A_1280 : vector<16xf32>
        %add3A_1317 = arith.addf %add3A_1313, %gather3A_1284 : vector<16xf32>
        %add3A_1318 = arith.addf %add3A_1314, %gather3A_1288 : vector<16xf32>
        %add3A_1319 = arith.addf %add3A_1315, %gather3A_1292 : vector<16xf32>
        %add3A_1320 = arith.addf %add3A_1316, %gather3A_1296 : vector<16xf32>
        %add3A_1321 = arith.addf %add3A_1317, %gather3A_1300 : vector<16xf32>
        %add3A_1322 = arith.addf %add3A_1318, %gather3A_1304 : vector<16xf32>
        %add3A_1323 = arith.addf %add3A_1319, %gather3A_1308 : vector<16xf32>
        %add3A_1324 = arith.addf %add3A_1320, %gather3A_1312 : vector<16xf32>
        %add3A_1325 = arith.addf %add3A_1321, %add3A_1322 : vector<16xf32>
        %add3A_1326 = arith.addf %add3A_1323, %add3A_1324 : vector<16xf32>
        %add3A_1327 = arith.addf %add3A_1325, %add3A_1326 : vector<16xf32>
        %select_n3A_1328 = arith.select %lt3A_38, %add3A_1248, %add3A_1327 : vector<16xi1>, vector<16xf32>
        %reshape3A_1329 = vector.shape_cast %xor3A_36 : vector<16xi32> to vector<16x1xi32>
        %gather3A_1330 = vector.shape_cast %reshape3A_1329 : vector<16x1xi32> to vector<16xi32>
        %gather3A_1331 = tpu.dynamic_gather %add3A_1248[%gather3A_1330] in [0] : vector<16xf32>, vector<16xi32> -> vector<16xf32>
        %reshape3A_1332 = vector.shape_cast %xor3A_36 : vector<16xi32> to vector<16x1xi32>
        %gather3A_1333 = vector.shape_cast %reshape3A_1332 : vector<16x1xi32> to vector<16xi32>
        %gather3A_1334 = tpu.dynamic_gather %add3A_1327[%gather3A_1333] in [0] : vector<16xf32>, vector<16xi32> -> vector<16xf32>
        %select_n3A_1335 = arith.select %lt3A_38, %gather3A_1331, %gather3A_1334 : vector<16xi1>, vector<16xf32>
        %add3A_1336 = arith.addf %select_n3A_1328, %select_n3A_1335 : vector<16xf32>
        %mul3A_1337 = arith.constant 80 : i32
        %mul3A_1338 = arith.muli %mul3A_60, %mul3A_1337 : i32
        %mul3A_1339 = arith.constant 2 : i32
        %mul3A_1340 = arith.muli %add3A_1151, %mul3A_1339 : i32
        %add3A_1341 = arith.addi %mul3A_1338, %mul3A_1340 : i32
        %broadcast_in_dim3A_1342 = vector.broadcast %add3A_1341 : i32 to vector<16xi32>
        %add3A_1343 = arith.addi %broadcast_in_dim3A_1342, %shift_right_logical3A_11 : vector<16xi32>
        %add3A_1344 = vector.broadcast %mul3A_40 : i32 to vector<16xi32>
        %add3A_1345 = arith.addi %add3A_1343, %add3A_1344 : vector<16xi32>
        %gather3A_1346 = tpu.vector_load_idx %arg5[%add3A_1345, %and3A_9] : memref<10240x8xf32, #tpu.memory_space<vmem>>[vector<16xi32>, vector<16xi32>], vector<16xf32>,
        %add3A_1347 = arith.addf %add3A_1336, %gather3A_1346 : vector<16xf32>
        %mul3A_1348 = arith.constant 0.0303030312 : f32
        %mul3A_1349 = vector.broadcast %mul3A_1348 : f32 to vector<16xf32>
        %mul3A_1350 = arith.mulf %add3A_1347, %mul3A_1349 : vector<16xf32>
        tpu.vector_store_idx %arg6[%add3A_1343, %and3A_9], %mul3A_1350 : memref<5120x8xf32, #tpu.memory_space<vmem>>[vector<16xi32>, vector<16xi32>], vector<16xf32>,
        %mul3A_1351 = arith.constant 8 : i32
        %mul3A_1352 = arith.muli %scan3A_137, %mul3A_1351 : i32
        %add3A_1353 = arith.constant 6 : i32
        %add3A_1354 = arith.addi %mul3A_1352, %add3A_1353 : i32
        %mul3A_1355 = arith.constant 2 : i32
        %mul3A_1356 = arith.muli %add3A_1354, %mul3A_1355 : i32
        %mul3A_1357 = arith.constant 32 : i32
        %mul3A_1358 = arith.muli %mul3A_1356, %mul3A_1357 : i32
        %get3A_1359 = arith.index_cast %mul3A_1358 : i32 to index
        %get3A_1360 = tpu.vector_load %arg7[%get3A_1359] {strides = array<i32>} : memref<2560xi32, #tpu.memory_space<vmem>>, vector<16xi32>,
        %add3A_1361 = arith.constant 16 : i32
        %add3A_1362 = arith.addi %mul3A_1358, %add3A_1361 : i32
        %get3A_1363 = arith.index_cast %add3A_1362 : i32 to index
        %get3A_1364 = tpu.vector_load %arg7[%get3A_1363] {strides = array<i32>} : memref<2560xi32, #tpu.memory_space<vmem>>, vector<16xi32>,
        %add3A_1365 = arith.constant 32 : i32
        %add3A_1366 = arith.addi %mul3A_1358, %add3A_1365 : i32
        %get3A_1367 = arith.index_cast %add3A_1366 : i32 to index
        %get3A_1368 = tpu.vector_load %arg7[%get3A_1367] {strides = array<i32>} : memref<2560xi32, #tpu.memory_space<vmem>>, vector<16xi32>,
        %add3A_1369 = arith.constant 48 : i32
        %add3A_1370 = arith.addi %mul3A_1358, %add3A_1369 : i32
        %get3A_1371 = arith.index_cast %add3A_1370 : i32 to index
        %get3A_1372 = tpu.vector_load %arg7[%get3A_1371] {strides = array<i32>} : memref<2560xi32, #tpu.memory_space<vmem>>, vector<16xi32>,
        %reshape3A_1373 = vector.shape_cast %add3A_13 : vector<16xi32> to vector<16x1xi32>
        %gather3A_1374 = vector.shape_cast %reshape3A_1373 : vector<16x1xi32> to vector<16xi32>
        %gather3A_1375 = tpu.dynamic_gather %get3A_1360[%gather3A_1374] in [0] : vector<16xi32>, vector<16xi32> -> vector<16xi32>
        %gather3A_1376 = tpu.vector_load_idx %arg5[%gather3A_1375, %and3A_9] : memref<10240x8xf32, #tpu.memory_space<vmem>>[vector<16xi32>, vector<16xi32>], vector<16xf32>,
        %reshape3A_1377 = vector.shape_cast %add3A_16 : vector<16xi32> to vector<16x1xi32>
        %gather3A_1378 = vector.shape_cast %reshape3A_1377 : vector<16x1xi32> to vector<16xi32>
        %gather3A_1379 = tpu.dynamic_gather %get3A_1360[%gather3A_1378] in [0] : vector<16xi32>, vector<16xi32> -> vector<16xi32>
        %gather3A_1380 = tpu.vector_load_idx %arg5[%gather3A_1379, %and3A_9] : memref<10240x8xf32, #tpu.memory_space<vmem>>[vector<16xi32>, vector<16xi32>], vector<16xf32>,
        %reshape3A_1381 = vector.shape_cast %add3A_19 : vector<16xi32> to vector<16x1xi32>
        %gather3A_1382 = vector.shape_cast %reshape3A_1381 : vector<16x1xi32> to vector<16xi32>
        %gather3A_1383 = tpu.dynamic_gather %get3A_1360[%gather3A_1382] in [0] : vector<16xi32>, vector<16xi32> -> vector<16xi32>
        %gather3A_1384 = tpu.vector_load_idx %arg5[%gather3A_1383, %and3A_9] : memref<10240x8xf32, #tpu.memory_space<vmem>>[vector<16xi32>, vector<16xi32>], vector<16xf32>,
        %reshape3A_1385 = vector.shape_cast %add3A_22 : vector<16xi32> to vector<16x1xi32>
        %gather3A_1386 = vector.shape_cast %reshape3A_1385 : vector<16x1xi32> to vector<16xi32>
        %gather3A_1387 = tpu.dynamic_gather %get3A_1360[%gather3A_1386] in [0] : vector<16xi32>, vector<16xi32> -> vector<16xi32>
        %gather3A_1388 = tpu.vector_load_idx %arg5[%gather3A_1387, %and3A_9] : memref<10240x8xf32, #tpu.memory_space<vmem>>[vector<16xi32>, vector<16xi32>], vector<16xf32>,
        %reshape3A_1389 = vector.shape_cast %add3A_25 : vector<16xi32> to vector<16x1xi32>
        %gather3A_1390 = vector.shape_cast %reshape3A_1389 : vector<16x1xi32> to vector<16xi32>
        %gather3A_1391 = tpu.dynamic_gather %get3A_1360[%gather3A_1390] in [0] : vector<16xi32>, vector<16xi32> -> vector<16xi32>
        %gather3A_1392 = tpu.vector_load_idx %arg5[%gather3A_1391, %and3A_9] : memref<10240x8xf32, #tpu.memory_space<vmem>>[vector<16xi32>, vector<16xi32>], vector<16xf32>,
        %reshape3A_1393 = vector.shape_cast %add3A_28 : vector<16xi32> to vector<16x1xi32>
        %gather3A_1394 = vector.shape_cast %reshape3A_1393 : vector<16x1xi32> to vector<16xi32>
        %gather3A_1395 = tpu.dynamic_gather %get3A_1360[%gather3A_1394] in [0] : vector<16xi32>, vector<16xi32> -> vector<16xi32>
        %gather3A_1396 = tpu.vector_load_idx %arg5[%gather3A_1395, %and3A_9] : memref<10240x8xf32, #tpu.memory_space<vmem>>[vector<16xi32>, vector<16xi32>], vector<16xf32>,
        %reshape3A_1397 = vector.shape_cast %add3A_31 : vector<16xi32> to vector<16x1xi32>
        %gather3A_1398 = vector.shape_cast %reshape3A_1397 : vector<16x1xi32> to vector<16xi32>
        %gather3A_1399 = tpu.dynamic_gather %get3A_1360[%gather3A_1398] in [0] : vector<16xi32>, vector<16xi32> -> vector<16xi32>
        %gather3A_1400 = tpu.vector_load_idx %arg5[%gather3A_1399, %and3A_9] : memref<10240x8xf32, #tpu.memory_space<vmem>>[vector<16xi32>, vector<16xi32>], vector<16xf32>,
        %reshape3A_1401 = vector.shape_cast %add3A_34 : vector<16xi32> to vector<16x1xi32>
        %gather3A_1402 = vector.shape_cast %reshape3A_1401 : vector<16x1xi32> to vector<16xi32>
        %gather3A_1403 = tpu.dynamic_gather %get3A_1360[%gather3A_1402] in [0] : vector<16xi32>, vector<16xi32> -> vector<16xi32>
        %gather3A_1404 = tpu.vector_load_idx %arg5[%gather3A_1403, %and3A_9] : memref<10240x8xf32, #tpu.memory_space<vmem>>[vector<16xi32>, vector<16xi32>], vector<16xf32>,
        %reshape3A_1405 = vector.shape_cast %add3A_13 : vector<16xi32> to vector<16x1xi32>
        %gather3A_1406 = vector.shape_cast %reshape3A_1405 : vector<16x1xi32> to vector<16xi32>
        %gather3A_1407 = tpu.dynamic_gather %get3A_1364[%gather3A_1406] in [0] : vector<16xi32>, vector<16xi32> -> vector<16xi32>
        %gather3A_1408 = tpu.vector_load_idx %arg5[%gather3A_1407, %and3A_9] : memref<10240x8xf32, #tpu.memory_space<vmem>>[vector<16xi32>, vector<16xi32>], vector<16xf32>,
        %reshape3A_1409 = vector.shape_cast %add3A_16 : vector<16xi32> to vector<16x1xi32>
        %gather3A_1410 = vector.shape_cast %reshape3A_1409 : vector<16x1xi32> to vector<16xi32>
        %gather3A_1411 = tpu.dynamic_gather %get3A_1364[%gather3A_1410] in [0] : vector<16xi32>, vector<16xi32> -> vector<16xi32>
        %gather3A_1412 = tpu.vector_load_idx %arg5[%gather3A_1411, %and3A_9] : memref<10240x8xf32, #tpu.memory_space<vmem>>[vector<16xi32>, vector<16xi32>], vector<16xf32>,
        %reshape3A_1413 = vector.shape_cast %add3A_19 : vector<16xi32> to vector<16x1xi32>
        %gather3A_1414 = vector.shape_cast %reshape3A_1413 : vector<16x1xi32> to vector<16xi32>
        %gather3A_1415 = tpu.dynamic_gather %get3A_1364[%gather3A_1414] in [0] : vector<16xi32>, vector<16xi32> -> vector<16xi32>
        %gather3A_1416 = tpu.vector_load_idx %arg5[%gather3A_1415, %and3A_9] : memref<10240x8xf32, #tpu.memory_space<vmem>>[vector<16xi32>, vector<16xi32>], vector<16xf32>,
        %reshape3A_1417 = vector.shape_cast %add3A_22 : vector<16xi32> to vector<16x1xi32>
        %gather3A_1418 = vector.shape_cast %reshape3A_1417 : vector<16x1xi32> to vector<16xi32>
        %gather3A_1419 = tpu.dynamic_gather %get3A_1364[%gather3A_1418] in [0] : vector<16xi32>, vector<16xi32> -> vector<16xi32>
        %gather3A_1420 = tpu.vector_load_idx %arg5[%gather3A_1419, %and3A_9] : memref<10240x8xf32, #tpu.memory_space<vmem>>[vector<16xi32>, vector<16xi32>], vector<16xf32>,
        %reshape3A_1421 = vector.shape_cast %add3A_25 : vector<16xi32> to vector<16x1xi32>
        %gather3A_1422 = vector.shape_cast %reshape3A_1421 : vector<16x1xi32> to vector<16xi32>
        %gather3A_1423 = tpu.dynamic_gather %get3A_1364[%gather3A_1422] in [0] : vector<16xi32>, vector<16xi32> -> vector<16xi32>
        %gather3A_1424 = tpu.vector_load_idx %arg5[%gather3A_1423, %and3A_9] : memref<10240x8xf32, #tpu.memory_space<vmem>>[vector<16xi32>, vector<16xi32>], vector<16xf32>,
        %reshape3A_1425 = vector.shape_cast %add3A_28 : vector<16xi32> to vector<16x1xi32>
        %gather3A_1426 = vector.shape_cast %reshape3A_1425 : vector<16x1xi32> to vector<16xi32>
        %gather3A_1427 = tpu.dynamic_gather %get3A_1364[%gather3A_1426] in [0] : vector<16xi32>, vector<16xi32> -> vector<16xi32>
        %gather3A_1428 = tpu.vector_load_idx %arg5[%gather3A_1427, %and3A_9] : memref<10240x8xf32, #tpu.memory_space<vmem>>[vector<16xi32>, vector<16xi32>], vector<16xf32>,
        %reshape3A_1429 = vector.shape_cast %add3A_31 : vector<16xi32> to vector<16x1xi32>
        %gather3A_1430 = vector.shape_cast %reshape3A_1429 : vector<16x1xi32> to vector<16xi32>
        %gather3A_1431 = tpu.dynamic_gather %get3A_1364[%gather3A_1430] in [0] : vector<16xi32>, vector<16xi32> -> vector<16xi32>
        %gather3A_1432 = tpu.vector_load_idx %arg5[%gather3A_1431, %and3A_9] : memref<10240x8xf32, #tpu.memory_space<vmem>>[vector<16xi32>, vector<16xi32>], vector<16xf32>,
        %reshape3A_1433 = vector.shape_cast %add3A_34 : vector<16xi32> to vector<16x1xi32>
        %gather3A_1434 = vector.shape_cast %reshape3A_1433 : vector<16x1xi32> to vector<16xi32>
        %gather3A_1435 = tpu.dynamic_gather %get3A_1364[%gather3A_1434] in [0] : vector<16xi32>, vector<16xi32> -> vector<16xi32>
        %gather3A_1436 = tpu.vector_load_idx %arg5[%gather3A_1435, %and3A_9] : memref<10240x8xf32, #tpu.memory_space<vmem>>[vector<16xi32>, vector<16xi32>], vector<16xf32>,
        %add3A_1437 = arith.addf %gather3A_1376, %gather3A_1392 : vector<16xf32>
        %add3A_1438 = arith.addf %gather3A_1380, %gather3A_1396 : vector<16xf32>
        %add3A_1439 = arith.addf %gather3A_1384, %gather3A_1400 : vector<16xf32>
        %add3A_1440 = arith.addf %gather3A_1388, %gather3A_1404 : vector<16xf32>
        %add3A_1441 = arith.addf %add3A_1437, %gather3A_1408 : vector<16xf32>
        %add3A_1442 = arith.addf %add3A_1438, %gather3A_1412 : vector<16xf32>
        %add3A_1443 = arith.addf %add3A_1439, %gather3A_1416 : vector<16xf32>
        %add3A_1444 = arith.addf %add3A_1440, %gather3A_1420 : vector<16xf32>
        %add3A_1445 = arith.addf %add3A_1441, %gather3A_1424 : vector<16xf32>
        %add3A_1446 = arith.addf %add3A_1442, %gather3A_1428 : vector<16xf32>
        %add3A_1447 = arith.addf %add3A_1443, %gather3A_1432 : vector<16xf32>
        %add3A_1448 = arith.addf %add3A_1444, %gather3A_1436 : vector<16xf32>
        %add3A_1449 = arith.addf %add3A_1445, %add3A_1446 : vector<16xf32>
        %add3A_1450 = arith.addf %add3A_1447, %add3A_1448 : vector<16xf32>
        %add3A_1451 = arith.addf %add3A_1449, %add3A_1450 : vector<16xf32>
        %reshape3A_1452 = vector.shape_cast %add3A_13 : vector<16xi32> to vector<16x1xi32>
        %gather3A_1453 = vector.shape_cast %reshape3A_1452 : vector<16x1xi32> to vector<16xi32>
        %gather3A_1454 = tpu.dynamic_gather %get3A_1368[%gather3A_1453] in [0] : vector<16xi32>, vector<16xi32> -> vector<16xi32>
        %gather3A_1455 = tpu.vector_load_idx %arg5[%gather3A_1454, %and3A_9] : memref<10240x8xf32, #tpu.memory_space<vmem>>[vector<16xi32>, vector<16xi32>], vector<16xf32>,
        %reshape3A_1456 = vector.shape_cast %add3A_16 : vector<16xi32> to vector<16x1xi32>
        %gather3A_1457 = vector.shape_cast %reshape3A_1456 : vector<16x1xi32> to vector<16xi32>
        %gather3A_1458 = tpu.dynamic_gather %get3A_1368[%gather3A_1457] in [0] : vector<16xi32>, vector<16xi32> -> vector<16xi32>
        %gather3A_1459 = tpu.vector_load_idx %arg5[%gather3A_1458, %and3A_9] : memref<10240x8xf32, #tpu.memory_space<vmem>>[vector<16xi32>, vector<16xi32>], vector<16xf32>,
        %reshape3A_1460 = vector.shape_cast %add3A_19 : vector<16xi32> to vector<16x1xi32>
        %gather3A_1461 = vector.shape_cast %reshape3A_1460 : vector<16x1xi32> to vector<16xi32>
        %gather3A_1462 = tpu.dynamic_gather %get3A_1368[%gather3A_1461] in [0] : vector<16xi32>, vector<16xi32> -> vector<16xi32>
        %gather3A_1463 = tpu.vector_load_idx %arg5[%gather3A_1462, %and3A_9] : memref<10240x8xf32, #tpu.memory_space<vmem>>[vector<16xi32>, vector<16xi32>], vector<16xf32>,
        %reshape3A_1464 = vector.shape_cast %add3A_22 : vector<16xi32> to vector<16x1xi32>
        %gather3A_1465 = vector.shape_cast %reshape3A_1464 : vector<16x1xi32> to vector<16xi32>
        %gather3A_1466 = tpu.dynamic_gather %get3A_1368[%gather3A_1465] in [0] : vector<16xi32>, vector<16xi32> -> vector<16xi32>
        %gather3A_1467 = tpu.vector_load_idx %arg5[%gather3A_1466, %and3A_9] : memref<10240x8xf32, #tpu.memory_space<vmem>>[vector<16xi32>, vector<16xi32>], vector<16xf32>,
        %reshape3A_1468 = vector.shape_cast %add3A_25 : vector<16xi32> to vector<16x1xi32>
        %gather3A_1469 = vector.shape_cast %reshape3A_1468 : vector<16x1xi32> to vector<16xi32>
        %gather3A_1470 = tpu.dynamic_gather %get3A_1368[%gather3A_1469] in [0] : vector<16xi32>, vector<16xi32> -> vector<16xi32>
        %gather3A_1471 = tpu.vector_load_idx %arg5[%gather3A_1470, %and3A_9] : memref<10240x8xf32, #tpu.memory_space<vmem>>[vector<16xi32>, vector<16xi32>], vector<16xf32>,
        %reshape3A_1472 = vector.shape_cast %add3A_28 : vector<16xi32> to vector<16x1xi32>
        %gather3A_1473 = vector.shape_cast %reshape3A_1472 : vector<16x1xi32> to vector<16xi32>
        %gather3A_1474 = tpu.dynamic_gather %get3A_1368[%gather3A_1473] in [0] : vector<16xi32>, vector<16xi32> -> vector<16xi32>
        %gather3A_1475 = tpu.vector_load_idx %arg5[%gather3A_1474, %and3A_9] : memref<10240x8xf32, #tpu.memory_space<vmem>>[vector<16xi32>, vector<16xi32>], vector<16xf32>,
        %reshape3A_1476 = vector.shape_cast %add3A_31 : vector<16xi32> to vector<16x1xi32>
        %gather3A_1477 = vector.shape_cast %reshape3A_1476 : vector<16x1xi32> to vector<16xi32>
        %gather3A_1478 = tpu.dynamic_gather %get3A_1368[%gather3A_1477] in [0] : vector<16xi32>, vector<16xi32> -> vector<16xi32>
        %gather3A_1479 = tpu.vector_load_idx %arg5[%gather3A_1478, %and3A_9] : memref<10240x8xf32, #tpu.memory_space<vmem>>[vector<16xi32>, vector<16xi32>], vector<16xf32>,
        %reshape3A_1480 = vector.shape_cast %add3A_34 : vector<16xi32> to vector<16x1xi32>
        %gather3A_1481 = vector.shape_cast %reshape3A_1480 : vector<16x1xi32> to vector<16xi32>
        %gather3A_1482 = tpu.dynamic_gather %get3A_1368[%gather3A_1481] in [0] : vector<16xi32>, vector<16xi32> -> vector<16xi32>
        %gather3A_1483 = tpu.vector_load_idx %arg5[%gather3A_1482, %and3A_9] : memref<10240x8xf32, #tpu.memory_space<vmem>>[vector<16xi32>, vector<16xi32>], vector<16xf32>,
        %reshape3A_1484 = vector.shape_cast %add3A_13 : vector<16xi32> to vector<16x1xi32>
        %gather3A_1485 = vector.shape_cast %reshape3A_1484 : vector<16x1xi32> to vector<16xi32>
        %gather3A_1486 = tpu.dynamic_gather %get3A_1372[%gather3A_1485] in [0] : vector<16xi32>, vector<16xi32> -> vector<16xi32>
        %gather3A_1487 = tpu.vector_load_idx %arg5[%gather3A_1486, %and3A_9] : memref<10240x8xf32, #tpu.memory_space<vmem>>[vector<16xi32>, vector<16xi32>], vector<16xf32>,
        %reshape3A_1488 = vector.shape_cast %add3A_16 : vector<16xi32> to vector<16x1xi32>
        %gather3A_1489 = vector.shape_cast %reshape3A_1488 : vector<16x1xi32> to vector<16xi32>
        %gather3A_1490 = tpu.dynamic_gather %get3A_1372[%gather3A_1489] in [0] : vector<16xi32>, vector<16xi32> -> vector<16xi32>
        %gather3A_1491 = tpu.vector_load_idx %arg5[%gather3A_1490, %and3A_9] : memref<10240x8xf32, #tpu.memory_space<vmem>>[vector<16xi32>, vector<16xi32>], vector<16xf32>,
        %reshape3A_1492 = vector.shape_cast %add3A_19 : vector<16xi32> to vector<16x1xi32>
        %gather3A_1493 = vector.shape_cast %reshape3A_1492 : vector<16x1xi32> to vector<16xi32>
        %gather3A_1494 = tpu.dynamic_gather %get3A_1372[%gather3A_1493] in [0] : vector<16xi32>, vector<16xi32> -> vector<16xi32>
        %gather3A_1495 = tpu.vector_load_idx %arg5[%gather3A_1494, %and3A_9] : memref<10240x8xf32, #tpu.memory_space<vmem>>[vector<16xi32>, vector<16xi32>], vector<16xf32>,
        %reshape3A_1496 = vector.shape_cast %add3A_22 : vector<16xi32> to vector<16x1xi32>
        %gather3A_1497 = vector.shape_cast %reshape3A_1496 : vector<16x1xi32> to vector<16xi32>
        %gather3A_1498 = tpu.dynamic_gather %get3A_1372[%gather3A_1497] in [0] : vector<16xi32>, vector<16xi32> -> vector<16xi32>
        %gather3A_1499 = tpu.vector_load_idx %arg5[%gather3A_1498, %and3A_9] : memref<10240x8xf32, #tpu.memory_space<vmem>>[vector<16xi32>, vector<16xi32>], vector<16xf32>,
        %reshape3A_1500 = vector.shape_cast %add3A_25 : vector<16xi32> to vector<16x1xi32>
        %gather3A_1501 = vector.shape_cast %reshape3A_1500 : vector<16x1xi32> to vector<16xi32>
        %gather3A_1502 = tpu.dynamic_gather %get3A_1372[%gather3A_1501] in [0] : vector<16xi32>, vector<16xi32> -> vector<16xi32>
        %gather3A_1503 = tpu.vector_load_idx %arg5[%gather3A_1502, %and3A_9] : memref<10240x8xf32, #tpu.memory_space<vmem>>[vector<16xi32>, vector<16xi32>], vector<16xf32>,
        %reshape3A_1504 = vector.shape_cast %add3A_28 : vector<16xi32> to vector<16x1xi32>
        %gather3A_1505 = vector.shape_cast %reshape3A_1504 : vector<16x1xi32> to vector<16xi32>
        %gather3A_1506 = tpu.dynamic_gather %get3A_1372[%gather3A_1505] in [0] : vector<16xi32>, vector<16xi32> -> vector<16xi32>
        %gather3A_1507 = tpu.vector_load_idx %arg5[%gather3A_1506, %and3A_9] : memref<10240x8xf32, #tpu.memory_space<vmem>>[vector<16xi32>, vector<16xi32>], vector<16xf32>,
        %reshape3A_1508 = vector.shape_cast %add3A_31 : vector<16xi32> to vector<16x1xi32>
        %gather3A_1509 = vector.shape_cast %reshape3A_1508 : vector<16x1xi32> to vector<16xi32>
        %gather3A_1510 = tpu.dynamic_gather %get3A_1372[%gather3A_1509] in [0] : vector<16xi32>, vector<16xi32> -> vector<16xi32>
        %gather3A_1511 = tpu.vector_load_idx %arg5[%gather3A_1510, %and3A_9] : memref<10240x8xf32, #tpu.memory_space<vmem>>[vector<16xi32>, vector<16xi32>], vector<16xf32>,
        %reshape3A_1512 = vector.shape_cast %add3A_34 : vector<16xi32> to vector<16x1xi32>
        %gather3A_1513 = vector.shape_cast %reshape3A_1512 : vector<16x1xi32> to vector<16xi32>
        %gather3A_1514 = tpu.dynamic_gather %get3A_1372[%gather3A_1513] in [0] : vector<16xi32>, vector<16xi32> -> vector<16xi32>
        %gather3A_1515 = tpu.vector_load_idx %arg5[%gather3A_1514, %and3A_9] : memref<10240x8xf32, #tpu.memory_space<vmem>>[vector<16xi32>, vector<16xi32>], vector<16xf32>,
        %add3A_1516 = arith.addf %gather3A_1455, %gather3A_1471 : vector<16xf32>
        %add3A_1517 = arith.addf %gather3A_1459, %gather3A_1475 : vector<16xf32>
        %add3A_1518 = arith.addf %gather3A_1463, %gather3A_1479 : vector<16xf32>
        %add3A_1519 = arith.addf %gather3A_1467, %gather3A_1483 : vector<16xf32>
        %add3A_1520 = arith.addf %add3A_1516, %gather3A_1487 : vector<16xf32>
        %add3A_1521 = arith.addf %add3A_1517, %gather3A_1491 : vector<16xf32>
        %add3A_1522 = arith.addf %add3A_1518, %gather3A_1495 : vector<16xf32>
        %add3A_1523 = arith.addf %add3A_1519, %gather3A_1499 : vector<16xf32>
        %add3A_1524 = arith.addf %add3A_1520, %gather3A_1503 : vector<16xf32>
        %add3A_1525 = arith.addf %add3A_1521, %gather3A_1507 : vector<16xf32>
        %add3A_1526 = arith.addf %add3A_1522, %gather3A_1511 : vector<16xf32>
        %add3A_1527 = arith.addf %add3A_1523, %gather3A_1515 : vector<16xf32>
        %add3A_1528 = arith.addf %add3A_1524, %add3A_1525 : vector<16xf32>
        %add3A_1529 = arith.addf %add3A_1526, %add3A_1527 : vector<16xf32>
        %add3A_1530 = arith.addf %add3A_1528, %add3A_1529 : vector<16xf32>
        %select_n3A_1531 = arith.select %lt3A_38, %add3A_1451, %add3A_1530 : vector<16xi1>, vector<16xf32>
        %reshape3A_1532 = vector.shape_cast %xor3A_36 : vector<16xi32> to vector<16x1xi32>
        %gather3A_1533 = vector.shape_cast %reshape3A_1532 : vector<16x1xi32> to vector<16xi32>
        %gather3A_1534 = tpu.dynamic_gather %add3A_1451[%gather3A_1533] in [0] : vector<16xf32>, vector<16xi32> -> vector<16xf32>
        %reshape3A_1535 = vector.shape_cast %xor3A_36 : vector<16xi32> to vector<16x1xi32>
        %gather3A_1536 = vector.shape_cast %reshape3A_1535 : vector<16x1xi32> to vector<16xi32>
        %gather3A_1537 = tpu.dynamic_gather %add3A_1530[%gather3A_1536] in [0] : vector<16xf32>, vector<16xi32> -> vector<16xf32>
        %select_n3A_1538 = arith.select %lt3A_38, %gather3A_1534, %gather3A_1537 : vector<16xi1>, vector<16xf32>
        %add3A_1539 = arith.addf %select_n3A_1531, %select_n3A_1538 : vector<16xf32>
        %mul3A_1540 = arith.constant 80 : i32
        %mul3A_1541 = arith.muli %mul3A_60, %mul3A_1540 : i32
        %mul3A_1542 = arith.constant 2 : i32
        %mul3A_1543 = arith.muli %add3A_1354, %mul3A_1542 : i32
        %add3A_1544 = arith.addi %mul3A_1541, %mul3A_1543 : i32
        %broadcast_in_dim3A_1545 = vector.broadcast %add3A_1544 : i32 to vector<16xi32>
        %add3A_1546 = arith.addi %broadcast_in_dim3A_1545, %shift_right_logical3A_11 : vector<16xi32>
        %add3A_1547 = vector.broadcast %mul3A_40 : i32 to vector<16xi32>
        %add3A_1548 = arith.addi %add3A_1546, %add3A_1547 : vector<16xi32>
        %gather3A_1549 = tpu.vector_load_idx %arg5[%add3A_1548, %and3A_9] : memref<10240x8xf32, #tpu.memory_space<vmem>>[vector<16xi32>, vector<16xi32>], vector<16xf32>,
        %add3A_1550 = arith.addf %add3A_1539, %gather3A_1549 : vector<16xf32>
        %mul3A_1551 = arith.constant 0.0303030312 : f32
        %mul3A_1552 = vector.broadcast %mul3A_1551 : f32 to vector<16xf32>
        %mul3A_1553 = arith.mulf %add3A_1550, %mul3A_1552 : vector<16xf32>
        tpu.vector_store_idx %arg6[%add3A_1546, %and3A_9], %mul3A_1553 : memref<5120x8xf32, #tpu.memory_space<vmem>>[vector<16xi32>, vector<16xi32>], vector<16xf32>,
        %mul3A_1554 = arith.constant 8 : i32
        %mul3A_1555 = arith.muli %scan3A_137, %mul3A_1554 : i32
        %add3A_1556 = arith.constant 7 : i32
        %add3A_1557 = arith.addi %mul3A_1555, %add3A_1556 : i32
        %mul3A_1558 = arith.constant 2 : i32
        %mul3A_1559 = arith.muli %add3A_1557, %mul3A_1558 : i32
        %mul3A_1560 = arith.constant 32 : i32
        %mul3A_1561 = arith.muli %mul3A_1559, %mul3A_1560 : i32
        %get3A_1562 = arith.index_cast %mul3A_1561 : i32 to index
        %get3A_1563 = tpu.vector_load %arg7[%get3A_1562] {strides = array<i32>} : memref<2560xi32, #tpu.memory_space<vmem>>, vector<16xi32>,
        %add3A_1564 = arith.constant 16 : i32
        %add3A_1565 = arith.addi %mul3A_1561, %add3A_1564 : i32
        %get3A_1566 = arith.index_cast %add3A_1565 : i32 to index
        %get3A_1567 = tpu.vector_load %arg7[%get3A_1566] {strides = array<i32>} : memref<2560xi32, #tpu.memory_space<vmem>>, vector<16xi32>,
        %add3A_1568 = arith.constant 32 : i32
        %add3A_1569 = arith.addi %mul3A_1561, %add3A_1568 : i32
        %get3A_1570 = arith.index_cast %add3A_1569 : i32 to index
        %get3A_1571 = tpu.vector_load %arg7[%get3A_1570] {strides = array<i32>} : memref<2560xi32, #tpu.memory_space<vmem>>, vector<16xi32>,
        %add3A_1572 = arith.constant 48 : i32
        %add3A_1573 = arith.addi %mul3A_1561, %add3A_1572 : i32
        %get3A_1574 = arith.index_cast %add3A_1573 : i32 to index
        %get3A_1575 = tpu.vector_load %arg7[%get3A_1574] {strides = array<i32>} : memref<2560xi32, #tpu.memory_space<vmem>>, vector<16xi32>,
        %reshape3A_1576 = vector.shape_cast %add3A_13 : vector<16xi32> to vector<16x1xi32>
        %gather3A_1577 = vector.shape_cast %reshape3A_1576 : vector<16x1xi32> to vector<16xi32>
        %gather3A_1578 = tpu.dynamic_gather %get3A_1563[%gather3A_1577] in [0] : vector<16xi32>, vector<16xi32> -> vector<16xi32>
        %gather3A_1579 = tpu.vector_load_idx %arg5[%gather3A_1578, %and3A_9] : memref<10240x8xf32, #tpu.memory_space<vmem>>[vector<16xi32>, vector<16xi32>], vector<16xf32>,
        %reshape3A_1580 = vector.shape_cast %add3A_16 : vector<16xi32> to vector<16x1xi32>
        %gather3A_1581 = vector.shape_cast %reshape3A_1580 : vector<16x1xi32> to vector<16xi32>
        %gather3A_1582 = tpu.dynamic_gather %get3A_1563[%gather3A_1581] in [0] : vector<16xi32>, vector<16xi32> -> vector<16xi32>
        %gather3A_1583 = tpu.vector_load_idx %arg5[%gather3A_1582, %and3A_9] : memref<10240x8xf32, #tpu.memory_space<vmem>>[vector<16xi32>, vector<16xi32>], vector<16xf32>,
        %reshape3A_1584 = vector.shape_cast %add3A_19 : vector<16xi32> to vector<16x1xi32>
        %gather3A_1585 = vector.shape_cast %reshape3A_1584 : vector<16x1xi32> to vector<16xi32>
        %gather3A_1586 = tpu.dynamic_gather %get3A_1563[%gather3A_1585] in [0] : vector<16xi32>, vector<16xi32> -> vector<16xi32>
        %gather3A_1587 = tpu.vector_load_idx %arg5[%gather3A_1586, %and3A_9] : memref<10240x8xf32, #tpu.memory_space<vmem>>[vector<16xi32>, vector<16xi32>], vector<16xf32>,
        %reshape3A_1588 = vector.shape_cast %add3A_22 : vector<16xi32> to vector<16x1xi32>
        %gather3A_1589 = vector.shape_cast %reshape3A_1588 : vector<16x1xi32> to vector<16xi32>
        %gather3A_1590 = tpu.dynamic_gather %get3A_1563[%gather3A_1589] in [0] : vector<16xi32>, vector<16xi32> -> vector<16xi32>
        %gather3A_1591 = tpu.vector_load_idx %arg5[%gather3A_1590, %and3A_9] : memref<10240x8xf32, #tpu.memory_space<vmem>>[vector<16xi32>, vector<16xi32>], vector<16xf32>,
        %reshape3A_1592 = vector.shape_cast %add3A_25 : vector<16xi32> to vector<16x1xi32>
        %gather3A_1593 = vector.shape_cast %reshape3A_1592 : vector<16x1xi32> to vector<16xi32>
        %gather3A_1594 = tpu.dynamic_gather %get3A_1563[%gather3A_1593] in [0] : vector<16xi32>, vector<16xi32> -> vector<16xi32>
        %gather3A_1595 = tpu.vector_load_idx %arg5[%gather3A_1594, %and3A_9] : memref<10240x8xf32, #tpu.memory_space<vmem>>[vector<16xi32>, vector<16xi32>], vector<16xf32>,
        %reshape3A_1596 = vector.shape_cast %add3A_28 : vector<16xi32> to vector<16x1xi32>
        %gather3A_1597 = vector.shape_cast %reshape3A_1596 : vector<16x1xi32> to vector<16xi32>
        %gather3A_1598 = tpu.dynamic_gather %get3A_1563[%gather3A_1597] in [0] : vector<16xi32>, vector<16xi32> -> vector<16xi32>
        %gather3A_1599 = tpu.vector_load_idx %arg5[%gather3A_1598, %and3A_9] : memref<10240x8xf32, #tpu.memory_space<vmem>>[vector<16xi32>, vector<16xi32>], vector<16xf32>,
        %reshape3A_1600 = vector.shape_cast %add3A_31 : vector<16xi32> to vector<16x1xi32>
        %gather3A_1601 = vector.shape_cast %reshape3A_1600 : vector<16x1xi32> to vector<16xi32>
        %gather3A_1602 = tpu.dynamic_gather %get3A_1563[%gather3A_1601] in [0] : vector<16xi32>, vector<16xi32> -> vector<16xi32>
        %gather3A_1603 = tpu.vector_load_idx %arg5[%gather3A_1602, %and3A_9] : memref<10240x8xf32, #tpu.memory_space<vmem>>[vector<16xi32>, vector<16xi32>], vector<16xf32>,
        %reshape3A_1604 = vector.shape_cast %add3A_34 : vector<16xi32> to vector<16x1xi32>
        %gather3A_1605 = vector.shape_cast %reshape3A_1604 : vector<16x1xi32> to vector<16xi32>
        %gather3A_1606 = tpu.dynamic_gather %get3A_1563[%gather3A_1605] in [0] : vector<16xi32>, vector<16xi32> -> vector<16xi32>
        %gather3A_1607 = tpu.vector_load_idx %arg5[%gather3A_1606, %and3A_9] : memref<10240x8xf32, #tpu.memory_space<vmem>>[vector<16xi32>, vector<16xi32>], vector<16xf32>,
        %reshape3A_1608 = vector.shape_cast %add3A_13 : vector<16xi32> to vector<16x1xi32>
        %gather3A_1609 = vector.shape_cast %reshape3A_1608 : vector<16x1xi32> to vector<16xi32>
        %gather3A_1610 = tpu.dynamic_gather %get3A_1567[%gather3A_1609] in [0] : vector<16xi32>, vector<16xi32> -> vector<16xi32>
        %gather3A_1611 = tpu.vector_load_idx %arg5[%gather3A_1610, %and3A_9] : memref<10240x8xf32, #tpu.memory_space<vmem>>[vector<16xi32>, vector<16xi32>], vector<16xf32>,
        %reshape3A_1612 = vector.shape_cast %add3A_16 : vector<16xi32> to vector<16x1xi32>
        %gather3A_1613 = vector.shape_cast %reshape3A_1612 : vector<16x1xi32> to vector<16xi32>
        %gather3A_1614 = tpu.dynamic_gather %get3A_1567[%gather3A_1613] in [0] : vector<16xi32>, vector<16xi32> -> vector<16xi32>
        %gather3A_1615 = tpu.vector_load_idx %arg5[%gather3A_1614, %and3A_9] : memref<10240x8xf32, #tpu.memory_space<vmem>>[vector<16xi32>, vector<16xi32>], vector<16xf32>,
        %reshape3A_1616 = vector.shape_cast %add3A_19 : vector<16xi32> to vector<16x1xi32>
        %gather3A_1617 = vector.shape_cast %reshape3A_1616 : vector<16x1xi32> to vector<16xi32>
        %gather3A_1618 = tpu.dynamic_gather %get3A_1567[%gather3A_1617] in [0] : vector<16xi32>, vector<16xi32> -> vector<16xi32>
        %gather3A_1619 = tpu.vector_load_idx %arg5[%gather3A_1618, %and3A_9] : memref<10240x8xf32, #tpu.memory_space<vmem>>[vector<16xi32>, vector<16xi32>], vector<16xf32>,
        %reshape3A_1620 = vector.shape_cast %add3A_22 : vector<16xi32> to vector<16x1xi32>
        %gather3A_1621 = vector.shape_cast %reshape3A_1620 : vector<16x1xi32> to vector<16xi32>
        %gather3A_1622 = tpu.dynamic_gather %get3A_1567[%gather3A_1621] in [0] : vector<16xi32>, vector<16xi32> -> vector<16xi32>
        %gather3A_1623 = tpu.vector_load_idx %arg5[%gather3A_1622, %and3A_9] : memref<10240x8xf32, #tpu.memory_space<vmem>>[vector<16xi32>, vector<16xi32>], vector<16xf32>,
        %reshape3A_1624 = vector.shape_cast %add3A_25 : vector<16xi32> to vector<16x1xi32>
        %gather3A_1625 = vector.shape_cast %reshape3A_1624 : vector<16x1xi32> to vector<16xi32>
        %gather3A_1626 = tpu.dynamic_gather %get3A_1567[%gather3A_1625] in [0] : vector<16xi32>, vector<16xi32> -> vector<16xi32>
        %gather3A_1627 = tpu.vector_load_idx %arg5[%gather3A_1626, %and3A_9] : memref<10240x8xf32, #tpu.memory_space<vmem>>[vector<16xi32>, vector<16xi32>], vector<16xf32>,
        %reshape3A_1628 = vector.shape_cast %add3A_28 : vector<16xi32> to vector<16x1xi32>
        %gather3A_1629 = vector.shape_cast %reshape3A_1628 : vector<16x1xi32> to vector<16xi32>
        %gather3A_1630 = tpu.dynamic_gather %get3A_1567[%gather3A_1629] in [0] : vector<16xi32>, vector<16xi32> -> vector<16xi32>
        %gather3A_1631 = tpu.vector_load_idx %arg5[%gather3A_1630, %and3A_9] : memref<10240x8xf32, #tpu.memory_space<vmem>>[vector<16xi32>, vector<16xi32>], vector<16xf32>,
        %reshape3A_1632 = vector.shape_cast %add3A_31 : vector<16xi32> to vector<16x1xi32>
        %gather3A_1633 = vector.shape_cast %reshape3A_1632 : vector<16x1xi32> to vector<16xi32>
        %gather3A_1634 = tpu.dynamic_gather %get3A_1567[%gather3A_1633] in [0] : vector<16xi32>, vector<16xi32> -> vector<16xi32>
        %gather3A_1635 = tpu.vector_load_idx %arg5[%gather3A_1634, %and3A_9] : memref<10240x8xf32, #tpu.memory_space<vmem>>[vector<16xi32>, vector<16xi32>], vector<16xf32>,
        %reshape3A_1636 = vector.shape_cast %add3A_34 : vector<16xi32> to vector<16x1xi32>
        %gather3A_1637 = vector.shape_cast %reshape3A_1636 : vector<16x1xi32> to vector<16xi32>
        %gather3A_1638 = tpu.dynamic_gather %get3A_1567[%gather3A_1637] in [0] : vector<16xi32>, vector<16xi32> -> vector<16xi32>
        %gather3A_1639 = tpu.vector_load_idx %arg5[%gather3A_1638, %and3A_9] : memref<10240x8xf32, #tpu.memory_space<vmem>>[vector<16xi32>, vector<16xi32>], vector<16xf32>,
        %add3A_1640 = arith.addf %gather3A_1579, %gather3A_1595 : vector<16xf32>
        %add3A_1641 = arith.addf %gather3A_1583, %gather3A_1599 : vector<16xf32>
        %add3A_1642 = arith.addf %gather3A_1587, %gather3A_1603 : vector<16xf32>
        %add3A_1643 = arith.addf %gather3A_1591, %gather3A_1607 : vector<16xf32>
        %add3A_1644 = arith.addf %add3A_1640, %gather3A_1611 : vector<16xf32>
        %add3A_1645 = arith.addf %add3A_1641, %gather3A_1615 : vector<16xf32>
        %add3A_1646 = arith.addf %add3A_1642, %gather3A_1619 : vector<16xf32>
        %add3A_1647 = arith.addf %add3A_1643, %gather3A_1623 : vector<16xf32>
        %add3A_1648 = arith.addf %add3A_1644, %gather3A_1627 : vector<16xf32>
        %add3A_1649 = arith.addf %add3A_1645, %gather3A_1631 : vector<16xf32>
        %add3A_1650 = arith.addf %add3A_1646, %gather3A_1635 : vector<16xf32>
        %add3A_1651 = arith.addf %add3A_1647, %gather3A_1639 : vector<16xf32>
        %add3A_1652 = arith.addf %add3A_1648, %add3A_1649 : vector<16xf32>
        %add3A_1653 = arith.addf %add3A_1650, %add3A_1651 : vector<16xf32>
        %add3A_1654 = arith.addf %add3A_1652, %add3A_1653 : vector<16xf32>
        %reshape3A_1655 = vector.shape_cast %add3A_13 : vector<16xi32> to vector<16x1xi32>
        %gather3A_1656 = vector.shape_cast %reshape3A_1655 : vector<16x1xi32> to vector<16xi32>
        %gather3A_1657 = tpu.dynamic_gather %get3A_1571[%gather3A_1656] in [0] : vector<16xi32>, vector<16xi32> -> vector<16xi32>
        %gather3A_1658 = tpu.vector_load_idx %arg5[%gather3A_1657, %and3A_9] : memref<10240x8xf32, #tpu.memory_space<vmem>>[vector<16xi32>, vector<16xi32>], vector<16xf32>,
        %reshape3A_1659 = vector.shape_cast %add3A_16 : vector<16xi32> to vector<16x1xi32>
        %gather3A_1660 = vector.shape_cast %reshape3A_1659 : vector<16x1xi32> to vector<16xi32>
        %gather3A_1661 = tpu.dynamic_gather %get3A_1571[%gather3A_1660] in [0] : vector<16xi32>, vector<16xi32> -> vector<16xi32>
        %gather3A_1662 = tpu.vector_load_idx %arg5[%gather3A_1661, %and3A_9] : memref<10240x8xf32, #tpu.memory_space<vmem>>[vector<16xi32>, vector<16xi32>], vector<16xf32>,
        %reshape3A_1663 = vector.shape_cast %add3A_19 : vector<16xi32> to vector<16x1xi32>
        %gather3A_1664 = vector.shape_cast %reshape3A_1663 : vector<16x1xi32> to vector<16xi32>
        %gather3A_1665 = tpu.dynamic_gather %get3A_1571[%gather3A_1664] in [0] : vector<16xi32>, vector<16xi32> -> vector<16xi32>
        %gather3A_1666 = tpu.vector_load_idx %arg5[%gather3A_1665, %and3A_9] : memref<10240x8xf32, #tpu.memory_space<vmem>>[vector<16xi32>, vector<16xi32>], vector<16xf32>,
        %reshape3A_1667 = vector.shape_cast %add3A_22 : vector<16xi32> to vector<16x1xi32>
        %gather3A_1668 = vector.shape_cast %reshape3A_1667 : vector<16x1xi32> to vector<16xi32>
        %gather3A_1669 = tpu.dynamic_gather %get3A_1571[%gather3A_1668] in [0] : vector<16xi32>, vector<16xi32> -> vector<16xi32>
        %gather3A_1670 = tpu.vector_load_idx %arg5[%gather3A_1669, %and3A_9] : memref<10240x8xf32, #tpu.memory_space<vmem>>[vector<16xi32>, vector<16xi32>], vector<16xf32>,
        %reshape3A_1671 = vector.shape_cast %add3A_25 : vector<16xi32> to vector<16x1xi32>
        %gather3A_1672 = vector.shape_cast %reshape3A_1671 : vector<16x1xi32> to vector<16xi32>
        %gather3A_1673 = tpu.dynamic_gather %get3A_1571[%gather3A_1672] in [0] : vector<16xi32>, vector<16xi32> -> vector<16xi32>
        %gather3A_1674 = tpu.vector_load_idx %arg5[%gather3A_1673, %and3A_9] : memref<10240x8xf32, #tpu.memory_space<vmem>>[vector<16xi32>, vector<16xi32>], vector<16xf32>,
        %reshape3A_1675 = vector.shape_cast %add3A_28 : vector<16xi32> to vector<16x1xi32>
        %gather3A_1676 = vector.shape_cast %reshape3A_1675 : vector<16x1xi32> to vector<16xi32>
        %gather3A_1677 = tpu.dynamic_gather %get3A_1571[%gather3A_1676] in [0] : vector<16xi32>, vector<16xi32> -> vector<16xi32>
        %gather3A_1678 = tpu.vector_load_idx %arg5[%gather3A_1677, %and3A_9] : memref<10240x8xf32, #tpu.memory_space<vmem>>[vector<16xi32>, vector<16xi32>], vector<16xf32>,
        %reshape3A_1679 = vector.shape_cast %add3A_31 : vector<16xi32> to vector<16x1xi32>
        %gather3A_1680 = vector.shape_cast %reshape3A_1679 : vector<16x1xi32> to vector<16xi32>
        %gather3A_1681 = tpu.dynamic_gather %get3A_1571[%gather3A_1680] in [0] : vector<16xi32>, vector<16xi32> -> vector<16xi32>
        %gather3A_1682 = tpu.vector_load_idx %arg5[%gather3A_1681, %and3A_9] : memref<10240x8xf32, #tpu.memory_space<vmem>>[vector<16xi32>, vector<16xi32>], vector<16xf32>,
        %reshape3A_1683 = vector.shape_cast %add3A_34 : vector<16xi32> to vector<16x1xi32>
        %gather3A_1684 = vector.shape_cast %reshape3A_1683 : vector<16x1xi32> to vector<16xi32>
        %gather3A_1685 = tpu.dynamic_gather %get3A_1571[%gather3A_1684] in [0] : vector<16xi32>, vector<16xi32> -> vector<16xi32>
        %gather3A_1686 = tpu.vector_load_idx %arg5[%gather3A_1685, %and3A_9] : memref<10240x8xf32, #tpu.memory_space<vmem>>[vector<16xi32>, vector<16xi32>], vector<16xf32>,
        %reshape3A_1687 = vector.shape_cast %add3A_13 : vector<16xi32> to vector<16x1xi32>
        %gather3A_1688 = vector.shape_cast %reshape3A_1687 : vector<16x1xi32> to vector<16xi32>
        %gather3A_1689 = tpu.dynamic_gather %get3A_1575[%gather3A_1688] in [0] : vector<16xi32>, vector<16xi32> -> vector<16xi32>
        %gather3A_1690 = tpu.vector_load_idx %arg5[%gather3A_1689, %and3A_9] : memref<10240x8xf32, #tpu.memory_space<vmem>>[vector<16xi32>, vector<16xi32>], vector<16xf32>,
        %reshape3A_1691 = vector.shape_cast %add3A_16 : vector<16xi32> to vector<16x1xi32>
        %gather3A_1692 = vector.shape_cast %reshape3A_1691 : vector<16x1xi32> to vector<16xi32>
        %gather3A_1693 = tpu.dynamic_gather %get3A_1575[%gather3A_1692] in [0] : vector<16xi32>, vector<16xi32> -> vector<16xi32>
        %gather3A_1694 = tpu.vector_load_idx %arg5[%gather3A_1693, %and3A_9] : memref<10240x8xf32, #tpu.memory_space<vmem>>[vector<16xi32>, vector<16xi32>], vector<16xf32>,
        %reshape3A_1695 = vector.shape_cast %add3A_19 : vector<16xi32> to vector<16x1xi32>
        %gather3A_1696 = vector.shape_cast %reshape3A_1695 : vector<16x1xi32> to vector<16xi32>
        %gather3A_1697 = tpu.dynamic_gather %get3A_1575[%gather3A_1696] in [0] : vector<16xi32>, vector<16xi32> -> vector<16xi32>
        %gather3A_1698 = tpu.vector_load_idx %arg5[%gather3A_1697, %and3A_9] : memref<10240x8xf32, #tpu.memory_space<vmem>>[vector<16xi32>, vector<16xi32>], vector<16xf32>,
        %reshape3A_1699 = vector.shape_cast %add3A_22 : vector<16xi32> to vector<16x1xi32>
        %gather3A_1700 = vector.shape_cast %reshape3A_1699 : vector<16x1xi32> to vector<16xi32>
        %gather3A_1701 = tpu.dynamic_gather %get3A_1575[%gather3A_1700] in [0] : vector<16xi32>, vector<16xi32> -> vector<16xi32>
        %gather3A_1702 = tpu.vector_load_idx %arg5[%gather3A_1701, %and3A_9] : memref<10240x8xf32, #tpu.memory_space<vmem>>[vector<16xi32>, vector<16xi32>], vector<16xf32>,
        %reshape3A_1703 = vector.shape_cast %add3A_25 : vector<16xi32> to vector<16x1xi32>
        %gather3A_1704 = vector.shape_cast %reshape3A_1703 : vector<16x1xi32> to vector<16xi32>
        %gather3A_1705 = tpu.dynamic_gather %get3A_1575[%gather3A_1704] in [0] : vector<16xi32>, vector<16xi32> -> vector<16xi32>
        %gather3A_1706 = tpu.vector_load_idx %arg5[%gather3A_1705, %and3A_9] : memref<10240x8xf32, #tpu.memory_space<vmem>>[vector<16xi32>, vector<16xi32>], vector<16xf32>,
        %reshape3A_1707 = vector.shape_cast %add3A_28 : vector<16xi32> to vector<16x1xi32>
        %gather3A_1708 = vector.shape_cast %reshape3A_1707 : vector<16x1xi32> to vector<16xi32>
        %gather3A_1709 = tpu.dynamic_gather %get3A_1575[%gather3A_1708] in [0] : vector<16xi32>, vector<16xi32> -> vector<16xi32>
        %gather3A_1710 = tpu.vector_load_idx %arg5[%gather3A_1709, %and3A_9] : memref<10240x8xf32, #tpu.memory_space<vmem>>[vector<16xi32>, vector<16xi32>], vector<16xf32>,
        %reshape3A_1711 = vector.shape_cast %add3A_31 : vector<16xi32> to vector<16x1xi32>
        %gather3A_1712 = vector.shape_cast %reshape3A_1711 : vector<16x1xi32> to vector<16xi32>
        %gather3A_1713 = tpu.dynamic_gather %get3A_1575[%gather3A_1712] in [0] : vector<16xi32>, vector<16xi32> -> vector<16xi32>
        %gather3A_1714 = tpu.vector_load_idx %arg5[%gather3A_1713, %and3A_9] : memref<10240x8xf32, #tpu.memory_space<vmem>>[vector<16xi32>, vector<16xi32>], vector<16xf32>,
        %reshape3A_1715 = vector.shape_cast %add3A_34 : vector<16xi32> to vector<16x1xi32>
        %gather3A_1716 = vector.shape_cast %reshape3A_1715 : vector<16x1xi32> to vector<16xi32>
        %gather3A_1717 = tpu.dynamic_gather %get3A_1575[%gather3A_1716] in [0] : vector<16xi32>, vector<16xi32> -> vector<16xi32>
        %gather3A_1718 = tpu.vector_load_idx %arg5[%gather3A_1717, %and3A_9] : memref<10240x8xf32, #tpu.memory_space<vmem>>[vector<16xi32>, vector<16xi32>], vector<16xf32>,
        %add3A_1719 = arith.addf %gather3A_1658, %gather3A_1674 : vector<16xf32>
        %add3A_1720 = arith.addf %gather3A_1662, %gather3A_1678 : vector<16xf32>
        %add3A_1721 = arith.addf %gather3A_1666, %gather3A_1682 : vector<16xf32>
        %add3A_1722 = arith.addf %gather3A_1670, %gather3A_1686 : vector<16xf32>
        %add3A_1723 = arith.addf %add3A_1719, %gather3A_1690 : vector<16xf32>
        %add3A_1724 = arith.addf %add3A_1720, %gather3A_1694 : vector<16xf32>
        %add3A_1725 = arith.addf %add3A_1721, %gather3A_1698 : vector<16xf32>
        %add3A_1726 = arith.addf %add3A_1722, %gather3A_1702 : vector<16xf32>
        %add3A_1727 = arith.addf %add3A_1723, %gather3A_1706 : vector<16xf32>
        %add3A_1728 = arith.addf %add3A_1724, %gather3A_1710 : vector<16xf32>
        %add3A_1729 = arith.addf %add3A_1725, %gather3A_1714 : vector<16xf32>
        %add3A_1730 = arith.addf %add3A_1726, %gather3A_1718 : vector<16xf32>
        %add3A_1731 = arith.addf %add3A_1727, %add3A_1728 : vector<16xf32>
        %add3A_1732 = arith.addf %add3A_1729, %add3A_1730 : vector<16xf32>
        %add3A_1733 = arith.addf %add3A_1731, %add3A_1732 : vector<16xf32>
        %select_n3A_1734 = arith.select %lt3A_38, %add3A_1654, %add3A_1733 : vector<16xi1>, vector<16xf32>
        %reshape3A_1735 = vector.shape_cast %xor3A_36 : vector<16xi32> to vector<16x1xi32>
        %gather3A_1736 = vector.shape_cast %reshape3A_1735 : vector<16x1xi32> to vector<16xi32>
        %gather3A_1737 = tpu.dynamic_gather %add3A_1654[%gather3A_1736] in [0] : vector<16xf32>, vector<16xi32> -> vector<16xf32>
        %reshape3A_1738 = vector.shape_cast %xor3A_36 : vector<16xi32> to vector<16x1xi32>
        %gather3A_1739 = vector.shape_cast %reshape3A_1738 : vector<16x1xi32> to vector<16xi32>
        %gather3A_1740 = tpu.dynamic_gather %add3A_1733[%gather3A_1739] in [0] : vector<16xf32>, vector<16xi32> -> vector<16xf32>
        %select_n3A_1741 = arith.select %lt3A_38, %gather3A_1737, %gather3A_1740 : vector<16xi1>, vector<16xf32>
        %add3A_1742 = arith.addf %select_n3A_1734, %select_n3A_1741 : vector<16xf32>
        %mul3A_1743 = arith.constant 80 : i32
        %mul3A_1744 = arith.muli %mul3A_60, %mul3A_1743 : i32
        %mul3A_1745 = arith.constant 2 : i32
        %mul3A_1746 = arith.muli %add3A_1557, %mul3A_1745 : i32
        %add3A_1747 = arith.addi %mul3A_1744, %mul3A_1746 : i32
        %broadcast_in_dim3A_1748 = vector.broadcast %add3A_1747 : i32 to vector<16xi32>
        %add3A_1749 = arith.addi %broadcast_in_dim3A_1748, %shift_right_logical3A_11 : vector<16xi32>
        %add3A_1750 = vector.broadcast %mul3A_40 : i32 to vector<16xi32>
        %add3A_1751 = arith.addi %add3A_1749, %add3A_1750 : vector<16xi32>
        %gather3A_1752 = tpu.vector_load_idx %arg5[%add3A_1751, %and3A_9] : memref<10240x8xf32, #tpu.memory_space<vmem>>[vector<16xi32>, vector<16xi32>], vector<16xf32>,
        %add3A_1753 = arith.addf %add3A_1742, %gather3A_1752 : vector<16xf32>
        %mul3A_1754 = arith.constant 0.0303030312 : f32
        %mul3A_1755 = vector.broadcast %mul3A_1754 : f32 to vector<16xf32>
        %mul3A_1756 = arith.mulf %add3A_1753, %mul3A_1755 : vector<16xf32>
        tpu.vector_store_idx %arg6[%add3A_1749, %and3A_9], %mul3A_1756 : memref<5120x8xf32, #tpu.memory_space<vmem>>[vector<16xi32>, vector<16xi32>], vector<16xf32>,
      }
      %scan3A_84 = arith.constant 5 : i32
      %mul3A_85 = arith.constant 80 : i32
      %mul3A_86 = arith.muli %mul3A_60, %mul3A_85 : i32
      %mul3A_87 = arith.constant 80 : i32
      %mul3A_88 = arith.muli %mul3A_60, %mul3A_87 : i32
      %add3A_89 = arith.addi %mul3A_40, %mul3A_88 : i32
      %mul3A_90 = arith.constant 8 : i32
      %mul3A_91 = arith.muli %arg1, %mul3A_90 : i32
      %dma_start3A_92 = arith.constant 0 : i32
      %dma_start3A_93 = tpu.memref_slice %arg6[%mul3A_86, %dma_start3A_92] : memref<5120x8xf32, #tpu.memory_space<vmem>> -> memref<80x8xf32, #tpu.memory_space<vmem>>
      %dma_start3A_94 = tpu.memref_slice %arg4[%add3A_89, %mul3A_91] : memref<10240x128xf32, #tpu.memory_space<hbm>> -> memref<80x8xf32, #tpu.memory_space<hbm>>
      %dma_start3A_95 = tpu.memref_slice %arg4[%add3A_89, %mul3A_91] : memref<10240x128xf32, #tpu.memory_space<hbm>> -> memref<80x8xf32, #tpu.memory_space<hbm>>
      %dma_start3A_96 = arith.constant 0 : i32
      %dma_start3A_97 = tpu.memref_slice %arg6[%mul3A_86, %dma_start3A_96] : memref<5120x8xf32, #tpu.memory_space<vmem>> -> memref<80x8xf32, #tpu.memory_space<vmem>>
      tpu.enqueue_dma source(%dma_start3A_97 : memref<80x8xf32, #tpu.memory_space<vmem>>) target(%dma_start3A_95 : memref<80x8xf32, #tpu.memory_space<hbm>>) target_semaphore(%arg11 : memref<!tpu.dma_semaphore, #tpu.memory_space<semaphore_mem>>)
      %mul3A_98 = arith.constant 64 : i32
      %mul3A_99 = arith.muli %arg0, %mul3A_98 : i32
      %add3A_100 = arith.addi %mul3A_99, %mul3A_60 : i32
      %add3A_101 = arith.constant 2 : i32
      %add3A_102 = arith.addi %add3A_100, %add3A_101 : i32
      %dma_start3A_103 = arith.constant 0 : i32
      %dma_start3A_104 = tpu.memref_slice %arg3[%add3A_102, %dma_start3A_103] : memref<129x2560xi32, #tpu.memory_space<hbm>> -> memref<1x2560xi32, #tpu.memory_space<hbm>>
      %dma_start3A_105 = tpu.memref_squeeze %dma_start3A_104 : memref<1x2560xi32, #tpu.memory_space<hbm>> -> memref<2560xi32, #tpu.memory_space<hbm>>
      %dma_start3A_106 = arith.constant 0 : i32
      %dma_start3A_107 = tpu.memref_slice %arg3[%add3A_102, %dma_start3A_106] : memref<129x2560xi32, #tpu.memory_space<hbm>> -> memref<1x2560xi32, #tpu.memory_space<hbm>>
      %dma_start3A_108 = tpu.memref_squeeze %dma_start3A_107 : memref<1x2560xi32, #tpu.memory_space<hbm>> -> memref<2560xi32, #tpu.memory_space<hbm>>
      tpu.enqueue_dma source(%dma_start3A_108 : memref<2560xi32, #tpu.memory_space<hbm>>) target(%arg7 : memref<2560xi32, #tpu.memory_space<vmem>>) target_semaphore(%arg9 : memref<!tpu.dma_semaphore, #tpu.memory_space<semaphore_mem>>)
      %dma_wait3A_109 = arith.constant 0 : i32
      %dma_wait3A_110 = arith.constant 0 : i32
      %dma_wait3A_111 = tpu.memref_slice %arg3[%dma_wait3A_109, %dma_wait3A_110] : memref<129x2560xi32, #tpu.memory_space<hbm>> -> memref<1x2560xi32, #tpu.memory_space<hbm>>
      %dma_wait3A_112 = tpu.memref_squeeze %dma_wait3A_111 : memref<1x2560xi32, #tpu.memory_space<hbm>> -> memref<2560xi32, #tpu.memory_space<hbm>>
      %dma_wait3A_113 = arith.constant 0 : i32
      %dma_wait3A_114 = tpu.memref_slice %arg3[%dma_wait3A_109, %dma_wait3A_113] : memref<129x2560xi32, #tpu.memory_space<hbm>> -> memref<1x2560xi32, #tpu.memory_space<hbm>>
      %dma_wait3A_115 = tpu.memref_squeeze %dma_wait3A_114 : memref<1x2560xi32, #tpu.memory_space<hbm>> -> memref<2560xi32, #tpu.memory_space<hbm>>
      tpu.wait_dma2 semaphore(%arg10 : memref<!tpu.dma_semaphore, #tpu.memory_space<semaphore_mem>>) src(%dma_wait3A_115 : memref<2560xi32, #tpu.memory_space<hbm>>) dst(%arg8 : memref<2560xi32, #tpu.memory_space<vmem>>)
      %add3A_116 = arith.constant 1 : i32
      %add3A_117 = arith.addi %mul3A_60, %add3A_116 : i32
      %scan3A_118 = arith.constant 0 : i32
      %scan3A_119 = arith.constant 0 : i32
      %scan3A_120 = arith.constant 5 : i32
      %scan3A_121 = arith.addi %scan3A_119, %scan3A_120 : i32
      %scan3A_122 = arith.constant 1 : i32
      scf.for %scan3A_137 = %scan3A_119 to %scan3A_121 step %scan3A_122  : i32 {
        %mul3A_138 = arith.constant 8 : i32
        %mul3A_139 = arith.muli %scan3A_137, %mul3A_138 : i32
        %add3A_140 = arith.constant 0 : i32
        %add3A_141 = arith.addi %mul3A_139, %add3A_140 : i32
        %mul3A_142 = arith.constant 2 : i32
        %mul3A_143 = arith.muli %add3A_141, %mul3A_142 : i32
        %mul3A_144 = arith.constant 32 : i32
        %mul3A_145 = arith.muli %mul3A_143, %mul3A_144 : i32
        %get3A = arith.index_cast %mul3A_145 : i32 to index
        %get3A_146 = tpu.vector_load %arg8[%get3A] {strides = array<i32>} : memref<2560xi32, #tpu.memory_space<vmem>>, vector<16xi32>,
        %add3A_147 = arith.constant 16 : i32
        %add3A_148 = arith.addi %mul3A_145, %add3A_147 : i32
        %get3A_149 = arith.index_cast %add3A_148 : i32 to index
        %get3A_150 = tpu.vector_load %arg8[%get3A_149] {strides = array<i32>} : memref<2560xi32, #tpu.memory_space<vmem>>, vector<16xi32>,
        %add3A_151 = arith.constant 32 : i32
        %add3A_152 = arith.addi %mul3A_145, %add3A_151 : i32
        %get3A_153 = arith.index_cast %add3A_152 : i32 to index
        %get3A_154 = tpu.vector_load %arg8[%get3A_153] {strides = array<i32>} : memref<2560xi32, #tpu.memory_space<vmem>>, vector<16xi32>,
        %add3A_155 = arith.constant 48 : i32
        %add3A_156 = arith.addi %mul3A_145, %add3A_155 : i32
        %get3A_157 = arith.index_cast %add3A_156 : i32 to index
        %get3A_158 = tpu.vector_load %arg8[%get3A_157] {strides = array<i32>} : memref<2560xi32, #tpu.memory_space<vmem>>, vector<16xi32>,
        %reshape3A = vector.shape_cast %add3A_13 : vector<16xi32> to vector<16x1xi32>
        %gather3A = vector.shape_cast %reshape3A : vector<16x1xi32> to vector<16xi32>
        %gather3A_159 = tpu.dynamic_gather %get3A_146[%gather3A] in [0] : vector<16xi32>, vector<16xi32> -> vector<16xi32>
        %gather3A_160 = tpu.vector_load_idx %arg5[%gather3A_159, %and3A_9] : memref<10240x8xf32, #tpu.memory_space<vmem>>[vector<16xi32>, vector<16xi32>], vector<16xf32>,
        %reshape3A_161 = vector.shape_cast %add3A_16 : vector<16xi32> to vector<16x1xi32>
        %gather3A_162 = vector.shape_cast %reshape3A_161 : vector<16x1xi32> to vector<16xi32>
        %gather3A_163 = tpu.dynamic_gather %get3A_146[%gather3A_162] in [0] : vector<16xi32>, vector<16xi32> -> vector<16xi32>
        %gather3A_164 = tpu.vector_load_idx %arg5[%gather3A_163, %and3A_9] : memref<10240x8xf32, #tpu.memory_space<vmem>>[vector<16xi32>, vector<16xi32>], vector<16xf32>,
        %reshape3A_165 = vector.shape_cast %add3A_19 : vector<16xi32> to vector<16x1xi32>
        %gather3A_166 = vector.shape_cast %reshape3A_165 : vector<16x1xi32> to vector<16xi32>
        %gather3A_167 = tpu.dynamic_gather %get3A_146[%gather3A_166] in [0] : vector<16xi32>, vector<16xi32> -> vector<16xi32>
        %gather3A_168 = tpu.vector_load_idx %arg5[%gather3A_167, %and3A_9] : memref<10240x8xf32, #tpu.memory_space<vmem>>[vector<16xi32>, vector<16xi32>], vector<16xf32>,
        %reshape3A_169 = vector.shape_cast %add3A_22 : vector<16xi32> to vector<16x1xi32>
        %gather3A_170 = vector.shape_cast %reshape3A_169 : vector<16x1xi32> to vector<16xi32>
        %gather3A_171 = tpu.dynamic_gather %get3A_146[%gather3A_170] in [0] : vector<16xi32>, vector<16xi32> -> vector<16xi32>
        %gather3A_172 = tpu.vector_load_idx %arg5[%gather3A_171, %and3A_9] : memref<10240x8xf32, #tpu.memory_space<vmem>>[vector<16xi32>, vector<16xi32>], vector<16xf32>,
        %reshape3A_173 = vector.shape_cast %add3A_25 : vector<16xi32> to vector<16x1xi32>
        %gather3A_174 = vector.shape_cast %reshape3A_173 : vector<16x1xi32> to vector<16xi32>
        %gather3A_175 = tpu.dynamic_gather %get3A_146[%gather3A_174] in [0] : vector<16xi32>, vector<16xi32> -> vector<16xi32>
        %gather3A_176 = tpu.vector_load_idx %arg5[%gather3A_175, %and3A_9] : memref<10240x8xf32, #tpu.memory_space<vmem>>[vector<16xi32>, vector<16xi32>], vector<16xf32>,
        %reshape3A_177 = vector.shape_cast %add3A_28 : vector<16xi32> to vector<16x1xi32>
        %gather3A_178 = vector.shape_cast %reshape3A_177 : vector<16x1xi32> to vector<16xi32>
        %gather3A_179 = tpu.dynamic_gather %get3A_146[%gather3A_178] in [0] : vector<16xi32>, vector<16xi32> -> vector<16xi32>
        %gather3A_180 = tpu.vector_load_idx %arg5[%gather3A_179, %and3A_9] : memref<10240x8xf32, #tpu.memory_space<vmem>>[vector<16xi32>, vector<16xi32>], vector<16xf32>,
        %reshape3A_181 = vector.shape_cast %add3A_31 : vector<16xi32> to vector<16x1xi32>
        %gather3A_182 = vector.shape_cast %reshape3A_181 : vector<16x1xi32> to vector<16xi32>
        %gather3A_183 = tpu.dynamic_gather %get3A_146[%gather3A_182] in [0] : vector<16xi32>, vector<16xi32> -> vector<16xi32>
        %gather3A_184 = tpu.vector_load_idx %arg5[%gather3A_183, %and3A_9] : memref<10240x8xf32, #tpu.memory_space<vmem>>[vector<16xi32>, vector<16xi32>], vector<16xf32>,
        %reshape3A_185 = vector.shape_cast %add3A_34 : vector<16xi32> to vector<16x1xi32>
        %gather3A_186 = vector.shape_cast %reshape3A_185 : vector<16x1xi32> to vector<16xi32>
        %gather3A_187 = tpu.dynamic_gather %get3A_146[%gather3A_186] in [0] : vector<16xi32>, vector<16xi32> -> vector<16xi32>
        %gather3A_188 = tpu.vector_load_idx %arg5[%gather3A_187, %and3A_9] : memref<10240x8xf32, #tpu.memory_space<vmem>>[vector<16xi32>, vector<16xi32>], vector<16xf32>,
        %reshape3A_189 = vector.shape_cast %add3A_13 : vector<16xi32> to vector<16x1xi32>
        %gather3A_190 = vector.shape_cast %reshape3A_189 : vector<16x1xi32> to vector<16xi32>
        %gather3A_191 = tpu.dynamic_gather %get3A_150[%gather3A_190] in [0] : vector<16xi32>, vector<16xi32> -> vector<16xi32>
        %gather3A_192 = tpu.vector_load_idx %arg5[%gather3A_191, %and3A_9] : memref<10240x8xf32, #tpu.memory_space<vmem>>[vector<16xi32>, vector<16xi32>], vector<16xf32>,
        %reshape3A_193 = vector.shape_cast %add3A_16 : vector<16xi32> to vector<16x1xi32>
        %gather3A_194 = vector.shape_cast %reshape3A_193 : vector<16x1xi32> to vector<16xi32>
        %gather3A_195 = tpu.dynamic_gather %get3A_150[%gather3A_194] in [0] : vector<16xi32>, vector<16xi32> -> vector<16xi32>
        %gather3A_196 = tpu.vector_load_idx %arg5[%gather3A_195, %and3A_9] : memref<10240x8xf32, #tpu.memory_space<vmem>>[vector<16xi32>, vector<16xi32>], vector<16xf32>,
        %reshape3A_197 = vector.shape_cast %add3A_19 : vector<16xi32> to vector<16x1xi32>
        %gather3A_198 = vector.shape_cast %reshape3A_197 : vector<16x1xi32> to vector<16xi32>
        %gather3A_199 = tpu.dynamic_gather %get3A_150[%gather3A_198] in [0] : vector<16xi32>, vector<16xi32> -> vector<16xi32>
        %gather3A_200 = tpu.vector_load_idx %arg5[%gather3A_199, %and3A_9] : memref<10240x8xf32, #tpu.memory_space<vmem>>[vector<16xi32>, vector<16xi32>], vector<16xf32>,
        %reshape3A_201 = vector.shape_cast %add3A_22 : vector<16xi32> to vector<16x1xi32>
        %gather3A_202 = vector.shape_cast %reshape3A_201 : vector<16x1xi32> to vector<16xi32>
        %gather3A_203 = tpu.dynamic_gather %get3A_150[%gather3A_202] in [0] : vector<16xi32>, vector<16xi32> -> vector<16xi32>
        %gather3A_204 = tpu.vector_load_idx %arg5[%gather3A_203, %and3A_9] : memref<10240x8xf32, #tpu.memory_space<vmem>>[vector<16xi32>, vector<16xi32>], vector<16xf32>,
        %reshape3A_205 = vector.shape_cast %add3A_25 : vector<16xi32> to vector<16x1xi32>
        %gather3A_206 = vector.shape_cast %reshape3A_205 : vector<16x1xi32> to vector<16xi32>
        %gather3A_207 = tpu.dynamic_gather %get3A_150[%gather3A_206] in [0] : vector<16xi32>, vector<16xi32> -> vector<16xi32>
        %gather3A_208 = tpu.vector_load_idx %arg5[%gather3A_207, %and3A_9] : memref<10240x8xf32, #tpu.memory_space<vmem>>[vector<16xi32>, vector<16xi32>], vector<16xf32>,
        %reshape3A_209 = vector.shape_cast %add3A_28 : vector<16xi32> to vector<16x1xi32>
        %gather3A_210 = vector.shape_cast %reshape3A_209 : vector<16x1xi32> to vector<16xi32>
        %gather3A_211 = tpu.dynamic_gather %get3A_150[%gather3A_210] in [0] : vector<16xi32>, vector<16xi32> -> vector<16xi32>
        %gather3A_212 = tpu.vector_load_idx %arg5[%gather3A_211, %and3A_9] : memref<10240x8xf32, #tpu.memory_space<vmem>>[vector<16xi32>, vector<16xi32>], vector<16xf32>,
        %reshape3A_213 = vector.shape_cast %add3A_31 : vector<16xi32> to vector<16x1xi32>
        %gather3A_214 = vector.shape_cast %reshape3A_213 : vector<16x1xi32> to vector<16xi32>
        %gather3A_215 = tpu.dynamic_gather %get3A_150[%gather3A_214] in [0] : vector<16xi32>, vector<16xi32> -> vector<16xi32>
        %gather3A_216 = tpu.vector_load_idx %arg5[%gather3A_215, %and3A_9] : memref<10240x8xf32, #tpu.memory_space<vmem>>[vector<16xi32>, vector<16xi32>], vector<16xf32>,
        %reshape3A_217 = vector.shape_cast %add3A_34 : vector<16xi32> to vector<16x1xi32>
        %gather3A_218 = vector.shape_cast %reshape3A_217 : vector<16x1xi32> to vector<16xi32>
        %gather3A_219 = tpu.dynamic_gather %get3A_150[%gather3A_218] in [0] : vector<16xi32>, vector<16xi32> -> vector<16xi32>
        %gather3A_220 = tpu.vector_load_idx %arg5[%gather3A_219, %and3A_9] : memref<10240x8xf32, #tpu.memory_space<vmem>>[vector<16xi32>, vector<16xi32>], vector<16xf32>,
        %add3A_221 = arith.addf %gather3A_160, %gather3A_176 : vector<16xf32>
        %add3A_222 = arith.addf %gather3A_164, %gather3A_180 : vector<16xf32>
        %add3A_223 = arith.addf %gather3A_168, %gather3A_184 : vector<16xf32>
        %add3A_224 = arith.addf %gather3A_172, %gather3A_188 : vector<16xf32>
        %add3A_225 = arith.addf %add3A_221, %gather3A_192 : vector<16xf32>
        %add3A_226 = arith.addf %add3A_222, %gather3A_196 : vector<16xf32>
        %add3A_227 = arith.addf %add3A_223, %gather3A_200 : vector<16xf32>
        %add3A_228 = arith.addf %add3A_224, %gather3A_204 : vector<16xf32>
        %add3A_229 = arith.addf %add3A_225, %gather3A_208 : vector<16xf32>
        %add3A_230 = arith.addf %add3A_226, %gather3A_212 : vector<16xf32>
        %add3A_231 = arith.addf %add3A_227, %gather3A_216 : vector<16xf32>
        %add3A_232 = arith.addf %add3A_228, %gather3A_220 : vector<16xf32>
        %add3A_233 = arith.addf %add3A_229, %add3A_230 : vector<16xf32>
        %add3A_234 = arith.addf %add3A_231, %add3A_232 : vector<16xf32>
        %add3A_235 = arith.addf %add3A_233, %add3A_234 : vector<16xf32>
        %reshape3A_236 = vector.shape_cast %add3A_13 : vector<16xi32> to vector<16x1xi32>
        %gather3A_237 = vector.shape_cast %reshape3A_236 : vector<16x1xi32> to vector<16xi32>
        %gather3A_238 = tpu.dynamic_gather %get3A_154[%gather3A_237] in [0] : vector<16xi32>, vector<16xi32> -> vector<16xi32>
        %gather3A_239 = tpu.vector_load_idx %arg5[%gather3A_238, %and3A_9] : memref<10240x8xf32, #tpu.memory_space<vmem>>[vector<16xi32>, vector<16xi32>], vector<16xf32>,
        %reshape3A_240 = vector.shape_cast %add3A_16 : vector<16xi32> to vector<16x1xi32>
        %gather3A_241 = vector.shape_cast %reshape3A_240 : vector<16x1xi32> to vector<16xi32>
        %gather3A_242 = tpu.dynamic_gather %get3A_154[%gather3A_241] in [0] : vector<16xi32>, vector<16xi32> -> vector<16xi32>
        %gather3A_243 = tpu.vector_load_idx %arg5[%gather3A_242, %and3A_9] : memref<10240x8xf32, #tpu.memory_space<vmem>>[vector<16xi32>, vector<16xi32>], vector<16xf32>,
        %reshape3A_244 = vector.shape_cast %add3A_19 : vector<16xi32> to vector<16x1xi32>
        %gather3A_245 = vector.shape_cast %reshape3A_244 : vector<16x1xi32> to vector<16xi32>
        %gather3A_246 = tpu.dynamic_gather %get3A_154[%gather3A_245] in [0] : vector<16xi32>, vector<16xi32> -> vector<16xi32>
        %gather3A_247 = tpu.vector_load_idx %arg5[%gather3A_246, %and3A_9] : memref<10240x8xf32, #tpu.memory_space<vmem>>[vector<16xi32>, vector<16xi32>], vector<16xf32>,
        %reshape3A_248 = vector.shape_cast %add3A_22 : vector<16xi32> to vector<16x1xi32>
        %gather3A_249 = vector.shape_cast %reshape3A_248 : vector<16x1xi32> to vector<16xi32>
        %gather3A_250 = tpu.dynamic_gather %get3A_154[%gather3A_249] in [0] : vector<16xi32>, vector<16xi32> -> vector<16xi32>
        %gather3A_251 = tpu.vector_load_idx %arg5[%gather3A_250, %and3A_9] : memref<10240x8xf32, #tpu.memory_space<vmem>>[vector<16xi32>, vector<16xi32>], vector<16xf32>,
        %reshape3A_252 = vector.shape_cast %add3A_25 : vector<16xi32> to vector<16x1xi32>
        %gather3A_253 = vector.shape_cast %reshape3A_252 : vector<16x1xi32> to vector<16xi32>
        %gather3A_254 = tpu.dynamic_gather %get3A_154[%gather3A_253] in [0] : vector<16xi32>, vector<16xi32> -> vector<16xi32>
        %gather3A_255 = tpu.vector_load_idx %arg5[%gather3A_254, %and3A_9] : memref<10240x8xf32, #tpu.memory_space<vmem>>[vector<16xi32>, vector<16xi32>], vector<16xf32>,
        %reshape3A_256 = vector.shape_cast %add3A_28 : vector<16xi32> to vector<16x1xi32>
        %gather3A_257 = vector.shape_cast %reshape3A_256 : vector<16x1xi32> to vector<16xi32>
        %gather3A_258 = tpu.dynamic_gather %get3A_154[%gather3A_257] in [0] : vector<16xi32>, vector<16xi32> -> vector<16xi32>
        %gather3A_259 = tpu.vector_load_idx %arg5[%gather3A_258, %and3A_9] : memref<10240x8xf32, #tpu.memory_space<vmem>>[vector<16xi32>, vector<16xi32>], vector<16xf32>,
        %reshape3A_260 = vector.shape_cast %add3A_31 : vector<16xi32> to vector<16x1xi32>
        %gather3A_261 = vector.shape_cast %reshape3A_260 : vector<16x1xi32> to vector<16xi32>
        %gather3A_262 = tpu.dynamic_gather %get3A_154[%gather3A_261] in [0] : vector<16xi32>, vector<16xi32> -> vector<16xi32>
        %gather3A_263 = tpu.vector_load_idx %arg5[%gather3A_262, %and3A_9] : memref<10240x8xf32, #tpu.memory_space<vmem>>[vector<16xi32>, vector<16xi32>], vector<16xf32>,
        %reshape3A_264 = vector.shape_cast %add3A_34 : vector<16xi32> to vector<16x1xi32>
        %gather3A_265 = vector.shape_cast %reshape3A_264 : vector<16x1xi32> to vector<16xi32>
        %gather3A_266 = tpu.dynamic_gather %get3A_154[%gather3A_265] in [0] : vector<16xi32>, vector<16xi32> -> vector<16xi32>
        %gather3A_267 = tpu.vector_load_idx %arg5[%gather3A_266, %and3A_9] : memref<10240x8xf32, #tpu.memory_space<vmem>>[vector<16xi32>, vector<16xi32>], vector<16xf32>,
        %reshape3A_268 = vector.shape_cast %add3A_13 : vector<16xi32> to vector<16x1xi32>
        %gather3A_269 = vector.shape_cast %reshape3A_268 : vector<16x1xi32> to vector<16xi32>
        %gather3A_270 = tpu.dynamic_gather %get3A_158[%gather3A_269] in [0] : vector<16xi32>, vector<16xi32> -> vector<16xi32>
        %gather3A_271 = tpu.vector_load_idx %arg5[%gather3A_270, %and3A_9] : memref<10240x8xf32, #tpu.memory_space<vmem>>[vector<16xi32>, vector<16xi32>], vector<16xf32>,
        %reshape3A_272 = vector.shape_cast %add3A_16 : vector<16xi32> to vector<16x1xi32>
        %gather3A_273 = vector.shape_cast %reshape3A_272 : vector<16x1xi32> to vector<16xi32>
        %gather3A_274 = tpu.dynamic_gather %get3A_158[%gather3A_273] in [0] : vector<16xi32>, vector<16xi32> -> vector<16xi32>
        %gather3A_275 = tpu.vector_load_idx %arg5[%gather3A_274, %and3A_9] : memref<10240x8xf32, #tpu.memory_space<vmem>>[vector<16xi32>, vector<16xi32>], vector<16xf32>,
        %reshape3A_276 = vector.shape_cast %add3A_19 : vector<16xi32> to vector<16x1xi32>
        %gather3A_277 = vector.shape_cast %reshape3A_276 : vector<16x1xi32> to vector<16xi32>
        %gather3A_278 = tpu.dynamic_gather %get3A_158[%gather3A_277] in [0] : vector<16xi32>, vector<16xi32> -> vector<16xi32>
        %gather3A_279 = tpu.vector_load_idx %arg5[%gather3A_278, %and3A_9] : memref<10240x8xf32, #tpu.memory_space<vmem>>[vector<16xi32>, vector<16xi32>], vector<16xf32>,
        %reshape3A_280 = vector.shape_cast %add3A_22 : vector<16xi32> to vector<16x1xi32>
        %gather3A_281 = vector.shape_cast %reshape3A_280 : vector<16x1xi32> to vector<16xi32>
        %gather3A_282 = tpu.dynamic_gather %get3A_158[%gather3A_281] in [0] : vector<16xi32>, vector<16xi32> -> vector<16xi32>
        %gather3A_283 = tpu.vector_load_idx %arg5[%gather3A_282, %and3A_9] : memref<10240x8xf32, #tpu.memory_space<vmem>>[vector<16xi32>, vector<16xi32>], vector<16xf32>,
        %reshape3A_284 = vector.shape_cast %add3A_25 : vector<16xi32> to vector<16x1xi32>
        %gather3A_285 = vector.shape_cast %reshape3A_284 : vector<16x1xi32> to vector<16xi32>
        %gather3A_286 = tpu.dynamic_gather %get3A_158[%gather3A_285] in [0] : vector<16xi32>, vector<16xi32> -> vector<16xi32>
        %gather3A_287 = tpu.vector_load_idx %arg5[%gather3A_286, %and3A_9] : memref<10240x8xf32, #tpu.memory_space<vmem>>[vector<16xi32>, vector<16xi32>], vector<16xf32>,
        %reshape3A_288 = vector.shape_cast %add3A_28 : vector<16xi32> to vector<16x1xi32>
        %gather3A_289 = vector.shape_cast %reshape3A_288 : vector<16x1xi32> to vector<16xi32>
        %gather3A_290 = tpu.dynamic_gather %get3A_158[%gather3A_289] in [0] : vector<16xi32>, vector<16xi32> -> vector<16xi32>
        %gather3A_291 = tpu.vector_load_idx %arg5[%gather3A_290, %and3A_9] : memref<10240x8xf32, #tpu.memory_space<vmem>>[vector<16xi32>, vector<16xi32>], vector<16xf32>,
        %reshape3A_292 = vector.shape_cast %add3A_31 : vector<16xi32> to vector<16x1xi32>
        %gather3A_293 = vector.shape_cast %reshape3A_292 : vector<16x1xi32> to vector<16xi32>
        %gather3A_294 = tpu.dynamic_gather %get3A_158[%gather3A_293] in [0] : vector<16xi32>, vector<16xi32> -> vector<16xi32>
        %gather3A_295 = tpu.vector_load_idx %arg5[%gather3A_294, %and3A_9] : memref<10240x8xf32, #tpu.memory_space<vmem>>[vector<16xi32>, vector<16xi32>], vector<16xf32>,
        %reshape3A_296 = vector.shape_cast %add3A_34 : vector<16xi32> to vector<16x1xi32>
        %gather3A_297 = vector.shape_cast %reshape3A_296 : vector<16x1xi32> to vector<16xi32>
        %gather3A_298 = tpu.dynamic_gather %get3A_158[%gather3A_297] in [0] : vector<16xi32>, vector<16xi32> -> vector<16xi32>
        %gather3A_299 = tpu.vector_load_idx %arg5[%gather3A_298, %and3A_9] : memref<10240x8xf32, #tpu.memory_space<vmem>>[vector<16xi32>, vector<16xi32>], vector<16xf32>,
        %add3A_300 = arith.addf %gather3A_239, %gather3A_255 : vector<16xf32>
        %add3A_301 = arith.addf %gather3A_243, %gather3A_259 : vector<16xf32>
        %add3A_302 = arith.addf %gather3A_247, %gather3A_263 : vector<16xf32>
        %add3A_303 = arith.addf %gather3A_251, %gather3A_267 : vector<16xf32>
        %add3A_304 = arith.addf %add3A_300, %gather3A_271 : vector<16xf32>
        %add3A_305 = arith.addf %add3A_301, %gather3A_275 : vector<16xf32>
        %add3A_306 = arith.addf %add3A_302, %gather3A_279 : vector<16xf32>
        %add3A_307 = arith.addf %add3A_303, %gather3A_283 : vector<16xf32>
        %add3A_308 = arith.addf %add3A_304, %gather3A_287 : vector<16xf32>
        %add3A_309 = arith.addf %add3A_305, %gather3A_291 : vector<16xf32>
        %add3A_310 = arith.addf %add3A_306, %gather3A_295 : vector<16xf32>
        %add3A_311 = arith.addf %add3A_307, %gather3A_299 : vector<16xf32>
        %add3A_312 = arith.addf %add3A_308, %add3A_309 : vector<16xf32>
        %add3A_313 = arith.addf %add3A_310, %add3A_311 : vector<16xf32>
        %add3A_314 = arith.addf %add3A_312, %add3A_313 : vector<16xf32>
        %select_n3A = arith.select %lt3A_38, %add3A_235, %add3A_314 : vector<16xi1>, vector<16xf32>
        %reshape3A_315 = vector.shape_cast %xor3A_36 : vector<16xi32> to vector<16x1xi32>
        %gather3A_316 = vector.shape_cast %reshape3A_315 : vector<16x1xi32> to vector<16xi32>
        %gather3A_317 = tpu.dynamic_gather %add3A_235[%gather3A_316] in [0] : vector<16xf32>, vector<16xi32> -> vector<16xf32>
        %reshape3A_318 = vector.shape_cast %xor3A_36 : vector<16xi32> to vector<16x1xi32>
        %gather3A_319 = vector.shape_cast %reshape3A_318 : vector<16x1xi32> to vector<16xi32>
        %gather3A_320 = tpu.dynamic_gather %add3A_314[%gather3A_319] in [0] : vector<16xf32>, vector<16xi32> -> vector<16xf32>
        %select_n3A_321 = arith.select %lt3A_38, %gather3A_317, %gather3A_320 : vector<16xi1>, vector<16xf32>
        %add3A_322 = arith.addf %select_n3A, %select_n3A_321 : vector<16xf32>
        %mul3A_323 = arith.constant 80 : i32
        %mul3A_324 = arith.muli %add3A_117, %mul3A_323 : i32
        %mul3A_325 = arith.constant 2 : i32
        %mul3A_326 = arith.muli %add3A_141, %mul3A_325 : i32
        %add3A_327 = arith.addi %mul3A_324, %mul3A_326 : i32
        %broadcast_in_dim3A = vector.broadcast %add3A_327 : i32 to vector<16xi32>
        %add3A_328 = arith.addi %broadcast_in_dim3A, %shift_right_logical3A_11 : vector<16xi32>
        %add3A_329 = vector.broadcast %mul3A_40 : i32 to vector<16xi32>
        %add3A_330 = arith.addi %add3A_328, %add3A_329 : vector<16xi32>
        %gather3A_331 = tpu.vector_load_idx %arg5[%add3A_330, %and3A_9] : memref<10240x8xf32, #tpu.memory_space<vmem>>[vector<16xi32>, vector<16xi32>], vector<16xf32>,
        %add3A_332 = arith.addf %add3A_322, %gather3A_331 : vector<16xf32>
        %mul3A_333 = arith.constant 0.0303030312 : f32
        %mul3A_334 = vector.broadcast %mul3A_333 : f32 to vector<16xf32>
        %mul3A_335 = arith.mulf %add3A_332, %mul3A_334 : vector<16xf32>
        tpu.vector_store_idx %arg6[%add3A_328, %and3A_9], %mul3A_335 : memref<5120x8xf32, #tpu.memory_space<vmem>>[vector<16xi32>, vector<16xi32>], vector<16xf32>,
        %mul3A_336 = arith.constant 8 : i32
        %mul3A_337 = arith.muli %scan3A_137, %mul3A_336 : i32
        %add3A_338 = arith.constant 1 : i32
        %add3A_339 = arith.addi %mul3A_337, %add3A_338 : i32
        %mul3A_340 = arith.constant 2 : i32
        %mul3A_341 = arith.muli %add3A_339, %mul3A_340 : i32
        %mul3A_342 = arith.constant 32 : i32
        %mul3A_343 = arith.muli %mul3A_341, %mul3A_342 : i32
        %get3A_344 = arith.index_cast %mul3A_343 : i32 to index
        %get3A_345 = tpu.vector_load %arg8[%get3A_344] {strides = array<i32>} : memref<2560xi32, #tpu.memory_space<vmem>>, vector<16xi32>,
        %add3A_346 = arith.constant 16 : i32
        %add3A_347 = arith.addi %mul3A_343, %add3A_346 : i32
        %get3A_348 = arith.index_cast %add3A_347 : i32 to index
        %get3A_349 = tpu.vector_load %arg8[%get3A_348] {strides = array<i32>} : memref<2560xi32, #tpu.memory_space<vmem>>, vector<16xi32>,
        %add3A_350 = arith.constant 32 : i32
        %add3A_351 = arith.addi %mul3A_343, %add3A_350 : i32
        %get3A_352 = arith.index_cast %add3A_351 : i32 to index
        %get3A_353 = tpu.vector_load %arg8[%get3A_352] {strides = array<i32>} : memref<2560xi32, #tpu.memory_space<vmem>>, vector<16xi32>,
        %add3A_354 = arith.constant 48 : i32
        %add3A_355 = arith.addi %mul3A_343, %add3A_354 : i32
        %get3A_356 = arith.index_cast %add3A_355 : i32 to index
        %get3A_357 = tpu.vector_load %arg8[%get3A_356] {strides = array<i32>} : memref<2560xi32, #tpu.memory_space<vmem>>, vector<16xi32>,
        %reshape3A_358 = vector.shape_cast %add3A_13 : vector<16xi32> to vector<16x1xi32>
        %gather3A_359 = vector.shape_cast %reshape3A_358 : vector<16x1xi32> to vector<16xi32>
        %gather3A_360 = tpu.dynamic_gather %get3A_345[%gather3A_359] in [0] : vector<16xi32>, vector<16xi32> -> vector<16xi32>
        %gather3A_361 = tpu.vector_load_idx %arg5[%gather3A_360, %and3A_9] : memref<10240x8xf32, #tpu.memory_space<vmem>>[vector<16xi32>, vector<16xi32>], vector<16xf32>,
        %reshape3A_362 = vector.shape_cast %add3A_16 : vector<16xi32> to vector<16x1xi32>
        %gather3A_363 = vector.shape_cast %reshape3A_362 : vector<16x1xi32> to vector<16xi32>
        %gather3A_364 = tpu.dynamic_gather %get3A_345[%gather3A_363] in [0] : vector<16xi32>, vector<16xi32> -> vector<16xi32>
        %gather3A_365 = tpu.vector_load_idx %arg5[%gather3A_364, %and3A_9] : memref<10240x8xf32, #tpu.memory_space<vmem>>[vector<16xi32>, vector<16xi32>], vector<16xf32>,
        %reshape3A_366 = vector.shape_cast %add3A_19 : vector<16xi32> to vector<16x1xi32>
        %gather3A_367 = vector.shape_cast %reshape3A_366 : vector<16x1xi32> to vector<16xi32>
        %gather3A_368 = tpu.dynamic_gather %get3A_345[%gather3A_367] in [0] : vector<16xi32>, vector<16xi32> -> vector<16xi32>
        %gather3A_369 = tpu.vector_load_idx %arg5[%gather3A_368, %and3A_9] : memref<10240x8xf32, #tpu.memory_space<vmem>>[vector<16xi32>, vector<16xi32>], vector<16xf32>,
        %reshape3A_370 = vector.shape_cast %add3A_22 : vector<16xi32> to vector<16x1xi32>
        %gather3A_371 = vector.shape_cast %reshape3A_370 : vector<16x1xi32> to vector<16xi32>
        %gather3A_372 = tpu.dynamic_gather %get3A_345[%gather3A_371] in [0] : vector<16xi32>, vector<16xi32> -> vector<16xi32>
        %gather3A_373 = tpu.vector_load_idx %arg5[%gather3A_372, %and3A_9] : memref<10240x8xf32, #tpu.memory_space<vmem>>[vector<16xi32>, vector<16xi32>], vector<16xf32>,
        %reshape3A_374 = vector.shape_cast %add3A_25 : vector<16xi32> to vector<16x1xi32>
        %gather3A_375 = vector.shape_cast %reshape3A_374 : vector<16x1xi32> to vector<16xi32>
        %gather3A_376 = tpu.dynamic_gather %get3A_345[%gather3A_375] in [0] : vector<16xi32>, vector<16xi32> -> vector<16xi32>
        %gather3A_377 = tpu.vector_load_idx %arg5[%gather3A_376, %and3A_9] : memref<10240x8xf32, #tpu.memory_space<vmem>>[vector<16xi32>, vector<16xi32>], vector<16xf32>,
        %reshape3A_378 = vector.shape_cast %add3A_28 : vector<16xi32> to vector<16x1xi32>
        %gather3A_379 = vector.shape_cast %reshape3A_378 : vector<16x1xi32> to vector<16xi32>
        %gather3A_380 = tpu.dynamic_gather %get3A_345[%gather3A_379] in [0] : vector<16xi32>, vector<16xi32> -> vector<16xi32>
        %gather3A_381 = tpu.vector_load_idx %arg5[%gather3A_380, %and3A_9] : memref<10240x8xf32, #tpu.memory_space<vmem>>[vector<16xi32>, vector<16xi32>], vector<16xf32>,
        %reshape3A_382 = vector.shape_cast %add3A_31 : vector<16xi32> to vector<16x1xi32>
        %gather3A_383 = vector.shape_cast %reshape3A_382 : vector<16x1xi32> to vector<16xi32>
        %gather3A_384 = tpu.dynamic_gather %get3A_345[%gather3A_383] in [0] : vector<16xi32>, vector<16xi32> -> vector<16xi32>
        %gather3A_385 = tpu.vector_load_idx %arg5[%gather3A_384, %and3A_9] : memref<10240x8xf32, #tpu.memory_space<vmem>>[vector<16xi32>, vector<16xi32>], vector<16xf32>,
        %reshape3A_386 = vector.shape_cast %add3A_34 : vector<16xi32> to vector<16x1xi32>
        %gather3A_387 = vector.shape_cast %reshape3A_386 : vector<16x1xi32> to vector<16xi32>
        %gather3A_388 = tpu.dynamic_gather %get3A_345[%gather3A_387] in [0] : vector<16xi32>, vector<16xi32> -> vector<16xi32>
        %gather3A_389 = tpu.vector_load_idx %arg5[%gather3A_388, %and3A_9] : memref<10240x8xf32, #tpu.memory_space<vmem>>[vector<16xi32>, vector<16xi32>], vector<16xf32>,
        %reshape3A_390 = vector.shape_cast %add3A_13 : vector<16xi32> to vector<16x1xi32>
        %gather3A_391 = vector.shape_cast %reshape3A_390 : vector<16x1xi32> to vector<16xi32>
        %gather3A_392 = tpu.dynamic_gather %get3A_349[%gather3A_391] in [0] : vector<16xi32>, vector<16xi32> -> vector<16xi32>
        %gather3A_393 = tpu.vector_load_idx %arg5[%gather3A_392, %and3A_9] : memref<10240x8xf32, #tpu.memory_space<vmem>>[vector<16xi32>, vector<16xi32>], vector<16xf32>,
        %reshape3A_394 = vector.shape_cast %add3A_16 : vector<16xi32> to vector<16x1xi32>
        %gather3A_395 = vector.shape_cast %reshape3A_394 : vector<16x1xi32> to vector<16xi32>
        %gather3A_396 = tpu.dynamic_gather %get3A_349[%gather3A_395] in [0] : vector<16xi32>, vector<16xi32> -> vector<16xi32>
        %gather3A_397 = tpu.vector_load_idx %arg5[%gather3A_396, %and3A_9] : memref<10240x8xf32, #tpu.memory_space<vmem>>[vector<16xi32>, vector<16xi32>], vector<16xf32>,
        %reshape3A_398 = vector.shape_cast %add3A_19 : vector<16xi32> to vector<16x1xi32>
        %gather3A_399 = vector.shape_cast %reshape3A_398 : vector<16x1xi32> to vector<16xi32>
        %gather3A_400 = tpu.dynamic_gather %get3A_349[%gather3A_399] in [0] : vector<16xi32>, vector<16xi32> -> vector<16xi32>
        %gather3A_401 = tpu.vector_load_idx %arg5[%gather3A_400, %and3A_9] : memref<10240x8xf32, #tpu.memory_space<vmem>>[vector<16xi32>, vector<16xi32>], vector<16xf32>,
        %reshape3A_402 = vector.shape_cast %add3A_22 : vector<16xi32> to vector<16x1xi32>
        %gather3A_403 = vector.shape_cast %reshape3A_402 : vector<16x1xi32> to vector<16xi32>
        %gather3A_404 = tpu.dynamic_gather %get3A_349[%gather3A_403] in [0] : vector<16xi32>, vector<16xi32> -> vector<16xi32>
        %gather3A_405 = tpu.vector_load_idx %arg5[%gather3A_404, %and3A_9] : memref<10240x8xf32, #tpu.memory_space<vmem>>[vector<16xi32>, vector<16xi32>], vector<16xf32>,
        %reshape3A_406 = vector.shape_cast %add3A_25 : vector<16xi32> to vector<16x1xi32>
        %gather3A_407 = vector.shape_cast %reshape3A_406 : vector<16x1xi32> to vector<16xi32>
        %gather3A_408 = tpu.dynamic_gather %get3A_349[%gather3A_407] in [0] : vector<16xi32>, vector<16xi32> -> vector<16xi32>
        %gather3A_409 = tpu.vector_load_idx %arg5[%gather3A_408, %and3A_9] : memref<10240x8xf32, #tpu.memory_space<vmem>>[vector<16xi32>, vector<16xi32>], vector<16xf32>,
        %reshape3A_410 = vector.shape_cast %add3A_28 : vector<16xi32> to vector<16x1xi32>
        %gather3A_411 = vector.shape_cast %reshape3A_410 : vector<16x1xi32> to vector<16xi32>
        %gather3A_412 = tpu.dynamic_gather %get3A_349[%gather3A_411] in [0] : vector<16xi32>, vector<16xi32> -> vector<16xi32>
        %gather3A_413 = tpu.vector_load_idx %arg5[%gather3A_412, %and3A_9] : memref<10240x8xf32, #tpu.memory_space<vmem>>[vector<16xi32>, vector<16xi32>], vector<16xf32>,
        %reshape3A_414 = vector.shape_cast %add3A_31 : vector<16xi32> to vector<16x1xi32>
        %gather3A_415 = vector.shape_cast %reshape3A_414 : vector<16x1xi32> to vector<16xi32>
        %gather3A_416 = tpu.dynamic_gather %get3A_349[%gather3A_415] in [0] : vector<16xi32>, vector<16xi32> -> vector<16xi32>
        %gather3A_417 = tpu.vector_load_idx %arg5[%gather3A_416, %and3A_9] : memref<10240x8xf32, #tpu.memory_space<vmem>>[vector<16xi32>, vector<16xi32>], vector<16xf32>,
        %reshape3A_418 = vector.shape_cast %add3A_34 : vector<16xi32> to vector<16x1xi32>
        %gather3A_419 = vector.shape_cast %reshape3A_418 : vector<16x1xi32> to vector<16xi32>
        %gather3A_420 = tpu.dynamic_gather %get3A_349[%gather3A_419] in [0] : vector<16xi32>, vector<16xi32> -> vector<16xi32>
        %gather3A_421 = tpu.vector_load_idx %arg5[%gather3A_420, %and3A_9] : memref<10240x8xf32, #tpu.memory_space<vmem>>[vector<16xi32>, vector<16xi32>], vector<16xf32>,
        %add3A_422 = arith.addf %gather3A_361, %gather3A_377 : vector<16xf32>
        %add3A_423 = arith.addf %gather3A_365, %gather3A_381 : vector<16xf32>
        %add3A_424 = arith.addf %gather3A_369, %gather3A_385 : vector<16xf32>
        %add3A_425 = arith.addf %gather3A_373, %gather3A_389 : vector<16xf32>
        %add3A_426 = arith.addf %add3A_422, %gather3A_393 : vector<16xf32>
        %add3A_427 = arith.addf %add3A_423, %gather3A_397 : vector<16xf32>
        %add3A_428 = arith.addf %add3A_424, %gather3A_401 : vector<16xf32>
        %add3A_429 = arith.addf %add3A_425, %gather3A_405 : vector<16xf32>
        %add3A_430 = arith.addf %add3A_426, %gather3A_409 : vector<16xf32>
        %add3A_431 = arith.addf %add3A_427, %gather3A_413 : vector<16xf32>
        %add3A_432 = arith.addf %add3A_428, %gather3A_417 : vector<16xf32>
        %add3A_433 = arith.addf %add3A_429, %gather3A_421 : vector<16xf32>
        %add3A_434 = arith.addf %add3A_430, %add3A_431 : vector<16xf32>
        %add3A_435 = arith.addf %add3A_432, %add3A_433 : vector<16xf32>
        %add3A_436 = arith.addf %add3A_434, %add3A_435 : vector<16xf32>
        %reshape3A_437 = vector.shape_cast %add3A_13 : vector<16xi32> to vector<16x1xi32>
        %gather3A_438 = vector.shape_cast %reshape3A_437 : vector<16x1xi32> to vector<16xi32>
        %gather3A_439 = tpu.dynamic_gather %get3A_353[%gather3A_438] in [0] : vector<16xi32>, vector<16xi32> -> vector<16xi32>
        %gather3A_440 = tpu.vector_load_idx %arg5[%gather3A_439, %and3A_9] : memref<10240x8xf32, #tpu.memory_space<vmem>>[vector<16xi32>, vector<16xi32>], vector<16xf32>,
        %reshape3A_441 = vector.shape_cast %add3A_16 : vector<16xi32> to vector<16x1xi32>
        %gather3A_442 = vector.shape_cast %reshape3A_441 : vector<16x1xi32> to vector<16xi32>
        %gather3A_443 = tpu.dynamic_gather %get3A_353[%gather3A_442] in [0] : vector<16xi32>, vector<16xi32> -> vector<16xi32>
        %gather3A_444 = tpu.vector_load_idx %arg5[%gather3A_443, %and3A_9] : memref<10240x8xf32, #tpu.memory_space<vmem>>[vector<16xi32>, vector<16xi32>], vector<16xf32>,
        %reshape3A_445 = vector.shape_cast %add3A_19 : vector<16xi32> to vector<16x1xi32>
        %gather3A_446 = vector.shape_cast %reshape3A_445 : vector<16x1xi32> to vector<16xi32>
        %gather3A_447 = tpu.dynamic_gather %get3A_353[%gather3A_446] in [0] : vector<16xi32>, vector<16xi32> -> vector<16xi32>
        %gather3A_448 = tpu.vector_load_idx %arg5[%gather3A_447, %and3A_9] : memref<10240x8xf32, #tpu.memory_space<vmem>>[vector<16xi32>, vector<16xi32>], vector<16xf32>,
        %reshape3A_449 = vector.shape_cast %add3A_22 : vector<16xi32> to vector<16x1xi32>
        %gather3A_450 = vector.shape_cast %reshape3A_449 : vector<16x1xi32> to vector<16xi32>
        %gather3A_451 = tpu.dynamic_gather %get3A_353[%gather3A_450] in [0] : vector<16xi32>, vector<16xi32> -> vector<16xi32>
        %gather3A_452 = tpu.vector_load_idx %arg5[%gather3A_451, %and3A_9] : memref<10240x8xf32, #tpu.memory_space<vmem>>[vector<16xi32>, vector<16xi32>], vector<16xf32>,
        %reshape3A_453 = vector.shape_cast %add3A_25 : vector<16xi32> to vector<16x1xi32>
        %gather3A_454 = vector.shape_cast %reshape3A_453 : vector<16x1xi32> to vector<16xi32>
        %gather3A_455 = tpu.dynamic_gather %get3A_353[%gather3A_454] in [0] : vector<16xi32>, vector<16xi32> -> vector<16xi32>
        %gather3A_456 = tpu.vector_load_idx %arg5[%gather3A_455, %and3A_9] : memref<10240x8xf32, #tpu.memory_space<vmem>>[vector<16xi32>, vector<16xi32>], vector<16xf32>,
        %reshape3A_457 = vector.shape_cast %add3A_28 : vector<16xi32> to vector<16x1xi32>
        %gather3A_458 = vector.shape_cast %reshape3A_457 : vector<16x1xi32> to vector<16xi32>
        %gather3A_459 = tpu.dynamic_gather %get3A_353[%gather3A_458] in [0] : vector<16xi32>, vector<16xi32> -> vector<16xi32>
        %gather3A_460 = tpu.vector_load_idx %arg5[%gather3A_459, %and3A_9] : memref<10240x8xf32, #tpu.memory_space<vmem>>[vector<16xi32>, vector<16xi32>], vector<16xf32>,
        %reshape3A_461 = vector.shape_cast %add3A_31 : vector<16xi32> to vector<16x1xi32>
        %gather3A_462 = vector.shape_cast %reshape3A_461 : vector<16x1xi32> to vector<16xi32>
        %gather3A_463 = tpu.dynamic_gather %get3A_353[%gather3A_462] in [0] : vector<16xi32>, vector<16xi32> -> vector<16xi32>
        %gather3A_464 = tpu.vector_load_idx %arg5[%gather3A_463, %and3A_9] : memref<10240x8xf32, #tpu.memory_space<vmem>>[vector<16xi32>, vector<16xi32>], vector<16xf32>,
        %reshape3A_465 = vector.shape_cast %add3A_34 : vector<16xi32> to vector<16x1xi32>
        %gather3A_466 = vector.shape_cast %reshape3A_465 : vector<16x1xi32> to vector<16xi32>
        %gather3A_467 = tpu.dynamic_gather %get3A_353[%gather3A_466] in [0] : vector<16xi32>, vector<16xi32> -> vector<16xi32>
        %gather3A_468 = tpu.vector_load_idx %arg5[%gather3A_467, %and3A_9] : memref<10240x8xf32, #tpu.memory_space<vmem>>[vector<16xi32>, vector<16xi32>], vector<16xf32>,
        %reshape3A_469 = vector.shape_cast %add3A_13 : vector<16xi32> to vector<16x1xi32>
        %gather3A_470 = vector.shape_cast %reshape3A_469 : vector<16x1xi32> to vector<16xi32>
        %gather3A_471 = tpu.dynamic_gather %get3A_357[%gather3A_470] in [0] : vector<16xi32>, vector<16xi32> -> vector<16xi32>
        %gather3A_472 = tpu.vector_load_idx %arg5[%gather3A_471, %and3A_9] : memref<10240x8xf32, #tpu.memory_space<vmem>>[vector<16xi32>, vector<16xi32>], vector<16xf32>,
        %reshape3A_473 = vector.shape_cast %add3A_16 : vector<16xi32> to vector<16x1xi32>
        %gather3A_474 = vector.shape_cast %reshape3A_473 : vector<16x1xi32> to vector<16xi32>
        %gather3A_475 = tpu.dynamic_gather %get3A_357[%gather3A_474] in [0] : vector<16xi32>, vector<16xi32> -> vector<16xi32>
        %gather3A_476 = tpu.vector_load_idx %arg5[%gather3A_475, %and3A_9] : memref<10240x8xf32, #tpu.memory_space<vmem>>[vector<16xi32>, vector<16xi32>], vector<16xf32>,
        %reshape3A_477 = vector.shape_cast %add3A_19 : vector<16xi32> to vector<16x1xi32>
        %gather3A_478 = vector.shape_cast %reshape3A_477 : vector<16x1xi32> to vector<16xi32>
        %gather3A_479 = tpu.dynamic_gather %get3A_357[%gather3A_478] in [0] : vector<16xi32>, vector<16xi32> -> vector<16xi32>
        %gather3A_480 = tpu.vector_load_idx %arg5[%gather3A_479, %and3A_9] : memref<10240x8xf32, #tpu.memory_space<vmem>>[vector<16xi32>, vector<16xi32>], vector<16xf32>,
        %reshape3A_481 = vector.shape_cast %add3A_22 : vector<16xi32> to vector<16x1xi32>
        %gather3A_482 = vector.shape_cast %reshape3A_481 : vector<16x1xi32> to vector<16xi32>
        %gather3A_483 = tpu.dynamic_gather %get3A_357[%gather3A_482] in [0] : vector<16xi32>, vector<16xi32> -> vector<16xi32>
        %gather3A_484 = tpu.vector_load_idx %arg5[%gather3A_483, %and3A_9] : memref<10240x8xf32, #tpu.memory_space<vmem>>[vector<16xi32>, vector<16xi32>], vector<16xf32>,
        %reshape3A_485 = vector.shape_cast %add3A_25 : vector<16xi32> to vector<16x1xi32>
        %gather3A_486 = vector.shape_cast %reshape3A_485 : vector<16x1xi32> to vector<16xi32>
        %gather3A_487 = tpu.dynamic_gather %get3A_357[%gather3A_486] in [0] : vector<16xi32>, vector<16xi32> -> vector<16xi32>
        %gather3A_488 = tpu.vector_load_idx %arg5[%gather3A_487, %and3A_9] : memref<10240x8xf32, #tpu.memory_space<vmem>>[vector<16xi32>, vector<16xi32>], vector<16xf32>,
        %reshape3A_489 = vector.shape_cast %add3A_28 : vector<16xi32> to vector<16x1xi32>
        %gather3A_490 = vector.shape_cast %reshape3A_489 : vector<16x1xi32> to vector<16xi32>
        %gather3A_491 = tpu.dynamic_gather %get3A_357[%gather3A_490] in [0] : vector<16xi32>, vector<16xi32> -> vector<16xi32>
        %gather3A_492 = tpu.vector_load_idx %arg5[%gather3A_491, %and3A_9] : memref<10240x8xf32, #tpu.memory_space<vmem>>[vector<16xi32>, vector<16xi32>], vector<16xf32>,
        %reshape3A_493 = vector.shape_cast %add3A_31 : vector<16xi32> to vector<16x1xi32>
        %gather3A_494 = vector.shape_cast %reshape3A_493 : vector<16x1xi32> to vector<16xi32>
        %gather3A_495 = tpu.dynamic_gather %get3A_357[%gather3A_494] in [0] : vector<16xi32>, vector<16xi32> -> vector<16xi32>
        %gather3A_496 = tpu.vector_load_idx %arg5[%gather3A_495, %and3A_9] : memref<10240x8xf32, #tpu.memory_space<vmem>>[vector<16xi32>, vector<16xi32>], vector<16xf32>,
        %reshape3A_497 = vector.shape_cast %add3A_34 : vector<16xi32> to vector<16x1xi32>
        %gather3A_498 = vector.shape_cast %reshape3A_497 : vector<16x1xi32> to vector<16xi32>
        %gather3A_499 = tpu.dynamic_gather %get3A_357[%gather3A_498] in [0] : vector<16xi32>, vector<16xi32> -> vector<16xi32>
        %gather3A_500 = tpu.vector_load_idx %arg5[%gather3A_499, %and3A_9] : memref<10240x8xf32, #tpu.memory_space<vmem>>[vector<16xi32>, vector<16xi32>], vector<16xf32>,
        %add3A_501 = arith.addf %gather3A_440, %gather3A_456 : vector<16xf32>
        %add3A_502 = arith.addf %gather3A_444, %gather3A_460 : vector<16xf32>
        %add3A_503 = arith.addf %gather3A_448, %gather3A_464 : vector<16xf32>
        %add3A_504 = arith.addf %gather3A_452, %gather3A_468 : vector<16xf32>
        %add3A_505 = arith.addf %add3A_501, %gather3A_472 : vector<16xf32>
        %add3A_506 = arith.addf %add3A_502, %gather3A_476 : vector<16xf32>
        %add3A_507 = arith.addf %add3A_503, %gather3A_480 : vector<16xf32>
        %add3A_508 = arith.addf %add3A_504, %gather3A_484 : vector<16xf32>
        %add3A_509 = arith.addf %add3A_505, %gather3A_488 : vector<16xf32>
        %add3A_510 = arith.addf %add3A_506, %gather3A_492 : vector<16xf32>
        %add3A_511 = arith.addf %add3A_507, %gather3A_496 : vector<16xf32>
        %add3A_512 = arith.addf %add3A_508, %gather3A_500 : vector<16xf32>
        %add3A_513 = arith.addf %add3A_509, %add3A_510 : vector<16xf32>
        %add3A_514 = arith.addf %add3A_511, %add3A_512 : vector<16xf32>
        %add3A_515 = arith.addf %add3A_513, %add3A_514 : vector<16xf32>
        %select_n3A_516 = arith.select %lt3A_38, %add3A_436, %add3A_515 : vector<16xi1>, vector<16xf32>
        %reshape3A_517 = vector.shape_cast %xor3A_36 : vector<16xi32> to vector<16x1xi32>
        %gather3A_518 = vector.shape_cast %reshape3A_517 : vector<16x1xi32> to vector<16xi32>
        %gather3A_519 = tpu.dynamic_gather %add3A_436[%gather3A_518] in [0] : vector<16xf32>, vector<16xi32> -> vector<16xf32>
        %reshape3A_520 = vector.shape_cast %xor3A_36 : vector<16xi32> to vector<16x1xi32>
        %gather3A_521 = vector.shape_cast %reshape3A_520 : vector<16x1xi32> to vector<16xi32>
        %gather3A_522 = tpu.dynamic_gather %add3A_515[%gather3A_521] in [0] : vector<16xf32>, vector<16xi32> -> vector<16xf32>
        %select_n3A_523 = arith.select %lt3A_38, %gather3A_519, %gather3A_522 : vector<16xi1>, vector<16xf32>
        %add3A_524 = arith.addf %select_n3A_516, %select_n3A_523 : vector<16xf32>
        %mul3A_525 = arith.constant 80 : i32
        %mul3A_526 = arith.muli %add3A_117, %mul3A_525 : i32
        %mul3A_527 = arith.constant 2 : i32
        %mul3A_528 = arith.muli %add3A_339, %mul3A_527 : i32
        %add3A_529 = arith.addi %mul3A_526, %mul3A_528 : i32
        %broadcast_in_dim3A_530 = vector.broadcast %add3A_529 : i32 to vector<16xi32>
        %add3A_531 = arith.addi %broadcast_in_dim3A_530, %shift_right_logical3A_11 : vector<16xi32>
        %add3A_532 = vector.broadcast %mul3A_40 : i32 to vector<16xi32>
        %add3A_533 = arith.addi %add3A_531, %add3A_532 : vector<16xi32>
        %gather3A_534 = tpu.vector_load_idx %arg5[%add3A_533, %and3A_9] : memref<10240x8xf32, #tpu.memory_space<vmem>>[vector<16xi32>, vector<16xi32>], vector<16xf32>,
        %add3A_535 = arith.addf %add3A_524, %gather3A_534 : vector<16xf32>
        %mul3A_536 = arith.constant 0.0303030312 : f32
        %mul3A_537 = vector.broadcast %mul3A_536 : f32 to vector<16xf32>
        %mul3A_538 = arith.mulf %add3A_535, %mul3A_537 : vector<16xf32>
        tpu.vector_store_idx %arg6[%add3A_531, %and3A_9], %mul3A_538 : memref<5120x8xf32, #tpu.memory_space<vmem>>[vector<16xi32>, vector<16xi32>], vector<16xf32>,
        %mul3A_539 = arith.constant 8 : i32
        %mul3A_540 = arith.muli %scan3A_137, %mul3A_539 : i32
        %add3A_541 = arith.constant 2 : i32
        %add3A_542 = arith.addi %mul3A_540, %add3A_541 : i32
        %mul3A_543 = arith.constant 2 : i32
        %mul3A_544 = arith.muli %add3A_542, %mul3A_543 : i32
        %mul3A_545 = arith.constant 32 : i32
        %mul3A_546 = arith.muli %mul3A_544, %mul3A_545 : i32
        %get3A_547 = arith.index_cast %mul3A_546 : i32 to index
        %get3A_548 = tpu.vector_load %arg8[%get3A_547] {strides = array<i32>} : memref<2560xi32, #tpu.memory_space<vmem>>, vector<16xi32>,
        %add3A_549 = arith.constant 16 : i32
        %add3A_550 = arith.addi %mul3A_546, %add3A_549 : i32
        %get3A_551 = arith.index_cast %add3A_550 : i32 to index
        %get3A_552 = tpu.vector_load %arg8[%get3A_551] {strides = array<i32>} : memref<2560xi32, #tpu.memory_space<vmem>>, vector<16xi32>,
        %add3A_553 = arith.constant 32 : i32
        %add3A_554 = arith.addi %mul3A_546, %add3A_553 : i32
        %get3A_555 = arith.index_cast %add3A_554 : i32 to index
        %get3A_556 = tpu.vector_load %arg8[%get3A_555] {strides = array<i32>} : memref<2560xi32, #tpu.memory_space<vmem>>, vector<16xi32>,
        %add3A_557 = arith.constant 48 : i32
        %add3A_558 = arith.addi %mul3A_546, %add3A_557 : i32
        %get3A_559 = arith.index_cast %add3A_558 : i32 to index
        %get3A_560 = tpu.vector_load %arg8[%get3A_559] {strides = array<i32>} : memref<2560xi32, #tpu.memory_space<vmem>>, vector<16xi32>,
        %reshape3A_561 = vector.shape_cast %add3A_13 : vector<16xi32> to vector<16x1xi32>
        %gather3A_562 = vector.shape_cast %reshape3A_561 : vector<16x1xi32> to vector<16xi32>
        %gather3A_563 = tpu.dynamic_gather %get3A_548[%gather3A_562] in [0] : vector<16xi32>, vector<16xi32> -> vector<16xi32>
        %gather3A_564 = tpu.vector_load_idx %arg5[%gather3A_563, %and3A_9] : memref<10240x8xf32, #tpu.memory_space<vmem>>[vector<16xi32>, vector<16xi32>], vector<16xf32>,
        %reshape3A_565 = vector.shape_cast %add3A_16 : vector<16xi32> to vector<16x1xi32>
        %gather3A_566 = vector.shape_cast %reshape3A_565 : vector<16x1xi32> to vector<16xi32>
        %gather3A_567 = tpu.dynamic_gather %get3A_548[%gather3A_566] in [0] : vector<16xi32>, vector<16xi32> -> vector<16xi32>
        %gather3A_568 = tpu.vector_load_idx %arg5[%gather3A_567, %and3A_9] : memref<10240x8xf32, #tpu.memory_space<vmem>>[vector<16xi32>, vector<16xi32>], vector<16xf32>,
        %reshape3A_569 = vector.shape_cast %add3A_19 : vector<16xi32> to vector<16x1xi32>
        %gather3A_570 = vector.shape_cast %reshape3A_569 : vector<16x1xi32> to vector<16xi32>
        %gather3A_571 = tpu.dynamic_gather %get3A_548[%gather3A_570] in [0] : vector<16xi32>, vector<16xi32> -> vector<16xi32>
        %gather3A_572 = tpu.vector_load_idx %arg5[%gather3A_571, %and3A_9] : memref<10240x8xf32, #tpu.memory_space<vmem>>[vector<16xi32>, vector<16xi32>], vector<16xf32>,
        %reshape3A_573 = vector.shape_cast %add3A_22 : vector<16xi32> to vector<16x1xi32>
        %gather3A_574 = vector.shape_cast %reshape3A_573 : vector<16x1xi32> to vector<16xi32>
        %gather3A_575 = tpu.dynamic_gather %get3A_548[%gather3A_574] in [0] : vector<16xi32>, vector<16xi32> -> vector<16xi32>
        %gather3A_576 = tpu.vector_load_idx %arg5[%gather3A_575, %and3A_9] : memref<10240x8xf32, #tpu.memory_space<vmem>>[vector<16xi32>, vector<16xi32>], vector<16xf32>,
        %reshape3A_577 = vector.shape_cast %add3A_25 : vector<16xi32> to vector<16x1xi32>
        %gather3A_578 = vector.shape_cast %reshape3A_577 : vector<16x1xi32> to vector<16xi32>
        %gather3A_579 = tpu.dynamic_gather %get3A_548[%gather3A_578] in [0] : vector<16xi32>, vector<16xi32> -> vector<16xi32>
        %gather3A_580 = tpu.vector_load_idx %arg5[%gather3A_579, %and3A_9] : memref<10240x8xf32, #tpu.memory_space<vmem>>[vector<16xi32>, vector<16xi32>], vector<16xf32>,
        %reshape3A_581 = vector.shape_cast %add3A_28 : vector<16xi32> to vector<16x1xi32>
        %gather3A_582 = vector.shape_cast %reshape3A_581 : vector<16x1xi32> to vector<16xi32>
        %gather3A_583 = tpu.dynamic_gather %get3A_548[%gather3A_582] in [0] : vector<16xi32>, vector<16xi32> -> vector<16xi32>
        %gather3A_584 = tpu.vector_load_idx %arg5[%gather3A_583, %and3A_9] : memref<10240x8xf32, #tpu.memory_space<vmem>>[vector<16xi32>, vector<16xi32>], vector<16xf32>,
        %reshape3A_585 = vector.shape_cast %add3A_31 : vector<16xi32> to vector<16x1xi32>
        %gather3A_586 = vector.shape_cast %reshape3A_585 : vector<16x1xi32> to vector<16xi32>
        %gather3A_587 = tpu.dynamic_gather %get3A_548[%gather3A_586] in [0] : vector<16xi32>, vector<16xi32> -> vector<16xi32>
        %gather3A_588 = tpu.vector_load_idx %arg5[%gather3A_587, %and3A_9] : memref<10240x8xf32, #tpu.memory_space<vmem>>[vector<16xi32>, vector<16xi32>], vector<16xf32>,
        %reshape3A_589 = vector.shape_cast %add3A_34 : vector<16xi32> to vector<16x1xi32>
        %gather3A_590 = vector.shape_cast %reshape3A_589 : vector<16x1xi32> to vector<16xi32>
        %gather3A_591 = tpu.dynamic_gather %get3A_548[%gather3A_590] in [0] : vector<16xi32>, vector<16xi32> -> vector<16xi32>
        %gather3A_592 = tpu.vector_load_idx %arg5[%gather3A_591, %and3A_9] : memref<10240x8xf32, #tpu.memory_space<vmem>>[vector<16xi32>, vector<16xi32>], vector<16xf32>,
        %reshape3A_593 = vector.shape_cast %add3A_13 : vector<16xi32> to vector<16x1xi32>
        %gather3A_594 = vector.shape_cast %reshape3A_593 : vector<16x1xi32> to vector<16xi32>
        %gather3A_595 = tpu.dynamic_gather %get3A_552[%gather3A_594] in [0] : vector<16xi32>, vector<16xi32> -> vector<16xi32>
        %gather3A_596 = tpu.vector_load_idx %arg5[%gather3A_595, %and3A_9] : memref<10240x8xf32, #tpu.memory_space<vmem>>[vector<16xi32>, vector<16xi32>], vector<16xf32>,
        %reshape3A_597 = vector.shape_cast %add3A_16 : vector<16xi32> to vector<16x1xi32>
        %gather3A_598 = vector.shape_cast %reshape3A_597 : vector<16x1xi32> to vector<16xi32>
        %gather3A_599 = tpu.dynamic_gather %get3A_552[%gather3A_598] in [0] : vector<16xi32>, vector<16xi32> -> vector<16xi32>
        %gather3A_600 = tpu.vector_load_idx %arg5[%gather3A_599, %and3A_9] : memref<10240x8xf32, #tpu.memory_space<vmem>>[vector<16xi32>, vector<16xi32>], vector<16xf32>,
        %reshape3A_601 = vector.shape_cast %add3A_19 : vector<16xi32> to vector<16x1xi32>
        %gather3A_602 = vector.shape_cast %reshape3A_601 : vector<16x1xi32> to vector<16xi32>
        %gather3A_603 = tpu.dynamic_gather %get3A_552[%gather3A_602] in [0] : vector<16xi32>, vector<16xi32> -> vector<16xi32>
        %gather3A_604 = tpu.vector_load_idx %arg5[%gather3A_603, %and3A_9] : memref<10240x8xf32, #tpu.memory_space<vmem>>[vector<16xi32>, vector<16xi32>], vector<16xf32>,
        %reshape3A_605 = vector.shape_cast %add3A_22 : vector<16xi32> to vector<16x1xi32>
        %gather3A_606 = vector.shape_cast %reshape3A_605 : vector<16x1xi32> to vector<16xi32>
        %gather3A_607 = tpu.dynamic_gather %get3A_552[%gather3A_606] in [0] : vector<16xi32>, vector<16xi32> -> vector<16xi32>
        %gather3A_608 = tpu.vector_load_idx %arg5[%gather3A_607, %and3A_9] : memref<10240x8xf32, #tpu.memory_space<vmem>>[vector<16xi32>, vector<16xi32>], vector<16xf32>,
        %reshape3A_609 = vector.shape_cast %add3A_25 : vector<16xi32> to vector<16x1xi32>
        %gather3A_610 = vector.shape_cast %reshape3A_609 : vector<16x1xi32> to vector<16xi32>
        %gather3A_611 = tpu.dynamic_gather %get3A_552[%gather3A_610] in [0] : vector<16xi32>, vector<16xi32> -> vector<16xi32>
        %gather3A_612 = tpu.vector_load_idx %arg5[%gather3A_611, %and3A_9] : memref<10240x8xf32, #tpu.memory_space<vmem>>[vector<16xi32>, vector<16xi32>], vector<16xf32>,
        %reshape3A_613 = vector.shape_cast %add3A_28 : vector<16xi32> to vector<16x1xi32>
        %gather3A_614 = vector.shape_cast %reshape3A_613 : vector<16x1xi32> to vector<16xi32>
        %gather3A_615 = tpu.dynamic_gather %get3A_552[%gather3A_614] in [0] : vector<16xi32>, vector<16xi32> -> vector<16xi32>
        %gather3A_616 = tpu.vector_load_idx %arg5[%gather3A_615, %and3A_9] : memref<10240x8xf32, #tpu.memory_space<vmem>>[vector<16xi32>, vector<16xi32>], vector<16xf32>,
        %reshape3A_617 = vector.shape_cast %add3A_31 : vector<16xi32> to vector<16x1xi32>
        %gather3A_618 = vector.shape_cast %reshape3A_617 : vector<16x1xi32> to vector<16xi32>
        %gather3A_619 = tpu.dynamic_gather %get3A_552[%gather3A_618] in [0] : vector<16xi32>, vector<16xi32> -> vector<16xi32>
        %gather3A_620 = tpu.vector_load_idx %arg5[%gather3A_619, %and3A_9] : memref<10240x8xf32, #tpu.memory_space<vmem>>[vector<16xi32>, vector<16xi32>], vector<16xf32>,
        %reshape3A_621 = vector.shape_cast %add3A_34 : vector<16xi32> to vector<16x1xi32>
        %gather3A_622 = vector.shape_cast %reshape3A_621 : vector<16x1xi32> to vector<16xi32>
        %gather3A_623 = tpu.dynamic_gather %get3A_552[%gather3A_622] in [0] : vector<16xi32>, vector<16xi32> -> vector<16xi32>
        %gather3A_624 = tpu.vector_load_idx %arg5[%gather3A_623, %and3A_9] : memref<10240x8xf32, #tpu.memory_space<vmem>>[vector<16xi32>, vector<16xi32>], vector<16xf32>,
        %add3A_625 = arith.addf %gather3A_564, %gather3A_580 : vector<16xf32>
        %add3A_626 = arith.addf %gather3A_568, %gather3A_584 : vector<16xf32>
        %add3A_627 = arith.addf %gather3A_572, %gather3A_588 : vector<16xf32>
        %add3A_628 = arith.addf %gather3A_576, %gather3A_592 : vector<16xf32>
        %add3A_629 = arith.addf %add3A_625, %gather3A_596 : vector<16xf32>
        %add3A_630 = arith.addf %add3A_626, %gather3A_600 : vector<16xf32>
        %add3A_631 = arith.addf %add3A_627, %gather3A_604 : vector<16xf32>
        %add3A_632 = arith.addf %add3A_628, %gather3A_608 : vector<16xf32>
        %add3A_633 = arith.addf %add3A_629, %gather3A_612 : vector<16xf32>
        %add3A_634 = arith.addf %add3A_630, %gather3A_616 : vector<16xf32>
        %add3A_635 = arith.addf %add3A_631, %gather3A_620 : vector<16xf32>
        %add3A_636 = arith.addf %add3A_632, %gather3A_624 : vector<16xf32>
        %add3A_637 = arith.addf %add3A_633, %add3A_634 : vector<16xf32>
        %add3A_638 = arith.addf %add3A_635, %add3A_636 : vector<16xf32>
        %add3A_639 = arith.addf %add3A_637, %add3A_638 : vector<16xf32>
        %reshape3A_640 = vector.shape_cast %add3A_13 : vector<16xi32> to vector<16x1xi32>
        %gather3A_641 = vector.shape_cast %reshape3A_640 : vector<16x1xi32> to vector<16xi32>
        %gather3A_642 = tpu.dynamic_gather %get3A_556[%gather3A_641] in [0] : vector<16xi32>, vector<16xi32> -> vector<16xi32>
        %gather3A_643 = tpu.vector_load_idx %arg5[%gather3A_642, %and3A_9] : memref<10240x8xf32, #tpu.memory_space<vmem>>[vector<16xi32>, vector<16xi32>], vector<16xf32>,
        %reshape3A_644 = vector.shape_cast %add3A_16 : vector<16xi32> to vector<16x1xi32>
        %gather3A_645 = vector.shape_cast %reshape3A_644 : vector<16x1xi32> to vector<16xi32>
        %gather3A_646 = tpu.dynamic_gather %get3A_556[%gather3A_645] in [0] : vector<16xi32>, vector<16xi32> -> vector<16xi32>
        %gather3A_647 = tpu.vector_load_idx %arg5[%gather3A_646, %and3A_9] : memref<10240x8xf32, #tpu.memory_space<vmem>>[vector<16xi32>, vector<16xi32>], vector<16xf32>,
        %reshape3A_648 = vector.shape_cast %add3A_19 : vector<16xi32> to vector<16x1xi32>
        %gather3A_649 = vector.shape_cast %reshape3A_648 : vector<16x1xi32> to vector<16xi32>
        %gather3A_650 = tpu.dynamic_gather %get3A_556[%gather3A_649] in [0] : vector<16xi32>, vector<16xi32> -> vector<16xi32>
        %gather3A_651 = tpu.vector_load_idx %arg5[%gather3A_650, %and3A_9] : memref<10240x8xf32, #tpu.memory_space<vmem>>[vector<16xi32>, vector<16xi32>], vector<16xf32>,
        %reshape3A_652 = vector.shape_cast %add3A_22 : vector<16xi32> to vector<16x1xi32>
        %gather3A_653 = vector.shape_cast %reshape3A_652 : vector<16x1xi32> to vector<16xi32>
        %gather3A_654 = tpu.dynamic_gather %get3A_556[%gather3A_653] in [0] : vector<16xi32>, vector<16xi32> -> vector<16xi32>
        %gather3A_655 = tpu.vector_load_idx %arg5[%gather3A_654, %and3A_9] : memref<10240x8xf32, #tpu.memory_space<vmem>>[vector<16xi32>, vector<16xi32>], vector<16xf32>,
        %reshape3A_656 = vector.shape_cast %add3A_25 : vector<16xi32> to vector<16x1xi32>
        %gather3A_657 = vector.shape_cast %reshape3A_656 : vector<16x1xi32> to vector<16xi32>
        %gather3A_658 = tpu.dynamic_gather %get3A_556[%gather3A_657] in [0] : vector<16xi32>, vector<16xi32> -> vector<16xi32>
        %gather3A_659 = tpu.vector_load_idx %arg5[%gather3A_658, %and3A_9] : memref<10240x8xf32, #tpu.memory_space<vmem>>[vector<16xi32>, vector<16xi32>], vector<16xf32>,
        %reshape3A_660 = vector.shape_cast %add3A_28 : vector<16xi32> to vector<16x1xi32>
        %gather3A_661 = vector.shape_cast %reshape3A_660 : vector<16x1xi32> to vector<16xi32>
        %gather3A_662 = tpu.dynamic_gather %get3A_556[%gather3A_661] in [0] : vector<16xi32>, vector<16xi32> -> vector<16xi32>
        %gather3A_663 = tpu.vector_load_idx %arg5[%gather3A_662, %and3A_9] : memref<10240x8xf32, #tpu.memory_space<vmem>>[vector<16xi32>, vector<16xi32>], vector<16xf32>,
        %reshape3A_664 = vector.shape_cast %add3A_31 : vector<16xi32> to vector<16x1xi32>
        %gather3A_665 = vector.shape_cast %reshape3A_664 : vector<16x1xi32> to vector<16xi32>
        %gather3A_666 = tpu.dynamic_gather %get3A_556[%gather3A_665] in [0] : vector<16xi32>, vector<16xi32> -> vector<16xi32>
        %gather3A_667 = tpu.vector_load_idx %arg5[%gather3A_666, %and3A_9] : memref<10240x8xf32, #tpu.memory_space<vmem>>[vector<16xi32>, vector<16xi32>], vector<16xf32>,
        %reshape3A_668 = vector.shape_cast %add3A_34 : vector<16xi32> to vector<16x1xi32>
        %gather3A_669 = vector.shape_cast %reshape3A_668 : vector<16x1xi32> to vector<16xi32>
        %gather3A_670 = tpu.dynamic_gather %get3A_556[%gather3A_669] in [0] : vector<16xi32>, vector<16xi32> -> vector<16xi32>
        %gather3A_671 = tpu.vector_load_idx %arg5[%gather3A_670, %and3A_9] : memref<10240x8xf32, #tpu.memory_space<vmem>>[vector<16xi32>, vector<16xi32>], vector<16xf32>,
        %reshape3A_672 = vector.shape_cast %add3A_13 : vector<16xi32> to vector<16x1xi32>
        %gather3A_673 = vector.shape_cast %reshape3A_672 : vector<16x1xi32> to vector<16xi32>
        %gather3A_674 = tpu.dynamic_gather %get3A_560[%gather3A_673] in [0] : vector<16xi32>, vector<16xi32> -> vector<16xi32>
        %gather3A_675 = tpu.vector_load_idx %arg5[%gather3A_674, %and3A_9] : memref<10240x8xf32, #tpu.memory_space<vmem>>[vector<16xi32>, vector<16xi32>], vector<16xf32>,
        %reshape3A_676 = vector.shape_cast %add3A_16 : vector<16xi32> to vector<16x1xi32>
        %gather3A_677 = vector.shape_cast %reshape3A_676 : vector<16x1xi32> to vector<16xi32>
        %gather3A_678 = tpu.dynamic_gather %get3A_560[%gather3A_677] in [0] : vector<16xi32>, vector<16xi32> -> vector<16xi32>
        %gather3A_679 = tpu.vector_load_idx %arg5[%gather3A_678, %and3A_9] : memref<10240x8xf32, #tpu.memory_space<vmem>>[vector<16xi32>, vector<16xi32>], vector<16xf32>,
        %reshape3A_680 = vector.shape_cast %add3A_19 : vector<16xi32> to vector<16x1xi32>
        %gather3A_681 = vector.shape_cast %reshape3A_680 : vector<16x1xi32> to vector<16xi32>
        %gather3A_682 = tpu.dynamic_gather %get3A_560[%gather3A_681] in [0] : vector<16xi32>, vector<16xi32> -> vector<16xi32>
        %gather3A_683 = tpu.vector_load_idx %arg5[%gather3A_682, %and3A_9] : memref<10240x8xf32, #tpu.memory_space<vmem>>[vector<16xi32>, vector<16xi32>], vector<16xf32>,
        %reshape3A_684 = vector.shape_cast %add3A_22 : vector<16xi32> to vector<16x1xi32>
        %gather3A_685 = vector.shape_cast %reshape3A_684 : vector<16x1xi32> to vector<16xi32>
        %gather3A_686 = tpu.dynamic_gather %get3A_560[%gather3A_685] in [0] : vector<16xi32>, vector<16xi32> -> vector<16xi32>
        %gather3A_687 = tpu.vector_load_idx %arg5[%gather3A_686, %and3A_9] : memref<10240x8xf32, #tpu.memory_space<vmem>>[vector<16xi32>, vector<16xi32>], vector<16xf32>,
        %reshape3A_688 = vector.shape_cast %add3A_25 : vector<16xi32> to vector<16x1xi32>
        %gather3A_689 = vector.shape_cast %reshape3A_688 : vector<16x1xi32> to vector<16xi32>
        %gather3A_690 = tpu.dynamic_gather %get3A_560[%gather3A_689] in [0] : vector<16xi32>, vector<16xi32> -> vector<16xi32>
        %gather3A_691 = tpu.vector_load_idx %arg5[%gather3A_690, %and3A_9] : memref<10240x8xf32, #tpu.memory_space<vmem>>[vector<16xi32>, vector<16xi32>], vector<16xf32>,
        %reshape3A_692 = vector.shape_cast %add3A_28 : vector<16xi32> to vector<16x1xi32>
        %gather3A_693 = vector.shape_cast %reshape3A_692 : vector<16x1xi32> to vector<16xi32>
        %gather3A_694 = tpu.dynamic_gather %get3A_560[%gather3A_693] in [0] : vector<16xi32>, vector<16xi32> -> vector<16xi32>
        %gather3A_695 = tpu.vector_load_idx %arg5[%gather3A_694, %and3A_9] : memref<10240x8xf32, #tpu.memory_space<vmem>>[vector<16xi32>, vector<16xi32>], vector<16xf32>,
        %reshape3A_696 = vector.shape_cast %add3A_31 : vector<16xi32> to vector<16x1xi32>
        %gather3A_697 = vector.shape_cast %reshape3A_696 : vector<16x1xi32> to vector<16xi32>
        %gather3A_698 = tpu.dynamic_gather %get3A_560[%gather3A_697] in [0] : vector<16xi32>, vector<16xi32> -> vector<16xi32>
        %gather3A_699 = tpu.vector_load_idx %arg5[%gather3A_698, %and3A_9] : memref<10240x8xf32, #tpu.memory_space<vmem>>[vector<16xi32>, vector<16xi32>], vector<16xf32>,
        %reshape3A_700 = vector.shape_cast %add3A_34 : vector<16xi32> to vector<16x1xi32>
        %gather3A_701 = vector.shape_cast %reshape3A_700 : vector<16x1xi32> to vector<16xi32>
        %gather3A_702 = tpu.dynamic_gather %get3A_560[%gather3A_701] in [0] : vector<16xi32>, vector<16xi32> -> vector<16xi32>
        %gather3A_703 = tpu.vector_load_idx %arg5[%gather3A_702, %and3A_9] : memref<10240x8xf32, #tpu.memory_space<vmem>>[vector<16xi32>, vector<16xi32>], vector<16xf32>,
        %add3A_704 = arith.addf %gather3A_643, %gather3A_659 : vector<16xf32>
        %add3A_705 = arith.addf %gather3A_647, %gather3A_663 : vector<16xf32>
        %add3A_706 = arith.addf %gather3A_651, %gather3A_667 : vector<16xf32>
        %add3A_707 = arith.addf %gather3A_655, %gather3A_671 : vector<16xf32>
        %add3A_708 = arith.addf %add3A_704, %gather3A_675 : vector<16xf32>
        %add3A_709 = arith.addf %add3A_705, %gather3A_679 : vector<16xf32>
        %add3A_710 = arith.addf %add3A_706, %gather3A_683 : vector<16xf32>
        %add3A_711 = arith.addf %add3A_707, %gather3A_687 : vector<16xf32>
        %add3A_712 = arith.addf %add3A_708, %gather3A_691 : vector<16xf32>
        %add3A_713 = arith.addf %add3A_709, %gather3A_695 : vector<16xf32>
        %add3A_714 = arith.addf %add3A_710, %gather3A_699 : vector<16xf32>
        %add3A_715 = arith.addf %add3A_711, %gather3A_703 : vector<16xf32>
        %add3A_716 = arith.addf %add3A_712, %add3A_713 : vector<16xf32>
        %add3A_717 = arith.addf %add3A_714, %add3A_715 : vector<16xf32>
        %add3A_718 = arith.addf %add3A_716, %add3A_717 : vector<16xf32>
        %select_n3A_719 = arith.select %lt3A_38, %add3A_639, %add3A_718 : vector<16xi1>, vector<16xf32>
        %reshape3A_720 = vector.shape_cast %xor3A_36 : vector<16xi32> to vector<16x1xi32>
        %gather3A_721 = vector.shape_cast %reshape3A_720 : vector<16x1xi32> to vector<16xi32>
        %gather3A_722 = tpu.dynamic_gather %add3A_639[%gather3A_721] in [0] : vector<16xf32>, vector<16xi32> -> vector<16xf32>
        %reshape3A_723 = vector.shape_cast %xor3A_36 : vector<16xi32> to vector<16x1xi32>
        %gather3A_724 = vector.shape_cast %reshape3A_723 : vector<16x1xi32> to vector<16xi32>
        %gather3A_725 = tpu.dynamic_gather %add3A_718[%gather3A_724] in [0] : vector<16xf32>, vector<16xi32> -> vector<16xf32>
        %select_n3A_726 = arith.select %lt3A_38, %gather3A_722, %gather3A_725 : vector<16xi1>, vector<16xf32>
        %add3A_727 = arith.addf %select_n3A_719, %select_n3A_726 : vector<16xf32>
        %mul3A_728 = arith.constant 80 : i32
        %mul3A_729 = arith.muli %add3A_117, %mul3A_728 : i32
        %mul3A_730 = arith.constant 2 : i32
        %mul3A_731 = arith.muli %add3A_542, %mul3A_730 : i32
        %add3A_732 = arith.addi %mul3A_729, %mul3A_731 : i32
        %broadcast_in_dim3A_733 = vector.broadcast %add3A_732 : i32 to vector<16xi32>
        %add3A_734 = arith.addi %broadcast_in_dim3A_733, %shift_right_logical3A_11 : vector<16xi32>
        %add3A_735 = vector.broadcast %mul3A_40 : i32 to vector<16xi32>
        %add3A_736 = arith.addi %add3A_734, %add3A_735 : vector<16xi32>
        %gather3A_737 = tpu.vector_load_idx %arg5[%add3A_736, %and3A_9] : memref<10240x8xf32, #tpu.memory_space<vmem>>[vector<16xi32>, vector<16xi32>], vector<16xf32>,
        %add3A_738 = arith.addf %add3A_727, %gather3A_737 : vector<16xf32>
        %mul3A_739 = arith.constant 0.0303030312 : f32
        %mul3A_740 = vector.broadcast %mul3A_739 : f32 to vector<16xf32>
        %mul3A_741 = arith.mulf %add3A_738, %mul3A_740 : vector<16xf32>
        tpu.vector_store_idx %arg6[%add3A_734, %and3A_9], %mul3A_741 : memref<5120x8xf32, #tpu.memory_space<vmem>>[vector<16xi32>, vector<16xi32>], vector<16xf32>,
        %mul3A_742 = arith.constant 8 : i32
        %mul3A_743 = arith.muli %scan3A_137, %mul3A_742 : i32
        %add3A_744 = arith.constant 3 : i32
        %add3A_745 = arith.addi %mul3A_743, %add3A_744 : i32
        %mul3A_746 = arith.constant 2 : i32
        %mul3A_747 = arith.muli %add3A_745, %mul3A_746 : i32
        %mul3A_748 = arith.constant 32 : i32
        %mul3A_749 = arith.muli %mul3A_747, %mul3A_748 : i32
        %get3A_750 = arith.index_cast %mul3A_749 : i32 to index
        %get3A_751 = tpu.vector_load %arg8[%get3A_750] {strides = array<i32>} : memref<2560xi32, #tpu.memory_space<vmem>>, vector<16xi32>,
        %add3A_752 = arith.constant 16 : i32
        %add3A_753 = arith.addi %mul3A_749, %add3A_752 : i32
        %get3A_754 = arith.index_cast %add3A_753 : i32 to index
        %get3A_755 = tpu.vector_load %arg8[%get3A_754] {strides = array<i32>} : memref<2560xi32, #tpu.memory_space<vmem>>, vector<16xi32>,
        %add3A_756 = arith.constant 32 : i32
        %add3A_757 = arith.addi %mul3A_749, %add3A_756 : i32
        %get3A_758 = arith.index_cast %add3A_757 : i32 to index
        %get3A_759 = tpu.vector_load %arg8[%get3A_758] {strides = array<i32>} : memref<2560xi32, #tpu.memory_space<vmem>>, vector<16xi32>,
        %add3A_760 = arith.constant 48 : i32
        %add3A_761 = arith.addi %mul3A_749, %add3A_760 : i32
        %get3A_762 = arith.index_cast %add3A_761 : i32 to index
        %get3A_763 = tpu.vector_load %arg8[%get3A_762] {strides = array<i32>} : memref<2560xi32, #tpu.memory_space<vmem>>, vector<16xi32>,
        %reshape3A_764 = vector.shape_cast %add3A_13 : vector<16xi32> to vector<16x1xi32>
        %gather3A_765 = vector.shape_cast %reshape3A_764 : vector<16x1xi32> to vector<16xi32>
        %gather3A_766 = tpu.dynamic_gather %get3A_751[%gather3A_765] in [0] : vector<16xi32>, vector<16xi32> -> vector<16xi32>
        %gather3A_767 = tpu.vector_load_idx %arg5[%gather3A_766, %and3A_9] : memref<10240x8xf32, #tpu.memory_space<vmem>>[vector<16xi32>, vector<16xi32>], vector<16xf32>,
        %reshape3A_768 = vector.shape_cast %add3A_16 : vector<16xi32> to vector<16x1xi32>
        %gather3A_769 = vector.shape_cast %reshape3A_768 : vector<16x1xi32> to vector<16xi32>
        %gather3A_770 = tpu.dynamic_gather %get3A_751[%gather3A_769] in [0] : vector<16xi32>, vector<16xi32> -> vector<16xi32>
        %gather3A_771 = tpu.vector_load_idx %arg5[%gather3A_770, %and3A_9] : memref<10240x8xf32, #tpu.memory_space<vmem>>[vector<16xi32>, vector<16xi32>], vector<16xf32>,
        %reshape3A_772 = vector.shape_cast %add3A_19 : vector<16xi32> to vector<16x1xi32>
        %gather3A_773 = vector.shape_cast %reshape3A_772 : vector<16x1xi32> to vector<16xi32>
        %gather3A_774 = tpu.dynamic_gather %get3A_751[%gather3A_773] in [0] : vector<16xi32>, vector<16xi32> -> vector<16xi32>
        %gather3A_775 = tpu.vector_load_idx %arg5[%gather3A_774, %and3A_9] : memref<10240x8xf32, #tpu.memory_space<vmem>>[vector<16xi32>, vector<16xi32>], vector<16xf32>,
        %reshape3A_776 = vector.shape_cast %add3A_22 : vector<16xi32> to vector<16x1xi32>
        %gather3A_777 = vector.shape_cast %reshape3A_776 : vector<16x1xi32> to vector<16xi32>
        %gather3A_778 = tpu.dynamic_gather %get3A_751[%gather3A_777] in [0] : vector<16xi32>, vector<16xi32> -> vector<16xi32>
        %gather3A_779 = tpu.vector_load_idx %arg5[%gather3A_778, %and3A_9] : memref<10240x8xf32, #tpu.memory_space<vmem>>[vector<16xi32>, vector<16xi32>], vector<16xf32>,
        %reshape3A_780 = vector.shape_cast %add3A_25 : vector<16xi32> to vector<16x1xi32>
        %gather3A_781 = vector.shape_cast %reshape3A_780 : vector<16x1xi32> to vector<16xi32>
        %gather3A_782 = tpu.dynamic_gather %get3A_751[%gather3A_781] in [0] : vector<16xi32>, vector<16xi32> -> vector<16xi32>
        %gather3A_783 = tpu.vector_load_idx %arg5[%gather3A_782, %and3A_9] : memref<10240x8xf32, #tpu.memory_space<vmem>>[vector<16xi32>, vector<16xi32>], vector<16xf32>,
        %reshape3A_784 = vector.shape_cast %add3A_28 : vector<16xi32> to vector<16x1xi32>
        %gather3A_785 = vector.shape_cast %reshape3A_784 : vector<16x1xi32> to vector<16xi32>
        %gather3A_786 = tpu.dynamic_gather %get3A_751[%gather3A_785] in [0] : vector<16xi32>, vector<16xi32> -> vector<16xi32>
        %gather3A_787 = tpu.vector_load_idx %arg5[%gather3A_786, %and3A_9] : memref<10240x8xf32, #tpu.memory_space<vmem>>[vector<16xi32>, vector<16xi32>], vector<16xf32>,
        %reshape3A_788 = vector.shape_cast %add3A_31 : vector<16xi32> to vector<16x1xi32>
        %gather3A_789 = vector.shape_cast %reshape3A_788 : vector<16x1xi32> to vector<16xi32>
        %gather3A_790 = tpu.dynamic_gather %get3A_751[%gather3A_789] in [0] : vector<16xi32>, vector<16xi32> -> vector<16xi32>
        %gather3A_791 = tpu.vector_load_idx %arg5[%gather3A_790, %and3A_9] : memref<10240x8xf32, #tpu.memory_space<vmem>>[vector<16xi32>, vector<16xi32>], vector<16xf32>,
        %reshape3A_792 = vector.shape_cast %add3A_34 : vector<16xi32> to vector<16x1xi32>
        %gather3A_793 = vector.shape_cast %reshape3A_792 : vector<16x1xi32> to vector<16xi32>
        %gather3A_794 = tpu.dynamic_gather %get3A_751[%gather3A_793] in [0] : vector<16xi32>, vector<16xi32> -> vector<16xi32>
        %gather3A_795 = tpu.vector_load_idx %arg5[%gather3A_794, %and3A_9] : memref<10240x8xf32, #tpu.memory_space<vmem>>[vector<16xi32>, vector<16xi32>], vector<16xf32>,
        %reshape3A_796 = vector.shape_cast %add3A_13 : vector<16xi32> to vector<16x1xi32>
        %gather3A_797 = vector.shape_cast %reshape3A_796 : vector<16x1xi32> to vector<16xi32>
        %gather3A_798 = tpu.dynamic_gather %get3A_755[%gather3A_797] in [0] : vector<16xi32>, vector<16xi32> -> vector<16xi32>
        %gather3A_799 = tpu.vector_load_idx %arg5[%gather3A_798, %and3A_9] : memref<10240x8xf32, #tpu.memory_space<vmem>>[vector<16xi32>, vector<16xi32>], vector<16xf32>,
        %reshape3A_800 = vector.shape_cast %add3A_16 : vector<16xi32> to vector<16x1xi32>
        %gather3A_801 = vector.shape_cast %reshape3A_800 : vector<16x1xi32> to vector<16xi32>
        %gather3A_802 = tpu.dynamic_gather %get3A_755[%gather3A_801] in [0] : vector<16xi32>, vector<16xi32> -> vector<16xi32>
        %gather3A_803 = tpu.vector_load_idx %arg5[%gather3A_802, %and3A_9] : memref<10240x8xf32, #tpu.memory_space<vmem>>[vector<16xi32>, vector<16xi32>], vector<16xf32>,
        %reshape3A_804 = vector.shape_cast %add3A_19 : vector<16xi32> to vector<16x1xi32>
        %gather3A_805 = vector.shape_cast %reshape3A_804 : vector<16x1xi32> to vector<16xi32>
        %gather3A_806 = tpu.dynamic_gather %get3A_755[%gather3A_805] in [0] : vector<16xi32>, vector<16xi32> -> vector<16xi32>
        %gather3A_807 = tpu.vector_load_idx %arg5[%gather3A_806, %and3A_9] : memref<10240x8xf32, #tpu.memory_space<vmem>>[vector<16xi32>, vector<16xi32>], vector<16xf32>,
        %reshape3A_808 = vector.shape_cast %add3A_22 : vector<16xi32> to vector<16x1xi32>
        %gather3A_809 = vector.shape_cast %reshape3A_808 : vector<16x1xi32> to vector<16xi32>
        %gather3A_810 = tpu.dynamic_gather %get3A_755[%gather3A_809] in [0] : vector<16xi32>, vector<16xi32> -> vector<16xi32>
        %gather3A_811 = tpu.vector_load_idx %arg5[%gather3A_810, %and3A_9] : memref<10240x8xf32, #tpu.memory_space<vmem>>[vector<16xi32>, vector<16xi32>], vector<16xf32>,
        %reshape3A_812 = vector.shape_cast %add3A_25 : vector<16xi32> to vector<16x1xi32>
        %gather3A_813 = vector.shape_cast %reshape3A_812 : vector<16x1xi32> to vector<16xi32>
        %gather3A_814 = tpu.dynamic_gather %get3A_755[%gather3A_813] in [0] : vector<16xi32>, vector<16xi32> -> vector<16xi32>
        %gather3A_815 = tpu.vector_load_idx %arg5[%gather3A_814, %and3A_9] : memref<10240x8xf32, #tpu.memory_space<vmem>>[vector<16xi32>, vector<16xi32>], vector<16xf32>,
        %reshape3A_816 = vector.shape_cast %add3A_28 : vector<16xi32> to vector<16x1xi32>
        %gather3A_817 = vector.shape_cast %reshape3A_816 : vector<16x1xi32> to vector<16xi32>
        %gather3A_818 = tpu.dynamic_gather %get3A_755[%gather3A_817] in [0] : vector<16xi32>, vector<16xi32> -> vector<16xi32>
        %gather3A_819 = tpu.vector_load_idx %arg5[%gather3A_818, %and3A_9] : memref<10240x8xf32, #tpu.memory_space<vmem>>[vector<16xi32>, vector<16xi32>], vector<16xf32>,
        %reshape3A_820 = vector.shape_cast %add3A_31 : vector<16xi32> to vector<16x1xi32>
        %gather3A_821 = vector.shape_cast %reshape3A_820 : vector<16x1xi32> to vector<16xi32>
        %gather3A_822 = tpu.dynamic_gather %get3A_755[%gather3A_821] in [0] : vector<16xi32>, vector<16xi32> -> vector<16xi32>
        %gather3A_823 = tpu.vector_load_idx %arg5[%gather3A_822, %and3A_9] : memref<10240x8xf32, #tpu.memory_space<vmem>>[vector<16xi32>, vector<16xi32>], vector<16xf32>,
        %reshape3A_824 = vector.shape_cast %add3A_34 : vector<16xi32> to vector<16x1xi32>
        %gather3A_825 = vector.shape_cast %reshape3A_824 : vector<16x1xi32> to vector<16xi32>
        %gather3A_826 = tpu.dynamic_gather %get3A_755[%gather3A_825] in [0] : vector<16xi32>, vector<16xi32> -> vector<16xi32>
        %gather3A_827 = tpu.vector_load_idx %arg5[%gather3A_826, %and3A_9] : memref<10240x8xf32, #tpu.memory_space<vmem>>[vector<16xi32>, vector<16xi32>], vector<16xf32>,
        %add3A_828 = arith.addf %gather3A_767, %gather3A_783 : vector<16xf32>
        %add3A_829 = arith.addf %gather3A_771, %gather3A_787 : vector<16xf32>
        %add3A_830 = arith.addf %gather3A_775, %gather3A_791 : vector<16xf32>
        %add3A_831 = arith.addf %gather3A_779, %gather3A_795 : vector<16xf32>
        %add3A_832 = arith.addf %add3A_828, %gather3A_799 : vector<16xf32>
        %add3A_833 = arith.addf %add3A_829, %gather3A_803 : vector<16xf32>
        %add3A_834 = arith.addf %add3A_830, %gather3A_807 : vector<16xf32>
        %add3A_835 = arith.addf %add3A_831, %gather3A_811 : vector<16xf32>
        %add3A_836 = arith.addf %add3A_832, %gather3A_815 : vector<16xf32>
        %add3A_837 = arith.addf %add3A_833, %gather3A_819 : vector<16xf32>
        %add3A_838 = arith.addf %add3A_834, %gather3A_823 : vector<16xf32>
        %add3A_839 = arith.addf %add3A_835, %gather3A_827 : vector<16xf32>
        %add3A_840 = arith.addf %add3A_836, %add3A_837 : vector<16xf32>
        %add3A_841 = arith.addf %add3A_838, %add3A_839 : vector<16xf32>
        %add3A_842 = arith.addf %add3A_840, %add3A_841 : vector<16xf32>
        %reshape3A_843 = vector.shape_cast %add3A_13 : vector<16xi32> to vector<16x1xi32>
        %gather3A_844 = vector.shape_cast %reshape3A_843 : vector<16x1xi32> to vector<16xi32>
        %gather3A_845 = tpu.dynamic_gather %get3A_759[%gather3A_844] in [0] : vector<16xi32>, vector<16xi32> -> vector<16xi32>
        %gather3A_846 = tpu.vector_load_idx %arg5[%gather3A_845, %and3A_9] : memref<10240x8xf32, #tpu.memory_space<vmem>>[vector<16xi32>, vector<16xi32>], vector<16xf32>,
        %reshape3A_847 = vector.shape_cast %add3A_16 : vector<16xi32> to vector<16x1xi32>
        %gather3A_848 = vector.shape_cast %reshape3A_847 : vector<16x1xi32> to vector<16xi32>
        %gather3A_849 = tpu.dynamic_gather %get3A_759[%gather3A_848] in [0] : vector<16xi32>, vector<16xi32> -> vector<16xi32>
        %gather3A_850 = tpu.vector_load_idx %arg5[%gather3A_849, %and3A_9] : memref<10240x8xf32, #tpu.memory_space<vmem>>[vector<16xi32>, vector<16xi32>], vector<16xf32>,
        %reshape3A_851 = vector.shape_cast %add3A_19 : vector<16xi32> to vector<16x1xi32>
        %gather3A_852 = vector.shape_cast %reshape3A_851 : vector<16x1xi32> to vector<16xi32>
        %gather3A_853 = tpu.dynamic_gather %get3A_759[%gather3A_852] in [0] : vector<16xi32>, vector<16xi32> -> vector<16xi32>
        %gather3A_854 = tpu.vector_load_idx %arg5[%gather3A_853, %and3A_9] : memref<10240x8xf32, #tpu.memory_space<vmem>>[vector<16xi32>, vector<16xi32>], vector<16xf32>,
        %reshape3A_855 = vector.shape_cast %add3A_22 : vector<16xi32> to vector<16x1xi32>
        %gather3A_856 = vector.shape_cast %reshape3A_855 : vector<16x1xi32> to vector<16xi32>
        %gather3A_857 = tpu.dynamic_gather %get3A_759[%gather3A_856] in [0] : vector<16xi32>, vector<16xi32> -> vector<16xi32>
        %gather3A_858 = tpu.vector_load_idx %arg5[%gather3A_857, %and3A_9] : memref<10240x8xf32, #tpu.memory_space<vmem>>[vector<16xi32>, vector<16xi32>], vector<16xf32>,
        %reshape3A_859 = vector.shape_cast %add3A_25 : vector<16xi32> to vector<16x1xi32>
        %gather3A_860 = vector.shape_cast %reshape3A_859 : vector<16x1xi32> to vector<16xi32>
        %gather3A_861 = tpu.dynamic_gather %get3A_759[%gather3A_860] in [0] : vector<16xi32>, vector<16xi32> -> vector<16xi32>
        %gather3A_862 = tpu.vector_load_idx %arg5[%gather3A_861, %and3A_9] : memref<10240x8xf32, #tpu.memory_space<vmem>>[vector<16xi32>, vector<16xi32>], vector<16xf32>,
        %reshape3A_863 = vector.shape_cast %add3A_28 : vector<16xi32> to vector<16x1xi32>
        %gather3A_864 = vector.shape_cast %reshape3A_863 : vector<16x1xi32> to vector<16xi32>
        %gather3A_865 = tpu.dynamic_gather %get3A_759[%gather3A_864] in [0] : vector<16xi32>, vector<16xi32> -> vector<16xi32>
        %gather3A_866 = tpu.vector_load_idx %arg5[%gather3A_865, %and3A_9] : memref<10240x8xf32, #tpu.memory_space<vmem>>[vector<16xi32>, vector<16xi32>], vector<16xf32>,
        %reshape3A_867 = vector.shape_cast %add3A_31 : vector<16xi32> to vector<16x1xi32>
        %gather3A_868 = vector.shape_cast %reshape3A_867 : vector<16x1xi32> to vector<16xi32>
        %gather3A_869 = tpu.dynamic_gather %get3A_759[%gather3A_868] in [0] : vector<16xi32>, vector<16xi32> -> vector<16xi32>
        %gather3A_870 = tpu.vector_load_idx %arg5[%gather3A_869, %and3A_9] : memref<10240x8xf32, #tpu.memory_space<vmem>>[vector<16xi32>, vector<16xi32>], vector<16xf32>,
        %reshape3A_871 = vector.shape_cast %add3A_34 : vector<16xi32> to vector<16x1xi32>
        %gather3A_872 = vector.shape_cast %reshape3A_871 : vector<16x1xi32> to vector<16xi32>
        %gather3A_873 = tpu.dynamic_gather %get3A_759[%gather3A_872] in [0] : vector<16xi32>, vector<16xi32> -> vector<16xi32>
        %gather3A_874 = tpu.vector_load_idx %arg5[%gather3A_873, %and3A_9] : memref<10240x8xf32, #tpu.memory_space<vmem>>[vector<16xi32>, vector<16xi32>], vector<16xf32>,
        %reshape3A_875 = vector.shape_cast %add3A_13 : vector<16xi32> to vector<16x1xi32>
        %gather3A_876 = vector.shape_cast %reshape3A_875 : vector<16x1xi32> to vector<16xi32>
        %gather3A_877 = tpu.dynamic_gather %get3A_763[%gather3A_876] in [0] : vector<16xi32>, vector<16xi32> -> vector<16xi32>
        %gather3A_878 = tpu.vector_load_idx %arg5[%gather3A_877, %and3A_9] : memref<10240x8xf32, #tpu.memory_space<vmem>>[vector<16xi32>, vector<16xi32>], vector<16xf32>,
        %reshape3A_879 = vector.shape_cast %add3A_16 : vector<16xi32> to vector<16x1xi32>
        %gather3A_880 = vector.shape_cast %reshape3A_879 : vector<16x1xi32> to vector<16xi32>
        %gather3A_881 = tpu.dynamic_gather %get3A_763[%gather3A_880] in [0] : vector<16xi32>, vector<16xi32> -> vector<16xi32>
        %gather3A_882 = tpu.vector_load_idx %arg5[%gather3A_881, %and3A_9] : memref<10240x8xf32, #tpu.memory_space<vmem>>[vector<16xi32>, vector<16xi32>], vector<16xf32>,
        %reshape3A_883 = vector.shape_cast %add3A_19 : vector<16xi32> to vector<16x1xi32>
        %gather3A_884 = vector.shape_cast %reshape3A_883 : vector<16x1xi32> to vector<16xi32>
        %gather3A_885 = tpu.dynamic_gather %get3A_763[%gather3A_884] in [0] : vector<16xi32>, vector<16xi32> -> vector<16xi32>
        %gather3A_886 = tpu.vector_load_idx %arg5[%gather3A_885, %and3A_9] : memref<10240x8xf32, #tpu.memory_space<vmem>>[vector<16xi32>, vector<16xi32>], vector<16xf32>,
        %reshape3A_887 = vector.shape_cast %add3A_22 : vector<16xi32> to vector<16x1xi32>
        %gather3A_888 = vector.shape_cast %reshape3A_887 : vector<16x1xi32> to vector<16xi32>
        %gather3A_889 = tpu.dynamic_gather %get3A_763[%gather3A_888] in [0] : vector<16xi32>, vector<16xi32> -> vector<16xi32>
        %gather3A_890 = tpu.vector_load_idx %arg5[%gather3A_889, %and3A_9] : memref<10240x8xf32, #tpu.memory_space<vmem>>[vector<16xi32>, vector<16xi32>], vector<16xf32>,
        %reshape3A_891 = vector.shape_cast %add3A_25 : vector<16xi32> to vector<16x1xi32>
        %gather3A_892 = vector.shape_cast %reshape3A_891 : vector<16x1xi32> to vector<16xi32>
        %gather3A_893 = tpu.dynamic_gather %get3A_763[%gather3A_892] in [0] : vector<16xi32>, vector<16xi32> -> vector<16xi32>
        %gather3A_894 = tpu.vector_load_idx %arg5[%gather3A_893, %and3A_9] : memref<10240x8xf32, #tpu.memory_space<vmem>>[vector<16xi32>, vector<16xi32>], vector<16xf32>,
        %reshape3A_895 = vector.shape_cast %add3A_28 : vector<16xi32> to vector<16x1xi32>
        %gather3A_896 = vector.shape_cast %reshape3A_895 : vector<16x1xi32> to vector<16xi32>
        %gather3A_897 = tpu.dynamic_gather %get3A_763[%gather3A_896] in [0] : vector<16xi32>, vector<16xi32> -> vector<16xi32>
        %gather3A_898 = tpu.vector_load_idx %arg5[%gather3A_897, %and3A_9] : memref<10240x8xf32, #tpu.memory_space<vmem>>[vector<16xi32>, vector<16xi32>], vector<16xf32>,
        %reshape3A_899 = vector.shape_cast %add3A_31 : vector<16xi32> to vector<16x1xi32>
        %gather3A_900 = vector.shape_cast %reshape3A_899 : vector<16x1xi32> to vector<16xi32>
        %gather3A_901 = tpu.dynamic_gather %get3A_763[%gather3A_900] in [0] : vector<16xi32>, vector<16xi32> -> vector<16xi32>
        %gather3A_902 = tpu.vector_load_idx %arg5[%gather3A_901, %and3A_9] : memref<10240x8xf32, #tpu.memory_space<vmem>>[vector<16xi32>, vector<16xi32>], vector<16xf32>,
        %reshape3A_903 = vector.shape_cast %add3A_34 : vector<16xi32> to vector<16x1xi32>
        %gather3A_904 = vector.shape_cast %reshape3A_903 : vector<16x1xi32> to vector<16xi32>
        %gather3A_905 = tpu.dynamic_gather %get3A_763[%gather3A_904] in [0] : vector<16xi32>, vector<16xi32> -> vector<16xi32>
        %gather3A_906 = tpu.vector_load_idx %arg5[%gather3A_905, %and3A_9] : memref<10240x8xf32, #tpu.memory_space<vmem>>[vector<16xi32>, vector<16xi32>], vector<16xf32>,
        %add3A_907 = arith.addf %gather3A_846, %gather3A_862 : vector<16xf32>
        %add3A_908 = arith.addf %gather3A_850, %gather3A_866 : vector<16xf32>
        %add3A_909 = arith.addf %gather3A_854, %gather3A_870 : vector<16xf32>
        %add3A_910 = arith.addf %gather3A_858, %gather3A_874 : vector<16xf32>
        %add3A_911 = arith.addf %add3A_907, %gather3A_878 : vector<16xf32>
        %add3A_912 = arith.addf %add3A_908, %gather3A_882 : vector<16xf32>
        %add3A_913 = arith.addf %add3A_909, %gather3A_886 : vector<16xf32>
        %add3A_914 = arith.addf %add3A_910, %gather3A_890 : vector<16xf32>
        %add3A_915 = arith.addf %add3A_911, %gather3A_894 : vector<16xf32>
        %add3A_916 = arith.addf %add3A_912, %gather3A_898 : vector<16xf32>
        %add3A_917 = arith.addf %add3A_913, %gather3A_902 : vector<16xf32>
        %add3A_918 = arith.addf %add3A_914, %gather3A_906 : vector<16xf32>
        %add3A_919 = arith.addf %add3A_915, %add3A_916 : vector<16xf32>
        %add3A_920 = arith.addf %add3A_917, %add3A_918 : vector<16xf32>
        %add3A_921 = arith.addf %add3A_919, %add3A_920 : vector<16xf32>
        %select_n3A_922 = arith.select %lt3A_38, %add3A_842, %add3A_921 : vector<16xi1>, vector<16xf32>
        %reshape3A_923 = vector.shape_cast %xor3A_36 : vector<16xi32> to vector<16x1xi32>
        %gather3A_924 = vector.shape_cast %reshape3A_923 : vector<16x1xi32> to vector<16xi32>
        %gather3A_925 = tpu.dynamic_gather %add3A_842[%gather3A_924] in [0] : vector<16xf32>, vector<16xi32> -> vector<16xf32>
        %reshape3A_926 = vector.shape_cast %xor3A_36 : vector<16xi32> to vector<16x1xi32>
        %gather3A_927 = vector.shape_cast %reshape3A_926 : vector<16x1xi32> to vector<16xi32>
        %gather3A_928 = tpu.dynamic_gather %add3A_921[%gather3A_927] in [0] : vector<16xf32>, vector<16xi32> -> vector<16xf32>
        %select_n3A_929 = arith.select %lt3A_38, %gather3A_925, %gather3A_928 : vector<16xi1>, vector<16xf32>
        %add3A_930 = arith.addf %select_n3A_922, %select_n3A_929 : vector<16xf32>
        %mul3A_931 = arith.constant 80 : i32
        %mul3A_932 = arith.muli %add3A_117, %mul3A_931 : i32
        %mul3A_933 = arith.constant 2 : i32
        %mul3A_934 = arith.muli %add3A_745, %mul3A_933 : i32
        %add3A_935 = arith.addi %mul3A_932, %mul3A_934 : i32
        %broadcast_in_dim3A_936 = vector.broadcast %add3A_935 : i32 to vector<16xi32>
        %add3A_937 = arith.addi %broadcast_in_dim3A_936, %shift_right_logical3A_11 : vector<16xi32>
        %add3A_938 = vector.broadcast %mul3A_40 : i32 to vector<16xi32>
        %add3A_939 = arith.addi %add3A_937, %add3A_938 : vector<16xi32>
        %gather3A_940 = tpu.vector_load_idx %arg5[%add3A_939, %and3A_9] : memref<10240x8xf32, #tpu.memory_space<vmem>>[vector<16xi32>, vector<16xi32>], vector<16xf32>,
        %add3A_941 = arith.addf %add3A_930, %gather3A_940 : vector<16xf32>
        %mul3A_942 = arith.constant 0.0303030312 : f32
        %mul3A_943 = vector.broadcast %mul3A_942 : f32 to vector<16xf32>
        %mul3A_944 = arith.mulf %add3A_941, %mul3A_943 : vector<16xf32>
        tpu.vector_store_idx %arg6[%add3A_937, %and3A_9], %mul3A_944 : memref<5120x8xf32, #tpu.memory_space<vmem>>[vector<16xi32>, vector<16xi32>], vector<16xf32>,
        %mul3A_945 = arith.constant 8 : i32
        %mul3A_946 = arith.muli %scan3A_137, %mul3A_945 : i32
        %add3A_947 = arith.constant 4 : i32
        %add3A_948 = arith.addi %mul3A_946, %add3A_947 : i32
        %mul3A_949 = arith.constant 2 : i32
        %mul3A_950 = arith.muli %add3A_948, %mul3A_949 : i32
        %mul3A_951 = arith.constant 32 : i32
        %mul3A_952 = arith.muli %mul3A_950, %mul3A_951 : i32
        %get3A_953 = arith.index_cast %mul3A_952 : i32 to index
        %get3A_954 = tpu.vector_load %arg8[%get3A_953] {strides = array<i32>} : memref<2560xi32, #tpu.memory_space<vmem>>, vector<16xi32>,
        %add3A_955 = arith.constant 16 : i32
        %add3A_956 = arith.addi %mul3A_952, %add3A_955 : i32
        %get3A_957 = arith.index_cast %add3A_956 : i32 to index
        %get3A_958 = tpu.vector_load %arg8[%get3A_957] {strides = array<i32>} : memref<2560xi32, #tpu.memory_space<vmem>>, vector<16xi32>,
        %add3A_959 = arith.constant 32 : i32
        %add3A_960 = arith.addi %mul3A_952, %add3A_959 : i32
        %get3A_961 = arith.index_cast %add3A_960 : i32 to index
        %get3A_962 = tpu.vector_load %arg8[%get3A_961] {strides = array<i32>} : memref<2560xi32, #tpu.memory_space<vmem>>, vector<16xi32>,
        %add3A_963 = arith.constant 48 : i32
        %add3A_964 = arith.addi %mul3A_952, %add3A_963 : i32
        %get3A_965 = arith.index_cast %add3A_964 : i32 to index
        %get3A_966 = tpu.vector_load %arg8[%get3A_965] {strides = array<i32>} : memref<2560xi32, #tpu.memory_space<vmem>>, vector<16xi32>,
        %reshape3A_967 = vector.shape_cast %add3A_13 : vector<16xi32> to vector<16x1xi32>
        %gather3A_968 = vector.shape_cast %reshape3A_967 : vector<16x1xi32> to vector<16xi32>
        %gather3A_969 = tpu.dynamic_gather %get3A_954[%gather3A_968] in [0] : vector<16xi32>, vector<16xi32> -> vector<16xi32>
        %gather3A_970 = tpu.vector_load_idx %arg5[%gather3A_969, %and3A_9] : memref<10240x8xf32, #tpu.memory_space<vmem>>[vector<16xi32>, vector<16xi32>], vector<16xf32>,
        %reshape3A_971 = vector.shape_cast %add3A_16 : vector<16xi32> to vector<16x1xi32>
        %gather3A_972 = vector.shape_cast %reshape3A_971 : vector<16x1xi32> to vector<16xi32>
        %gather3A_973 = tpu.dynamic_gather %get3A_954[%gather3A_972] in [0] : vector<16xi32>, vector<16xi32> -> vector<16xi32>
        %gather3A_974 = tpu.vector_load_idx %arg5[%gather3A_973, %and3A_9] : memref<10240x8xf32, #tpu.memory_space<vmem>>[vector<16xi32>, vector<16xi32>], vector<16xf32>,
        %reshape3A_975 = vector.shape_cast %add3A_19 : vector<16xi32> to vector<16x1xi32>
        %gather3A_976 = vector.shape_cast %reshape3A_975 : vector<16x1xi32> to vector<16xi32>
        %gather3A_977 = tpu.dynamic_gather %get3A_954[%gather3A_976] in [0] : vector<16xi32>, vector<16xi32> -> vector<16xi32>
        %gather3A_978 = tpu.vector_load_idx %arg5[%gather3A_977, %and3A_9] : memref<10240x8xf32, #tpu.memory_space<vmem>>[vector<16xi32>, vector<16xi32>], vector<16xf32>,
        %reshape3A_979 = vector.shape_cast %add3A_22 : vector<16xi32> to vector<16x1xi32>
        %gather3A_980 = vector.shape_cast %reshape3A_979 : vector<16x1xi32> to vector<16xi32>
        %gather3A_981 = tpu.dynamic_gather %get3A_954[%gather3A_980] in [0] : vector<16xi32>, vector<16xi32> -> vector<16xi32>
        %gather3A_982 = tpu.vector_load_idx %arg5[%gather3A_981, %and3A_9] : memref<10240x8xf32, #tpu.memory_space<vmem>>[vector<16xi32>, vector<16xi32>], vector<16xf32>,
        %reshape3A_983 = vector.shape_cast %add3A_25 : vector<16xi32> to vector<16x1xi32>
        %gather3A_984 = vector.shape_cast %reshape3A_983 : vector<16x1xi32> to vector<16xi32>
        %gather3A_985 = tpu.dynamic_gather %get3A_954[%gather3A_984] in [0] : vector<16xi32>, vector<16xi32> -> vector<16xi32>
        %gather3A_986 = tpu.vector_load_idx %arg5[%gather3A_985, %and3A_9] : memref<10240x8xf32, #tpu.memory_space<vmem>>[vector<16xi32>, vector<16xi32>], vector<16xf32>,
        %reshape3A_987 = vector.shape_cast %add3A_28 : vector<16xi32> to vector<16x1xi32>
        %gather3A_988 = vector.shape_cast %reshape3A_987 : vector<16x1xi32> to vector<16xi32>
        %gather3A_989 = tpu.dynamic_gather %get3A_954[%gather3A_988] in [0] : vector<16xi32>, vector<16xi32> -> vector<16xi32>
        %gather3A_990 = tpu.vector_load_idx %arg5[%gather3A_989, %and3A_9] : memref<10240x8xf32, #tpu.memory_space<vmem>>[vector<16xi32>, vector<16xi32>], vector<16xf32>,
        %reshape3A_991 = vector.shape_cast %add3A_31 : vector<16xi32> to vector<16x1xi32>
        %gather3A_992 = vector.shape_cast %reshape3A_991 : vector<16x1xi32> to vector<16xi32>
        %gather3A_993 = tpu.dynamic_gather %get3A_954[%gather3A_992] in [0] : vector<16xi32>, vector<16xi32> -> vector<16xi32>
        %gather3A_994 = tpu.vector_load_idx %arg5[%gather3A_993, %and3A_9] : memref<10240x8xf32, #tpu.memory_space<vmem>>[vector<16xi32>, vector<16xi32>], vector<16xf32>,
        %reshape3A_995 = vector.shape_cast %add3A_34 : vector<16xi32> to vector<16x1xi32>
        %gather3A_996 = vector.shape_cast %reshape3A_995 : vector<16x1xi32> to vector<16xi32>
        %gather3A_997 = tpu.dynamic_gather %get3A_954[%gather3A_996] in [0] : vector<16xi32>, vector<16xi32> -> vector<16xi32>
        %gather3A_998 = tpu.vector_load_idx %arg5[%gather3A_997, %and3A_9] : memref<10240x8xf32, #tpu.memory_space<vmem>>[vector<16xi32>, vector<16xi32>], vector<16xf32>,
        %reshape3A_999 = vector.shape_cast %add3A_13 : vector<16xi32> to vector<16x1xi32>
        %gather3A_1000 = vector.shape_cast %reshape3A_999 : vector<16x1xi32> to vector<16xi32>
        %gather3A_1001 = tpu.dynamic_gather %get3A_958[%gather3A_1000] in [0] : vector<16xi32>, vector<16xi32> -> vector<16xi32>
        %gather3A_1002 = tpu.vector_load_idx %arg5[%gather3A_1001, %and3A_9] : memref<10240x8xf32, #tpu.memory_space<vmem>>[vector<16xi32>, vector<16xi32>], vector<16xf32>,
        %reshape3A_1003 = vector.shape_cast %add3A_16 : vector<16xi32> to vector<16x1xi32>
        %gather3A_1004 = vector.shape_cast %reshape3A_1003 : vector<16x1xi32> to vector<16xi32>
        %gather3A_1005 = tpu.dynamic_gather %get3A_958[%gather3A_1004] in [0] : vector<16xi32>, vector<16xi32> -> vector<16xi32>
        %gather3A_1006 = tpu.vector_load_idx %arg5[%gather3A_1005, %and3A_9] : memref<10240x8xf32, #tpu.memory_space<vmem>>[vector<16xi32>, vector<16xi32>], vector<16xf32>,
        %reshape3A_1007 = vector.shape_cast %add3A_19 : vector<16xi32> to vector<16x1xi32>
        %gather3A_1008 = vector.shape_cast %reshape3A_1007 : vector<16x1xi32> to vector<16xi32>
        %gather3A_1009 = tpu.dynamic_gather %get3A_958[%gather3A_1008] in [0] : vector<16xi32>, vector<16xi32> -> vector<16xi32>
        %gather3A_1010 = tpu.vector_load_idx %arg5[%gather3A_1009, %and3A_9] : memref<10240x8xf32, #tpu.memory_space<vmem>>[vector<16xi32>, vector<16xi32>], vector<16xf32>,
        %reshape3A_1011 = vector.shape_cast %add3A_22 : vector<16xi32> to vector<16x1xi32>
        %gather3A_1012 = vector.shape_cast %reshape3A_1011 : vector<16x1xi32> to vector<16xi32>
        %gather3A_1013 = tpu.dynamic_gather %get3A_958[%gather3A_1012] in [0] : vector<16xi32>, vector<16xi32> -> vector<16xi32>
        %gather3A_1014 = tpu.vector_load_idx %arg5[%gather3A_1013, %and3A_9] : memref<10240x8xf32, #tpu.memory_space<vmem>>[vector<16xi32>, vector<16xi32>], vector<16xf32>,
        %reshape3A_1015 = vector.shape_cast %add3A_25 : vector<16xi32> to vector<16x1xi32>
        %gather3A_1016 = vector.shape_cast %reshape3A_1015 : vector<16x1xi32> to vector<16xi32>
        %gather3A_1017 = tpu.dynamic_gather %get3A_958[%gather3A_1016] in [0] : vector<16xi32>, vector<16xi32> -> vector<16xi32>
        %gather3A_1018 = tpu.vector_load_idx %arg5[%gather3A_1017, %and3A_9] : memref<10240x8xf32, #tpu.memory_space<vmem>>[vector<16xi32>, vector<16xi32>], vector<16xf32>,
        %reshape3A_1019 = vector.shape_cast %add3A_28 : vector<16xi32> to vector<16x1xi32>
        %gather3A_1020 = vector.shape_cast %reshape3A_1019 : vector<16x1xi32> to vector<16xi32>
        %gather3A_1021 = tpu.dynamic_gather %get3A_958[%gather3A_1020] in [0] : vector<16xi32>, vector<16xi32> -> vector<16xi32>
        %gather3A_1022 = tpu.vector_load_idx %arg5[%gather3A_1021, %and3A_9] : memref<10240x8xf32, #tpu.memory_space<vmem>>[vector<16xi32>, vector<16xi32>], vector<16xf32>,
        %reshape3A_1023 = vector.shape_cast %add3A_31 : vector<16xi32> to vector<16x1xi32>
        %gather3A_1024 = vector.shape_cast %reshape3A_1023 : vector<16x1xi32> to vector<16xi32>
        %gather3A_1025 = tpu.dynamic_gather %get3A_958[%gather3A_1024] in [0] : vector<16xi32>, vector<16xi32> -> vector<16xi32>
        %gather3A_1026 = tpu.vector_load_idx %arg5[%gather3A_1025, %and3A_9] : memref<10240x8xf32, #tpu.memory_space<vmem>>[vector<16xi32>, vector<16xi32>], vector<16xf32>,
        %reshape3A_1027 = vector.shape_cast %add3A_34 : vector<16xi32> to vector<16x1xi32>
        %gather3A_1028 = vector.shape_cast %reshape3A_1027 : vector<16x1xi32> to vector<16xi32>
        %gather3A_1029 = tpu.dynamic_gather %get3A_958[%gather3A_1028] in [0] : vector<16xi32>, vector<16xi32> -> vector<16xi32>
        %gather3A_1030 = tpu.vector_load_idx %arg5[%gather3A_1029, %and3A_9] : memref<10240x8xf32, #tpu.memory_space<vmem>>[vector<16xi32>, vector<16xi32>], vector<16xf32>,
        %add3A_1031 = arith.addf %gather3A_970, %gather3A_986 : vector<16xf32>
        %add3A_1032 = arith.addf %gather3A_974, %gather3A_990 : vector<16xf32>
        %add3A_1033 = arith.addf %gather3A_978, %gather3A_994 : vector<16xf32>
        %add3A_1034 = arith.addf %gather3A_982, %gather3A_998 : vector<16xf32>
        %add3A_1035 = arith.addf %add3A_1031, %gather3A_1002 : vector<16xf32>
        %add3A_1036 = arith.addf %add3A_1032, %gather3A_1006 : vector<16xf32>
        %add3A_1037 = arith.addf %add3A_1033, %gather3A_1010 : vector<16xf32>
        %add3A_1038 = arith.addf %add3A_1034, %gather3A_1014 : vector<16xf32>
        %add3A_1039 = arith.addf %add3A_1035, %gather3A_1018 : vector<16xf32>
        %add3A_1040 = arith.addf %add3A_1036, %gather3A_1022 : vector<16xf32>
        %add3A_1041 = arith.addf %add3A_1037, %gather3A_1026 : vector<16xf32>
        %add3A_1042 = arith.addf %add3A_1038, %gather3A_1030 : vector<16xf32>
        %add3A_1043 = arith.addf %add3A_1039, %add3A_1040 : vector<16xf32>
        %add3A_1044 = arith.addf %add3A_1041, %add3A_1042 : vector<16xf32>
        %add3A_1045 = arith.addf %add3A_1043, %add3A_1044 : vector<16xf32>
        %reshape3A_1046 = vector.shape_cast %add3A_13 : vector<16xi32> to vector<16x1xi32>
        %gather3A_1047 = vector.shape_cast %reshape3A_1046 : vector<16x1xi32> to vector<16xi32>
        %gather3A_1048 = tpu.dynamic_gather %get3A_962[%gather3A_1047] in [0] : vector<16xi32>, vector<16xi32> -> vector<16xi32>
        %gather3A_1049 = tpu.vector_load_idx %arg5[%gather3A_1048, %and3A_9] : memref<10240x8xf32, #tpu.memory_space<vmem>>[vector<16xi32>, vector<16xi32>], vector<16xf32>,
        %reshape3A_1050 = vector.shape_cast %add3A_16 : vector<16xi32> to vector<16x1xi32>
        %gather3A_1051 = vector.shape_cast %reshape3A_1050 : vector<16x1xi32> to vector<16xi32>
        %gather3A_1052 = tpu.dynamic_gather %get3A_962[%gather3A_1051] in [0] : vector<16xi32>, vector<16xi32> -> vector<16xi32>
        %gather3A_1053 = tpu.vector_load_idx %arg5[%gather3A_1052, %and3A_9] : memref<10240x8xf32, #tpu.memory_space<vmem>>[vector<16xi32>, vector<16xi32>], vector<16xf32>,
        %reshape3A_1054 = vector.shape_cast %add3A_19 : vector<16xi32> to vector<16x1xi32>
        %gather3A_1055 = vector.shape_cast %reshape3A_1054 : vector<16x1xi32> to vector<16xi32>
        %gather3A_1056 = tpu.dynamic_gather %get3A_962[%gather3A_1055] in [0] : vector<16xi32>, vector<16xi32> -> vector<16xi32>
        %gather3A_1057 = tpu.vector_load_idx %arg5[%gather3A_1056, %and3A_9] : memref<10240x8xf32, #tpu.memory_space<vmem>>[vector<16xi32>, vector<16xi32>], vector<16xf32>,
        %reshape3A_1058 = vector.shape_cast %add3A_22 : vector<16xi32> to vector<16x1xi32>
        %gather3A_1059 = vector.shape_cast %reshape3A_1058 : vector<16x1xi32> to vector<16xi32>
        %gather3A_1060 = tpu.dynamic_gather %get3A_962[%gather3A_1059] in [0] : vector<16xi32>, vector<16xi32> -> vector<16xi32>
        %gather3A_1061 = tpu.vector_load_idx %arg5[%gather3A_1060, %and3A_9] : memref<10240x8xf32, #tpu.memory_space<vmem>>[vector<16xi32>, vector<16xi32>], vector<16xf32>,
        %reshape3A_1062 = vector.shape_cast %add3A_25 : vector<16xi32> to vector<16x1xi32>
        %gather3A_1063 = vector.shape_cast %reshape3A_1062 : vector<16x1xi32> to vector<16xi32>
        %gather3A_1064 = tpu.dynamic_gather %get3A_962[%gather3A_1063] in [0] : vector<16xi32>, vector<16xi32> -> vector<16xi32>
        %gather3A_1065 = tpu.vector_load_idx %arg5[%gather3A_1064, %and3A_9] : memref<10240x8xf32, #tpu.memory_space<vmem>>[vector<16xi32>, vector<16xi32>], vector<16xf32>,
        %reshape3A_1066 = vector.shape_cast %add3A_28 : vector<16xi32> to vector<16x1xi32>
        %gather3A_1067 = vector.shape_cast %reshape3A_1066 : vector<16x1xi32> to vector<16xi32>
        %gather3A_1068 = tpu.dynamic_gather %get3A_962[%gather3A_1067] in [0] : vector<16xi32>, vector<16xi32> -> vector<16xi32>
        %gather3A_1069 = tpu.vector_load_idx %arg5[%gather3A_1068, %and3A_9] : memref<10240x8xf32, #tpu.memory_space<vmem>>[vector<16xi32>, vector<16xi32>], vector<16xf32>,
        %reshape3A_1070 = vector.shape_cast %add3A_31 : vector<16xi32> to vector<16x1xi32>
        %gather3A_1071 = vector.shape_cast %reshape3A_1070 : vector<16x1xi32> to vector<16xi32>
        %gather3A_1072 = tpu.dynamic_gather %get3A_962[%gather3A_1071] in [0] : vector<16xi32>, vector<16xi32> -> vector<16xi32>
        %gather3A_1073 = tpu.vector_load_idx %arg5[%gather3A_1072, %and3A_9] : memref<10240x8xf32, #tpu.memory_space<vmem>>[vector<16xi32>, vector<16xi32>], vector<16xf32>,
        %reshape3A_1074 = vector.shape_cast %add3A_34 : vector<16xi32> to vector<16x1xi32>
        %gather3A_1075 = vector.shape_cast %reshape3A_1074 : vector<16x1xi32> to vector<16xi32>
        %gather3A_1076 = tpu.dynamic_gather %get3A_962[%gather3A_1075] in [0] : vector<16xi32>, vector<16xi32> -> vector<16xi32>
        %gather3A_1077 = tpu.vector_load_idx %arg5[%gather3A_1076, %and3A_9] : memref<10240x8xf32, #tpu.memory_space<vmem>>[vector<16xi32>, vector<16xi32>], vector<16xf32>,
        %reshape3A_1078 = vector.shape_cast %add3A_13 : vector<16xi32> to vector<16x1xi32>
        %gather3A_1079 = vector.shape_cast %reshape3A_1078 : vector<16x1xi32> to vector<16xi32>
        %gather3A_1080 = tpu.dynamic_gather %get3A_966[%gather3A_1079] in [0] : vector<16xi32>, vector<16xi32> -> vector<16xi32>
        %gather3A_1081 = tpu.vector_load_idx %arg5[%gather3A_1080, %and3A_9] : memref<10240x8xf32, #tpu.memory_space<vmem>>[vector<16xi32>, vector<16xi32>], vector<16xf32>,
        %reshape3A_1082 = vector.shape_cast %add3A_16 : vector<16xi32> to vector<16x1xi32>
        %gather3A_1083 = vector.shape_cast %reshape3A_1082 : vector<16x1xi32> to vector<16xi32>
        %gather3A_1084 = tpu.dynamic_gather %get3A_966[%gather3A_1083] in [0] : vector<16xi32>, vector<16xi32> -> vector<16xi32>
        %gather3A_1085 = tpu.vector_load_idx %arg5[%gather3A_1084, %and3A_9] : memref<10240x8xf32, #tpu.memory_space<vmem>>[vector<16xi32>, vector<16xi32>], vector<16xf32>,
        %reshape3A_1086 = vector.shape_cast %add3A_19 : vector<16xi32> to vector<16x1xi32>
        %gather3A_1087 = vector.shape_cast %reshape3A_1086 : vector<16x1xi32> to vector<16xi32>
        %gather3A_1088 = tpu.dynamic_gather %get3A_966[%gather3A_1087] in [0] : vector<16xi32>, vector<16xi32> -> vector<16xi32>
        %gather3A_1089 = tpu.vector_load_idx %arg5[%gather3A_1088, %and3A_9] : memref<10240x8xf32, #tpu.memory_space<vmem>>[vector<16xi32>, vector<16xi32>], vector<16xf32>,
        %reshape3A_1090 = vector.shape_cast %add3A_22 : vector<16xi32> to vector<16x1xi32>
        %gather3A_1091 = vector.shape_cast %reshape3A_1090 : vector<16x1xi32> to vector<16xi32>
        %gather3A_1092 = tpu.dynamic_gather %get3A_966[%gather3A_1091] in [0] : vector<16xi32>, vector<16xi32> -> vector<16xi32>
        %gather3A_1093 = tpu.vector_load_idx %arg5[%gather3A_1092, %and3A_9] : memref<10240x8xf32, #tpu.memory_space<vmem>>[vector<16xi32>, vector<16xi32>], vector<16xf32>,
        %reshape3A_1094 = vector.shape_cast %add3A_25 : vector<16xi32> to vector<16x1xi32>
        %gather3A_1095 = vector.shape_cast %reshape3A_1094 : vector<16x1xi32> to vector<16xi32>
        %gather3A_1096 = tpu.dynamic_gather %get3A_966[%gather3A_1095] in [0] : vector<16xi32>, vector<16xi32> -> vector<16xi32>
        %gather3A_1097 = tpu.vector_load_idx %arg5[%gather3A_1096, %and3A_9] : memref<10240x8xf32, #tpu.memory_space<vmem>>[vector<16xi32>, vector<16xi32>], vector<16xf32>,
        %reshape3A_1098 = vector.shape_cast %add3A_28 : vector<16xi32> to vector<16x1xi32>
        %gather3A_1099 = vector.shape_cast %reshape3A_1098 : vector<16x1xi32> to vector<16xi32>
        %gather3A_1100 = tpu.dynamic_gather %get3A_966[%gather3A_1099] in [0] : vector<16xi32>, vector<16xi32> -> vector<16xi32>
        %gather3A_1101 = tpu.vector_load_idx %arg5[%gather3A_1100, %and3A_9] : memref<10240x8xf32, #tpu.memory_space<vmem>>[vector<16xi32>, vector<16xi32>], vector<16xf32>,
        %reshape3A_1102 = vector.shape_cast %add3A_31 : vector<16xi32> to vector<16x1xi32>
        %gather3A_1103 = vector.shape_cast %reshape3A_1102 : vector<16x1xi32> to vector<16xi32>
        %gather3A_1104 = tpu.dynamic_gather %get3A_966[%gather3A_1103] in [0] : vector<16xi32>, vector<16xi32> -> vector<16xi32>
        %gather3A_1105 = tpu.vector_load_idx %arg5[%gather3A_1104, %and3A_9] : memref<10240x8xf32, #tpu.memory_space<vmem>>[vector<16xi32>, vector<16xi32>], vector<16xf32>,
        %reshape3A_1106 = vector.shape_cast %add3A_34 : vector<16xi32> to vector<16x1xi32>
        %gather3A_1107 = vector.shape_cast %reshape3A_1106 : vector<16x1xi32> to vector<16xi32>
        %gather3A_1108 = tpu.dynamic_gather %get3A_966[%gather3A_1107] in [0] : vector<16xi32>, vector<16xi32> -> vector<16xi32>
        %gather3A_1109 = tpu.vector_load_idx %arg5[%gather3A_1108, %and3A_9] : memref<10240x8xf32, #tpu.memory_space<vmem>>[vector<16xi32>, vector<16xi32>], vector<16xf32>,
        %add3A_1110 = arith.addf %gather3A_1049, %gather3A_1065 : vector<16xf32>
        %add3A_1111 = arith.addf %gather3A_1053, %gather3A_1069 : vector<16xf32>
        %add3A_1112 = arith.addf %gather3A_1057, %gather3A_1073 : vector<16xf32>
        %add3A_1113 = arith.addf %gather3A_1061, %gather3A_1077 : vector<16xf32>
        %add3A_1114 = arith.addf %add3A_1110, %gather3A_1081 : vector<16xf32>
        %add3A_1115 = arith.addf %add3A_1111, %gather3A_1085 : vector<16xf32>
        %add3A_1116 = arith.addf %add3A_1112, %gather3A_1089 : vector<16xf32>
        %add3A_1117 = arith.addf %add3A_1113, %gather3A_1093 : vector<16xf32>
        %add3A_1118 = arith.addf %add3A_1114, %gather3A_1097 : vector<16xf32>
        %add3A_1119 = arith.addf %add3A_1115, %gather3A_1101 : vector<16xf32>
        %add3A_1120 = arith.addf %add3A_1116, %gather3A_1105 : vector<16xf32>
        %add3A_1121 = arith.addf %add3A_1117, %gather3A_1109 : vector<16xf32>
        %add3A_1122 = arith.addf %add3A_1118, %add3A_1119 : vector<16xf32>
        %add3A_1123 = arith.addf %add3A_1120, %add3A_1121 : vector<16xf32>
        %add3A_1124 = arith.addf %add3A_1122, %add3A_1123 : vector<16xf32>
        %select_n3A_1125 = arith.select %lt3A_38, %add3A_1045, %add3A_1124 : vector<16xi1>, vector<16xf32>
        %reshape3A_1126 = vector.shape_cast %xor3A_36 : vector<16xi32> to vector<16x1xi32>
        %gather3A_1127 = vector.shape_cast %reshape3A_1126 : vector<16x1xi32> to vector<16xi32>
        %gather3A_1128 = tpu.dynamic_gather %add3A_1045[%gather3A_1127] in [0] : vector<16xf32>, vector<16xi32> -> vector<16xf32>
        %reshape3A_1129 = vector.shape_cast %xor3A_36 : vector<16xi32> to vector<16x1xi32>
        %gather3A_1130 = vector.shape_cast %reshape3A_1129 : vector<16x1xi32> to vector<16xi32>
        %gather3A_1131 = tpu.dynamic_gather %add3A_1124[%gather3A_1130] in [0] : vector<16xf32>, vector<16xi32> -> vector<16xf32>
        %select_n3A_1132 = arith.select %lt3A_38, %gather3A_1128, %gather3A_1131 : vector<16xi1>, vector<16xf32>
        %add3A_1133 = arith.addf %select_n3A_1125, %select_n3A_1132 : vector<16xf32>
        %mul3A_1134 = arith.constant 80 : i32
        %mul3A_1135 = arith.muli %add3A_117, %mul3A_1134 : i32
        %mul3A_1136 = arith.constant 2 : i32
        %mul3A_1137 = arith.muli %add3A_948, %mul3A_1136 : i32
        %add3A_1138 = arith.addi %mul3A_1135, %mul3A_1137 : i32
        %broadcast_in_dim3A_1139 = vector.broadcast %add3A_1138 : i32 to vector<16xi32>
        %add3A_1140 = arith.addi %broadcast_in_dim3A_1139, %shift_right_logical3A_11 : vector<16xi32>
        %add3A_1141 = vector.broadcast %mul3A_40 : i32 to vector<16xi32>
        %add3A_1142 = arith.addi %add3A_1140, %add3A_1141 : vector<16xi32>
        %gather3A_1143 = tpu.vector_load_idx %arg5[%add3A_1142, %and3A_9] : memref<10240x8xf32, #tpu.memory_space<vmem>>[vector<16xi32>, vector<16xi32>], vector<16xf32>,
        %add3A_1144 = arith.addf %add3A_1133, %gather3A_1143 : vector<16xf32>
        %mul3A_1145 = arith.constant 0.0303030312 : f32
        %mul3A_1146 = vector.broadcast %mul3A_1145 : f32 to vector<16xf32>
        %mul3A_1147 = arith.mulf %add3A_1144, %mul3A_1146 : vector<16xf32>
        tpu.vector_store_idx %arg6[%add3A_1140, %and3A_9], %mul3A_1147 : memref<5120x8xf32, #tpu.memory_space<vmem>>[vector<16xi32>, vector<16xi32>], vector<16xf32>,
        %mul3A_1148 = arith.constant 8 : i32
        %mul3A_1149 = arith.muli %scan3A_137, %mul3A_1148 : i32
        %add3A_1150 = arith.constant 5 : i32
        %add3A_1151 = arith.addi %mul3A_1149, %add3A_1150 : i32
        %mul3A_1152 = arith.constant 2 : i32
        %mul3A_1153 = arith.muli %add3A_1151, %mul3A_1152 : i32
        %mul3A_1154 = arith.constant 32 : i32
        %mul3A_1155 = arith.muli %mul3A_1153, %mul3A_1154 : i32
        %get3A_1156 = arith.index_cast %mul3A_1155 : i32 to index
        %get3A_1157 = tpu.vector_load %arg8[%get3A_1156] {strides = array<i32>} : memref<2560xi32, #tpu.memory_space<vmem>>, vector<16xi32>,
        %add3A_1158 = arith.constant 16 : i32
        %add3A_1159 = arith.addi %mul3A_1155, %add3A_1158 : i32
        %get3A_1160 = arith.index_cast %add3A_1159 : i32 to index
        %get3A_1161 = tpu.vector_load %arg8[%get3A_1160] {strides = array<i32>} : memref<2560xi32, #tpu.memory_space<vmem>>, vector<16xi32>,
        %add3A_1162 = arith.constant 32 : i32
        %add3A_1163 = arith.addi %mul3A_1155, %add3A_1162 : i32
        %get3A_1164 = arith.index_cast %add3A_1163 : i32 to index
        %get3A_1165 = tpu.vector_load %arg8[%get3A_1164] {strides = array<i32>} : memref<2560xi32, #tpu.memory_space<vmem>>, vector<16xi32>,
        %add3A_1166 = arith.constant 48 : i32
        %add3A_1167 = arith.addi %mul3A_1155, %add3A_1166 : i32
        %get3A_1168 = arith.index_cast %add3A_1167 : i32 to index
        %get3A_1169 = tpu.vector_load %arg8[%get3A_1168] {strides = array<i32>} : memref<2560xi32, #tpu.memory_space<vmem>>, vector<16xi32>,
        %reshape3A_1170 = vector.shape_cast %add3A_13 : vector<16xi32> to vector<16x1xi32>
        %gather3A_1171 = vector.shape_cast %reshape3A_1170 : vector<16x1xi32> to vector<16xi32>
        %gather3A_1172 = tpu.dynamic_gather %get3A_1157[%gather3A_1171] in [0] : vector<16xi32>, vector<16xi32> -> vector<16xi32>
        %gather3A_1173 = tpu.vector_load_idx %arg5[%gather3A_1172, %and3A_9] : memref<10240x8xf32, #tpu.memory_space<vmem>>[vector<16xi32>, vector<16xi32>], vector<16xf32>,
        %reshape3A_1174 = vector.shape_cast %add3A_16 : vector<16xi32> to vector<16x1xi32>
        %gather3A_1175 = vector.shape_cast %reshape3A_1174 : vector<16x1xi32> to vector<16xi32>
        %gather3A_1176 = tpu.dynamic_gather %get3A_1157[%gather3A_1175] in [0] : vector<16xi32>, vector<16xi32> -> vector<16xi32>
        %gather3A_1177 = tpu.vector_load_idx %arg5[%gather3A_1176, %and3A_9] : memref<10240x8xf32, #tpu.memory_space<vmem>>[vector<16xi32>, vector<16xi32>], vector<16xf32>,
        %reshape3A_1178 = vector.shape_cast %add3A_19 : vector<16xi32> to vector<16x1xi32>
        %gather3A_1179 = vector.shape_cast %reshape3A_1178 : vector<16x1xi32> to vector<16xi32>
        %gather3A_1180 = tpu.dynamic_gather %get3A_1157[%gather3A_1179] in [0] : vector<16xi32>, vector<16xi32> -> vector<16xi32>
        %gather3A_1181 = tpu.vector_load_idx %arg5[%gather3A_1180, %and3A_9] : memref<10240x8xf32, #tpu.memory_space<vmem>>[vector<16xi32>, vector<16xi32>], vector<16xf32>,
        %reshape3A_1182 = vector.shape_cast %add3A_22 : vector<16xi32> to vector<16x1xi32>
        %gather3A_1183 = vector.shape_cast %reshape3A_1182 : vector<16x1xi32> to vector<16xi32>
        %gather3A_1184 = tpu.dynamic_gather %get3A_1157[%gather3A_1183] in [0] : vector<16xi32>, vector<16xi32> -> vector<16xi32>
        %gather3A_1185 = tpu.vector_load_idx %arg5[%gather3A_1184, %and3A_9] : memref<10240x8xf32, #tpu.memory_space<vmem>>[vector<16xi32>, vector<16xi32>], vector<16xf32>,
        %reshape3A_1186 = vector.shape_cast %add3A_25 : vector<16xi32> to vector<16x1xi32>
        %gather3A_1187 = vector.shape_cast %reshape3A_1186 : vector<16x1xi32> to vector<16xi32>
        %gather3A_1188 = tpu.dynamic_gather %get3A_1157[%gather3A_1187] in [0] : vector<16xi32>, vector<16xi32> -> vector<16xi32>
        %gather3A_1189 = tpu.vector_load_idx %arg5[%gather3A_1188, %and3A_9] : memref<10240x8xf32, #tpu.memory_space<vmem>>[vector<16xi32>, vector<16xi32>], vector<16xf32>,
        %reshape3A_1190 = vector.shape_cast %add3A_28 : vector<16xi32> to vector<16x1xi32>
        %gather3A_1191 = vector.shape_cast %reshape3A_1190 : vector<16x1xi32> to vector<16xi32>
        %gather3A_1192 = tpu.dynamic_gather %get3A_1157[%gather3A_1191] in [0] : vector<16xi32>, vector<16xi32> -> vector<16xi32>
        %gather3A_1193 = tpu.vector_load_idx %arg5[%gather3A_1192, %and3A_9] : memref<10240x8xf32, #tpu.memory_space<vmem>>[vector<16xi32>, vector<16xi32>], vector<16xf32>,
        %reshape3A_1194 = vector.shape_cast %add3A_31 : vector<16xi32> to vector<16x1xi32>
        %gather3A_1195 = vector.shape_cast %reshape3A_1194 : vector<16x1xi32> to vector<16xi32>
        %gather3A_1196 = tpu.dynamic_gather %get3A_1157[%gather3A_1195] in [0] : vector<16xi32>, vector<16xi32> -> vector<16xi32>
        %gather3A_1197 = tpu.vector_load_idx %arg5[%gather3A_1196, %and3A_9] : memref<10240x8xf32, #tpu.memory_space<vmem>>[vector<16xi32>, vector<16xi32>], vector<16xf32>,
        %reshape3A_1198 = vector.shape_cast %add3A_34 : vector<16xi32> to vector<16x1xi32>
        %gather3A_1199 = vector.shape_cast %reshape3A_1198 : vector<16x1xi32> to vector<16xi32>
        %gather3A_1200 = tpu.dynamic_gather %get3A_1157[%gather3A_1199] in [0] : vector<16xi32>, vector<16xi32> -> vector<16xi32>
        %gather3A_1201 = tpu.vector_load_idx %arg5[%gather3A_1200, %and3A_9] : memref<10240x8xf32, #tpu.memory_space<vmem>>[vector<16xi32>, vector<16xi32>], vector<16xf32>,
        %reshape3A_1202 = vector.shape_cast %add3A_13 : vector<16xi32> to vector<16x1xi32>
        %gather3A_1203 = vector.shape_cast %reshape3A_1202 : vector<16x1xi32> to vector<16xi32>
        %gather3A_1204 = tpu.dynamic_gather %get3A_1161[%gather3A_1203] in [0] : vector<16xi32>, vector<16xi32> -> vector<16xi32>
        %gather3A_1205 = tpu.vector_load_idx %arg5[%gather3A_1204, %and3A_9] : memref<10240x8xf32, #tpu.memory_space<vmem>>[vector<16xi32>, vector<16xi32>], vector<16xf32>,
        %reshape3A_1206 = vector.shape_cast %add3A_16 : vector<16xi32> to vector<16x1xi32>
        %gather3A_1207 = vector.shape_cast %reshape3A_1206 : vector<16x1xi32> to vector<16xi32>
        %gather3A_1208 = tpu.dynamic_gather %get3A_1161[%gather3A_1207] in [0] : vector<16xi32>, vector<16xi32> -> vector<16xi32>
        %gather3A_1209 = tpu.vector_load_idx %arg5[%gather3A_1208, %and3A_9] : memref<10240x8xf32, #tpu.memory_space<vmem>>[vector<16xi32>, vector<16xi32>], vector<16xf32>,
        %reshape3A_1210 = vector.shape_cast %add3A_19 : vector<16xi32> to vector<16x1xi32>
        %gather3A_1211 = vector.shape_cast %reshape3A_1210 : vector<16x1xi32> to vector<16xi32>
        %gather3A_1212 = tpu.dynamic_gather %get3A_1161[%gather3A_1211] in [0] : vector<16xi32>, vector<16xi32> -> vector<16xi32>
        %gather3A_1213 = tpu.vector_load_idx %arg5[%gather3A_1212, %and3A_9] : memref<10240x8xf32, #tpu.memory_space<vmem>>[vector<16xi32>, vector<16xi32>], vector<16xf32>,
        %reshape3A_1214 = vector.shape_cast %add3A_22 : vector<16xi32> to vector<16x1xi32>
        %gather3A_1215 = vector.shape_cast %reshape3A_1214 : vector<16x1xi32> to vector<16xi32>
        %gather3A_1216 = tpu.dynamic_gather %get3A_1161[%gather3A_1215] in [0] : vector<16xi32>, vector<16xi32> -> vector<16xi32>
        %gather3A_1217 = tpu.vector_load_idx %arg5[%gather3A_1216, %and3A_9] : memref<10240x8xf32, #tpu.memory_space<vmem>>[vector<16xi32>, vector<16xi32>], vector<16xf32>,
        %reshape3A_1218 = vector.shape_cast %add3A_25 : vector<16xi32> to vector<16x1xi32>
        %gather3A_1219 = vector.shape_cast %reshape3A_1218 : vector<16x1xi32> to vector<16xi32>
        %gather3A_1220 = tpu.dynamic_gather %get3A_1161[%gather3A_1219] in [0] : vector<16xi32>, vector<16xi32> -> vector<16xi32>
        %gather3A_1221 = tpu.vector_load_idx %arg5[%gather3A_1220, %and3A_9] : memref<10240x8xf32, #tpu.memory_space<vmem>>[vector<16xi32>, vector<16xi32>], vector<16xf32>,
        %reshape3A_1222 = vector.shape_cast %add3A_28 : vector<16xi32> to vector<16x1xi32>
        %gather3A_1223 = vector.shape_cast %reshape3A_1222 : vector<16x1xi32> to vector<16xi32>
        %gather3A_1224 = tpu.dynamic_gather %get3A_1161[%gather3A_1223] in [0] : vector<16xi32>, vector<16xi32> -> vector<16xi32>
        %gather3A_1225 = tpu.vector_load_idx %arg5[%gather3A_1224, %and3A_9] : memref<10240x8xf32, #tpu.memory_space<vmem>>[vector<16xi32>, vector<16xi32>], vector<16xf32>,
        %reshape3A_1226 = vector.shape_cast %add3A_31 : vector<16xi32> to vector<16x1xi32>
        %gather3A_1227 = vector.shape_cast %reshape3A_1226 : vector<16x1xi32> to vector<16xi32>
        %gather3A_1228 = tpu.dynamic_gather %get3A_1161[%gather3A_1227] in [0] : vector<16xi32>, vector<16xi32> -> vector<16xi32>
        %gather3A_1229 = tpu.vector_load_idx %arg5[%gather3A_1228, %and3A_9] : memref<10240x8xf32, #tpu.memory_space<vmem>>[vector<16xi32>, vector<16xi32>], vector<16xf32>,
        %reshape3A_1230 = vector.shape_cast %add3A_34 : vector<16xi32> to vector<16x1xi32>
        %gather3A_1231 = vector.shape_cast %reshape3A_1230 : vector<16x1xi32> to vector<16xi32>
        %gather3A_1232 = tpu.dynamic_gather %get3A_1161[%gather3A_1231] in [0] : vector<16xi32>, vector<16xi32> -> vector<16xi32>
        %gather3A_1233 = tpu.vector_load_idx %arg5[%gather3A_1232, %and3A_9] : memref<10240x8xf32, #tpu.memory_space<vmem>>[vector<16xi32>, vector<16xi32>], vector<16xf32>,
        %add3A_1234 = arith.addf %gather3A_1173, %gather3A_1189 : vector<16xf32>
        %add3A_1235 = arith.addf %gather3A_1177, %gather3A_1193 : vector<16xf32>
        %add3A_1236 = arith.addf %gather3A_1181, %gather3A_1197 : vector<16xf32>
        %add3A_1237 = arith.addf %gather3A_1185, %gather3A_1201 : vector<16xf32>
        %add3A_1238 = arith.addf %add3A_1234, %gather3A_1205 : vector<16xf32>
        %add3A_1239 = arith.addf %add3A_1235, %gather3A_1209 : vector<16xf32>
        %add3A_1240 = arith.addf %add3A_1236, %gather3A_1213 : vector<16xf32>
        %add3A_1241 = arith.addf %add3A_1237, %gather3A_1217 : vector<16xf32>
        %add3A_1242 = arith.addf %add3A_1238, %gather3A_1221 : vector<16xf32>
        %add3A_1243 = arith.addf %add3A_1239, %gather3A_1225 : vector<16xf32>
        %add3A_1244 = arith.addf %add3A_1240, %gather3A_1229 : vector<16xf32>
        %add3A_1245 = arith.addf %add3A_1241, %gather3A_1233 : vector<16xf32>
        %add3A_1246 = arith.addf %add3A_1242, %add3A_1243 : vector<16xf32>
        %add3A_1247 = arith.addf %add3A_1244, %add3A_1245 : vector<16xf32>
        %add3A_1248 = arith.addf %add3A_1246, %add3A_1247 : vector<16xf32>
        %reshape3A_1249 = vector.shape_cast %add3A_13 : vector<16xi32> to vector<16x1xi32>
        %gather3A_1250 = vector.shape_cast %reshape3A_1249 : vector<16x1xi32> to vector<16xi32>
        %gather3A_1251 = tpu.dynamic_gather %get3A_1165[%gather3A_1250] in [0] : vector<16xi32>, vector<16xi32> -> vector<16xi32>
        %gather3A_1252 = tpu.vector_load_idx %arg5[%gather3A_1251, %and3A_9] : memref<10240x8xf32, #tpu.memory_space<vmem>>[vector<16xi32>, vector<16xi32>], vector<16xf32>,
        %reshape3A_1253 = vector.shape_cast %add3A_16 : vector<16xi32> to vector<16x1xi32>
        %gather3A_1254 = vector.shape_cast %reshape3A_1253 : vector<16x1xi32> to vector<16xi32>
        %gather3A_1255 = tpu.dynamic_gather %get3A_1165[%gather3A_1254] in [0] : vector<16xi32>, vector<16xi32> -> vector<16xi32>
        %gather3A_1256 = tpu.vector_load_idx %arg5[%gather3A_1255, %and3A_9] : memref<10240x8xf32, #tpu.memory_space<vmem>>[vector<16xi32>, vector<16xi32>], vector<16xf32>,
        %reshape3A_1257 = vector.shape_cast %add3A_19 : vector<16xi32> to vector<16x1xi32>
        %gather3A_1258 = vector.shape_cast %reshape3A_1257 : vector<16x1xi32> to vector<16xi32>
        %gather3A_1259 = tpu.dynamic_gather %get3A_1165[%gather3A_1258] in [0] : vector<16xi32>, vector<16xi32> -> vector<16xi32>
        %gather3A_1260 = tpu.vector_load_idx %arg5[%gather3A_1259, %and3A_9] : memref<10240x8xf32, #tpu.memory_space<vmem>>[vector<16xi32>, vector<16xi32>], vector<16xf32>,
        %reshape3A_1261 = vector.shape_cast %add3A_22 : vector<16xi32> to vector<16x1xi32>
        %gather3A_1262 = vector.shape_cast %reshape3A_1261 : vector<16x1xi32> to vector<16xi32>
        %gather3A_1263 = tpu.dynamic_gather %get3A_1165[%gather3A_1262] in [0] : vector<16xi32>, vector<16xi32> -> vector<16xi32>
        %gather3A_1264 = tpu.vector_load_idx %arg5[%gather3A_1263, %and3A_9] : memref<10240x8xf32, #tpu.memory_space<vmem>>[vector<16xi32>, vector<16xi32>], vector<16xf32>,
        %reshape3A_1265 = vector.shape_cast %add3A_25 : vector<16xi32> to vector<16x1xi32>
        %gather3A_1266 = vector.shape_cast %reshape3A_1265 : vector<16x1xi32> to vector<16xi32>
        %gather3A_1267 = tpu.dynamic_gather %get3A_1165[%gather3A_1266] in [0] : vector<16xi32>, vector<16xi32> -> vector<16xi32>
        %gather3A_1268 = tpu.vector_load_idx %arg5[%gather3A_1267, %and3A_9] : memref<10240x8xf32, #tpu.memory_space<vmem>>[vector<16xi32>, vector<16xi32>], vector<16xf32>,
        %reshape3A_1269 = vector.shape_cast %add3A_28 : vector<16xi32> to vector<16x1xi32>
        %gather3A_1270 = vector.shape_cast %reshape3A_1269 : vector<16x1xi32> to vector<16xi32>
        %gather3A_1271 = tpu.dynamic_gather %get3A_1165[%gather3A_1270] in [0] : vector<16xi32>, vector<16xi32> -> vector<16xi32>
        %gather3A_1272 = tpu.vector_load_idx %arg5[%gather3A_1271, %and3A_9] : memref<10240x8xf32, #tpu.memory_space<vmem>>[vector<16xi32>, vector<16xi32>], vector<16xf32>,
        %reshape3A_1273 = vector.shape_cast %add3A_31 : vector<16xi32> to vector<16x1xi32>
        %gather3A_1274 = vector.shape_cast %reshape3A_1273 : vector<16x1xi32> to vector<16xi32>
        %gather3A_1275 = tpu.dynamic_gather %get3A_1165[%gather3A_1274] in [0] : vector<16xi32>, vector<16xi32> -> vector<16xi32>
        %gather3A_1276 = tpu.vector_load_idx %arg5[%gather3A_1275, %and3A_9] : memref<10240x8xf32, #tpu.memory_space<vmem>>[vector<16xi32>, vector<16xi32>], vector<16xf32>,
        %reshape3A_1277 = vector.shape_cast %add3A_34 : vector<16xi32> to vector<16x1xi32>
        %gather3A_1278 = vector.shape_cast %reshape3A_1277 : vector<16x1xi32> to vector<16xi32>
        %gather3A_1279 = tpu.dynamic_gather %get3A_1165[%gather3A_1278] in [0] : vector<16xi32>, vector<16xi32> -> vector<16xi32>
        %gather3A_1280 = tpu.vector_load_idx %arg5[%gather3A_1279, %and3A_9] : memref<10240x8xf32, #tpu.memory_space<vmem>>[vector<16xi32>, vector<16xi32>], vector<16xf32>,
        %reshape3A_1281 = vector.shape_cast %add3A_13 : vector<16xi32> to vector<16x1xi32>
        %gather3A_1282 = vector.shape_cast %reshape3A_1281 : vector<16x1xi32> to vector<16xi32>
        %gather3A_1283 = tpu.dynamic_gather %get3A_1169[%gather3A_1282] in [0] : vector<16xi32>, vector<16xi32> -> vector<16xi32>
        %gather3A_1284 = tpu.vector_load_idx %arg5[%gather3A_1283, %and3A_9] : memref<10240x8xf32, #tpu.memory_space<vmem>>[vector<16xi32>, vector<16xi32>], vector<16xf32>,
        %reshape3A_1285 = vector.shape_cast %add3A_16 : vector<16xi32> to vector<16x1xi32>
        %gather3A_1286 = vector.shape_cast %reshape3A_1285 : vector<16x1xi32> to vector<16xi32>
        %gather3A_1287 = tpu.dynamic_gather %get3A_1169[%gather3A_1286] in [0] : vector<16xi32>, vector<16xi32> -> vector<16xi32>
        %gather3A_1288 = tpu.vector_load_idx %arg5[%gather3A_1287, %and3A_9] : memref<10240x8xf32, #tpu.memory_space<vmem>>[vector<16xi32>, vector<16xi32>], vector<16xf32>,
        %reshape3A_1289 = vector.shape_cast %add3A_19 : vector<16xi32> to vector<16x1xi32>
        %gather3A_1290 = vector.shape_cast %reshape3A_1289 : vector<16x1xi32> to vector<16xi32>
        %gather3A_1291 = tpu.dynamic_gather %get3A_1169[%gather3A_1290] in [0] : vector<16xi32>, vector<16xi32> -> vector<16xi32>
        %gather3A_1292 = tpu.vector_load_idx %arg5[%gather3A_1291, %and3A_9] : memref<10240x8xf32, #tpu.memory_space<vmem>>[vector<16xi32>, vector<16xi32>], vector<16xf32>,
        %reshape3A_1293 = vector.shape_cast %add3A_22 : vector<16xi32> to vector<16x1xi32>
        %gather3A_1294 = vector.shape_cast %reshape3A_1293 : vector<16x1xi32> to vector<16xi32>
        %gather3A_1295 = tpu.dynamic_gather %get3A_1169[%gather3A_1294] in [0] : vector<16xi32>, vector<16xi32> -> vector<16xi32>
        %gather3A_1296 = tpu.vector_load_idx %arg5[%gather3A_1295, %and3A_9] : memref<10240x8xf32, #tpu.memory_space<vmem>>[vector<16xi32>, vector<16xi32>], vector<16xf32>,
        %reshape3A_1297 = vector.shape_cast %add3A_25 : vector<16xi32> to vector<16x1xi32>
        %gather3A_1298 = vector.shape_cast %reshape3A_1297 : vector<16x1xi32> to vector<16xi32>
        %gather3A_1299 = tpu.dynamic_gather %get3A_1169[%gather3A_1298] in [0] : vector<16xi32>, vector<16xi32> -> vector<16xi32>
        %gather3A_1300 = tpu.vector_load_idx %arg5[%gather3A_1299, %and3A_9] : memref<10240x8xf32, #tpu.memory_space<vmem>>[vector<16xi32>, vector<16xi32>], vector<16xf32>,
        %reshape3A_1301 = vector.shape_cast %add3A_28 : vector<16xi32> to vector<16x1xi32>
        %gather3A_1302 = vector.shape_cast %reshape3A_1301 : vector<16x1xi32> to vector<16xi32>
        %gather3A_1303 = tpu.dynamic_gather %get3A_1169[%gather3A_1302] in [0] : vector<16xi32>, vector<16xi32> -> vector<16xi32>
        %gather3A_1304 = tpu.vector_load_idx %arg5[%gather3A_1303, %and3A_9] : memref<10240x8xf32, #tpu.memory_space<vmem>>[vector<16xi32>, vector<16xi32>], vector<16xf32>,
        %reshape3A_1305 = vector.shape_cast %add3A_31 : vector<16xi32> to vector<16x1xi32>
        %gather3A_1306 = vector.shape_cast %reshape3A_1305 : vector<16x1xi32> to vector<16xi32>
        %gather3A_1307 = tpu.dynamic_gather %get3A_1169[%gather3A_1306] in [0] : vector<16xi32>, vector<16xi32> -> vector<16xi32>
        %gather3A_1308 = tpu.vector_load_idx %arg5[%gather3A_1307, %and3A_9] : memref<10240x8xf32, #tpu.memory_space<vmem>>[vector<16xi32>, vector<16xi32>], vector<16xf32>,
        %reshape3A_1309 = vector.shape_cast %add3A_34 : vector<16xi32> to vector<16x1xi32>
        %gather3A_1310 = vector.shape_cast %reshape3A_1309 : vector<16x1xi32> to vector<16xi32>
        %gather3A_1311 = tpu.dynamic_gather %get3A_1169[%gather3A_1310] in [0] : vector<16xi32>, vector<16xi32> -> vector<16xi32>
        %gather3A_1312 = tpu.vector_load_idx %arg5[%gather3A_1311, %and3A_9] : memref<10240x8xf32, #tpu.memory_space<vmem>>[vector<16xi32>, vector<16xi32>], vector<16xf32>,
        %add3A_1313 = arith.addf %gather3A_1252, %gather3A_1268 : vector<16xf32>
        %add3A_1314 = arith.addf %gather3A_1256, %gather3A_1272 : vector<16xf32>
        %add3A_1315 = arith.addf %gather3A_1260, %gather3A_1276 : vector<16xf32>
        %add3A_1316 = arith.addf %gather3A_1264, %gather3A_1280 : vector<16xf32>
        %add3A_1317 = arith.addf %add3A_1313, %gather3A_1284 : vector<16xf32>
        %add3A_1318 = arith.addf %add3A_1314, %gather3A_1288 : vector<16xf32>
        %add3A_1319 = arith.addf %add3A_1315, %gather3A_1292 : vector<16xf32>
        %add3A_1320 = arith.addf %add3A_1316, %gather3A_1296 : vector<16xf32>
        %add3A_1321 = arith.addf %add3A_1317, %gather3A_1300 : vector<16xf32>
        %add3A_1322 = arith.addf %add3A_1318, %gather3A_1304 : vector<16xf32>
        %add3A_1323 = arith.addf %add3A_1319, %gather3A_1308 : vector<16xf32>
        %add3A_1324 = arith.addf %add3A_1320, %gather3A_1312 : vector<16xf32>
        %add3A_1325 = arith.addf %add3A_1321, %add3A_1322 : vector<16xf32>
        %add3A_1326 = arith.addf %add3A_1323, %add3A_1324 : vector<16xf32>
        %add3A_1327 = arith.addf %add3A_1325, %add3A_1326 : vector<16xf32>
        %select_n3A_1328 = arith.select %lt3A_38, %add3A_1248, %add3A_1327 : vector<16xi1>, vector<16xf32>
        %reshape3A_1329 = vector.shape_cast %xor3A_36 : vector<16xi32> to vector<16x1xi32>
        %gather3A_1330 = vector.shape_cast %reshape3A_1329 : vector<16x1xi32> to vector<16xi32>
        %gather3A_1331 = tpu.dynamic_gather %add3A_1248[%gather3A_1330] in [0] : vector<16xf32>, vector<16xi32> -> vector<16xf32>
        %reshape3A_1332 = vector.shape_cast %xor3A_36 : vector<16xi32> to vector<16x1xi32>
        %gather3A_1333 = vector.shape_cast %reshape3A_1332 : vector<16x1xi32> to vector<16xi32>
        %gather3A_1334 = tpu.dynamic_gather %add3A_1327[%gather3A_1333] in [0] : vector<16xf32>, vector<16xi32> -> vector<16xf32>
        %select_n3A_1335 = arith.select %lt3A_38, %gather3A_1331, %gather3A_1334 : vector<16xi1>, vector<16xf32>
        %add3A_1336 = arith.addf %select_n3A_1328, %select_n3A_1335 : vector<16xf32>
        %mul3A_1337 = arith.constant 80 : i32
        %mul3A_1338 = arith.muli %add3A_117, %mul3A_1337 : i32
        %mul3A_1339 = arith.constant 2 : i32
        %mul3A_1340 = arith.muli %add3A_1151, %mul3A_1339 : i32
        %add3A_1341 = arith.addi %mul3A_1338, %mul3A_1340 : i32
        %broadcast_in_dim3A_1342 = vector.broadcast %add3A_1341 : i32 to vector<16xi32>
        %add3A_1343 = arith.addi %broadcast_in_dim3A_1342, %shift_right_logical3A_11 : vector<16xi32>
        %add3A_1344 = vector.broadcast %mul3A_40 : i32 to vector<16xi32>
        %add3A_1345 = arith.addi %add3A_1343, %add3A_1344 : vector<16xi32>
        %gather3A_1346 = tpu.vector_load_idx %arg5[%add3A_1345, %and3A_9] : memref<10240x8xf32, #tpu.memory_space<vmem>>[vector<16xi32>, vector<16xi32>], vector<16xf32>,
        %add3A_1347 = arith.addf %add3A_1336, %gather3A_1346 : vector<16xf32>
        %mul3A_1348 = arith.constant 0.0303030312 : f32
        %mul3A_1349 = vector.broadcast %mul3A_1348 : f32 to vector<16xf32>
        %mul3A_1350 = arith.mulf %add3A_1347, %mul3A_1349 : vector<16xf32>
        tpu.vector_store_idx %arg6[%add3A_1343, %and3A_9], %mul3A_1350 : memref<5120x8xf32, #tpu.memory_space<vmem>>[vector<16xi32>, vector<16xi32>], vector<16xf32>,
        %mul3A_1351 = arith.constant 8 : i32
        %mul3A_1352 = arith.muli %scan3A_137, %mul3A_1351 : i32
        %add3A_1353 = arith.constant 6 : i32
        %add3A_1354 = arith.addi %mul3A_1352, %add3A_1353 : i32
        %mul3A_1355 = arith.constant 2 : i32
        %mul3A_1356 = arith.muli %add3A_1354, %mul3A_1355 : i32
        %mul3A_1357 = arith.constant 32 : i32
        %mul3A_1358 = arith.muli %mul3A_1356, %mul3A_1357 : i32
        %get3A_1359 = arith.index_cast %mul3A_1358 : i32 to index
        %get3A_1360 = tpu.vector_load %arg8[%get3A_1359] {strides = array<i32>} : memref<2560xi32, #tpu.memory_space<vmem>>, vector<16xi32>,
        %add3A_1361 = arith.constant 16 : i32
        %add3A_1362 = arith.addi %mul3A_1358, %add3A_1361 : i32
        %get3A_1363 = arith.index_cast %add3A_1362 : i32 to index
        %get3A_1364 = tpu.vector_load %arg8[%get3A_1363] {strides = array<i32>} : memref<2560xi32, #tpu.memory_space<vmem>>, vector<16xi32>,
        %add3A_1365 = arith.constant 32 : i32
        %add3A_1366 = arith.addi %mul3A_1358, %add3A_1365 : i32
        %get3A_1367 = arith.index_cast %add3A_1366 : i32 to index
        %get3A_1368 = tpu.vector_load %arg8[%get3A_1367] {strides = array<i32>} : memref<2560xi32, #tpu.memory_space<vmem>>, vector<16xi32>,
        %add3A_1369 = arith.constant 48 : i32
        %add3A_1370 = arith.addi %mul3A_1358, %add3A_1369 : i32
        %get3A_1371 = arith.index_cast %add3A_1370 : i32 to index
        %get3A_1372 = tpu.vector_load %arg8[%get3A_1371] {strides = array<i32>} : memref<2560xi32, #tpu.memory_space<vmem>>, vector<16xi32>,
        %reshape3A_1373 = vector.shape_cast %add3A_13 : vector<16xi32> to vector<16x1xi32>
        %gather3A_1374 = vector.shape_cast %reshape3A_1373 : vector<16x1xi32> to vector<16xi32>
        %gather3A_1375 = tpu.dynamic_gather %get3A_1360[%gather3A_1374] in [0] : vector<16xi32>, vector<16xi32> -> vector<16xi32>
        %gather3A_1376 = tpu.vector_load_idx %arg5[%gather3A_1375, %and3A_9] : memref<10240x8xf32, #tpu.memory_space<vmem>>[vector<16xi32>, vector<16xi32>], vector<16xf32>,
        %reshape3A_1377 = vector.shape_cast %add3A_16 : vector<16xi32> to vector<16x1xi32>
        %gather3A_1378 = vector.shape_cast %reshape3A_1377 : vector<16x1xi32> to vector<16xi32>
        %gather3A_1379 = tpu.dynamic_gather %get3A_1360[%gather3A_1378] in [0] : vector<16xi32>, vector<16xi32> -> vector<16xi32>
        %gather3A_1380 = tpu.vector_load_idx %arg5[%gather3A_1379, %and3A_9] : memref<10240x8xf32, #tpu.memory_space<vmem>>[vector<16xi32>, vector<16xi32>], vector<16xf32>,
        %reshape3A_1381 = vector.shape_cast %add3A_19 : vector<16xi32> to vector<16x1xi32>
        %gather3A_1382 = vector.shape_cast %reshape3A_1381 : vector<16x1xi32> to vector<16xi32>
        %gather3A_1383 = tpu.dynamic_gather %get3A_1360[%gather3A_1382] in [0] : vector<16xi32>, vector<16xi32> -> vector<16xi32>
        %gather3A_1384 = tpu.vector_load_idx %arg5[%gather3A_1383, %and3A_9] : memref<10240x8xf32, #tpu.memory_space<vmem>>[vector<16xi32>, vector<16xi32>], vector<16xf32>,
        %reshape3A_1385 = vector.shape_cast %add3A_22 : vector<16xi32> to vector<16x1xi32>
        %gather3A_1386 = vector.shape_cast %reshape3A_1385 : vector<16x1xi32> to vector<16xi32>
        %gather3A_1387 = tpu.dynamic_gather %get3A_1360[%gather3A_1386] in [0] : vector<16xi32>, vector<16xi32> -> vector<16xi32>
        %gather3A_1388 = tpu.vector_load_idx %arg5[%gather3A_1387, %and3A_9] : memref<10240x8xf32, #tpu.memory_space<vmem>>[vector<16xi32>, vector<16xi32>], vector<16xf32>,
        %reshape3A_1389 = vector.shape_cast %add3A_25 : vector<16xi32> to vector<16x1xi32>
        %gather3A_1390 = vector.shape_cast %reshape3A_1389 : vector<16x1xi32> to vector<16xi32>
        %gather3A_1391 = tpu.dynamic_gather %get3A_1360[%gather3A_1390] in [0] : vector<16xi32>, vector<16xi32> -> vector<16xi32>
        %gather3A_1392 = tpu.vector_load_idx %arg5[%gather3A_1391, %and3A_9] : memref<10240x8xf32, #tpu.memory_space<vmem>>[vector<16xi32>, vector<16xi32>], vector<16xf32>,
        %reshape3A_1393 = vector.shape_cast %add3A_28 : vector<16xi32> to vector<16x1xi32>
        %gather3A_1394 = vector.shape_cast %reshape3A_1393 : vector<16x1xi32> to vector<16xi32>
        %gather3A_1395 = tpu.dynamic_gather %get3A_1360[%gather3A_1394] in [0] : vector<16xi32>, vector<16xi32> -> vector<16xi32>
        %gather3A_1396 = tpu.vector_load_idx %arg5[%gather3A_1395, %and3A_9] : memref<10240x8xf32, #tpu.memory_space<vmem>>[vector<16xi32>, vector<16xi32>], vector<16xf32>,
        %reshape3A_1397 = vector.shape_cast %add3A_31 : vector<16xi32> to vector<16x1xi32>
        %gather3A_1398 = vector.shape_cast %reshape3A_1397 : vector<16x1xi32> to vector<16xi32>
        %gather3A_1399 = tpu.dynamic_gather %get3A_1360[%gather3A_1398] in [0] : vector<16xi32>, vector<16xi32> -> vector<16xi32>
        %gather3A_1400 = tpu.vector_load_idx %arg5[%gather3A_1399, %and3A_9] : memref<10240x8xf32, #tpu.memory_space<vmem>>[vector<16xi32>, vector<16xi32>], vector<16xf32>,
        %reshape3A_1401 = vector.shape_cast %add3A_34 : vector<16xi32> to vector<16x1xi32>
        %gather3A_1402 = vector.shape_cast %reshape3A_1401 : vector<16x1xi32> to vector<16xi32>
        %gather3A_1403 = tpu.dynamic_gather %get3A_1360[%gather3A_1402] in [0] : vector<16xi32>, vector<16xi32> -> vector<16xi32>
        %gather3A_1404 = tpu.vector_load_idx %arg5[%gather3A_1403, %and3A_9] : memref<10240x8xf32, #tpu.memory_space<vmem>>[vector<16xi32>, vector<16xi32>], vector<16xf32>,
        %reshape3A_1405 = vector.shape_cast %add3A_13 : vector<16xi32> to vector<16x1xi32>
        %gather3A_1406 = vector.shape_cast %reshape3A_1405 : vector<16x1xi32> to vector<16xi32>
        %gather3A_1407 = tpu.dynamic_gather %get3A_1364[%gather3A_1406] in [0] : vector<16xi32>, vector<16xi32> -> vector<16xi32>
        %gather3A_1408 = tpu.vector_load_idx %arg5[%gather3A_1407, %and3A_9] : memref<10240x8xf32, #tpu.memory_space<vmem>>[vector<16xi32>, vector<16xi32>], vector<16xf32>,
        %reshape3A_1409 = vector.shape_cast %add3A_16 : vector<16xi32> to vector<16x1xi32>
        %gather3A_1410 = vector.shape_cast %reshape3A_1409 : vector<16x1xi32> to vector<16xi32>
        %gather3A_1411 = tpu.dynamic_gather %get3A_1364[%gather3A_1410] in [0] : vector<16xi32>, vector<16xi32> -> vector<16xi32>
        %gather3A_1412 = tpu.vector_load_idx %arg5[%gather3A_1411, %and3A_9] : memref<10240x8xf32, #tpu.memory_space<vmem>>[vector<16xi32>, vector<16xi32>], vector<16xf32>,
        %reshape3A_1413 = vector.shape_cast %add3A_19 : vector<16xi32> to vector<16x1xi32>
        %gather3A_1414 = vector.shape_cast %reshape3A_1413 : vector<16x1xi32> to vector<16xi32>
        %gather3A_1415 = tpu.dynamic_gather %get3A_1364[%gather3A_1414] in [0] : vector<16xi32>, vector<16xi32> -> vector<16xi32>
        %gather3A_1416 = tpu.vector_load_idx %arg5[%gather3A_1415, %and3A_9] : memref<10240x8xf32, #tpu.memory_space<vmem>>[vector<16xi32>, vector<16xi32>], vector<16xf32>,
        %reshape3A_1417 = vector.shape_cast %add3A_22 : vector<16xi32> to vector<16x1xi32>
        %gather3A_1418 = vector.shape_cast %reshape3A_1417 : vector<16x1xi32> to vector<16xi32>
        %gather3A_1419 = tpu.dynamic_gather %get3A_1364[%gather3A_1418] in [0] : vector<16xi32>, vector<16xi32> -> vector<16xi32>
        %gather3A_1420 = tpu.vector_load_idx %arg5[%gather3A_1419, %and3A_9] : memref<10240x8xf32, #tpu.memory_space<vmem>>[vector<16xi32>, vector<16xi32>], vector<16xf32>,
        %reshape3A_1421 = vector.shape_cast %add3A_25 : vector<16xi32> to vector<16x1xi32>
        %gather3A_1422 = vector.shape_cast %reshape3A_1421 : vector<16x1xi32> to vector<16xi32>
        %gather3A_1423 = tpu.dynamic_gather %get3A_1364[%gather3A_1422] in [0] : vector<16xi32>, vector<16xi32> -> vector<16xi32>
        %gather3A_1424 = tpu.vector_load_idx %arg5[%gather3A_1423, %and3A_9] : memref<10240x8xf32, #tpu.memory_space<vmem>>[vector<16xi32>, vector<16xi32>], vector<16xf32>,
        %reshape3A_1425 = vector.shape_cast %add3A_28 : vector<16xi32> to vector<16x1xi32>
        %gather3A_1426 = vector.shape_cast %reshape3A_1425 : vector<16x1xi32> to vector<16xi32>
        %gather3A_1427 = tpu.dynamic_gather %get3A_1364[%gather3A_1426] in [0] : vector<16xi32>, vector<16xi32> -> vector<16xi32>
        %gather3A_1428 = tpu.vector_load_idx %arg5[%gather3A_1427, %and3A_9] : memref<10240x8xf32, #tpu.memory_space<vmem>>[vector<16xi32>, vector<16xi32>], vector<16xf32>,
        %reshape3A_1429 = vector.shape_cast %add3A_31 : vector<16xi32> to vector<16x1xi32>
        %gather3A_1430 = vector.shape_cast %reshape3A_1429 : vector<16x1xi32> to vector<16xi32>
        %gather3A_1431 = tpu.dynamic_gather %get3A_1364[%gather3A_1430] in [0] : vector<16xi32>, vector<16xi32> -> vector<16xi32>
        %gather3A_1432 = tpu.vector_load_idx %arg5[%gather3A_1431, %and3A_9] : memref<10240x8xf32, #tpu.memory_space<vmem>>[vector<16xi32>, vector<16xi32>], vector<16xf32>,
        %reshape3A_1433 = vector.shape_cast %add3A_34 : vector<16xi32> to vector<16x1xi32>
        %gather3A_1434 = vector.shape_cast %reshape3A_1433 : vector<16x1xi32> to vector<16xi32>
        %gather3A_1435 = tpu.dynamic_gather %get3A_1364[%gather3A_1434] in [0] : vector<16xi32>, vector<16xi32> -> vector<16xi32>
        %gather3A_1436 = tpu.vector_load_idx %arg5[%gather3A_1435, %and3A_9] : memref<10240x8xf32, #tpu.memory_space<vmem>>[vector<16xi32>, vector<16xi32>], vector<16xf32>,
        %add3A_1437 = arith.addf %gather3A_1376, %gather3A_1392 : vector<16xf32>
        %add3A_1438 = arith.addf %gather3A_1380, %gather3A_1396 : vector<16xf32>
        %add3A_1439 = arith.addf %gather3A_1384, %gather3A_1400 : vector<16xf32>
        %add3A_1440 = arith.addf %gather3A_1388, %gather3A_1404 : vector<16xf32>
        %add3A_1441 = arith.addf %add3A_1437, %gather3A_1408 : vector<16xf32>
        %add3A_1442 = arith.addf %add3A_1438, %gather3A_1412 : vector<16xf32>
        %add3A_1443 = arith.addf %add3A_1439, %gather3A_1416 : vector<16xf32>
        %add3A_1444 = arith.addf %add3A_1440, %gather3A_1420 : vector<16xf32>
        %add3A_1445 = arith.addf %add3A_1441, %gather3A_1424 : vector<16xf32>
        %add3A_1446 = arith.addf %add3A_1442, %gather3A_1428 : vector<16xf32>
        %add3A_1447 = arith.addf %add3A_1443, %gather3A_1432 : vector<16xf32>
        %add3A_1448 = arith.addf %add3A_1444, %gather3A_1436 : vector<16xf32>
        %add3A_1449 = arith.addf %add3A_1445, %add3A_1446 : vector<16xf32>
        %add3A_1450 = arith.addf %add3A_1447, %add3A_1448 : vector<16xf32>
        %add3A_1451 = arith.addf %add3A_1449, %add3A_1450 : vector<16xf32>
        %reshape3A_1452 = vector.shape_cast %add3A_13 : vector<16xi32> to vector<16x1xi32>
        %gather3A_1453 = vector.shape_cast %reshape3A_1452 : vector<16x1xi32> to vector<16xi32>
        %gather3A_1454 = tpu.dynamic_gather %get3A_1368[%gather3A_1453] in [0] : vector<16xi32>, vector<16xi32> -> vector<16xi32>
        %gather3A_1455 = tpu.vector_load_idx %arg5[%gather3A_1454, %and3A_9] : memref<10240x8xf32, #tpu.memory_space<vmem>>[vector<16xi32>, vector<16xi32>], vector<16xf32>,
        %reshape3A_1456 = vector.shape_cast %add3A_16 : vector<16xi32> to vector<16x1xi32>
        %gather3A_1457 = vector.shape_cast %reshape3A_1456 : vector<16x1xi32> to vector<16xi32>
        %gather3A_1458 = tpu.dynamic_gather %get3A_1368[%gather3A_1457] in [0] : vector<16xi32>, vector<16xi32> -> vector<16xi32>
        %gather3A_1459 = tpu.vector_load_idx %arg5[%gather3A_1458, %and3A_9] : memref<10240x8xf32, #tpu.memory_space<vmem>>[vector<16xi32>, vector<16xi32>], vector<16xf32>,
        %reshape3A_1460 = vector.shape_cast %add3A_19 : vector<16xi32> to vector<16x1xi32>
        %gather3A_1461 = vector.shape_cast %reshape3A_1460 : vector<16x1xi32> to vector<16xi32>
        %gather3A_1462 = tpu.dynamic_gather %get3A_1368[%gather3A_1461] in [0] : vector<16xi32>, vector<16xi32> -> vector<16xi32>
        %gather3A_1463 = tpu.vector_load_idx %arg5[%gather3A_1462, %and3A_9] : memref<10240x8xf32, #tpu.memory_space<vmem>>[vector<16xi32>, vector<16xi32>], vector<16xf32>,
        %reshape3A_1464 = vector.shape_cast %add3A_22 : vector<16xi32> to vector<16x1xi32>
        %gather3A_1465 = vector.shape_cast %reshape3A_1464 : vector<16x1xi32> to vector<16xi32>
        %gather3A_1466 = tpu.dynamic_gather %get3A_1368[%gather3A_1465] in [0] : vector<16xi32>, vector<16xi32> -> vector<16xi32>
        %gather3A_1467 = tpu.vector_load_idx %arg5[%gather3A_1466, %and3A_9] : memref<10240x8xf32, #tpu.memory_space<vmem>>[vector<16xi32>, vector<16xi32>], vector<16xf32>,
        %reshape3A_1468 = vector.shape_cast %add3A_25 : vector<16xi32> to vector<16x1xi32>
        %gather3A_1469 = vector.shape_cast %reshape3A_1468 : vector<16x1xi32> to vector<16xi32>
        %gather3A_1470 = tpu.dynamic_gather %get3A_1368[%gather3A_1469] in [0] : vector<16xi32>, vector<16xi32> -> vector<16xi32>
        %gather3A_1471 = tpu.vector_load_idx %arg5[%gather3A_1470, %and3A_9] : memref<10240x8xf32, #tpu.memory_space<vmem>>[vector<16xi32>, vector<16xi32>], vector<16xf32>,
        %reshape3A_1472 = vector.shape_cast %add3A_28 : vector<16xi32> to vector<16x1xi32>
        %gather3A_1473 = vector.shape_cast %reshape3A_1472 : vector<16x1xi32> to vector<16xi32>
        %gather3A_1474 = tpu.dynamic_gather %get3A_1368[%gather3A_1473] in [0] : vector<16xi32>, vector<16xi32> -> vector<16xi32>
        %gather3A_1475 = tpu.vector_load_idx %arg5[%gather3A_1474, %and3A_9] : memref<10240x8xf32, #tpu.memory_space<vmem>>[vector<16xi32>, vector<16xi32>], vector<16xf32>,
        %reshape3A_1476 = vector.shape_cast %add3A_31 : vector<16xi32> to vector<16x1xi32>
        %gather3A_1477 = vector.shape_cast %reshape3A_1476 : vector<16x1xi32> to vector<16xi32>
        %gather3A_1478 = tpu.dynamic_gather %get3A_1368[%gather3A_1477] in [0] : vector<16xi32>, vector<16xi32> -> vector<16xi32>
        %gather3A_1479 = tpu.vector_load_idx %arg5[%gather3A_1478, %and3A_9] : memref<10240x8xf32, #tpu.memory_space<vmem>>[vector<16xi32>, vector<16xi32>], vector<16xf32>,
        %reshape3A_1480 = vector.shape_cast %add3A_34 : vector<16xi32> to vector<16x1xi32>
        %gather3A_1481 = vector.shape_cast %reshape3A_1480 : vector<16x1xi32> to vector<16xi32>
        %gather3A_1482 = tpu.dynamic_gather %get3A_1368[%gather3A_1481] in [0] : vector<16xi32>, vector<16xi32> -> vector<16xi32>
        %gather3A_1483 = tpu.vector_load_idx %arg5[%gather3A_1482, %and3A_9] : memref<10240x8xf32, #tpu.memory_space<vmem>>[vector<16xi32>, vector<16xi32>], vector<16xf32>,
        %reshape3A_1484 = vector.shape_cast %add3A_13 : vector<16xi32> to vector<16x1xi32>
        %gather3A_1485 = vector.shape_cast %reshape3A_1484 : vector<16x1xi32> to vector<16xi32>
        %gather3A_1486 = tpu.dynamic_gather %get3A_1372[%gather3A_1485] in [0] : vector<16xi32>, vector<16xi32> -> vector<16xi32>
        %gather3A_1487 = tpu.vector_load_idx %arg5[%gather3A_1486, %and3A_9] : memref<10240x8xf32, #tpu.memory_space<vmem>>[vector<16xi32>, vector<16xi32>], vector<16xf32>,
        %reshape3A_1488 = vector.shape_cast %add3A_16 : vector<16xi32> to vector<16x1xi32>
        %gather3A_1489 = vector.shape_cast %reshape3A_1488 : vector<16x1xi32> to vector<16xi32>
        %gather3A_1490 = tpu.dynamic_gather %get3A_1372[%gather3A_1489] in [0] : vector<16xi32>, vector<16xi32> -> vector<16xi32>
        %gather3A_1491 = tpu.vector_load_idx %arg5[%gather3A_1490, %and3A_9] : memref<10240x8xf32, #tpu.memory_space<vmem>>[vector<16xi32>, vector<16xi32>], vector<16xf32>,
        %reshape3A_1492 = vector.shape_cast %add3A_19 : vector<16xi32> to vector<16x1xi32>
        %gather3A_1493 = vector.shape_cast %reshape3A_1492 : vector<16x1xi32> to vector<16xi32>
        %gather3A_1494 = tpu.dynamic_gather %get3A_1372[%gather3A_1493] in [0] : vector<16xi32>, vector<16xi32> -> vector<16xi32>
        %gather3A_1495 = tpu.vector_load_idx %arg5[%gather3A_1494, %and3A_9] : memref<10240x8xf32, #tpu.memory_space<vmem>>[vector<16xi32>, vector<16xi32>], vector<16xf32>,
        %reshape3A_1496 = vector.shape_cast %add3A_22 : vector<16xi32> to vector<16x1xi32>
        %gather3A_1497 = vector.shape_cast %reshape3A_1496 : vector<16x1xi32> to vector<16xi32>
        %gather3A_1498 = tpu.dynamic_gather %get3A_1372[%gather3A_1497] in [0] : vector<16xi32>, vector<16xi32> -> vector<16xi32>
        %gather3A_1499 = tpu.vector_load_idx %arg5[%gather3A_1498, %and3A_9] : memref<10240x8xf32, #tpu.memory_space<vmem>>[vector<16xi32>, vector<16xi32>], vector<16xf32>,
        %reshape3A_1500 = vector.shape_cast %add3A_25 : vector<16xi32> to vector<16x1xi32>
        %gather3A_1501 = vector.shape_cast %reshape3A_1500 : vector<16x1xi32> to vector<16xi32>
        %gather3A_1502 = tpu.dynamic_gather %get3A_1372[%gather3A_1501] in [0] : vector<16xi32>, vector<16xi32> -> vector<16xi32>
        %gather3A_1503 = tpu.vector_load_idx %arg5[%gather3A_1502, %and3A_9] : memref<10240x8xf32, #tpu.memory_space<vmem>>[vector<16xi32>, vector<16xi32>], vector<16xf32>,
        %reshape3A_1504 = vector.shape_cast %add3A_28 : vector<16xi32> to vector<16x1xi32>
        %gather3A_1505 = vector.shape_cast %reshape3A_1504 : vector<16x1xi32> to vector<16xi32>
        %gather3A_1506 = tpu.dynamic_gather %get3A_1372[%gather3A_1505] in [0] : vector<16xi32>, vector<16xi32> -> vector<16xi32>
        %gather3A_1507 = tpu.vector_load_idx %arg5[%gather3A_1506, %and3A_9] : memref<10240x8xf32, #tpu.memory_space<vmem>>[vector<16xi32>, vector<16xi32>], vector<16xf32>,
        %reshape3A_1508 = vector.shape_cast %add3A_31 : vector<16xi32> to vector<16x1xi32>
        %gather3A_1509 = vector.shape_cast %reshape3A_1508 : vector<16x1xi32> to vector<16xi32>
        %gather3A_1510 = tpu.dynamic_gather %get3A_1372[%gather3A_1509] in [0] : vector<16xi32>, vector<16xi32> -> vector<16xi32>
        %gather3A_1511 = tpu.vector_load_idx %arg5[%gather3A_1510, %and3A_9] : memref<10240x8xf32, #tpu.memory_space<vmem>>[vector<16xi32>, vector<16xi32>], vector<16xf32>,
        %reshape3A_1512 = vector.shape_cast %add3A_34 : vector<16xi32> to vector<16x1xi32>
        %gather3A_1513 = vector.shape_cast %reshape3A_1512 : vector<16x1xi32> to vector<16xi32>
        %gather3A_1514 = tpu.dynamic_gather %get3A_1372[%gather3A_1513] in [0] : vector<16xi32>, vector<16xi32> -> vector<16xi32>
        %gather3A_1515 = tpu.vector_load_idx %arg5[%gather3A_1514, %and3A_9] : memref<10240x8xf32, #tpu.memory_space<vmem>>[vector<16xi32>, vector<16xi32>], vector<16xf32>,
        %add3A_1516 = arith.addf %gather3A_1455, %gather3A_1471 : vector<16xf32>
        %add3A_1517 = arith.addf %gather3A_1459, %gather3A_1475 : vector<16xf32>
        %add3A_1518 = arith.addf %gather3A_1463, %gather3A_1479 : vector<16xf32>
        %add3A_1519 = arith.addf %gather3A_1467, %gather3A_1483 : vector<16xf32>
        %add3A_1520 = arith.addf %add3A_1516, %gather3A_1487 : vector<16xf32>
        %add3A_1521 = arith.addf %add3A_1517, %gather3A_1491 : vector<16xf32>
        %add3A_1522 = arith.addf %add3A_1518, %gather3A_1495 : vector<16xf32>
        %add3A_1523 = arith.addf %add3A_1519, %gather3A_1499 : vector<16xf32>
        %add3A_1524 = arith.addf %add3A_1520, %gather3A_1503 : vector<16xf32>
        %add3A_1525 = arith.addf %add3A_1521, %gather3A_1507 : vector<16xf32>
        %add3A_1526 = arith.addf %add3A_1522, %gather3A_1511 : vector<16xf32>
        %add3A_1527 = arith.addf %add3A_1523, %gather3A_1515 : vector<16xf32>
        %add3A_1528 = arith.addf %add3A_1524, %add3A_1525 : vector<16xf32>
        %add3A_1529 = arith.addf %add3A_1526, %add3A_1527 : vector<16xf32>
        %add3A_1530 = arith.addf %add3A_1528, %add3A_1529 : vector<16xf32>
        %select_n3A_1531 = arith.select %lt3A_38, %add3A_1451, %add3A_1530 : vector<16xi1>, vector<16xf32>
        %reshape3A_1532 = vector.shape_cast %xor3A_36 : vector<16xi32> to vector<16x1xi32>
        %gather3A_1533 = vector.shape_cast %reshape3A_1532 : vector<16x1xi32> to vector<16xi32>
        %gather3A_1534 = tpu.dynamic_gather %add3A_1451[%gather3A_1533] in [0] : vector<16xf32>, vector<16xi32> -> vector<16xf32>
        %reshape3A_1535 = vector.shape_cast %xor3A_36 : vector<16xi32> to vector<16x1xi32>
        %gather3A_1536 = vector.shape_cast %reshape3A_1535 : vector<16x1xi32> to vector<16xi32>
        %gather3A_1537 = tpu.dynamic_gather %add3A_1530[%gather3A_1536] in [0] : vector<16xf32>, vector<16xi32> -> vector<16xf32>
        %select_n3A_1538 = arith.select %lt3A_38, %gather3A_1534, %gather3A_1537 : vector<16xi1>, vector<16xf32>
        %add3A_1539 = arith.addf %select_n3A_1531, %select_n3A_1538 : vector<16xf32>
        %mul3A_1540 = arith.constant 80 : i32
        %mul3A_1541 = arith.muli %add3A_117, %mul3A_1540 : i32
        %mul3A_1542 = arith.constant 2 : i32
        %mul3A_1543 = arith.muli %add3A_1354, %mul3A_1542 : i32
        %add3A_1544 = arith.addi %mul3A_1541, %mul3A_1543 : i32
        %broadcast_in_dim3A_1545 = vector.broadcast %add3A_1544 : i32 to vector<16xi32>
        %add3A_1546 = arith.addi %broadcast_in_dim3A_1545, %shift_right_logical3A_11 : vector<16xi32>
        %add3A_1547 = vector.broadcast %mul3A_40 : i32 to vector<16xi32>
        %add3A_1548 = arith.addi %add3A_1546, %add3A_1547 : vector<16xi32>
        %gather3A_1549 = tpu.vector_load_idx %arg5[%add3A_1548, %and3A_9] : memref<10240x8xf32, #tpu.memory_space<vmem>>[vector<16xi32>, vector<16xi32>], vector<16xf32>,
        %add3A_1550 = arith.addf %add3A_1539, %gather3A_1549 : vector<16xf32>
        %mul3A_1551 = arith.constant 0.0303030312 : f32
        %mul3A_1552 = vector.broadcast %mul3A_1551 : f32 to vector<16xf32>
        %mul3A_1553 = arith.mulf %add3A_1550, %mul3A_1552 : vector<16xf32>
        tpu.vector_store_idx %arg6[%add3A_1546, %and3A_9], %mul3A_1553 : memref<5120x8xf32, #tpu.memory_space<vmem>>[vector<16xi32>, vector<16xi32>], vector<16xf32>,
        %mul3A_1554 = arith.constant 8 : i32
        %mul3A_1555 = arith.muli %scan3A_137, %mul3A_1554 : i32
        %add3A_1556 = arith.constant 7 : i32
        %add3A_1557 = arith.addi %mul3A_1555, %add3A_1556 : i32
        %mul3A_1558 = arith.constant 2 : i32
        %mul3A_1559 = arith.muli %add3A_1557, %mul3A_1558 : i32
        %mul3A_1560 = arith.constant 32 : i32
        %mul3A_1561 = arith.muli %mul3A_1559, %mul3A_1560 : i32
        %get3A_1562 = arith.index_cast %mul3A_1561 : i32 to index
        %get3A_1563 = tpu.vector_load %arg8[%get3A_1562] {strides = array<i32>} : memref<2560xi32, #tpu.memory_space<vmem>>, vector<16xi32>,
        %add3A_1564 = arith.constant 16 : i32
        %add3A_1565 = arith.addi %mul3A_1561, %add3A_1564 : i32
        %get3A_1566 = arith.index_cast %add3A_1565 : i32 to index
        %get3A_1567 = tpu.vector_load %arg8[%get3A_1566] {strides = array<i32>} : memref<2560xi32, #tpu.memory_space<vmem>>, vector<16xi32>,
        %add3A_1568 = arith.constant 32 : i32
        %add3A_1569 = arith.addi %mul3A_1561, %add3A_1568 : i32
        %get3A_1570 = arith.index_cast %add3A_1569 : i32 to index
        %get3A_1571 = tpu.vector_load %arg8[%get3A_1570] {strides = array<i32>} : memref<2560xi32, #tpu.memory_space<vmem>>, vector<16xi32>,
        %add3A_1572 = arith.constant 48 : i32
        %add3A_1573 = arith.addi %mul3A_1561, %add3A_1572 : i32
        %get3A_1574 = arith.index_cast %add3A_1573 : i32 to index
        %get3A_1575 = tpu.vector_load %arg8[%get3A_1574] {strides = array<i32>} : memref<2560xi32, #tpu.memory_space<vmem>>, vector<16xi32>,
        %reshape3A_1576 = vector.shape_cast %add3A_13 : vector<16xi32> to vector<16x1xi32>
        %gather3A_1577 = vector.shape_cast %reshape3A_1576 : vector<16x1xi32> to vector<16xi32>
        %gather3A_1578 = tpu.dynamic_gather %get3A_1563[%gather3A_1577] in [0] : vector<16xi32>, vector<16xi32> -> vector<16xi32>
        %gather3A_1579 = tpu.vector_load_idx %arg5[%gather3A_1578, %and3A_9] : memref<10240x8xf32, #tpu.memory_space<vmem>>[vector<16xi32>, vector<16xi32>], vector<16xf32>,
        %reshape3A_1580 = vector.shape_cast %add3A_16 : vector<16xi32> to vector<16x1xi32>
        %gather3A_1581 = vector.shape_cast %reshape3A_1580 : vector<16x1xi32> to vector<16xi32>
        %gather3A_1582 = tpu.dynamic_gather %get3A_1563[%gather3A_1581] in [0] : vector<16xi32>, vector<16xi32> -> vector<16xi32>
        %gather3A_1583 = tpu.vector_load_idx %arg5[%gather3A_1582, %and3A_9] : memref<10240x8xf32, #tpu.memory_space<vmem>>[vector<16xi32>, vector<16xi32>], vector<16xf32>,
        %reshape3A_1584 = vector.shape_cast %add3A_19 : vector<16xi32> to vector<16x1xi32>
        %gather3A_1585 = vector.shape_cast %reshape3A_1584 : vector<16x1xi32> to vector<16xi32>
        %gather3A_1586 = tpu.dynamic_gather %get3A_1563[%gather3A_1585] in [0] : vector<16xi32>, vector<16xi32> -> vector<16xi32>
        %gather3A_1587 = tpu.vector_load_idx %arg5[%gather3A_1586, %and3A_9] : memref<10240x8xf32, #tpu.memory_space<vmem>>[vector<16xi32>, vector<16xi32>], vector<16xf32>,
        %reshape3A_1588 = vector.shape_cast %add3A_22 : vector<16xi32> to vector<16x1xi32>
        %gather3A_1589 = vector.shape_cast %reshape3A_1588 : vector<16x1xi32> to vector<16xi32>
        %gather3A_1590 = tpu.dynamic_gather %get3A_1563[%gather3A_1589] in [0] : vector<16xi32>, vector<16xi32> -> vector<16xi32>
        %gather3A_1591 = tpu.vector_load_idx %arg5[%gather3A_1590, %and3A_9] : memref<10240x8xf32, #tpu.memory_space<vmem>>[vector<16xi32>, vector<16xi32>], vector<16xf32>,
        %reshape3A_1592 = vector.shape_cast %add3A_25 : vector<16xi32> to vector<16x1xi32>
        %gather3A_1593 = vector.shape_cast %reshape3A_1592 : vector<16x1xi32> to vector<16xi32>
        %gather3A_1594 = tpu.dynamic_gather %get3A_1563[%gather3A_1593] in [0] : vector<16xi32>, vector<16xi32> -> vector<16xi32>
        %gather3A_1595 = tpu.vector_load_idx %arg5[%gather3A_1594, %and3A_9] : memref<10240x8xf32, #tpu.memory_space<vmem>>[vector<16xi32>, vector<16xi32>], vector<16xf32>,
        %reshape3A_1596 = vector.shape_cast %add3A_28 : vector<16xi32> to vector<16x1xi32>
        %gather3A_1597 = vector.shape_cast %reshape3A_1596 : vector<16x1xi32> to vector<16xi32>
        %gather3A_1598 = tpu.dynamic_gather %get3A_1563[%gather3A_1597] in [0] : vector<16xi32>, vector<16xi32> -> vector<16xi32>
        %gather3A_1599 = tpu.vector_load_idx %arg5[%gather3A_1598, %and3A_9] : memref<10240x8xf32, #tpu.memory_space<vmem>>[vector<16xi32>, vector<16xi32>], vector<16xf32>,
        %reshape3A_1600 = vector.shape_cast %add3A_31 : vector<16xi32> to vector<16x1xi32>
        %gather3A_1601 = vector.shape_cast %reshape3A_1600 : vector<16x1xi32> to vector<16xi32>
        %gather3A_1602 = tpu.dynamic_gather %get3A_1563[%gather3A_1601] in [0] : vector<16xi32>, vector<16xi32> -> vector<16xi32>
        %gather3A_1603 = tpu.vector_load_idx %arg5[%gather3A_1602, %and3A_9] : memref<10240x8xf32, #tpu.memory_space<vmem>>[vector<16xi32>, vector<16xi32>], vector<16xf32>,
        %reshape3A_1604 = vector.shape_cast %add3A_34 : vector<16xi32> to vector<16x1xi32>
        %gather3A_1605 = vector.shape_cast %reshape3A_1604 : vector<16x1xi32> to vector<16xi32>
        %gather3A_1606 = tpu.dynamic_gather %get3A_1563[%gather3A_1605] in [0] : vector<16xi32>, vector<16xi32> -> vector<16xi32>
        %gather3A_1607 = tpu.vector_load_idx %arg5[%gather3A_1606, %and3A_9] : memref<10240x8xf32, #tpu.memory_space<vmem>>[vector<16xi32>, vector<16xi32>], vector<16xf32>,
        %reshape3A_1608 = vector.shape_cast %add3A_13 : vector<16xi32> to vector<16x1xi32>
        %gather3A_1609 = vector.shape_cast %reshape3A_1608 : vector<16x1xi32> to vector<16xi32>
        %gather3A_1610 = tpu.dynamic_gather %get3A_1567[%gather3A_1609] in [0] : vector<16xi32>, vector<16xi32> -> vector<16xi32>
        %gather3A_1611 = tpu.vector_load_idx %arg5[%gather3A_1610, %and3A_9] : memref<10240x8xf32, #tpu.memory_space<vmem>>[vector<16xi32>, vector<16xi32>], vector<16xf32>,
        %reshape3A_1612 = vector.shape_cast %add3A_16 : vector<16xi32> to vector<16x1xi32>
        %gather3A_1613 = vector.shape_cast %reshape3A_1612 : vector<16x1xi32> to vector<16xi32>
        %gather3A_1614 = tpu.dynamic_gather %get3A_1567[%gather3A_1613] in [0] : vector<16xi32>, vector<16xi32> -> vector<16xi32>
        %gather3A_1615 = tpu.vector_load_idx %arg5[%gather3A_1614, %and3A_9] : memref<10240x8xf32, #tpu.memory_space<vmem>>[vector<16xi32>, vector<16xi32>], vector<16xf32>,
        %reshape3A_1616 = vector.shape_cast %add3A_19 : vector<16xi32> to vector<16x1xi32>
        %gather3A_1617 = vector.shape_cast %reshape3A_1616 : vector<16x1xi32> to vector<16xi32>
        %gather3A_1618 = tpu.dynamic_gather %get3A_1567[%gather3A_1617] in [0] : vector<16xi32>, vector<16xi32> -> vector<16xi32>
        %gather3A_1619 = tpu.vector_load_idx %arg5[%gather3A_1618, %and3A_9] : memref<10240x8xf32, #tpu.memory_space<vmem>>[vector<16xi32>, vector<16xi32>], vector<16xf32>,
        %reshape3A_1620 = vector.shape_cast %add3A_22 : vector<16xi32> to vector<16x1xi32>
        %gather3A_1621 = vector.shape_cast %reshape3A_1620 : vector<16x1xi32> to vector<16xi32>
        %gather3A_1622 = tpu.dynamic_gather %get3A_1567[%gather3A_1621] in [0] : vector<16xi32>, vector<16xi32> -> vector<16xi32>
        %gather3A_1623 = tpu.vector_load_idx %arg5[%gather3A_1622, %and3A_9] : memref<10240x8xf32, #tpu.memory_space<vmem>>[vector<16xi32>, vector<16xi32>], vector<16xf32>,
        %reshape3A_1624 = vector.shape_cast %add3A_25 : vector<16xi32> to vector<16x1xi32>
        %gather3A_1625 = vector.shape_cast %reshape3A_1624 : vector<16x1xi32> to vector<16xi32>
        %gather3A_1626 = tpu.dynamic_gather %get3A_1567[%gather3A_1625] in [0] : vector<16xi32>, vector<16xi32> -> vector<16xi32>
        %gather3A_1627 = tpu.vector_load_idx %arg5[%gather3A_1626, %and3A_9] : memref<10240x8xf32, #tpu.memory_space<vmem>>[vector<16xi32>, vector<16xi32>], vector<16xf32>,
        %reshape3A_1628 = vector.shape_cast %add3A_28 : vector<16xi32> to vector<16x1xi32>
        %gather3A_1629 = vector.shape_cast %reshape3A_1628 : vector<16x1xi32> to vector<16xi32>
        %gather3A_1630 = tpu.dynamic_gather %get3A_1567[%gather3A_1629] in [0] : vector<16xi32>, vector<16xi32> -> vector<16xi32>
        %gather3A_1631 = tpu.vector_load_idx %arg5[%gather3A_1630, %and3A_9] : memref<10240x8xf32, #tpu.memory_space<vmem>>[vector<16xi32>, vector<16xi32>], vector<16xf32>,
        %reshape3A_1632 = vector.shape_cast %add3A_31 : vector<16xi32> to vector<16x1xi32>
        %gather3A_1633 = vector.shape_cast %reshape3A_1632 : vector<16x1xi32> to vector<16xi32>
        %gather3A_1634 = tpu.dynamic_gather %get3A_1567[%gather3A_1633] in [0] : vector<16xi32>, vector<16xi32> -> vector<16xi32>
        %gather3A_1635 = tpu.vector_load_idx %arg5[%gather3A_1634, %and3A_9] : memref<10240x8xf32, #tpu.memory_space<vmem>>[vector<16xi32>, vector<16xi32>], vector<16xf32>,
        %reshape3A_1636 = vector.shape_cast %add3A_34 : vector<16xi32> to vector<16x1xi32>
        %gather3A_1637 = vector.shape_cast %reshape3A_1636 : vector<16x1xi32> to vector<16xi32>
        %gather3A_1638 = tpu.dynamic_gather %get3A_1567[%gather3A_1637] in [0] : vector<16xi32>, vector<16xi32> -> vector<16xi32>
        %gather3A_1639 = tpu.vector_load_idx %arg5[%gather3A_1638, %and3A_9] : memref<10240x8xf32, #tpu.memory_space<vmem>>[vector<16xi32>, vector<16xi32>], vector<16xf32>,
        %add3A_1640 = arith.addf %gather3A_1579, %gather3A_1595 : vector<16xf32>
        %add3A_1641 = arith.addf %gather3A_1583, %gather3A_1599 : vector<16xf32>
        %add3A_1642 = arith.addf %gather3A_1587, %gather3A_1603 : vector<16xf32>
        %add3A_1643 = arith.addf %gather3A_1591, %gather3A_1607 : vector<16xf32>
        %add3A_1644 = arith.addf %add3A_1640, %gather3A_1611 : vector<16xf32>
        %add3A_1645 = arith.addf %add3A_1641, %gather3A_1615 : vector<16xf32>
        %add3A_1646 = arith.addf %add3A_1642, %gather3A_1619 : vector<16xf32>
        %add3A_1647 = arith.addf %add3A_1643, %gather3A_1623 : vector<16xf32>
        %add3A_1648 = arith.addf %add3A_1644, %gather3A_1627 : vector<16xf32>
        %add3A_1649 = arith.addf %add3A_1645, %gather3A_1631 : vector<16xf32>
        %add3A_1650 = arith.addf %add3A_1646, %gather3A_1635 : vector<16xf32>
        %add3A_1651 = arith.addf %add3A_1647, %gather3A_1639 : vector<16xf32>
        %add3A_1652 = arith.addf %add3A_1648, %add3A_1649 : vector<16xf32>
        %add3A_1653 = arith.addf %add3A_1650, %add3A_1651 : vector<16xf32>
        %add3A_1654 = arith.addf %add3A_1652, %add3A_1653 : vector<16xf32>
        %reshape3A_1655 = vector.shape_cast %add3A_13 : vector<16xi32> to vector<16x1xi32>
        %gather3A_1656 = vector.shape_cast %reshape3A_1655 : vector<16x1xi32> to vector<16xi32>
        %gather3A_1657 = tpu.dynamic_gather %get3A_1571[%gather3A_1656] in [0] : vector<16xi32>, vector<16xi32> -> vector<16xi32>
        %gather3A_1658 = tpu.vector_load_idx %arg5[%gather3A_1657, %and3A_9] : memref<10240x8xf32, #tpu.memory_space<vmem>>[vector<16xi32>, vector<16xi32>], vector<16xf32>,
        %reshape3A_1659 = vector.shape_cast %add3A_16 : vector<16xi32> to vector<16x1xi32>
        %gather3A_1660 = vector.shape_cast %reshape3A_1659 : vector<16x1xi32> to vector<16xi32>
        %gather3A_1661 = tpu.dynamic_gather %get3A_1571[%gather3A_1660] in [0] : vector<16xi32>, vector<16xi32> -> vector<16xi32>
        %gather3A_1662 = tpu.vector_load_idx %arg5[%gather3A_1661, %and3A_9] : memref<10240x8xf32, #tpu.memory_space<vmem>>[vector<16xi32>, vector<16xi32>], vector<16xf32>,
        %reshape3A_1663 = vector.shape_cast %add3A_19 : vector<16xi32> to vector<16x1xi32>
        %gather3A_1664 = vector.shape_cast %reshape3A_1663 : vector<16x1xi32> to vector<16xi32>
        %gather3A_1665 = tpu.dynamic_gather %get3A_1571[%gather3A_1664] in [0] : vector<16xi32>, vector<16xi32> -> vector<16xi32>
        %gather3A_1666 = tpu.vector_load_idx %arg5[%gather3A_1665, %and3A_9] : memref<10240x8xf32, #tpu.memory_space<vmem>>[vector<16xi32>, vector<16xi32>], vector<16xf32>,
        %reshape3A_1667 = vector.shape_cast %add3A_22 : vector<16xi32> to vector<16x1xi32>
        %gather3A_1668 = vector.shape_cast %reshape3A_1667 : vector<16x1xi32> to vector<16xi32>
        %gather3A_1669 = tpu.dynamic_gather %get3A_1571[%gather3A_1668] in [0] : vector<16xi32>, vector<16xi32> -> vector<16xi32>
        %gather3A_1670 = tpu.vector_load_idx %arg5[%gather3A_1669, %and3A_9] : memref<10240x8xf32, #tpu.memory_space<vmem>>[vector<16xi32>, vector<16xi32>], vector<16xf32>,
        %reshape3A_1671 = vector.shape_cast %add3A_25 : vector<16xi32> to vector<16x1xi32>
        %gather3A_1672 = vector.shape_cast %reshape3A_1671 : vector<16x1xi32> to vector<16xi32>
        %gather3A_1673 = tpu.dynamic_gather %get3A_1571[%gather3A_1672] in [0] : vector<16xi32>, vector<16xi32> -> vector<16xi32>
        %gather3A_1674 = tpu.vector_load_idx %arg5[%gather3A_1673, %and3A_9] : memref<10240x8xf32, #tpu.memory_space<vmem>>[vector<16xi32>, vector<16xi32>], vector<16xf32>,
        %reshape3A_1675 = vector.shape_cast %add3A_28 : vector<16xi32> to vector<16x1xi32>
        %gather3A_1676 = vector.shape_cast %reshape3A_1675 : vector<16x1xi32> to vector<16xi32>
        %gather3A_1677 = tpu.dynamic_gather %get3A_1571[%gather3A_1676] in [0] : vector<16xi32>, vector<16xi32> -> vector<16xi32>
        %gather3A_1678 = tpu.vector_load_idx %arg5[%gather3A_1677, %and3A_9] : memref<10240x8xf32, #tpu.memory_space<vmem>>[vector<16xi32>, vector<16xi32>], vector<16xf32>,
        %reshape3A_1679 = vector.shape_cast %add3A_31 : vector<16xi32> to vector<16x1xi32>
        %gather3A_1680 = vector.shape_cast %reshape3A_1679 : vector<16x1xi32> to vector<16xi32>
        %gather3A_1681 = tpu.dynamic_gather %get3A_1571[%gather3A_1680] in [0] : vector<16xi32>, vector<16xi32> -> vector<16xi32>
        %gather3A_1682 = tpu.vector_load_idx %arg5[%gather3A_1681, %and3A_9] : memref<10240x8xf32, #tpu.memory_space<vmem>>[vector<16xi32>, vector<16xi32>], vector<16xf32>,
        %reshape3A_1683 = vector.shape_cast %add3A_34 : vector<16xi32> to vector<16x1xi32>
        %gather3A_1684 = vector.shape_cast %reshape3A_1683 : vector<16x1xi32> to vector<16xi32>
        %gather3A_1685 = tpu.dynamic_gather %get3A_1571[%gather3A_1684] in [0] : vector<16xi32>, vector<16xi32> -> vector<16xi32>
        %gather3A_1686 = tpu.vector_load_idx %arg5[%gather3A_1685, %and3A_9] : memref<10240x8xf32, #tpu.memory_space<vmem>>[vector<16xi32>, vector<16xi32>], vector<16xf32>,
        %reshape3A_1687 = vector.shape_cast %add3A_13 : vector<16xi32> to vector<16x1xi32>
        %gather3A_1688 = vector.shape_cast %reshape3A_1687 : vector<16x1xi32> to vector<16xi32>
        %gather3A_1689 = tpu.dynamic_gather %get3A_1575[%gather3A_1688] in [0] : vector<16xi32>, vector<16xi32> -> vector<16xi32>
        %gather3A_1690 = tpu.vector_load_idx %arg5[%gather3A_1689, %and3A_9] : memref<10240x8xf32, #tpu.memory_space<vmem>>[vector<16xi32>, vector<16xi32>], vector<16xf32>,
        %reshape3A_1691 = vector.shape_cast %add3A_16 : vector<16xi32> to vector<16x1xi32>
        %gather3A_1692 = vector.shape_cast %reshape3A_1691 : vector<16x1xi32> to vector<16xi32>
        %gather3A_1693 = tpu.dynamic_gather %get3A_1575[%gather3A_1692] in [0] : vector<16xi32>, vector<16xi32> -> vector<16xi32>
        %gather3A_1694 = tpu.vector_load_idx %arg5[%gather3A_1693, %and3A_9] : memref<10240x8xf32, #tpu.memory_space<vmem>>[vector<16xi32>, vector<16xi32>], vector<16xf32>,
        %reshape3A_1695 = vector.shape_cast %add3A_19 : vector<16xi32> to vector<16x1xi32>
        %gather3A_1696 = vector.shape_cast %reshape3A_1695 : vector<16x1xi32> to vector<16xi32>
        %gather3A_1697 = tpu.dynamic_gather %get3A_1575[%gather3A_1696] in [0] : vector<16xi32>, vector<16xi32> -> vector<16xi32>
        %gather3A_1698 = tpu.vector_load_idx %arg5[%gather3A_1697, %and3A_9] : memref<10240x8xf32, #tpu.memory_space<vmem>>[vector<16xi32>, vector<16xi32>], vector<16xf32>,
        %reshape3A_1699 = vector.shape_cast %add3A_22 : vector<16xi32> to vector<16x1xi32>
        %gather3A_1700 = vector.shape_cast %reshape3A_1699 : vector<16x1xi32> to vector<16xi32>
        %gather3A_1701 = tpu.dynamic_gather %get3A_1575[%gather3A_1700] in [0] : vector<16xi32>, vector<16xi32> -> vector<16xi32>
        %gather3A_1702 = tpu.vector_load_idx %arg5[%gather3A_1701, %and3A_9] : memref<10240x8xf32, #tpu.memory_space<vmem>>[vector<16xi32>, vector<16xi32>], vector<16xf32>,
        %reshape3A_1703 = vector.shape_cast %add3A_25 : vector<16xi32> to vector<16x1xi32>
        %gather3A_1704 = vector.shape_cast %reshape3A_1703 : vector<16x1xi32> to vector<16xi32>
        %gather3A_1705 = tpu.dynamic_gather %get3A_1575[%gather3A_1704] in [0] : vector<16xi32>, vector<16xi32> -> vector<16xi32>
        %gather3A_1706 = tpu.vector_load_idx %arg5[%gather3A_1705, %and3A_9] : memref<10240x8xf32, #tpu.memory_space<vmem>>[vector<16xi32>, vector<16xi32>], vector<16xf32>,
        %reshape3A_1707 = vector.shape_cast %add3A_28 : vector<16xi32> to vector<16x1xi32>
        %gather3A_1708 = vector.shape_cast %reshape3A_1707 : vector<16x1xi32> to vector<16xi32>
        %gather3A_1709 = tpu.dynamic_gather %get3A_1575[%gather3A_1708] in [0] : vector<16xi32>, vector<16xi32> -> vector<16xi32>
        %gather3A_1710 = tpu.vector_load_idx %arg5[%gather3A_1709, %and3A_9] : memref<10240x8xf32, #tpu.memory_space<vmem>>[vector<16xi32>, vector<16xi32>], vector<16xf32>,
        %reshape3A_1711 = vector.shape_cast %add3A_31 : vector<16xi32> to vector<16x1xi32>
        %gather3A_1712 = vector.shape_cast %reshape3A_1711 : vector<16x1xi32> to vector<16xi32>
        %gather3A_1713 = tpu.dynamic_gather %get3A_1575[%gather3A_1712] in [0] : vector<16xi32>, vector<16xi32> -> vector<16xi32>
        %gather3A_1714 = tpu.vector_load_idx %arg5[%gather3A_1713, %and3A_9] : memref<10240x8xf32, #tpu.memory_space<vmem>>[vector<16xi32>, vector<16xi32>], vector<16xf32>,
        %reshape3A_1715 = vector.shape_cast %add3A_34 : vector<16xi32> to vector<16x1xi32>
        %gather3A_1716 = vector.shape_cast %reshape3A_1715 : vector<16x1xi32> to vector<16xi32>
        %gather3A_1717 = tpu.dynamic_gather %get3A_1575[%gather3A_1716] in [0] : vector<16xi32>, vector<16xi32> -> vector<16xi32>
        %gather3A_1718 = tpu.vector_load_idx %arg5[%gather3A_1717, %and3A_9] : memref<10240x8xf32, #tpu.memory_space<vmem>>[vector<16xi32>, vector<16xi32>], vector<16xf32>,
        %add3A_1719 = arith.addf %gather3A_1658, %gather3A_1674 : vector<16xf32>
        %add3A_1720 = arith.addf %gather3A_1662, %gather3A_1678 : vector<16xf32>
        %add3A_1721 = arith.addf %gather3A_1666, %gather3A_1682 : vector<16xf32>
        %add3A_1722 = arith.addf %gather3A_1670, %gather3A_1686 : vector<16xf32>
        %add3A_1723 = arith.addf %add3A_1719, %gather3A_1690 : vector<16xf32>
        %add3A_1724 = arith.addf %add3A_1720, %gather3A_1694 : vector<16xf32>
        %add3A_1725 = arith.addf %add3A_1721, %gather3A_1698 : vector<16xf32>
        %add3A_1726 = arith.addf %add3A_1722, %gather3A_1702 : vector<16xf32>
        %add3A_1727 = arith.addf %add3A_1723, %gather3A_1706 : vector<16xf32>
        %add3A_1728 = arith.addf %add3A_1724, %gather3A_1710 : vector<16xf32>
        %add3A_1729 = arith.addf %add3A_1725, %gather3A_1714 : vector<16xf32>
        %add3A_1730 = arith.addf %add3A_1726, %gather3A_1718 : vector<16xf32>
        %add3A_1731 = arith.addf %add3A_1727, %add3A_1728 : vector<16xf32>
        %add3A_1732 = arith.addf %add3A_1729, %add3A_1730 : vector<16xf32>
        %add3A_1733 = arith.addf %add3A_1731, %add3A_1732 : vector<16xf32>
        %select_n3A_1734 = arith.select %lt3A_38, %add3A_1654, %add3A_1733 : vector<16xi1>, vector<16xf32>
        %reshape3A_1735 = vector.shape_cast %xor3A_36 : vector<16xi32> to vector<16x1xi32>
        %gather3A_1736 = vector.shape_cast %reshape3A_1735 : vector<16x1xi32> to vector<16xi32>
        %gather3A_1737 = tpu.dynamic_gather %add3A_1654[%gather3A_1736] in [0] : vector<16xf32>, vector<16xi32> -> vector<16xf32>
        %reshape3A_1738 = vector.shape_cast %xor3A_36 : vector<16xi32> to vector<16x1xi32>
        %gather3A_1739 = vector.shape_cast %reshape3A_1738 : vector<16x1xi32> to vector<16xi32>
        %gather3A_1740 = tpu.dynamic_gather %add3A_1733[%gather3A_1739] in [0] : vector<16xf32>, vector<16xi32> -> vector<16xf32>
        %select_n3A_1741 = arith.select %lt3A_38, %gather3A_1737, %gather3A_1740 : vector<16xi1>, vector<16xf32>
        %add3A_1742 = arith.addf %select_n3A_1734, %select_n3A_1741 : vector<16xf32>
        %mul3A_1743 = arith.constant 80 : i32
        %mul3A_1744 = arith.muli %add3A_117, %mul3A_1743 : i32
        %mul3A_1745 = arith.constant 2 : i32
        %mul3A_1746 = arith.muli %add3A_1557, %mul3A_1745 : i32
        %add3A_1747 = arith.addi %mul3A_1744, %mul3A_1746 : i32
        %broadcast_in_dim3A_1748 = vector.broadcast %add3A_1747 : i32 to vector<16xi32>
        %add3A_1749 = arith.addi %broadcast_in_dim3A_1748, %shift_right_logical3A_11 : vector<16xi32>
        %add3A_1750 = vector.broadcast %mul3A_40 : i32 to vector<16xi32>
        %add3A_1751 = arith.addi %add3A_1749, %add3A_1750 : vector<16xi32>
        %gather3A_1752 = tpu.vector_load_idx %arg5[%add3A_1751, %and3A_9] : memref<10240x8xf32, #tpu.memory_space<vmem>>[vector<16xi32>, vector<16xi32>], vector<16xf32>,
        %add3A_1753 = arith.addf %add3A_1742, %gather3A_1752 : vector<16xf32>
        %mul3A_1754 = arith.constant 0.0303030312 : f32
        %mul3A_1755 = vector.broadcast %mul3A_1754 : f32 to vector<16xf32>
        %mul3A_1756 = arith.mulf %add3A_1753, %mul3A_1755 : vector<16xf32>
        tpu.vector_store_idx %arg6[%add3A_1749, %and3A_9], %mul3A_1756 : memref<5120x8xf32, #tpu.memory_space<vmem>>[vector<16xi32>, vector<16xi32>], vector<16xf32>,
      }
      %scan3A_123 = arith.constant 5 : i32
      %mul3A_124 = arith.constant 80 : i32
      %mul3A_125 = arith.muli %add3A_117, %mul3A_124 : i32
      %mul3A_126 = arith.constant 80 : i32
      %mul3A_127 = arith.muli %add3A_117, %mul3A_126 : i32
      %add3A_128 = arith.addi %mul3A_40, %mul3A_127 : i32
      %mul3A_129 = arith.constant 8 : i32
      %mul3A_130 = arith.muli %arg1, %mul3A_129 : i32
      %dma_start3A_131 = arith.constant 0 : i32
      %dma_start3A_132 = tpu.memref_slice %arg6[%mul3A_125, %dma_start3A_131] : memref<5120x8xf32, #tpu.memory_space<vmem>> -> memref<80x8xf32, #tpu.memory_space<vmem>>
      %dma_start3A_133 = tpu.memref_slice %arg4[%add3A_128, %mul3A_130] : memref<10240x128xf32, #tpu.memory_space<hbm>> -> memref<80x8xf32, #tpu.memory_space<hbm>>
      %dma_start3A_134 = tpu.memref_slice %arg4[%add3A_128, %mul3A_130] : memref<10240x128xf32, #tpu.memory_space<hbm>> -> memref<80x8xf32, #tpu.memory_space<hbm>>
      %dma_start3A_135 = arith.constant 0 : i32
      %dma_start3A_136 = tpu.memref_slice %arg6[%mul3A_125, %dma_start3A_135] : memref<5120x8xf32, #tpu.memory_space<vmem>> -> memref<80x8xf32, #tpu.memory_space<vmem>>
      tpu.enqueue_dma source(%dma_start3A_136 : memref<80x8xf32, #tpu.memory_space<vmem>>) target(%dma_start3A_134 : memref<80x8xf32, #tpu.memory_space<hbm>>) target_semaphore(%arg11 : memref<!tpu.dma_semaphore, #tpu.memory_space<semaphore_mem>>)
    }
    %scan3A_45 = arith.constant 32 : i32
    %dma_wait3A = arith.constant 0 : i32
    %dma_wait3A_46 = arith.constant 0 : i32
    %dma_wait3A_47 = tpu.memref_slice %arg3[%dma_wait3A, %dma_wait3A_46] : memref<129x2560xi32, #tpu.memory_space<hbm>> -> memref<1x2560xi32, #tpu.memory_space<hbm>>
    %dma_wait3A_48 = tpu.memref_squeeze %dma_wait3A_47 : memref<1x2560xi32, #tpu.memory_space<hbm>> -> memref<2560xi32, #tpu.memory_space<hbm>>
    %dma_wait3A_49 = arith.constant 0 : i32
    %dma_wait3A_50 = tpu.memref_slice %arg3[%dma_wait3A, %dma_wait3A_49] : memref<129x2560xi32, #tpu.memory_space<hbm>> -> memref<1x2560xi32, #tpu.memory_space<hbm>>
    %dma_wait3A_51 = tpu.memref_squeeze %dma_wait3A_50 : memref<1x2560xi32, #tpu.memory_space<hbm>> -> memref<2560xi32, #tpu.memory_space<hbm>>
    tpu.wait_dma2 semaphore(%arg9 : memref<!tpu.dma_semaphore, #tpu.memory_space<semaphore_mem>>) src(%dma_wait3A_51 : memref<2560xi32, #tpu.memory_space<hbm>>) dst(%arg7 : memref<2560xi32, #tpu.memory_space<vmem>>)
    %scan3A_52 = arith.constant 0 : i32
    %scan3A_53 = arith.constant 0 : i32
    %scan3A_54 = arith.constant 64 : i32
    %scan3A_55 = arith.addi %scan3A_53, %scan3A_54 : i32
    %scan3A_56 = arith.constant 1 : i32
    scf.for %scan3A_58 = %scan3A_53 to %scan3A_55 step %scan3A_56  : i32 {
      %mul3A_59 = arith.constant 8 : i32
      %mul3A_60 = arith.muli %arg1, %mul3A_59 : i32
      %dma_wait3A_61 = arith.constant 0 : i32
      %dma_wait3A_62 = arith.constant 0 : i32
      %dma_wait3A_63 = tpu.memref_slice %arg6[%dma_wait3A_61, %dma_wait3A_62] : memref<5120x8xf32, #tpu.memory_space<vmem>> -> memref<80x8xf32, #tpu.memory_space<vmem>>
      %dma_wait3A_64 = tpu.memref_slice %arg4[%mul3A_40, %mul3A_60] : memref<10240x128xf32, #tpu.memory_space<hbm>> -> memref<80x8xf32, #tpu.memory_space<hbm>>
      %dma_wait3A_65 = tpu.memref_slice %arg4[%mul3A_40, %mul3A_60] : memref<10240x128xf32, #tpu.memory_space<hbm>> -> memref<80x8xf32, #tpu.memory_space<hbm>>
      %dma_wait3A_66 = arith.constant 0 : i32
      %dma_wait3A_67 = arith.constant 0 : i32
      %dma_wait3A_68 = tpu.memref_slice %arg6[%dma_wait3A_66, %dma_wait3A_67] : memref<5120x8xf32, #tpu.memory_space<vmem>> -> memref<80x8xf32, #tpu.memory_space<vmem>>
      tpu.wait_dma2 semaphore(%arg11 : memref<!tpu.dma_semaphore, #tpu.memory_space<semaphore_mem>>) src(%dma_wait3A_68 : memref<80x8xf32, #tpu.memory_space<vmem>>) dst(%dma_wait3A_65 : memref<80x8xf32, #tpu.memory_space<hbm>>)
    }
    %scan3A_57 = arith.constant 64 : i32
    return
  }
}

module attributes {stable_mosaic.version = 14 : i64} {
  func.func @body(%arg0: i32, %arg1: memref<400x128xf32, #tpu.memory_space<vmem>>, %arg2: memref<128x128xf32, #tpu.memory_space<vmem>>, %arg3: memref<400x128xf32, #tpu.memory_space<vmem>>) attributes {dimension_semantics = [#tpu.dimension_semantics<arbitrary>], iteration_bounds = array<i64: 25>, scalar_prefetch = 0 : i64, scratch_operands = 0 : i64, tpu.core_type = #tpu.core_type<tc>, window_params = [{transform_indices = @transform_0, window_bounds = array<i64: 400, 128>}, {pipeline_mode = #tpu.pipeline_mode<synchronous>, transform_indices = @transform_1, window_bounds = array<i64: 128, 128>}, {transform_indices = @transform_2, window_bounds = array<i64: 400, 128>}]} {
    %get3A = arith.constant 0 : index
    %get3A_0 = arith.constant 0 : index
    %get3A_1 = vector.load %arg1[%get3A, %get3A_0] : memref<400x128xf32, #tpu.memory_space<vmem>>, vector<400x128xf32>
    %get3A_2 = arith.constant 0 : index
    %get3A_3 = arith.constant 0 : index
    %get3A_4 = vector.load %arg2[%get3A_2, %get3A_3] : memref<128x128xf32, #tpu.memory_space<vmem>>, vector<128x128xf32>
    %dot_general3A = arith.constant dense<0.000000e+00> : vector<400x128xf32>
    %dot_general3A_5 = tpu.matmul %get3A_1, %get3A_4, %dot_general3A {dimension_numbers = #tpu.dot_dimension_numbers<[1], [0], [0], [1], [0, 0, 1, 1], [], []>, transpose_lhs_hint = false} : vector<400x128xf32>, vector<128x128xf32>, vector<400x128xf32> -> vector<400x128xf32>
    %ge3A = arith.constant 0.000000e+00 : f32
    %ge3A_6 = vector.broadcast %ge3A : f32 to vector<400x128xf32>
    %ge3A_7 = arith.cmpf oge, %dot_general3A_5, %ge3A_6 : vector<400x128xf32>
    %mul3A = arith.constant 2.000000e-01 : f32
    %mul3A_8 = vector.broadcast %mul3A : f32 to vector<400x128xf32>
    %mul3A_9 = arith.mulf %mul3A_8, %dot_general3A_5 : vector<400x128xf32>
    %select_n3A = arith.select %ge3A_7, %dot_general3A_5, %mul3A_9 : vector<400x128xi1>, vector<400x128xf32>
    %mul3A_10 = arith.mulf %select_n3A, %select_n3A : vector<400x128xf32>
    %reduce_sum3A = arith.constant dense<0.000000e+00> : vector<400xf32>
    %reduce_sum3A_11 = vector.multi_reduction <add>, %mul3A_10, %reduce_sum3A [1] : vector<400x128xf32> to vector<400xf32>
    %broadcast_in_dim3A = vector.shape_cast %reduce_sum3A_11 : vector<400xf32> to vector<400x1xf32>
    %sqrt3A = math.sqrt %broadcast_in_dim3A : vector<400x1xf32>
    %max3A = arith.constant 9.99999996E-13 : f32
    %max3A_12 = vector.broadcast %max3A : f32 to vector<400x1xf32>
    %max3A_13 = arith.maximumf %sqrt3A, %max3A_12 : vector<400x1xf32>
    %div3A = vector.broadcast %max3A_13 : vector<400x1xf32> to vector<400x128xf32>
    %div3A_14 = arith.divf %select_n3A, %div3A : vector<400x128xf32>
    %swap3A = arith.constant 0 : index
    %swap3A_15 = arith.constant 0 : index
    %swap3A_16 = vector.load %arg3[%swap3A, %swap3A_15] : memref<400x128xf32, #tpu.memory_space<vmem>>, vector<400x128xf32>
    tpu.vector_store %arg3[%swap3A, %swap3A_15], %div3A_14 {strides = array<i32>} : memref<400x128xf32, #tpu.memory_space<vmem>>, vector<400x128xf32>,
    return
  }
  func.func @transform_0(%arg0: i32) -> (i32, i32) {
    %c0_i32 = arith.constant 0 : i32
    %c0_i32_0 = arith.constant 0 : i32
    return %arg0, %c0_i32 : i32, i32
  }
  func.func @transform_1(%arg0: i32) -> (i32, i32) {
    %c0_i32 = arith.constant 0 : i32
    %c0_i32_0 = arith.constant 0 : i32
    %c0_i32_1 = arith.constant 0 : i32
    return %c0_i32, %c0_i32_0 : i32, i32
  }
  func.func @transform_2(%arg0: i32) -> (i32, i32) {
    %c0_i32 = arith.constant 0 : i32
    %c0_i32_0 = arith.constant 0 : i32
    return %arg0, %c0_i32 : i32, i32
  }
}

</mosaic_0001>

<sc_bundles>
// kernel: kernel.4.cloned.1.call-start
scs
__scs_entry_jumppad:
0x0: {  	(pc) =	sbr.rel $0x88, $3  }
0x1: {  	(tag) =	ssettag $0x0;
	lr =	simm.s32 $0x1  }
0x2: {  	[smem:$0x3F9E] =	sst lr;
	_ =	strace $0xD0000000  }
0x3: {  	_ = 	snop  }
0x4: {  	_ = 	snop  }
0x5: {  	_ = 	snop  }
0x6: {  	_ = 	snop  }
0x7: {  	_ = 	snop  }
__scs_overlays_trampoline_lowered:
0x8: {  	[smem:$0x3FAD] =	sst s0  }
0x9: {  	[smem:$0x3FAE] =	sst s1  }
0xa: {  	[smem:$0x3FAF] =	sst s2  }
0xb: {  	[smem:$0x3FB0] =	sst s3  }
0xc: {  	[smem:$0x3FB1] =	sst s4  }
0xd: {  	[smem:$0x3FB2] =	sst s5  }
0xe: {  	[smem:$0x3FB3] =	sst s6  }
0xf: {  	[smem:$0x3FB4] =	sst s7  }
0x10: {  	[smem:$0x3FB5] =	sst s8  }
0x11: {  	[smem:$0x3FB6] =	sst s9;
	s0 =	simm.s32 @!p0 $0x0  }
0x12: {  	s1 =	sld [smem:$0x3F9C];
	s0 =	simm.s32 @p0 $0x1  }
0x13: {  	[smem:$0x3FB7] =	sst s0;
	s0 =	simm.s32 @!p1 $0x0  }
0x14: {  	s2 =	sld [smem:$0x3F9B];
	s0 =	simm.s32 @p1 $0x1  }
0x15: {  	[smem:$0x3FB8] =	sst s0;
	s0 =	simm.s32 @!p2 $0x0  }
0x16: {  	s3 =	sld [smem:$0x3FDB];
	s0 =	simm.s32 @p2 $0x1  }
0x17: {  	s4 =	simm.s32 $0x1BF5;
	[smem:$0x3FBA] =	sst s0  }
0x18: {  	s0 =	sld [smem:$0x3F9D];
	_ =	swait.ge [sflag:s4], $0x0  }
0x19: {  	s7 =	sld [smem:$0x3F9E]  }
0x1a: {  	s8 =	sadd.s32 $0xFFFFE003, lr  }
0x1b: {  	s9 =	sadd.s32 $0xFFFFFEF7, lr;
	s5 =	simm.s32 $0xFFFFFFFF;
	p2 =	slt.u32 s8, $0xFFFFF086  }
0x1c: {  	p1 =	slt.u32 s9, $0xF7A;
	s5 =	simm.s32 @!p2 $0x0  }
0x1d: {  	s5 =	simm.s32 @p1 $0x1;
	p0 =	seq.s32 s7, s2  }
0x1e: {  	s7 =	smul.u32 @!p0 $0xF7A, s2;
	p2 =	seq.s32 @!p0 s5, $0x0  }
0x1f: {  	s9 =	smul.u32 $0xF7A, s1;
	s8 =	simm.s32 @!p0 $0x1BF5;
	p2 =	por !p2, p0  }
0x20: {  	[sflag:s8] =	ssyncset.s32 @!p0 $0xFFFFF086;
	s6 =	sadd.s32 @!p0 s3, s7;
	s7 =	simm.s32 @!p0 $0x108  }
0x21: {  	s3 =	sadd.s32 s3, s9;
	s6 =	sadd.s32 @!p0 $0x88, s6;
	s7 =	simm.s32 @p2 $0x1082  }
0x22: {  	[simem:s7], [sflag:s8] =	dma.local @!p0 [hbm:s6], $0xF7A  }
0x23: {  	s9 =	sor.u32 $0xD0000000, s2;
	s6 =	simm.s32 $0x108;
	_ =	swait.ge @!p0 [sflag:s8], $0x0  }
0x24: {  	s3 =	sadd.s32 $0x88, s3;
	s6 =	simm.s32 @!p1 $0x1082;
	[sflag:s4] =	ssyncset.s32 $0xFFFFF086  }
0x25: {  	[simem:s6], [sflag:s4] =	dma.local [hbm:s3], $0xF7A  }
0x26: {  	[smem:$0x3F9E] =	sst s1;
	(tag) =	ssettag s2;
	_ =	strace s9  }
0x27: {  	s1 =	sld [smem:$0x3FAE]  }
0x28: {  	s2 =	sld [smem:$0x3FAF]  }
0x29: {  	s4 =	sld [smem:$0x3FB1]  }
0x2a: {  	p0 =	seq.s32 s5, $0x0;
	s5 =	sld [smem:$0x3FB2]  }
0x2b: {  	s6 =	sld [smem:$0x3FB3]  }
0x2c: {  	s7 =	sld [smem:$0x3FB4]  }
0x2d: {  	s3 =	simm.s32 $0x108;
	s8 =	sld [smem:$0x3FB5]  }
0x2e: {  	s3 =	simm.s32 @!p0 $0x1082;
	s9 =	sld [smem:$0x3FB6]  }
0x2f: {  	lr =	sadd.s32 s0, s3;
	s0 =	sld [smem:$0x3FAD]  }
0x30: {  	s3 =	sld [smem:$0x3FB0]  }
0x31: {  	[smem:$0x3FB9] =	sst s10  }
0x32: {  	s10 =	sld [smem:$0x3FB7];
	_ =	sdelay $0x3  }
0x33: {  	p0 =	seq.s32 s10, $0x1;
	s10 =	sld [smem:$0x3FB9];
	_ =	sdelay $0x3  }
0x34: {  	[smem:$0x3FB9] =	sst s10  }
0x35: {  	s10 =	sld [smem:$0x3FB8];
	_ =	sdelay $0x3  }
0x36: {  	p1 =	seq.s32 s10, $0x1;
	s10 =	sld [smem:$0x3FB9];
	_ =	sdelay $0x3  }
0x37: {  	[smem:$0x3FB9] =	sst s10  }
0x38: {  	s10 =	sld [smem:$0x3FBA]  }
0x39: {  	_ = 	snop;
	(pc) =	sbr.ind lr, $3  }
0x3a: {  	_ = 	snop  }
0x3b: {  	_ = 	snop  }
0x3c: {  	p2 =	seq.s32 s10, $0x1;
	s10 =	sld [smem:$0x3FB9]  }
0x3d: {  	_ =	shalt  }
0x3e: {  	_ =	shalt  }
0x3f: {  	_ =	shalt  }
0x40: {  	_ =	shalt  }
0x41: {  	_ =	shalt  }
0x42: {  	_ =	shalt  }
0x43: {  	_ =	shalt  }
0x44: {  	_ =	shalt  }
0x45: {  	_ =	shalt  }
0x46: {  	_ =	shalt  }
0x47: {  	_ =	shalt  }
0x48: {  	_ =	shalt  }
0x49: {  	_ =	shalt  }
0x4a: {  	_ =	shalt  }
0x4b: {  	_ =	shalt  }
0x4c: {  	_ =	shalt  }
0x4d: {  	_ =	shalt  }
0x4e: {  	_ =	shalt  }
0x4f: {  	_ =	shalt  }
0x50: {  	_ =	shalt  }
0x51: {  	_ =	shalt  }
0x52: {  	_ =	shalt  }
0x53: {  	_ =	shalt  }
0x54: {  	_ =	shalt  }
0x55: {  	_ =	shalt  }
0x56: {  	_ =	shalt  }
0x57: {  	_ =	shalt  }
0x58: {  	_ =	shalt  }
0x59: {  	_ =	shalt  }
0x5a: {  	_ =	shalt  }
0x5b: {  	_ =	shalt  }
0x5c: {  	_ =	shalt  }
0x5d: {  	_ =	shalt  }
0x5e: {  	_ =	shalt  }
0x5f: {  	_ =	shalt  }
0x60: {  	_ =	shalt  }
0x61: {  	_ =	shalt  }
0x62: {  	_ =	shalt  }
0x63: {  	_ =	shalt  }
0x64: {  	_ =	shalt  }
0x65: {  	_ =	shalt  }
0x66: {  	_ =	shalt  }
0x67: {  	_ =	shalt  }
0x68: {  	_ =	shalt  }
0x69: {  	_ =	shalt  }
0x6a: {  	_ =	shalt  }
0x6b: {  	_ =	shalt  }
0x6c: {  	_ =	shalt  }
0x6d: {  	_ =	shalt  }
0x6e: {  	_ =	shalt  }
0x6f: {  	_ =	shalt  }
0x70: {  	_ =	shalt  }
0x71: {  	_ =	shalt  }
0x72: {  	_ =	shalt  }
0x73: {  	_ =	shalt  }
0x74: {  	_ =	shalt  }
0x75: {  	_ =	shalt  }
0x76: {  	_ =	shalt  }
0x77: {  	_ =	shalt  }
0x78: {  	_ =	shalt  }
0x79: {  	_ =	shalt  }
0x7a: {  	_ =	shalt  }
0x7b: {  	_ =	shalt  }
0x7c: {  	_ =	shalt  }
0x7d: {  	_ =	shalt  }
0x7e: {  	_ =	shalt  }
0x7f: {  	_ =	shalt  }
0x80: {  	_ =	shalt  }
0x81: {  	_ =	shalt  }
0x82: {  	_ =	shalt  }
0x83: {  	_ =	shalt  }
0x84: {  	_ =	shalt  }
0x85: {  	_ =	shalt  }
0x86: {  	_ =	shalt  }
0x87: {  	_ =	shalt  }
.Lfunc_end0:
.L_simem_size_0:
called_computation_lowered:
.L_overlay_start_0:
0x88: {  	s2 =	sld [smem:$0x3FD9]  }
0x89: {  	s3 =	sld [smem:$0x3FFE];
	_ =	sdelay $0x1  }
0x8a: {  	s1 =	srdreg.scid  }
0x8b: {  	s0 =	sand.u32 $0x1, s1  }
0x8c: {  	s17 =	sshll.u32 s0, $0xA;
	s2 =	sadd.s32 s3, s2  }
0x8d: {  	s2 =	sadd.s32 s2, s17  }
0x8e: {  	[smem:$0x3FC5] =	sst s2  }
0x8f: {  	_ = 	snop  }
0x90: {  	s2 =	sld [smem:$0x3FC9]  }
0x91: {  	s18 =	sld [smem:$0x3FD0];
	(tm) =	ssettm $0x1  }
0x92: {  	s4 =	sld [smem:$0x3FFB];
	_ =	sdelay $0x3  }
0x93: {  	_ =	strace s4  }
0x94: {  	s4 =	sld [smem:$0x3FFC];
	_ =	sdelay $0x3  }
0x95: {  	_ =	strace s4  }
0x96: {  	s4 =	sld [smem:$0x3FFD];
	_ =	sdelay $0x3  }
0x97: {  	_ =	strace s4  }
0x98: {  	_ =	strace $0x8FFFFFFF  }
0x99: {  	s19 =	sld [smem:$0x3FDB];
	_ =	sdelay $0x1  }
0x9a: {  	s5 =	simm.s32 $_scs_section_size  }
0x9b: {  	s6 =	simm.s32 $_size__tile_overlayer_lowered;
	s7 =	simm.s32 $_tile_overlayer_lowered  }
0x9c: {  	s22 =	simm.s32 $0x1BFF;
	s21 =	sshll.u32 s7, $0x1;
	s4 =	sadd.s32 s5, s19  }
0x9d: {  	s8 =	simm.s32 $0x0;
	s20 =	sshll.u32 s6, $0x1;
	s6 =	sadd.s32 s21, s4  }
0x9e: {  	[timem:s8], [sflag:s22] =	dma.local [hbm:s6], s20  }
0x9f: {  	_ =	swait.ge [sflag:s22], s20  }
0xa0: {  	s5 =	ssub.s32 $0x0, s20;
	[sflag:s22] =	ssyncset.done $0x0  }
0xa1: {  	[sflag:s22] =	ssyncadd.s32 s5;
	_ =	sdelay $0x1  }
0xa2: {  	s23 =	simm.s32 $0x1B8B  }
0xa3: {  	_ =	swait.ge [sflag:s23], $0x1  }
0xa4: {  	[sflag:s23] =	ssyncset.done $0x0  }
0xa5: {  	s25 =	simm.s32 $0x1B8E;
	s24 =	sld [smem:$0x3FFE];
	[sflag:s23] =	ssyncadd.s32 $0xFFFFFFFF  }
0xa6: {  	s26 =	simm.s32 $execute0_lowered;
	[smem:$0x3FD2] =	sst s25  }
0xa7: {  	s6 =	sshll.u32 s26, $0x1;
	_ =	strace $0x80000046;
	[dreg:$0x1] =	wrdreg $0xFFFFFFFF  }
0xa8: {  	s28 =	simm.s32 $_size_execute0_lowered;
	s4 =	sadd.s32 s4, s6;
	[dreg:$0x0] =	wrdreg $0x0  }
0xa9: {  	s6 =	sshll.u32 s28, $0x1;
	[dreg:$0x2] =	wrdreg s4  }
0xaa: {  	[dreg:$0x3] =	wrdreg s6  }
0xab: {  	[dreg:$0x4] =	wrdreg $0xC0  }
0xac: {  	_ =	task [dreg:s8], $0x5FFFF  }
0xad: {  	[dreg:$0x1] =	wrdreg $0xFFFFFFFF  }
0xae: {  	[dreg:$0x0] =	wrdreg $0x60  }
0xaf: {  	[dreg:$0x2] =	wrdreg s2  }
0xb0: {  	[dreg:$0x3] =	wrdreg s18  }
0xb1: {  	[dreg:$0x4] =	wrdreg s24  }
0xb2: {  	[dreg:$0x5] =	wrdreg $0x9  }
0xb3: {  	_ =	task.clear_ibuf [dreg:s8], $0x6FFFF;
	_ =	strace $0x90000046  }
0xb4: {  	s29 =	simm.s32 $0x9;
	_ =	strace $0x80000048  }
0xb5: {  	_ =	swait.ge [sflag:s29], $0x1  }
0xb6: {  	[sflag:s29] =	ssyncadd.s32 $0xFFFFFFFF  }
0xb7: {  	_ =	strace $0x90000048  }
0xb8: {  	_ =	sfence  }
0xb9: {  	s30 =	sld [smem:$0x0];
	_ =	sdelay $0x2  }
0xba: {  	s31 =	sshll.u32 s1, $0xD;
	s1 =	sshrl.u32 s1, $0x2  }
0xbb: {  	s3 =	sand.u32 $0x4000, s31;
	s1 =	sadd.s32 s1, s30  }
0xbc: {  	s0 =	sor.u32 s3, s0;
	s1 =	sshll.u32 s1, $0x11  }
0xbd: {  	s0 =	sor.u32 s1, s0  }
0xbe: {  	s0 =	sadd.s32 $0x8F2B, s0  }
0xbf: {  	[sflag:s0] =	ssyncadd.remote.s32 $0x1  }
0xc0: {  	_ =	sfence.sel $0xFFFF  }
0xc1: {  	[dreg:$0x0] =	wrdreg $0xFFFFFFFF;
	(pc) =	sbr.abs _section_cstart, $3  }
0xc2: {  	[dreg:$0x1] =	wrdreg $0xFFFFFFFF  }
0xc3: {  	_ =	task.clear_ibuf [dreg:s8], $0x2FFFF;
	_ =	strace $0x9FFFFFFF  }
0xc4: {  	(tm) =	ssettm $0x7FFFFFFF  }
0xc5: {  	_ =	shalt  }
tec
execute0_lowered:
.L_overlay_start_1:
0x0: {  	(tag) =	ssettag $0x1  }
0x1: {  	s5 =	rddreg [dreg:$0x0]  }
0x2: {  	s1 =	rddreg [dreg:$0x1]  }
0x3: {  	s0 =	srdreg.scid;
	s6 =	rddreg [dreg:$0x2]  }
0x4: {  	s3 =	simm.s32 $0x0;
	s2 =	stileid.u32;
	s12 =	simm.s32 $0x4  }
0x5: {  	s13 =	simm.s32 $0x1E000;
	s14 =	simm.s32 $0x1EA00;
	s15 =	simm.s32 $0x1  }
0x6: {  	v1 =	vimm.s32 $0xFEDCBA98;
	v2 =	vlaneseq.u32;
	s16 =	simm.s32 $0x14000;
	s17 =	simm.s32 $0x2;
	s18 =	simm.s32 $0x3  }
0x7: {  	v3 =	vimm.s32 $0x76543210;
	vm0 =	vmmov $0xff;
	s19 =	simm.s32 $0x0;
	s7 =	sand.u32 $0x1, s0;
	s0 =	rddreg [dreg:$0x3];
	v5 =	vunpack.c.l.s4.s8 v1  }
0x8: {  	[smem:$0x7FF] =	sst s3;
	s11 =	sadd.s32 s2, s6;
	v1 =	vshrl.u32 v2, $0x3;
	v2 =	vand.u32 $0x7, v2;
	v7 =	vunpack.c.l.s4.s8 v3;
	s4 =	smul.u32 $0x1400, s7  }
0x9: {  	s5 =	sadd.s32 s5, s2;
	s8 =	ssub.s32 $0x2, s7;
	s10 =	smul.u32 $0x5000, s7;
	v3 =	vor.u32 $0x2, v1;
	v4 =	vor.u32 $0x4, v1;
	v9 =	vunpack.c.0.s8.s32 v5  }
0xa: {  	_ =	strace $0x80000047;
	s6 =	sshll.u32 s7, $0x6;
	v6 =	vor.u32 $0x8, v1;
	v8 =	vor.u32 $0xC, v1;
	s9 =	sshrl.u32 s8, $0x1;
	v10 =	vunpack.c.0.s8.s32 v7  }
0xb: {  	v5 =	vor.u32 $0x6, v1;
	v7 =	vor.u32 $0xA, v1;
	s9 =	ssub.s32 s8, s9;
	s7 =	sadd.s32 s1, s10;
	s8 =	sadd.s32 $0x800, s11;
	v11 =	vand.u32 $0xF, v9  }
0xc: {  	v0 =	vmov s4;
	s10 =	simm.s32 $0x8;
	s11 =	simm.s32 $0x80;
	s9 =	smax.u32 s9, $0x1;
	v9 =	vor.u32 $0xE, v1;
	v10 =	vcombine.low v11, v10  }
.LBB2_1:
0xd: {  	[tilespmem:s3], [sflag:$0x4] =	stream.strided.gather [hbm4b:s5+s10], $0x13880, s11, s10, $0x38;
	[tilespmem:$0x1F400] =	vst v63  }
0xe: {  	_ =	swait.ge [sflag:s12], $0x13880  }
0xf: {  	[sflag:s12] =	ssyncset.done $0x0  }
0x10: {  	s20 =	simm.s32 $0x0;
	s21 =	simm.s32 $0x0;
	[sflag:s12] =	ssyncadd.s32 $0xFFFEC780  }
0x11: {  	[tilespmem:s13], [sflag:$0x1] =	stream.linear.gather [hbm4b:s7+s3], $0xA00, $0x38;
	[tilespmem:$0x1F400] =	vst v63  }
.LBB2_2:
0x12: {  	s22 =	sshll.u32 s21, $0x1  }
0x13: {  	s23 =	sadd.s32 s6, s22  }
0x14: {  	s23 =	smul.u32 $0xA00, s23;
	_ =	sdelay $0x1  }
0x15: {  	s23 =	sshrl.u32 s23, $0x3  }
0x16: {  	s23 =	sadd.s32 s1, s23  }
0x17: {  	s24 =	simm.s32 $0x0;
	s25 =	sadd.s32 $0x140, s23  }
0x18: {  	[tilespmem:s14], [sflag:$0x2] =	stream.linear.gather [hbm4b:s25+s24], $0xA00, $0x38;
	[tilespmem:$0x1F400] =	vst v63  }
0x19: {  	_ =	swait.ge [sflag:s15], $0xA00  }
0x1a: {  	[sflag:s15] =	ssyncset.done $0x0  }
0x1b: {  	s26 =	simm.s32 $0x1E100;
	s25 =	smul.u32 $0xA0, s21;
	[sflag:s15] =	ssyncadd.s32 $0xFFFFF600  }
.LBB2_3:
0x1c: {  	v11 =	vld [tilespmem:s26+$0xFFFFFF00];
	_ =	sdelay $0x4  }
0x1d: {  	v12 =	vperm.xlane v11, v1  }
0x1e: {  	v13 =	vperm.xlane v11, v3  }
0x1f: {  	v15 =	vld [tilespmem:s26+$0xFFFFFF10];
	v14 =	vperm.xlane v11, v4;
	v16 =	vperm.xlane v11, v5;
	v12 =	vshll.u32 v12, $0x3  }
0x20: {  	v17 =	vperm.xlane v11, v6;
	v13 =	vshll.u32 v13, $0x3;
	v12 =	vor.u32 v2, v12  }
0x21: {  	v18 =	vperm.xlane v11, v7;
	v14 =	vshll.u32 v14, $0x3;
	v13 =	vor.u32 v2, v13  }
0x22: {  	v20 =	vperm.xlane v11, v8;
	v16 =	vshll.u32 v16, $0x3;
	v14 =	vor.u32 v2, v14  }
0x23: {  	v19 =	vld [tilespmem:s26+$0xFFFFFF20];
	v11 =	vperm.xlane v11, v9;
	v17 =	vshll.u32 v17, $0x3;
	v16 =	vor.u32 v2, v16  }
0x24: {  	v21 =	vld [tilespmem:s26+$0xFFFFFF30];
	v22 =	vperm.xlane v15, v1;
	v18 =	vshll.u32 v18, $0x3;
	v17 =	vor.u32 v2, v17  }
0x25: {  	v23 =	vperm.xlane v15, v3;
	v20 =	vshll.u32 v20, $0x3;
	v18 =	vor.u32 v2, v18;
	v12 =	vld.idx.msk [tilespmem:v12+s3+$0x0], $0xffff  }
0x26: {  	v24 =	vperm.xlane v15, v4;
	v11 =	vshll.u32 v11, $0x3;
	v20 =	vor.u32 v2, v20;
	v13 =	vld.idx.msk [tilespmem:v13+s3+$0x0], $0xffff  }
0x27: {  	v25 =	vperm.xlane v15, v5;
	v22 =	vshll.u32 v22, $0x3;
	v11 =	vor.u32 v2, v11;
	v14 =	vld.idx.msk [tilespmem:v14+s3+$0x0], $0xffff  }
0x28: {  	v26 =	vperm.xlane v15, v6;
	v23 =	vshll.u32 v23, $0x3;
	v22 =	vor.u32 v2, v22;
	v16 =	vld.idx.msk [tilespmem:v16+s3+$0x0], $0xffff  }
0x29: {  	v27 =	vperm.xlane v15, v7;
	v24 =	vshll.u32 v24, $0x3;
	v23 =	vor.u32 v2, v23;
	v17 =	vld.idx.msk [tilespmem:v17+s3+$0x0], $0xffff  }
0x2a: {  	v28 =	vperm.xlane v15, v8;
	v25 =	vshll.u32 v25, $0x3;
	v24 =	vor.u32 v2, v24;
	v18 =	vld.idx.msk [tilespmem:v18+s3+$0x0], $0xffff  }
0x2b: {  	v15 =	vperm.xlane v15, v9;
	v26 =	vshll.u32 v26, $0x3;
	v25 =	vor.u32 v2, v25;
	v20 =	vld.idx.msk [tilespmem:v20+s3+$0x0], $0xffff  }
0x2c: {  	v29 =	vperm.xlane v19, v1;
	v27 =	vshll.u32 v27, $0x3;
	v26 =	vor.u32 v2, v26;
	v11 =	vld.idx.msk [tilespmem:v11+s3+$0x0], $0xffff  }
0x2d: {  	v30 =	vperm.xlane v19, v3;
	v28 =	vshll.u32 v28, $0x3;
	v27 =	vor.u32 v2, v27;
	v22 =	vld.idx.msk [tilespmem:v22+s3+$0x0], $0xffff  }
0x2e: {  	v31 =	vperm.xlane v19, v4;
	v15 =	vshll.u32 v15, $0x3;
	v28 =	vor.u32 v2, v28;
	v23 =	vld.idx.msk [tilespmem:v23+s3+$0x0], $0xffff  }
0x2f: {  	v32 =	vperm.xlane v19, v5;
	v29 =	vshll.u32 v29, $0x3;
	v15 =	vor.u32 v2, v15;
	v24 =	vld.idx.msk [tilespmem:v24+s3+$0x0], $0xffff  }
0x30: {  	v33 =	vperm.xlane v19, v6;
	v30 =	vshll.u32 v30, $0x3;
	v29 =	vor.u32 v2, v29;
	v25 =	vld.idx.msk [tilespmem:v25+s3+$0x0], $0xffff  }
0x31: {  	v34 =	vperm.xlane v19, v7;
	v31 =	vshll.u32 v31, $0x3;
	v30 =	vor.u32 v2, v30;
	v26 =	vld.idx.msk [tilespmem:v26+s3+$0x0], $0xffff  }
0x32: {  	v35 =	vperm.xlane v19, v8;
	v32 =	vshll.u32 v32, $0x3;
	v31 =	vor.u32 v2, v31;
	v27 =	vld.idx.msk [tilespmem:v27+s3+$0x0], $0xffff  }
0x33: {  	v19 =	vperm.xlane v19, v9;
	v33 =	vshll.u32 v33, $0x3;
	v32 =	vor.u32 v2, v32;
	v28 =	vld.idx.msk [tilespmem:v28+s3+$0x0], $0xffff  }
0x34: {  	v36 =	vperm.xlane v21, v1;
	v34 =	vshll.u32 v34, $0x3;
	v33 =	vor.u32 v2, v33;
	v15 =	vld.idx.msk [tilespmem:v15+s3+$0x0], $0xffff  }
0x35: {  	v37 =	vperm.xlane v21, v3;
	v35 =	vshll.u32 v35, $0x3;
	v34 =	vor.u32 v2, v34;
	v29 =	vld.idx.msk [tilespmem:v29+s3+$0x0], $0xffff  }
0x36: {  	v38 =	vperm.xlane v21, v4;
	v19 =	vshll.u32 v19, $0x3;
	v35 =	vor.u32 v2, v35;
	v30 =	vld.idx.msk [tilespmem:v30+s3+$0x0], $0xffff  }
0x37: {  	v39 =	vperm.xlane v21, v5;
	v36 =	vshll.u32 v36, $0x3;
	v19 =	vor.u32 v2, v19;
	v31 =	vld.idx.msk [tilespmem:v31+s3+$0x0], $0xffff  }
0x38: {  	v40 =	vperm.xlane v21, v6;
	v37 =	vshll.u32 v37, $0x3;
	v36 =	vor.u32 v2, v36;
	v32 =	vld.idx.msk [tilespmem:v32+s3+$0x0], $0xffff  }
0x39: {  	v41 =	vperm.xlane v21, v7;
	v38 =	vshll.u32 v38, $0x3;
	v37 =	vor.u32 v2, v37;
	v33 =	vld.idx.msk [tilespmem:v33+s3+$0x0], $0xffff  }
0x3a: {  	v42 =	vperm.xlane v21, v8;
	v39 =	vshll.u32 v39, $0x3;
	v38 =	vor.u32 v2, v38;
	v34 =	vld.idx.msk [tilespmem:v34+s3+$0x0], $0xffff  }
0x3b: {  	v21 =	vperm.xlane v21, v9;
	v40 =	vshll.u32 v40, $0x3;
	v39 =	vor.u32 v2, v39;
	v35 =	vld.idx.msk [tilespmem:v35+s3+$0x0], $0xffff  }
0x3c: {  	v41 =	vshll.u32 v41, $0x3;
	v40 =	vor.u32 v2, v40;
	v19 =	vld.idx.msk [tilespmem:v19+s3+$0x0], $0xffff  }
0x3d: {  	v58 =	vshll.u32 v42, $0x3;
	v21 =	vshll.u32 v21, $0x3;
	v57 =	vor.u32 v2, v41;
	v56 =	vld.idx.msk [tilespmem:v36+s3+$0x0], $0xffff  }
0x3e: {  	v60 =	vor.u32 v2, v58;
	v59 =	vld.idx.msk [tilespmem:v37+s3+$0x0], $0xffff;
	v12 =	vadd.f32 v17, v12;
	v13 =	vadd.f32 v18, v13  }
0x3f: {  	v62 =	vor.u32 v2, v21;
	v61 =	vld.idx.msk [tilespmem:v38+s3+$0x0], $0xffff;
	v14 =	vadd.f32 v20, v14;
	v11 =	vadd.f32 v11, v16  }
0x40: {  	v63 =	vld.idx.msk [tilespmem:v39+s3+$0x0], $0xffff;
	v41 =	vadd.f32 v33, v29;
	v42 =	vadd.f32 v34, v30  }
0x41: {  	v38 =	vld.idx.msk [tilespmem:v40+s3+$0x0], $0xffff;
	v43 =	vadd.f32 v35, v31;
	v19 =	vadd.f32 v19, v32  }
0x42: {  	v39 =	vld.idx.msk [tilespmem:v57+s3+$0x0], $0xffff;
	v12 =	vadd.f32 v22, v12;
	v13 =	vadd.f32 v23, v13  }
0x43: {  	v40 =	vld.idx.msk [tilespmem:v60+s3+$0x0], $0xffff;
	v14 =	vadd.f32 v24, v14;
	v11 =	vadd.f32 v25, v11  }
0x44: {  	v20 =	vld.idx.msk [tilespmem:v62+s3+$0x0], $0xffff;
	v17 =	vadd.f32 v56, v41;
	v18 =	vadd.f32 v59, v42  }
0x45: {  	v16 =	vadd.f32 v61, v43;
	v19 =	vadd.f32 v63, v19  }
0x46: {  	s28 =	sadd.s32 s24, s20;
	v12 =	vadd.f32 v26, v12;
	v13 =	vadd.f32 v27, v13  }
0x47: {  	v44 =	vor.u32 s28, v1;
	v14 =	vadd.f32 v28, v14;
	v11 =	vadd.f32 v15, v11  }
0x48: {  	v45 =	vadd.s32 v0, v44;
	v17 =	vadd.f32 v38, v17;
	v18 =	vadd.f32 v39, v18  }
0x49: {  	v47 =	vshll.u32 v45, $0x3;
	v15 =	vadd.f32 v40, v16;
	v46 =	vadd.f32 v20, v19  }
0x4a: {  	v48 =	vor.u32 v2, v47;
	v12 =	vadd.f32 v13, v12;
	v11 =	vadd.f32 v11, v14  }
0x4b: {  	v49 =	vadd.f32 v18, v17;
	v15 =	vadd.f32 v46, v15;
	_ =	sdelay $0x1  }
0x4c: {  	v11 =	vadd.f32 v11, v12;
	v50 =	vadd.f32 v15, v49;
	_ =	sdelay $0x1  }
0x4d: {  	v13 =	vld.idx.msk [tilespmem:v48+s3+$0x0], $0xffff;
	v51 =	vperm.xlane v11, v10;
	v15 =	vperm.xlane v50, v10;
	_ =	sdelay $0x1  }
0x4e: {  	v11 =	vsel vm0, v11, v50;
	v52 =	vsel vm0, v51, v15  }
0x4f: {  	v53 =	vshll.u32 v44, $0x3;
	v11 =	vadd.f32 v11, v52  }
0x50: {  	v12 =	vor.u32 v2, v53  }
0x51: {  	v11 =	vadd.f32 v11, v13;
	_ =	sdelay $0x1  }
0x52: {  	v11 =	vmul.f32 $3.030303120e-02, v11;
	_ =	sdelay $0x1  }
0x53: {  	[tilespmem:v12+s16+$0x0] =	vst.idx.msk $0xffff, v11  }
0x54: {  	v11 =	vld [tilespmem:s26+$0xFFFFFF40];
	_ =	sdelay $0x4  }
0x55: {  	v54 =	vperm.xlane v11, v1  }
0x56: {  	v55 =	vperm.xlane v11, v3  }
0x57: {  	v57 =	vld [tilespmem:s26+$0xFFFFFF50];
	v56 =	vperm.xlane v11, v4;
	v58 =	vperm.xlane v11, v5;
	v12 =	vshll.u32 v54, $0x3  }
0x58: {  	v59 =	vperm.xlane v11, v6;
	v13 =	vshll.u32 v55, $0x3;
	v12 =	vor.u32 v2, v12  }
0x59: {  	v60 =	vperm.xlane v11, v7;
	v14 =	vshll.u32 v56, $0x3;
	v13 =	vor.u32 v2, v13  }
0x5a: {  	v62 =	vperm.xlane v11, v8;
	v16 =	vshll.u32 v58, $0x3;
	v14 =	vor.u32 v2, v14  }
0x5b: {  	v61 =	vld [tilespmem:s26+$0xFFFFFF60];
	v11 =	vperm.xlane v11, v9;
	v17 =	vshll.u32 v59, $0x3;
	v16 =	vor.u32 v2, v16  }
0x5c: {  	v63 =	vld [tilespmem:s26+$0xFFFFFF70];
	v35 =	vperm.xlane v57, v1;
	v18 =	vshll.u32 v60, $0x3;
	v17 =	vor.u32 v2, v17  }
0x5d: {  	v36 =	vperm.xlane v57, v3;
	v20 =	vshll.u32 v62, $0x3;
	v18 =	vor.u32 v2, v18;
	v12 =	vld.idx.msk [tilespmem:v12+s3+$0x0], $0xffff  }
0x5e: {  	v37 =	vperm.xlane v57, v4;
	v11 =	vshll.u32 v11, $0x3;
	v20 =	vor.u32 v2, v20;
	v13 =	vld.idx.msk [tilespmem:v13+s3+$0x0], $0xffff  }
0x5f: {  	v38 =	vperm.xlane v57, v5;
	v22 =	vshll.u32 v35, $0x3;
	v11 =	vor.u32 v2, v11;
	v14 =	vld.idx.msk [tilespmem:v14+s3+$0x0], $0xffff  }
0x60: {  	v39 =	vperm.xlane v57, v6;
	v23 =	vshll.u32 v36, $0x3;
	v22 =	vor.u32 v2, v22;
	v16 =	vld.idx.msk [tilespmem:v16+s3+$0x0], $0xffff  }
0x61: {  	v40 =	vperm.xlane v57, v7;
	v24 =	vshll.u32 v37, $0x3;
	v23 =	vor.u32 v2, v23;
	v17 =	vld.idx.msk [tilespmem:v17+s3+$0x0], $0xffff  }
0x62: {  	v41 =	vperm.xlane v57, v8;
	v25 =	vshll.u32 v38, $0x3;
	v24 =	vor.u32 v2, v24;
	v18 =	vld.idx.msk [tilespmem:v18+s3+$0x0], $0xffff  }
0x63: {  	v15 =	vperm.xlane v57, v9;
	v26 =	vshll.u32 v39, $0x3;
	v25 =	vor.u32 v2, v25;
	v20 =	vld.idx.msk [tilespmem:v20+s3+$0x0], $0xffff  }
0x64: {  	v42 =	vperm.xlane v61, v1;
	v27 =	vshll.u32 v40, $0x3;
	v26 =	vor.u32 v2, v26;
	v11 =	vld.idx.msk [tilespmem:v11+s3+$0x0], $0xffff  }
0x65: {  	v43 =	vperm.xlane v61, v3;
	v28 =	vshll.u32 v41, $0x3;
	v27 =	vor.u32 v2, v27;
	v22 =	vld.idx.msk [tilespmem:v22+s3+$0x0], $0xffff  }
0x66: {  	v44 =	vperm.xlane v61, v4;
	v15 =	vshll.u32 v15, $0x3;
	v28 =	vor.u32 v2, v28;
	v23 =	vld.idx.msk [tilespmem:v23+s3+$0x0], $0xffff  }
0x67: {  	v45 =	vperm.xlane v61, v5;
	v29 =	vshll.u32 v42, $0x3;
	v15 =	vor.u32 v2, v15;
	v24 =	vld.idx.msk [tilespmem:v24+s3+$0x0], $0xffff  }
0x68: {  	v46 =	vperm.xlane v61, v6;
	v30 =	vshll.u32 v43, $0x3;
	v29 =	vor.u32 v2, v29;
	v25 =	vld.idx.msk [tilespmem:v25+s3+$0x0], $0xffff  }
0x69: {  	v47 =	vperm.xlane v61, v7;
	v31 =	vshll.u32 v44, $0x3;
	v30 =	vor.u32 v2, v30;
	v26 =	vld.idx.msk [tilespmem:v26+s3+$0x0], $0xffff  }
0x6a: {  	v48 =	vperm.xlane v61, v8;
	v32 =	vshll.u32 v45, $0x3;
	v31 =	vor.u32 v2, v31;
	v27 =	vld.idx.msk [tilespmem:v27+s3+$0x0], $0xffff  }
0x6b: {  	v19 =	vperm.xlane v61, v9;
	v33 =	vshll.u32 v46, $0x3;
	v32 =	vor.u32 v2, v32;
	v28 =	vld.idx.msk [tilespmem:v28+s3+$0x0], $0xffff  }
0x6c: {  	v49 =	vperm.xlane v63, v1;
	v34 =	vshll.u32 v47, $0x3;
	v33 =	vor.u32 v2, v33;
	v15 =	vld.idx.msk [tilespmem:v15+s3+$0x0], $0xffff  }
0x6d: {  	v50 =	vperm.xlane v63, v3;
	v35 =	vshll.u32 v48, $0x3;
	v34 =	vor.u32 v2, v34;
	v29 =	vld.idx.msk [tilespmem:v29+s3+$0x0], $0xffff  }
0x6e: {  	v51 =	vperm.xlane v63, v4;
	v19 =	vshll.u32 v19, $0x3;
	v35 =	vor.u32 v2, v35;
	v30 =	vld.idx.msk [tilespmem:v30+s3+$0x0], $0xffff  }
0x6f: {  	v52 =	vperm.xlane v63, v5;
	v36 =	vshll.u32 v49, $0x3;
	v19 =	vor.u32 v2, v19;
	v31 =	vld.idx.msk [tilespmem:v31+s3+$0x0], $0xffff  }
0x70: {  	v53 =	vperm.xlane v63, v6;
	v37 =	vshll.u32 v50, $0x3;
	v36 =	vor.u32 v2, v36;
	v32 =	vld.idx.msk [tilespmem:v32+s3+$0x0], $0xffff  }
0x71: {  	v21 =	vperm.xlane v63, v9;
	v38 =	vshll.u32 v51, $0x3;
	v37 =	vor.u32 v2, v37;
	v33 =	vld.idx.msk [tilespmem:v33+s3+$0x0], $0xffff  }
0x72: {  	v39 =	vshll.u32 v52, $0x3;
	v54 =	vperm.xlane v63, v7;
	v38 =	vor.u32 v2, v38;
	v34 =	vld.idx.msk [tilespmem:v34+s3+$0x0], $0xffff  }
0x73: {  	v40 =	vshll.u32 v53, $0x3;
	v55 =	vperm.xlane v63, v8;
	v39 =	vor.u32 v2, v39;
	v35 =	vld.idx.msk [tilespmem:v35+s3+$0x0], $0xffff  }
0x74: {  	v40 =	vor.u32 v2, v40;
	v41 =	vshll.u32 v54, $0x3;
	v19 =	vld.idx.msk [tilespmem:v19+s3+$0x0], $0xffff  }
0x75: {  	v21 =	vshll.u32 v21, $0x3;
	v58 =	vshll.u32 v55, $0x3;
	v57 =	vor.u32 v2, v41;
	v56 =	vld.idx.msk [tilespmem:v36+s3+$0x0], $0xffff  }
0x76: {  	v60 =	vor.u32 v2, v58;
	v59 =	vld.idx.msk [tilespmem:v37+s3+$0x0], $0xffff;
	v12 =	vadd.f32 v17, v12;
	v13 =	vadd.f32 v18, v13  }
0x77: {  	v62 =	vor.u32 v2, v21;
	v61 =	vld.idx.msk [tilespmem:v38+s3+$0x0], $0xffff;
	v14 =	vadd.f32 v20, v14;
	v11 =	vadd.f32 v11, v16  }
0x78: {  	v63 =	vld.idx.msk [tilespmem:v39+s3+$0x0], $0xffff;
	v41 =	vadd.f32 v33, v29;
	v42 =	vadd.f32 v34, v30  }
0x79: {  	v38 =	vld.idx.msk [tilespmem:v40+s3+$0x0], $0xffff;
	v43 =	vadd.f32 v35, v31;
	v19 =	vadd.f32 v19, v32  }
0x7a: {  	v39 =	vld.idx.msk [tilespmem:v57+s3+$0x0], $0xffff;
	v12 =	vadd.f32 v22, v12;
	v13 =	vadd.f32 v23, v13  }
0x7b: {  	v40 =	vld.idx.msk [tilespmem:v60+s3+$0x0], $0xffff;
	v14 =	vadd.f32 v24, v14;
	v11 =	vadd.f32 v25, v11  }
0x7c: {  	v20 =	vld.idx.msk [tilespmem:v62+s3+$0x0], $0xffff;
	v17 =	vadd.f32 v56, v41;
	v18 =	vadd.f32 v59, v42  }
0x7d: {  	v16 =	vadd.f32 v61, v43;
	v19 =	vadd.f32 v63, v19  }
0x7e: {  	s29 =	sadd.s32 $0x2, s28;
	v12 =	vadd.f32 v26, v12;
	v13 =	vadd.f32 v27, v13  }
0x7f: {  	v44 =	vor.u32 s29, v1;
	v14 =	vadd.f32 v28, v14;
	v11 =	vadd.f32 v15, v11  }
0x80: {  	v45 =	vadd.s32 v0, v44;
	v17 =	vadd.f32 v38, v17;
	v18 =	vadd.f32 v39, v18  }
0x81: {  	v47 =	vshll.u32 v45, $0x3;
	v15 =	vadd.f32 v40, v16;
	v46 =	vadd.f32 v20, v19  }
0x82: {  	v48 =	vor.u32 v2, v47;
	v12 =	vadd.f32 v13, v12;
	v11 =	vadd.f32 v11, v14  }
0x83: {  	v49 =	vadd.f32 v18, v17;
	v15 =	vadd.f32 v46, v15;
	_ =	sdelay $0x1  }
0x84: {  	v11 =	vadd.f32 v11, v12;
	v50 =	vadd.f32 v15, v49;
	_ =	sdelay $0x1  }
0x85: {  	v13 =	vld.idx.msk [tilespmem:v48+s3+$0x0], $0xffff;
	v51 =	vperm.xlane v11, v10;
	v15 =	vperm.xlane v50, v10;
	_ =	sdelay $0x1  }
0x86: {  	v11 =	vsel vm0, v11, v50;
	v52 =	vsel vm0, v51, v15  }
0x87: {  	v53 =	vshll.u32 v44, $0x3;
	v11 =	vadd.f32 v11, v52  }
0x88: {  	v12 =	vor.u32 v2, v53  }
0x89: {  	v11 =	vadd.f32 v11, v13;
	_ =	sdelay $0x1  }
0x8a: {  	v11 =	vmul.f32 $3.030303120e-02, v11;
	_ =	sdelay $0x1  }
0x8b: {  	[tilespmem:v12+s16+$0x0] =	vst.idx.msk $0xffff, v11  }
0x8c: {  	v11 =	vld [tilespmem:s26+$0xFFFFFF80];
	_ =	sdelay $0x4  }
0x8d: {  	v54 =	vperm.xlane v11, v1  }
0x8e: {  	v55 =	vperm.xlane v11, v3  }
0x8f: {  	v57 =	vld [tilespmem:s26+$0xFFFFFF90];
	v56 =	vperm.xlane v11, v4;
	v58 =	vperm.xlane v11, v5;
	v12 =	vshll.u32 v54, $0x3  }
0x90: {  	v59 =	vperm.xlane v11, v6;
	v13 =	vshll.u32 v55, $0x3;
	v12 =	vor.u32 v2, v12  }
0x91: {  	v60 =	vperm.xlane v11, v7;
	v14 =	vshll.u32 v56, $0x3;
	v13 =	vor.u32 v2, v13  }
0x92: {  	v62 =	vperm.xlane v11, v8;
	v16 =	vshll.u32 v58, $0x3;
	v14 =	vor.u32 v2, v14  }
0x93: {  	v61 =	vld [tilespmem:s26+$0xFFFFFFA0];
	v11 =	vperm.xlane v11, v9;
	v17 =	vshll.u32 v59, $0x3;
	v16 =	vor.u32 v2, v16  }
0x94: {  	v63 =	vld [tilespmem:s26+$0xFFFFFFB0];
	v35 =	vperm.xlane v57, v1;
	v18 =	vshll.u32 v60, $0x3;
	v17 =	vor.u32 v2, v17  }
0x95: {  	v36 =	vperm.xlane v57, v3;
	v20 =	vshll.u32 v62, $0x3;
	v18 =	vor.u32 v2, v18;
	v12 =	vld.idx.msk [tilespmem:v12+s3+$0x0], $0xffff  }
0x96: {  	v37 =	vperm.xlane v57, v4;
	v11 =	vshll.u32 v11, $0x3;
	v20 =	vor.u32 v2, v20;
	v13 =	vld.idx.msk [tilespmem:v13+s3+$0x0], $0xffff  }
0x97: {  	v38 =	vperm.xlane v57, v5;
	v22 =	vshll.u32 v35, $0x3;
	v11 =	vor.u32 v2, v11;
	v14 =	vld.idx.msk [tilespmem:v14+s3+$0x0], $0xffff  }
0x98: {  	v39 =	vperm.xlane v57, v6;
	v23 =	vshll.u32 v36, $0x3;
	v22 =	vor.u32 v2, v22;
	v16 =	vld.idx.msk [tilespmem:v16+s3+$0x0], $0xffff  }
0x99: {  	v40 =	vperm.xlane v57, v7;
	v24 =	vshll.u32 v37, $0x3;
	v23 =	vor.u32 v2, v23;
	v17 =	vld.idx.msk [tilespmem:v17+s3+$0x0], $0xffff  }
0x9a: {  	v41 =	vperm.xlane v57, v8;
	v25 =	vshll.u32 v38, $0x3;
	v24 =	vor.u32 v2, v24;
	v18 =	vld.idx.msk [tilespmem:v18+s3+$0x0], $0xffff  }
0x9b: {  	v15 =	vperm.xlane v57, v9;
	v26 =	vshll.u32 v39, $0x3;
	v25 =	vor.u32 v2, v25;
	v20 =	vld.idx.msk [tilespmem:v20+s3+$0x0], $0xffff  }
0x9c: {  	v42 =	vperm.xlane v61, v1;
	v27 =	vshll.u32 v40, $0x3;
	v26 =	vor.u32 v2, v26;
	v11 =	vld.idx.msk [tilespmem:v11+s3+$0x0], $0xffff  }
0x9d: {  	v43 =	vperm.xlane v61, v3;
	v28 =	vshll.u32 v41, $0x3;
	v27 =	vor.u32 v2, v27;
	v22 =	vld.idx.msk [tilespmem:v22+s3+$0x0], $0xffff  }
0x9e: {  	v44 =	vperm.xlane v61, v4;
	v15 =	vshll.u32 v15, $0x3;
	v28 =	vor.u32 v2, v28;
	v23 =	vld.idx.msk [tilespmem:v23+s3+$0x0], $0xffff  }
0x9f: {  	v45 =	vperm.xlane v61, v5;
	v29 =	vshll.u32 v42, $0x3;
	v15 =	vor.u32 v2, v15;
	v24 =	vld.idx.msk [tilespmem:v24+s3+$0x0], $0xffff  }
0xa0: {  	v46 =	vperm.xlane v61, v6;
	v30 =	vshll.u32 v43, $0x3;
	v29 =	vor.u32 v2, v29;
	v25 =	vld.idx.msk [tilespmem:v25+s3+$0x0], $0xffff  }
0xa1: {  	v47 =	vperm.xlane v61, v7;
	v31 =	vshll.u32 v44, $0x3;
	v30 =	vor.u32 v2, v30;
	v26 =	vld.idx.msk [tilespmem:v26+s3+$0x0], $0xffff  }
0xa2: {  	v48 =	vperm.xlane v61, v8;
	v32 =	vshll.u32 v45, $0x3;
	v31 =	vor.u32 v2, v31;
	v27 =	vld.idx.msk [tilespmem:v27+s3+$0x0], $0xffff  }
0xa3: {  	v19 =	vperm.xlane v61, v9;
	v33 =	vshll.u32 v46, $0x3;
	v32 =	vor.u32 v2, v32;
	v28 =	vld.idx.msk [tilespmem:v28+s3+$0x0], $0xffff  }
0xa4: {  	v49 =	vperm.xlane v63, v1;
	v34 =	vshll.u32 v47, $0x3;
	v33 =	vor.u32 v2, v33;
	v15 =	vld.idx.msk [tilespmem:v15+s3+$0x0], $0xffff  }
0xa5: {  	v50 =	vperm.xlane v63, v3;
	v35 =	vshll.u32 v48, $0x3;
	v34 =	vor.u32 v2, v34;
	v29 =	vld.idx.msk [tilespmem:v29+s3+$0x0], $0xffff  }
0xa6: {  	v51 =	vperm.xlane v63, v4;
	v19 =	vshll.u32 v19, $0x3;
	v35 =	vor.u32 v2, v35;
	v30 =	vld.idx.msk [tilespmem:v30+s3+$0x0], $0xffff  }
0xa7: {  	v52 =	vperm.xlane v63, v5;
	v36 =	vshll.u32 v49, $0x3;
	v19 =	vor.u32 v2, v19;
	v31 =	vld.idx.msk [tilespmem:v31+s3+$0x0], $0xffff  }
0xa8: {  	v53 =	vperm.xlane v63, v6;
	v37 =	vshll.u32 v50, $0x3;
	v36 =	vor.u32 v2, v36;
	v32 =	vld.idx.msk [tilespmem:v32+s3+$0x0], $0xffff  }
0xa9: {  	v21 =	vperm.xlane v63, v9;
	v38 =	vshll.u32 v51, $0x3;
	v37 =	vor.u32 v2, v37;
	v33 =	vld.idx.msk [tilespmem:v33+s3+$0x0], $0xffff  }
0xaa: {  	v39 =	vshll.u32 v52, $0x3;
	v54 =	vperm.xlane v63, v7;
	v38 =	vor.u32 v2, v38;
	v34 =	vld.idx.msk [tilespmem:v34+s3+$0x0], $0xffff  }
0xab: {  	v40 =	vshll.u32 v53, $0x3;
	v55 =	vperm.xlane v63, v8;
	v39 =	vor.u32 v2, v39;
	v35 =	vld.idx.msk [tilespmem:v35+s3+$0x0], $0xffff  }
0xac: {  	v40 =	vor.u32 v2, v40;
	v41 =	vshll.u32 v54, $0x3;
	v19 =	vld.idx.msk [tilespmem:v19+s3+$0x0], $0xffff  }
0xad: {  	v21 =	vshll.u32 v21, $0x3;
	v58 =	vshll.u32 v55, $0x3;
	v57 =	vor.u32 v2, v41;
	v56 =	vld.idx.msk [tilespmem:v36+s3+$0x0], $0xffff  }
0xae: {  	v60 =	vor.u32 v2, v58;
	v59 =	vld.idx.msk [tilespmem:v37+s3+$0x0], $0xffff;
	v12 =	vadd.f32 v17, v12;
	v13 =	vadd.f32 v18, v13  }
0xaf: {  	v62 =	vor.u32 v2, v21;
	v61 =	vld.idx.msk [tilespmem:v38+s3+$0x0], $0xffff;
	v14 =	vadd.f32 v20, v14;
	v11 =	vadd.f32 v11, v16  }
0xb0: {  	v63 =	vld.idx.msk [tilespmem:v39+s3+$0x0], $0xffff;
	v41 =	vadd.f32 v33, v29;
	v42 =	vadd.f32 v34, v30  }
0xb1: {  	v38 =	vld.idx.msk [tilespmem:v40+s3+$0x0], $0xffff;
	v43 =	vadd.f32 v35, v31;
	v19 =	vadd.f32 v19, v32  }
0xb2: {  	v39 =	vld.idx.msk [tilespmem:v57+s3+$0x0], $0xffff;
	v12 =	vadd.f32 v22, v12;
	v13 =	vadd.f32 v23, v13  }
0xb3: {  	v40 =	vld.idx.msk [tilespmem:v60+s3+$0x0], $0xffff;
	v14 =	vadd.f32 v24, v14;
	v11 =	vadd.f32 v25, v11  }
0xb4: {  	v20 =	vld.idx.msk [tilespmem:v62+s3+$0x0], $0xffff;
	v17 =	vadd.f32 v56, v41;
	v18 =	vadd.f32 v59, v42  }
0xb5: {  	v16 =	vadd.f32 v61, v43;
	v19 =	vadd.f32 v63, v19  }
0xb6: {  	s31 =	sadd.s32 $0x4, s28;
	v12 =	vadd.f32 v26, v12;
	v13 =	vadd.f32 v27, v13  }
0xb7: {  	v44 =	vor.u32 s31, v1;
	v14 =	vadd.f32 v28, v14;
	v11 =	vadd.f32 v15, v11  }
0xb8: {  	v45 =	vadd.s32 v0, v44;
	v17 =	vadd.f32 v38, v17;
	v18 =	vadd.f32 v39, v18  }
0xb9: {  	v47 =	vshll.u32 v45, $0x3;
	v15 =	vadd.f32 v40, v16;
	v46 =	vadd.f32 v20, v19  }
0xba: {  	v48 =	vor.u32 v2, v47;
	v12 =	vadd.f32 v13, v12;
	v11 =	vadd.f32 v11, v14  }
0xbb: {  	v49 =	vadd.f32 v18, v17;
	v15 =	vadd.f32 v46, v15;
	_ =	sdelay $0x1  }
0xbc: {  	v11 =	vadd.f32 v11, v12;
	v50 =	vadd.f32 v15, v49;
	_ =	sdelay $0x1  }
0xbd: {  	v13 =	vld.idx.msk [tilespmem:v48+s3+$0x0], $0xffff;
	v51 =	vperm.xlane v11, v10;
	v15 =	vperm.xlane v50, v10;
	_ =	sdelay $0x1  }
0xbe: {  	v11 =	vsel vm0, v11, v50;
	v52 =	vsel vm0, v51, v15  }
0xbf: {  	v53 =	vshll.u32 v44, $0x3;
	v11 =	vadd.f32 v11, v52  }
0xc0: {  	v12 =	vor.u32 v2, v53  }
0xc1: {  	v11 =	vadd.f32 v11, v13;
	_ =	sdelay $0x1  }
0xc2: {  	v11 =	vmul.f32 $3.030303120e-02, v11;
	_ =	sdelay $0x1  }
0xc3: {  	[tilespmem:v12+s16+$0x0] =	vst.idx.msk $0xffff, v11  }
0xc4: {  	v11 =	vld [tilespmem:s26+$0xFFFFFFC0];
	_ =	sdelay $0x4  }
0xc5: {  	v54 =	vperm.xlane v11, v1  }
0xc6: {  	v55 =	vperm.xlane v11, v3  }
0xc7: {  	v57 =	vld [tilespmem:s26+$0xFFFFFFD0];
	v56 =	vperm.xlane v11, v4;
	v58 =	vperm.xlane v11, v5;
	v12 =	vshll.u32 v54, $0x3  }
0xc8: {  	v59 =	vperm.xlane v11, v6;
	v13 =	vshll.u32 v55, $0x3;
	v12 =	vor.u32 v2, v12  }
0xc9: {  	v60 =	vperm.xlane v11, v7;
	v14 =	vshll.u32 v56, $0x3;
	v13 =	vor.u32 v2, v13  }
0xca: {  	v62 =	vperm.xlane v11, v8;
	v16 =	vshll.u32 v58, $0x3;
	v14 =	vor.u32 v2, v14  }
0xcb: {  	v61 =	vld [tilespmem:s26+$0xFFFFFFE0];
	v11 =	vperm.xlane v11, v9;
	v17 =	vshll.u32 v59, $0x3;
	v16 =	vor.u32 v2, v16  }
0xcc: {  	v63 =	vld [tilespmem:s26+$0xFFFFFFF0];
	v35 =	vperm.xlane v57, v1;
	v18 =	vshll.u32 v60, $0x3;
	v17 =	vor.u32 v2, v17  }
0xcd: {  	v36 =	vperm.xlane v57, v3;
	v20 =	vshll.u32 v62, $0x3;
	v18 =	vor.u32 v2, v18;
	v12 =	vld.idx.msk [tilespmem:v12+s3+$0x0], $0xffff  }
0xce: {  	v37 =	vperm.xlane v57, v4;
	v11 =	vshll.u32 v11, $0x3;
	v20 =	vor.u32 v2, v20;
	v13 =	vld.idx.msk [tilespmem:v13+s3+$0x0], $0xffff  }
0xcf: {  	v38 =	vperm.xlane v57, v5;
	v22 =	vshll.u32 v35, $0x3;
	v11 =	vor.u32 v2, v11;
	v14 =	vld.idx.msk [tilespmem:v14+s3+$0x0], $0xffff  }
0xd0: {  	v39 =	vperm.xlane v57, v6;
	v23 =	vshll.u32 v36, $0x3;
	v22 =	vor.u32 v2, v22;
	v16 =	vld.idx.msk [tilespmem:v16+s3+$0x0], $0xffff  }
0xd1: {  	v40 =	vperm.xlane v57, v7;
	v24 =	vshll.u32 v37, $0x3;
	v23 =	vor.u32 v2, v23;
	v17 =	vld.idx.msk [tilespmem:v17+s3+$0x0], $0xffff  }
0xd2: {  	v41 =	vperm.xlane v57, v8;
	v25 =	vshll.u32 v38, $0x3;
	v24 =	vor.u32 v2, v24;
	v18 =	vld.idx.msk [tilespmem:v18+s3+$0x0], $0xffff  }
0xd3: {  	v15 =	vperm.xlane v57, v9;
	v26 =	vshll.u32 v39, $0x3;
	v25 =	vor.u32 v2, v25;
	v20 =	vld.idx.msk [tilespmem:v20+s3+$0x0], $0xffff  }
0xd4: {  	v42 =	vperm.xlane v61, v1;
	v27 =	vshll.u32 v40, $0x3;
	v26 =	vor.u32 v2, v26;
	v11 =	vld.idx.msk [tilespmem:v11+s3+$0x0], $0xffff  }
0xd5: {  	v43 =	vperm.xlane v61, v3;
	v28 =	vshll.u32 v41, $0x3;
	v27 =	vor.u32 v2, v27;
	v22 =	vld.idx.msk [tilespmem:v22+s3+$0x0], $0xffff  }
0xd6: {  	v44 =	vperm.xlane v61, v4;
	v15 =	vshll.u32 v15, $0x3;
	v28 =	vor.u32 v2, v28;
	v23 =	vld.idx.msk [tilespmem:v23+s3+$0x0], $0xffff  }
0xd7: {  	v45 =	vperm.xlane v61, v5;
	v29 =	vshll.u32 v42, $0x3;
	v15 =	vor.u32 v2, v15;
	v24 =	vld.idx.msk [tilespmem:v24+s3+$0x0], $0xffff  }
0xd8: {  	v46 =	vperm.xlane v61, v6;
	v30 =	vshll.u32 v43, $0x3;
	v29 =	vor.u32 v2, v29;
	v25 =	vld.idx.msk [tilespmem:v25+s3+$0x0], $0xffff  }
0xd9: {  	v47 =	vperm.xlane v61, v7;
	v31 =	vshll.u32 v44, $0x3;
	v30 =	vor.u32 v2, v30;
	v26 =	vld.idx.msk [tilespmem:v26+s3+$0x0], $0xffff  }
0xda: {  	v48 =	vperm.xlane v61, v8;
	v32 =	vshll.u32 v45, $0x3;
	v31 =	vor.u32 v2, v31;
	v27 =	vld.idx.msk [tilespmem:v27+s3+$0x0], $0xffff  }
0xdb: {  	v19 =	vperm.xlane v61, v9;
	v33 =	vshll.u32 v46, $0x3;
	v32 =	vor.u32 v2, v32;
	v28 =	vld.idx.msk [tilespmem:v28+s3+$0x0], $0xffff  }
0xdc: {  	v49 =	vperm.xlane v63, v1;
	v34 =	vshll.u32 v47, $0x3;
	v33 =	vor.u32 v2, v33;
	v15 =	vld.idx.msk [tilespmem:v15+s3+$0x0], $0xffff  }
0xdd: {  	v50 =	vperm.xlane v63, v3;
	v35 =	vshll.u32 v48, $0x3;
	v34 =	vor.u32 v2, v34;
	v29 =	vld.idx.msk [tilespmem:v29+s3+$0x0], $0xffff  }
0xde: {  	v51 =	vperm.xlane v63, v4;
	v19 =	vshll.u32 v19, $0x3;
	v35 =	vor.u32 v2, v35;
	v30 =	vld.idx.msk [tilespmem:v30+s3+$0x0], $0xffff  }
0xdf: {  	v52 =	vperm.xlane v63, v5;
	v36 =	vshll.u32 v49, $0x3;
	v19 =	vor.u32 v2, v19;
	v31 =	vld.idx.msk [tilespmem:v31+s3+$0x0], $0xffff  }
0xe0: {  	v53 =	vperm.xlane v63, v6;
	v37 =	vshll.u32 v50, $0x3;
	v36 =	vor.u32 v2, v36;
	v32 =	vld.idx.msk [tilespmem:v32+s3+$0x0], $0xffff  }
0xe1: {  	v21 =	vperm.xlane v63, v9;
	v38 =	vshll.u32 v51, $0x3;
	v37 =	vor.u32 v2, v37;
	v33 =	vld.idx.msk [tilespmem:v33+s3+$0x0], $0xffff  }
0xe2: {  	v39 =	vshll.u32 v52, $0x3;
	v54 =	vperm.xlane v63, v7;
	v38 =	vor.u32 v2, v38;
	v34 =	vld.idx.msk [tilespmem:v34+s3+$0x0], $0xffff  }
0xe3: {  	v40 =	vshll.u32 v53, $0x3;
	v55 =	vperm.xlane v63, v8;
	v39 =	vor.u32 v2, v39;
	v35 =	vld.idx.msk [tilespmem:v35+s3+$0x0], $0xffff  }
0xe4: {  	v40 =	vor.u32 v2, v40;
	v41 =	vshll.u32 v54, $0x3;
	v19 =	vld.idx.msk [tilespmem:v19+s3+$0x0], $0xffff  }
0xe5: {  	v21 =	vshll.u32 v21, $0x3;
	v58 =	vshll.u32 v55, $0x3;
	v57 =	vor.u32 v2, v41;
	v56 =	vld.idx.msk [tilespmem:v36+s3+$0x0], $0xffff  }
0xe6: {  	v60 =	vor.u32 v2, v58;
	v59 =	vld.idx.msk [tilespmem:v37+s3+$0x0], $0xffff;
	v12 =	vadd.f32 v17, v12;
	v13 =	vadd.f32 v18, v13  }
0xe7: {  	v62 =	vor.u32 v2, v21;
	v61 =	vld.idx.msk [tilespmem:v38+s3+$0x0], $0xffff;
	v14 =	vadd.f32 v20, v14;
	v11 =	vadd.f32 v11, v16  }
0xe8: {  	v63 =	vld.idx.msk [tilespmem:v39+s3+$0x0], $0xffff;
	v41 =	vadd.f32 v33, v29;
	v42 =	vadd.f32 v34, v30  }
0xe9: {  	v38 =	vld.idx.msk [tilespmem:v40+s3+$0x0], $0xffff;
	v43 =	vadd.f32 v35, v31;
	v19 =	vadd.f32 v19, v32  }
0xea: {  	v39 =	vld.idx.msk [tilespmem:v57+s3+$0x0], $0xffff;
	v12 =	vadd.f32 v22, v12;
	v13 =	vadd.f32 v23, v13  }
0xeb: {  	v40 =	vld.idx.msk [tilespmem:v60+s3+$0x0], $0xffff;
	v14 =	vadd.f32 v24, v14;
	v11 =	vadd.f32 v25, v11  }
0xec: {  	v20 =	vld.idx.msk [tilespmem:v62+s3+$0x0], $0xffff;
	v17 =	vadd.f32 v56, v41;
	v18 =	vadd.f32 v59, v42  }
0xed: {  	v16 =	vadd.f32 v61, v43;
	v19 =	vadd.f32 v63, v19  }
0xee: {  	s30 =	sadd.s32 $0x6, s28;
	v12 =	vadd.f32 v26, v12;
	v13 =	vadd.f32 v27, v13  }
0xef: {  	v44 =	vor.u32 s30, v1;
	v14 =	vadd.f32 v28, v14;
	v11 =	vadd.f32 v15, v11  }
0xf0: {  	v45 =	vadd.s32 v0, v44;
	v17 =	vadd.f32 v38, v17;
	v18 =	vadd.f32 v39, v18  }
0xf1: {  	v47 =	vshll.u32 v45, $0x3;
	v15 =	vadd.f32 v40, v16;
	v46 =	vadd.f32 v20, v19  }
0xf2: {  	v48 =	vor.u32 v2, v47;
	v12 =	vadd.f32 v13, v12;
	v11 =	vadd.f32 v11, v14  }
0xf3: {  	v49 =	vadd.f32 v18, v17;
	v15 =	vadd.f32 v46, v15;
	_ =	sdelay $0x1  }
0xf4: {  	v11 =	vadd.f32 v11, v12;
	v50 =	vadd.f32 v15, v49;
	_ =	sdelay $0x1  }
0xf5: {  	v13 =	vld.idx.msk [tilespmem:v48+s3+$0x0], $0xffff;
	v51 =	vperm.xlane v11, v10;
	v15 =	vperm.xlane v50, v10;
	_ =	sdelay $0x1  }
0xf6: {  	v11 =	vsel vm0, v11, v50;
	v52 =	vsel vm0, v51, v15  }
0xf7: {  	v53 =	vshll.u32 v44, $0x3;
	v11 =	vadd.f32 v11, v52  }
0xf8: {  	v12 =	vor.u32 v2, v53  }
0xf9: {  	v11 =	vadd.f32 v11, v13;
	_ =	sdelay $0x1  }
0xfa: {  	v11 =	vmul.f32 $3.030303120e-02, v11;
	_ =	sdelay $0x1  }
0xfb: {  	[tilespmem:v12+s16+$0x0] =	vst.idx.msk $0xffff, v11  }
0xfc: {  	v11 =	vld [tilespmem:s26+$0x0];
	_ =	sdelay $0x4  }
0xfd: {  	v54 =	vperm.xlane v11, v1  }
0xfe: {  	v55 =	vperm.xlane v11, v3  }
0xff: {  	v57 =	vld [tilespmem:s26+$0x10];
	v56 =	vperm.xlane v11, v4;
	v58 =	vperm.xlane v11, v5;
	v12 =	vshll.u32 v54, $0x3  }
0x100: {  	v59 =	vperm.xlane v11, v6;
	v13 =	vshll.u32 v55, $0x3;
	v12 =	vor.u32 v2, v12  }
0x101: {  	v60 =	vperm.xlane v11, v7;
	v14 =	vshll.u32 v56, $0x3;
	v13 =	vor.u32 v2, v13  }
0x102: {  	v62 =	vperm.xlane v11, v8;
	v16 =	vshll.u32 v58, $0x3;
	v14 =	vor.u32 v2, v14  }
0x103: {  	v61 =	vld [tilespmem:s26+$0x20];
	v11 =	vperm.xlane v11, v9;
	v17 =	vshll.u32 v59, $0x3;
	v16 =	vor.u32 v2, v16  }
0x104: {  	v63 =	vld [tilespmem:s26+$0x30];
	v35 =	vperm.xlane v57, v1;
	v18 =	vshll.u32 v60, $0x3;
	v17 =	vor.u32 v2, v17  }
0x105: {  	v36 =	vperm.xlane v57, v3;
	v20 =	vshll.u32 v62, $0x3;
	v18 =	vor.u32 v2, v18;
	v12 =	vld.idx.msk [tilespmem:v12+s3+$0x0], $0xffff  }
0x106: {  	v37 =	vperm.xlane v57, v4;
	v11 =	vshll.u32 v11, $0x3;
	v20 =	vor.u32 v2, v20;
	v13 =	vld.idx.msk [tilespmem:v13+s3+$0x0], $0xffff  }
0x107: {  	v38 =	vperm.xlane v57, v5;
	v22 =	vshll.u32 v35, $0x3;
	v11 =	vor.u32 v2, v11;
	v14 =	vld.idx.msk [tilespmem:v14+s3+$0x0], $0xffff  }
0x108: {  	v39 =	vperm.xlane v57, v6;
	v23 =	vshll.u32 v36, $0x3;
	v22 =	vor.u32 v2, v22;
	v16 =	vld.idx.msk [tilespmem:v16+s3+$0x0], $0xffff  }
0x109: {  	v40 =	vperm.xlane v57, v7;
	v24 =	vshll.u32 v37, $0x3;
	v23 =	vor.u32 v2, v23;
	v17 =	vld.idx.msk [tilespmem:v17+s3+$0x0], $0xffff  }
0x10a: {  	v41 =	vperm.xlane v57, v8;
	v25 =	vshll.u32 v38, $0x3;
	v24 =	vor.u32 v2, v24;
	v18 =	vld.idx.msk [tilespmem:v18+s3+$0x0], $0xffff  }
0x10b: {  	v15 =	vperm.xlane v57, v9;
	v26 =	vshll.u32 v39, $0x3;
	v25 =	vor.u32 v2, v25;
	v20 =	vld.idx.msk [tilespmem:v20+s3+$0x0], $0xffff  }
0x10c: {  	v42 =	vperm.xlane v61, v1;
	v27 =	vshll.u32 v40, $0x3;
	v26 =	vor.u32 v2, v26;
	v11 =	vld.idx.msk [tilespmem:v11+s3+$0x0], $0xffff  }
0x10d: {  	v43 =	vperm.xlane v61, v3;
	v28 =	vshll.u32 v41, $0x3;
	v27 =	vor.u32 v2, v27;
	v22 =	vld.idx.msk [tilespmem:v22+s3+$0x0], $0xffff  }
0x10e: {  	v44 =	vperm.xlane v61, v4;
	v15 =	vshll.u32 v15, $0x3;
	v28 =	vor.u32 v2, v28;
	v23 =	vld.idx.msk [tilespmem:v23+s3+$0x0], $0xffff  }
0x10f: {  	v45 =	vperm.xlane v61, v5;
	v29 =	vshll.u32 v42, $0x3;
	v15 =	vor.u32 v2, v15;
	v24 =	vld.idx.msk [tilespmem:v24+s3+$0x0], $0xffff  }
0x110: {  	v46 =	vperm.xlane v61, v6;
	v30 =	vshll.u32 v43, $0x3;
	v29 =	vor.u32 v2, v29;
	v25 =	vld.idx.msk [tilespmem:v25+s3+$0x0], $0xffff  }
0x111: {  	v47 =	vperm.xlane v61, v7;
	v31 =	vshll.u32 v44, $0x3;
	v30 =	vor.u32 v2, v30;
	v26 =	vld.idx.msk [tilespmem:v26+s3+$0x0], $0xffff  }
0x112: {  	v48 =	vperm.xlane v61, v8;
	v32 =	vshll.u32 v45, $0x3;
	v31 =	vor.u32 v2, v31;
	v27 =	vld.idx.msk [tilespmem:v27+s3+$0x0], $0xffff  }
0x113: {  	v19 =	vperm.xlane v61, v9;
	v33 =	vshll.u32 v46, $0x3;
	v32 =	vor.u32 v2, v32;
	v28 =	vld.idx.msk [tilespmem:v28+s3+$0x0], $0xffff  }
0x114: {  	v49 =	vperm.xlane v63, v1;
	v34 =	vshll.u32 v47, $0x3;
	v33 =	vor.u32 v2, v33;
	v15 =	vld.idx.msk [tilespmem:v15+s3+$0x0], $0xffff  }
0x115: {  	v50 =	vperm.xlane v63, v3;
	v35 =	vshll.u32 v48, $0x3;
	v34 =	vor.u32 v2, v34;
	v29 =	vld.idx.msk [tilespmem:v29+s3+$0x0], $0xffff  }
0x116: {  	v51 =	vperm.xlane v63, v4;
	v19 =	vshll.u32 v19, $0x3;
	v35 =	vor.u32 v2, v35;
	v30 =	vld.idx.msk [tilespmem:v30+s3+$0x0], $0xffff  }
0x117: {  	v52 =	vperm.xlane v63, v5;
	v36 =	vshll.u32 v49, $0x3;
	v19 =	vor.u32 v2, v19;
	v31 =	vld.idx.msk [tilespmem:v31+s3+$0x0], $0xffff  }
0x118: {  	v53 =	vperm.xlane v63, v6;
	v37 =	vshll.u32 v50, $0x3;
	v36 =	vor.u32 v2, v36;
	v32 =	vld.idx.msk [tilespmem:v32+s3+$0x0], $0xffff  }
0x119: {  	v21 =	vperm.xlane v63, v9;
	v38 =	vshll.u32 v51, $0x3;
	v37 =	vor.u32 v2, v37;
	v33 =	vld.idx.msk [tilespmem:v33+s3+$0x0], $0xffff  }
0x11a: {  	v39 =	vshll.u32 v52, $0x3;
	v54 =	vperm.xlane v63, v7;
	v38 =	vor.u32 v2, v38;
	v34 =	vld.idx.msk [tilespmem:v34+s3+$0x0], $0xffff  }
0x11b: {  	v40 =	vshll.u32 v53, $0x3;
	v55 =	vperm.xlane v63, v8;
	v39 =	vor.u32 v2, v39;
	v35 =	vld.idx.msk [tilespmem:v35+s3+$0x0], $0xffff  }
0x11c: {  	v40 =	vor.u32 v2, v40;
	v41 =	vshll.u32 v54, $0x3;
	v19 =	vld.idx.msk [tilespmem:v19+s3+$0x0], $0xffff  }
0x11d: {  	v21 =	vshll.u32 v21, $0x3;
	v58 =	vshll.u32 v55, $0x3;
	v57 =	vor.u32 v2, v41;
	v56 =	vld.idx.msk [tilespmem:v36+s3+$0x0], $0xffff  }
0x11e: {  	v60 =	vor.u32 v2, v58;
	v59 =	vld.idx.msk [tilespmem:v37+s3+$0x0], $0xffff;
	v12 =	vadd.f32 v17, v12;
	v13 =	vadd.f32 v18, v13  }
0x11f: {  	v62 =	vor.u32 v2, v21;
	v61 =	vld.idx.msk [tilespmem:v38+s3+$0x0], $0xffff;
	v14 =	vadd.f32 v20, v14;
	v11 =	vadd.f32 v11, v16  }
0x120: {  	v63 =	vld.idx.msk [tilespmem:v39+s3+$0x0], $0xffff;
	v41 =	vadd.f32 v33, v29;
	v42 =	vadd.f32 v34, v30  }
0x121: {  	v38 =	vld.idx.msk [tilespmem:v40+s3+$0x0], $0xffff;
	v43 =	vadd.f32 v35, v31;
	v19 =	vadd.f32 v19, v32  }
0x122: {  	v39 =	vld.idx.msk [tilespmem:v57+s3+$0x0], $0xffff;
	v12 =	vadd.f32 v22, v12;
	v13 =	vadd.f32 v23, v13  }
0x123: {  	v40 =	vld.idx.msk [tilespmem:v60+s3+$0x0], $0xffff;
	v14 =	vadd.f32 v24, v14;
	v11 =	vadd.f32 v25, v11  }
0x124: {  	v20 =	vld.idx.msk [tilespmem:v62+s3+$0x0], $0xffff;
	v17 =	vadd.f32 v56, v41;
	v18 =	vadd.f32 v59, v42  }
0x125: {  	v16 =	vadd.f32 v61, v43;
	v19 =	vadd.f32 v63, v19  }
0x126: {  	s31 =	sadd.s32 $0x8, s28;
	v12 =	vadd.f32 v26, v12;
	v13 =	vadd.f32 v27, v13  }
0x127: {  	v44 =	vor.u32 s31, v1;
	v14 =	vadd.f32 v28, v14;
	v11 =	vadd.f32 v15, v11  }
0x128: {  	v45 =	vadd.s32 v0, v44;
	v17 =	vadd.f32 v38, v17;
	v18 =	vadd.f32 v39, v18  }
0x129: {  	v47 =	vshll.u32 v45, $0x3;
	v15 =	vadd.f32 v40, v16;
	v46 =	vadd.f32 v20, v19  }
0x12a: {  	v48 =	vor.u32 v2, v47;
	v12 =	vadd.f32 v13, v12;
	v11 =	vadd.f32 v11, v14  }
0x12b: {  	v49 =	vadd.f32 v18, v17;
	v15 =	vadd.f32 v46, v15;
	_ =	sdelay $0x1  }
0x12c: {  	v11 =	vadd.f32 v11, v12;
	v50 =	vadd.f32 v15, v49;
	_ =	sdelay $0x1  }
0x12d: {  	v13 =	vld.idx.msk [tilespmem:v48+s3+$0x0], $0xffff;
	v51 =	vperm.xlane v11, v10;
	v15 =	vperm.xlane v50, v10;
	_ =	sdelay $0x1  }
0x12e: {  	v11 =	vsel vm0, v11, v50;
	v52 =	vsel vm0, v51, v15  }
0x12f: {  	v53 =	vshll.u32 v44, $0x3;
	v11 =	vadd.f32 v11, v52  }
0x130: {  	v12 =	vor.u32 v2, v53  }
0x131: {  	v11 =	vadd.f32 v11, v13;
	_ =	sdelay $0x1  }
0x132: {  	v11 =	vmul.f32 $3.030303120e-02, v11;
	_ =	sdelay $0x1  }
0x133: {  	[tilespmem:v12+s16+$0x0] =	vst.idx.msk $0xffff, v11  }
0x134: {  	v11 =	vld [tilespmem:s26+$0x40];
	_ =	sdelay $0x4  }
0x135: {  	v54 =	vperm.xlane v11, v1  }
0x136: {  	v55 =	vperm.xlane v11, v3  }
0x137: {  	v57 =	vld [tilespmem:s26+$0x50];
	v56 =	vperm.xlane v11, v4;
	v58 =	vperm.xlane v11, v5;
	v12 =	vshll.u32 v54, $0x3  }
0x138: {  	v59 =	vperm.xlane v11, v6;
	v13 =	vshll.u32 v55, $0x3;
	v12 =	vor.u32 v2, v12  }
0x139: {  	v60 =	vperm.xlane v11, v7;
	v14 =	vshll.u32 v56, $0x3;
	v13 =	vor.u32 v2, v13  }
0x13a: {  	v62 =	vperm.xlane v11, v8;
	v16 =	vshll.u32 v58, $0x3;
	v14 =	vor.u32 v2, v14  }
0x13b: {  	v61 =	vld [tilespmem:s26+$0x60];
	v11 =	vperm.xlane v11, v9;
	v17 =	vshll.u32 v59, $0x3;
	v16 =	vor.u32 v2, v16  }
0x13c: {  	v63 =	vld [tilespmem:s26+$0x70];
	v35 =	vperm.xlane v57, v1;
	v18 =	vshll.u32 v60, $0x3;
	v17 =	vor.u32 v2, v17  }
0x13d: {  	v36 =	vperm.xlane v57, v3;
	v20 =	vshll.u32 v62, $0x3;
	v18 =	vor.u32 v2, v18;
	v12 =	vld.idx.msk [tilespmem:v12+s3+$0x0], $0xffff  }
0x13e: {  	v37 =	vperm.xlane v57, v4;
	v11 =	vshll.u32 v11, $0x3;
	v20 =	vor.u32 v2, v20;
	v13 =	vld.idx.msk [tilespmem:v13+s3+$0x0], $0xffff  }
0x13f: {  	v38 =	vperm.xlane v57, v5;
	v22 =	vshll.u32 v35, $0x3;
	v11 =	vor.u32 v2, v11;
	v14 =	vld.idx.msk [tilespmem:v14+s3+$0x0], $0xffff  }
0x140: {  	v39 =	vperm.xlane v57, v6;
	v23 =	vshll.u32 v36, $0x3;
	v22 =	vor.u32 v2, v22;
	v16 =	vld.idx.msk [tilespmem:v16+s3+$0x0], $0xffff  }
0x141: {  	v40 =	vperm.xlane v57, v7;
	v24 =	vshll.u32 v37, $0x3;
	v23 =	vor.u32 v2, v23;
	v17 =	vld.idx.msk [tilespmem:v17+s3+$0x0], $0xffff  }
0x142: {  	v41 =	vperm.xlane v57, v8;
	v25 =	vshll.u32 v38, $0x3;
	v24 =	vor.u32 v2, v24;
	v18 =	vld.idx.msk [tilespmem:v18+s3+$0x0], $0xffff  }
0x143: {  	v15 =	vperm.xlane v57, v9;
	v26 =	vshll.u32 v39, $0x3;
	v25 =	vor.u32 v2, v25;
	v20 =	vld.idx.msk [tilespmem:v20+s3+$0x0], $0xffff  }
0x144: {  	v42 =	vperm.xlane v61, v1;
	v27 =	vshll.u32 v40, $0x3;
	v26 =	vor.u32 v2, v26;
	v11 =	vld.idx.msk [tilespmem:v11+s3+$0x0], $0xffff  }
0x145: {  	v43 =	vperm.xlane v61, v3;
	v28 =	vshll.u32 v41, $0x3;
	v27 =	vor.u32 v2, v27;
	v22 =	vld.idx.msk [tilespmem:v22+s3+$0x0], $0xffff  }
0x146: {  	v44 =	vperm.xlane v61, v4;
	v15 =	vshll.u32 v15, $0x3;
	v28 =	vor.u32 v2, v28;
	v23 =	vld.idx.msk [tilespmem:v23+s3+$0x0], $0xffff  }
0x147: {  	v45 =	vperm.xlane v61, v5;
	v29 =	vshll.u32 v42, $0x3;
	v15 =	vor.u32 v2, v15;
	v24 =	vld.idx.msk [tilespmem:v24+s3+$0x0], $0xffff  }
0x148: {  	v46 =	vperm.xlane v61, v6;
	v30 =	vshll.u32 v43, $0x3;
	v29 =	vor.u32 v2, v29;
	v25 =	vld.idx.msk [tilespmem:v25+s3+$0x0], $0xffff  }
0x149: {  	v47 =	vperm.xlane v61, v7;
	v31 =	vshll.u32 v44, $0x3;
	v30 =	vor.u32 v2, v30;
	v26 =	vld.idx.msk [tilespmem:v26+s3+$0x0], $0xffff  }
0x14a: {  	v48 =	vperm.xlane v61, v8;
	v32 =	vshll.u32 v45, $0x3;
	v31 =	vor.u32 v2, v31;
	v27 =	vld.idx.msk [tilespmem:v27+s3+$0x0], $0xffff  }
0x14b: {  	v19 =	vperm.xlane v61, v9;
	v33 =	vshll.u32 v46, $0x3;
	v32 =	vor.u32 v2, v32;
	v28 =	vld.idx.msk [tilespmem:v28+s3+$0x0], $0xffff  }
0x14c: {  	v49 =	vperm.xlane v63, v1;
	v34 =	vshll.u32 v47, $0x3;
	v33 =	vor.u32 v2, v33;
	v15 =	vld.idx.msk [tilespmem:v15+s3+$0x0], $0xffff  }
0x14d: {  	v50 =	vperm.xlane v63, v3;
	v35 =	vshll.u32 v48, $0x3;
	v34 =	vor.u32 v2, v34;
	v29 =	vld.idx.msk [tilespmem:v29+s3+$0x0], $0xffff  }
0x14e: {  	v51 =	vperm.xlane v63, v4;
	v19 =	vshll.u32 v19, $0x3;
	v35 =	vor.u32 v2, v35;
	v30 =	vld.idx.msk [tilespmem:v30+s3+$0x0], $0xffff  }
0x14f: {  	v52 =	vperm.xlane v63, v5;
	v36 =	vshll.u32 v49, $0x3;
	v19 =	vor.u32 v2, v19;
	v31 =	vld.idx.msk [tilespmem:v31+s3+$0x0], $0xffff  }
0x150: {  	v53 =	vperm.xlane v63, v6;
	v37 =	vshll.u32 v50, $0x3;
	v36 =	vor.u32 v2, v36;
	v32 =	vld.idx.msk [tilespmem:v32+s3+$0x0], $0xffff  }
0x151: {  	v21 =	vperm.xlane v63, v9;
	v38 =	vshll.u32 v51, $0x3;
	v37 =	vor.u32 v2, v37;
	v33 =	vld.idx.msk [tilespmem:v33+s3+$0x0], $0xffff  }
0x152: {  	v39 =	vshll.u32 v52, $0x3;
	v54 =	vperm.xlane v63, v7;
	v38 =	vor.u32 v2, v38;
	v34 =	vld.idx.msk [tilespmem:v34+s3+$0x0], $0xffff  }
0x153: {  	v40 =	vshll.u32 v53, $0x3;
	v55 =	vperm.xlane v63, v8;
	v39 =	vor.u32 v2, v39;
	v35 =	vld.idx.msk [tilespmem:v35+s3+$0x0], $0xffff  }
0x154: {  	v40 =	vor.u32 v2, v40;
	v41 =	vshll.u32 v54, $0x3;
	v19 =	vld.idx.msk [tilespmem:v19+s3+$0x0], $0xffff  }
0x155: {  	v21 =	vshll.u32 v21, $0x3;
	v58 =	vshll.u32 v55, $0x3;
	v57 =	vor.u32 v2, v41;
	v56 =	vld.idx.msk [tilespmem:v36+s3+$0x0], $0xffff  }
0x156: {  	v60 =	vor.u32 v2, v58;
	v59 =	vld.idx.msk [tilespmem:v37+s3+$0x0], $0xffff;
	v12 =	vadd.f32 v17, v12;
	v13 =	vadd.f32 v18, v13  }
0x157: {  	v62 =	vor.u32 v2, v21;
	v61 =	vld.idx.msk [tilespmem:v38+s3+$0x0], $0xffff;
	v14 =	vadd.f32 v20, v14;
	v11 =	vadd.f32 v11, v16  }
0x158: {  	v63 =	vld.idx.msk [tilespmem:v39+s3+$0x0], $0xffff;
	v41 =	vadd.f32 v33, v29;
	v42 =	vadd.f32 v34, v30  }
0x159: {  	v38 =	vld.idx.msk [tilespmem:v40+s3+$0x0], $0xffff;
	v43 =	vadd.f32 v35, v31;
	v19 =	vadd.f32 v19, v32  }
0x15a: {  	v39 =	vld.idx.msk [tilespmem:v57+s3+$0x0], $0xffff;
	v12 =	vadd.f32 v22, v12;
	v13 =	vadd.f32 v23, v13  }
0x15b: {  	v40 =	vld.idx.msk [tilespmem:v60+s3+$0x0], $0xffff;
	v14 =	vadd.f32 v24, v14;
	v11 =	vadd.f32 v25, v11  }
0x15c: {  	v20 =	vld.idx.msk [tilespmem:v62+s3+$0x0], $0xffff;
	v17 =	vadd.f32 v56, v41;
	v18 =	vadd.f32 v59, v42  }
0x15d: {  	v16 =	vadd.f32 v61, v43;
	v19 =	vadd.f32 v63, v19  }
0x15e: {  	s30 =	sadd.s32 $0xA, s28;
	v12 =	vadd.f32 v26, v12;
	v13 =	vadd.f32 v27, v13  }
0x15f: {  	v44 =	vor.u32 s30, v1;
	v14 =	vadd.f32 v28, v14;
	v11 =	vadd.f32 v15, v11  }
0x160: {  	v45 =	vadd.s32 v0, v44;
	v17 =	vadd.f32 v38, v17;
	v18 =	vadd.f32 v39, v18  }
0x161: {  	v47 =	vshll.u32 v45, $0x3;
	v15 =	vadd.f32 v40, v16;
	v46 =	vadd.f32 v20, v19  }
0x162: {  	v48 =	vor.u32 v2, v47;
	v12 =	vadd.f32 v13, v12;
	v11 =	vadd.f32 v11, v14  }
0x163: {  	v49 =	vadd.f32 v18, v17;
	v15 =	vadd.f32 v46, v15;
	_ =	sdelay $0x1  }
0x164: {  	v11 =	vadd.f32 v11, v12;
	v50 =	vadd.f32 v15, v49;
	_ =	sdelay $0x1  }
0x165: {  	v13 =	vld.idx.msk [tilespmem:v48+s3+$0x0], $0xffff;
	v51 =	vperm.xlane v11, v10;
	v15 =	vperm.xlane v50, v10;
	_ =	sdelay $0x1  }
0x166: {  	v11 =	vsel vm0, v11, v50;
	v52 =	vsel vm0, v51, v15  }
0x167: {  	v53 =	vshll.u32 v44, $0x3;
	v11 =	vadd.f32 v11, v52  }
0x168: {  	v12 =	vor.u32 v2, v53  }
0x169: {  	v11 =	vadd.f32 v11, v13;
	_ =	sdelay $0x1  }
0x16a: {  	v11 =	vmul.f32 $3.030303120e-02, v11;
	_ =	sdelay $0x1  }
0x16b: {  	[tilespmem:v12+s16+$0x0] =	vst.idx.msk $0xffff, v11  }
0x16c: {  	v11 =	vld [tilespmem:s26+$0x80];
	_ =	sdelay $0x4  }
0x16d: {  	v54 =	vperm.xlane v11, v1  }
0x16e: {  	v55 =	vperm.xlane v11, v3  }
0x16f: {  	v57 =	vld [tilespmem:s26+$0x90];
	v56 =	vperm.xlane v11, v4;
	v58 =	vperm.xlane v11, v5;
	v12 =	vshll.u32 v54, $0x3  }
0x170: {  	v59 =	vperm.xlane v11, v6;
	v13 =	vshll.u32 v55, $0x3;
	v12 =	vor.u32 v2, v12  }
0x171: {  	v60 =	vperm.xlane v11, v7;
	v14 =	vshll.u32 v56, $0x3;
	v13 =	vor.u32 v2, v13  }
0x172: {  	v62 =	vperm.xlane v11, v8;
	v16 =	vshll.u32 v58, $0x3;
	v14 =	vor.u32 v2, v14  }
0x173: {  	v61 =	vld [tilespmem:s26+$0xA0];
	v11 =	vperm.xlane v11, v9;
	v17 =	vshll.u32 v59, $0x3;
	v16 =	vor.u32 v2, v16  }
0x174: {  	v63 =	vld [tilespmem:s26+$0xB0];
	v35 =	vperm.xlane v57, v1;
	v18 =	vshll.u32 v60, $0x3;
	v17 =	vor.u32 v2, v17  }
0x175: {  	v36 =	vperm.xlane v57, v3;
	v20 =	vshll.u32 v62, $0x3;
	v18 =	vor.u32 v2, v18;
	v12 =	vld.idx.msk [tilespmem:v12+s3+$0x0], $0xffff  }
0x176: {  	v37 =	vperm.xlane v57, v4;
	v11 =	vshll.u32 v11, $0x3;
	v20 =	vor.u32 v2, v20;
	v13 =	vld.idx.msk [tilespmem:v13+s3+$0x0], $0xffff  }
0x177: {  	v38 =	vperm.xlane v57, v5;
	v22 =	vshll.u32 v35, $0x3;
	v11 =	vor.u32 v2, v11;
	v14 =	vld.idx.msk [tilespmem:v14+s3+$0x0], $0xffff  }
0x178: {  	v39 =	vperm.xlane v57, v6;
	v23 =	vshll.u32 v36, $0x3;
	v22 =	vor.u32 v2, v22;
	v16 =	vld.idx.msk [tilespmem:v16+s3+$0x0], $0xffff  }
0x179: {  	v40 =	vperm.xlane v57, v7;
	v24 =	vshll.u32 v37, $0x3;
	v23 =	vor.u32 v2, v23;
	v17 =	vld.idx.msk [tilespmem:v17+s3+$0x0], $0xffff  }
0x17a: {  	v41 =	vperm.xlane v57, v8;
	v25 =	vshll.u32 v38, $0x3;
	v24 =	vor.u32 v2, v24;
	v18 =	vld.idx.msk [tilespmem:v18+s3+$0x0], $0xffff  }
0x17b: {  	v15 =	vperm.xlane v57, v9;
	v26 =	vshll.u32 v39, $0x3;
	v25 =	vor.u32 v2, v25;
	v20 =	vld.idx.msk [tilespmem:v20+s3+$0x0], $0xffff  }
0x17c: {  	v42 =	vperm.xlane v61, v1;
	v27 =	vshll.u32 v40, $0x3;
	v26 =	vor.u32 v2, v26;
	v11 =	vld.idx.msk [tilespmem:v11+s3+$0x0], $0xffff  }
0x17d: {  	v43 =	vperm.xlane v61, v3;
	v28 =	vshll.u32 v41, $0x3;
	v27 =	vor.u32 v2, v27;
	v22 =	vld.idx.msk [tilespmem:v22+s3+$0x0], $0xffff  }
0x17e: {  	v44 =	vperm.xlane v61, v4;
	v15 =	vshll.u32 v15, $0x3;
	v28 =	vor.u32 v2, v28;
	v23 =	vld.idx.msk [tilespmem:v23+s3+$0x0], $0xffff  }
0x17f: {  	v45 =	vperm.xlane v61, v5;
	v29 =	vshll.u32 v42, $0x3;
	v15 =	vor.u32 v2, v15;
	v24 =	vld.idx.msk [tilespmem:v24+s3+$0x0], $0xffff  }
0x180: {  	v46 =	vperm.xlane v61, v6;
	v30 =	vshll.u32 v43, $0x3;
	v29 =	vor.u32 v2, v29;
	v25 =	vld.idx.msk [tilespmem:v25+s3+$0x0], $0xffff  }
0x181: {  	v47 =	vperm.xlane v61, v7;
	v31 =	vshll.u32 v44, $0x3;
	v30 =	vor.u32 v2, v30;
	v26 =	vld.idx.msk [tilespmem:v26+s3+$0x0], $0xffff  }
0x182: {  	v48 =	vperm.xlane v61, v8;
	v32 =	vshll.u32 v45, $0x3;
	v31 =	vor.u32 v2, v31;
	v27 =	vld.idx.msk [tilespmem:v27+s3+$0x0], $0xffff  }
0x183: {  	v19 =	vperm.xlane v61, v9;
	v33 =	vshll.u32 v46, $0x3;
	v32 =	vor.u32 v2, v32;
	v28 =	vld.idx.msk [tilespmem:v28+s3+$0x0], $0xffff  }
0x184: {  	v49 =	vperm.xlane v63, v1;
	v34 =	vshll.u32 v47, $0x3;
	v33 =	vor.u32 v2, v33;
	v15 =	vld.idx.msk [tilespmem:v15+s3+$0x0], $0xffff  }
0x185: {  	v50 =	vperm.xlane v63, v3;
	v35 =	vshll.u32 v48, $0x3;
	v34 =	vor.u32 v2, v34;
	v29 =	vld.idx.msk [tilespmem:v29+s3+$0x0], $0xffff  }
0x186: {  	v51 =	vperm.xlane v63, v4;
	v19 =	vshll.u32 v19, $0x3;
	v35 =	vor.u32 v2, v35;
	v30 =	vld.idx.msk [tilespmem:v30+s3+$0x0], $0xffff  }
0x187: {  	v52 =	vperm.xlane v63, v5;
	v36 =	vshll.u32 v49, $0x3;
	v19 =	vor.u32 v2, v19;
	v31 =	vld.idx.msk [tilespmem:v31+s3+$0x0], $0xffff  }
0x188: {  	v53 =	vperm.xlane v63, v6;
	v37 =	vshll.u32 v50, $0x3;
	v36 =	vor.u32 v2, v36;
	v32 =	vld.idx.msk [tilespmem:v32+s3+$0x0], $0xffff  }
0x189: {  	v21 =	vperm.xlane v63, v9;
	v38 =	vshll.u32 v51, $0x3;
	v37 =	vor.u32 v2, v37;
	v33 =	vld.idx.msk [tilespmem:v33+s3+$0x0], $0xffff  }
0x18a: {  	v39 =	vshll.u32 v52, $0x3;
	v54 =	vperm.xlane v63, v7;
	v38 =	vor.u32 v2, v38;
	v34 =	vld.idx.msk [tilespmem:v34+s3+$0x0], $0xffff  }
0x18b: {  	v40 =	vshll.u32 v53, $0x3;
	v55 =	vperm.xlane v63, v8;
	v39 =	vor.u32 v2, v39;
	v35 =	vld.idx.msk [tilespmem:v35+s3+$0x0], $0xffff  }
0x18c: {  	v40 =	vor.u32 v2, v40;
	v41 =	vshll.u32 v54, $0x3;
	v19 =	vld.idx.msk [tilespmem:v19+s3+$0x0], $0xffff  }
0x18d: {  	v21 =	vshll.u32 v21, $0x3;
	v58 =	vshll.u32 v55, $0x3;
	v57 =	vor.u32 v2, v41;
	v56 =	vld.idx.msk [tilespmem:v36+s3+$0x0], $0xffff  }
0x18e: {  	v60 =	vor.u32 v2, v58;
	v59 =	vld.idx.msk [tilespmem:v37+s3+$0x0], $0xffff;
	v12 =	vadd.f32 v17, v12;
	v13 =	vadd.f32 v18, v13  }
0x18f: {  	v62 =	vor.u32 v2, v21;
	v61 =	vld.idx.msk [tilespmem:v38+s3+$0x0], $0xffff;
	v14 =	vadd.f32 v20, v14;
	v11 =	vadd.f32 v11, v16  }
0x190: {  	v63 =	vld.idx.msk [tilespmem:v39+s3+$0x0], $0xffff;
	v41 =	vadd.f32 v33, v29;
	v42 =	vadd.f32 v34, v30  }
0x191: {  	v38 =	vld.idx.msk [tilespmem:v40+s3+$0x0], $0xffff;
	v43 =	vadd.f32 v35, v31;
	v19 =	vadd.f32 v19, v32  }
0x192: {  	v39 =	vld.idx.msk [tilespmem:v57+s3+$0x0], $0xffff;
	v12 =	vadd.f32 v22, v12;
	v13 =	vadd.f32 v23, v13  }
0x193: {  	v40 =	vld.idx.msk [tilespmem:v60+s3+$0x0], $0xffff;
	v14 =	vadd.f32 v24, v14;
	v11 =	vadd.f32 v25, v11  }
0x194: {  	v20 =	vld.idx.msk [tilespmem:v62+s3+$0x0], $0xffff;
	v17 =	vadd.f32 v56, v41;
	v18 =	vadd.f32 v59, v42  }
0x195: {  	v16 =	vadd.f32 v61, v43;
	v19 =	vadd.f32 v63, v19  }
0x196: {  	s31 =	sadd.s32 $0xC, s28;
	v12 =	vadd.f32 v26, v12;
	v13 =	vadd.f32 v27, v13  }
0x197: {  	v44 =	vor.u32 s31, v1;
	v14 =	vadd.f32 v28, v14;
	v11 =	vadd.f32 v15, v11  }
0x198: {  	v45 =	vadd.s32 v0, v44;
	v17 =	vadd.f32 v38, v17;
	v18 =	vadd.f32 v39, v18  }
0x199: {  	v47 =	vshll.u32 v45, $0x3;
	v15 =	vadd.f32 v40, v16;
	v46 =	vadd.f32 v20, v19  }
0x19a: {  	v48 =	vor.u32 v2, v47;
	v12 =	vadd.f32 v13, v12;
	v11 =	vadd.f32 v11, v14  }
0x19b: {  	v49 =	vadd.f32 v18, v17;
	v15 =	vadd.f32 v46, v15;
	_ =	sdelay $0x1  }
0x19c: {  	v11 =	vadd.f32 v11, v12;
	v50 =	vadd.f32 v15, v49;
	_ =	sdelay $0x1  }
0x19d: {  	v13 =	vld.idx.msk [tilespmem:v48+s3+$0x0], $0xffff;
	v51 =	vperm.xlane v11, v10;
	v15 =	vperm.xlane v50, v10;
	_ =	sdelay $0x1  }
0x19e: {  	v11 =	vsel vm0, v11, v50;
	v52 =	vsel vm0, v51, v15  }
0x19f: {  	v53 =	vshll.u32 v44, $0x3;
	v11 =	vadd.f32 v11, v52  }
0x1a0: {  	v12 =	vor.u32 v2, v53  }
0x1a1: {  	v11 =	vadd.f32 v11, v13;
	_ =	sdelay $0x1  }
0x1a2: {  	v11 =	vmul.f32 $3.030303120e-02, v11;
	_ =	sdelay $0x1  }
0x1a3: {  	[tilespmem:v12+s16+$0x0] =	vst.idx.msk $0xffff, v11  }
0x1a4: {  	v11 =	vld [tilespmem:s26+$0xC0];
	_ =	sdelay $0x4  }
0x1a5: {  	v54 =	vperm.xlane v11, v1  }
0x1a6: {  	v55 =	vperm.xlane v11, v3  }
0x1a7: {  	v57 =	vld [tilespmem:s26+$0xD0];
	v56 =	vperm.xlane v11, v4;
	v58 =	vperm.xlane v11, v5;
	v12 =	vshll.u32 v54, $0x3  }
0x1a8: {  	v59 =	vperm.xlane v11, v6;
	v13 =	vshll.u32 v55, $0x3;
	v12 =	vor.u32 v2, v12  }
0x1a9: {  	v60 =	vperm.xlane v11, v7;
	v14 =	vshll.u32 v56, $0x3;
	v13 =	vor.u32 v2, v13  }
0x1aa: {  	v62 =	vperm.xlane v11, v8;
	v16 =	vshll.u32 v58, $0x3;
	v14 =	vor.u32 v2, v14  }
0x1ab: {  	v61 =	vld [tilespmem:s26+$0xE0];
	v11 =	vperm.xlane v11, v9;
	v17 =	vshll.u32 v59, $0x3;
	v16 =	vor.u32 v2, v16  }
0x1ac: {  	v63 =	vld [tilespmem:s26+$0xF0];
	v40 =	vperm.xlane v57, v1;
	v18 =	vshll.u32 v60, $0x3;
	v17 =	vor.u32 v2, v17  }
0x1ad: {  	v41 =	vperm.xlane v57, v3;
	v20 =	vshll.u32 v62, $0x3;
	v18 =	vor.u32 v2, v18;
	v12 =	vld.idx.msk [tilespmem:v12+s3+$0x0], $0xffff  }
0x1ae: {  	v42 =	vperm.xlane v57, v4;
	v11 =	vshll.u32 v11, $0x3;
	v20 =	vor.u32 v2, v20;
	v13 =	vld.idx.msk [tilespmem:v13+s3+$0x0], $0xffff  }
0x1af: {  	v43 =	vperm.xlane v57, v5;
	v22 =	vshll.u32 v40, $0x3;
	v11 =	vor.u32 v2, v11;
	v14 =	vld.idx.msk [tilespmem:v14+s3+$0x0], $0xffff  }
0x1b0: {  	v44 =	vperm.xlane v57, v6;
	v23 =	vshll.u32 v41, $0x3;
	v22 =	vor.u32 v2, v22;
	v16 =	vld.idx.msk [tilespmem:v16+s3+$0x0], $0xffff  }
0x1b1: {  	v45 =	vperm.xlane v57, v7;
	v24 =	vshll.u32 v42, $0x3;
	v23 =	vor.u32 v2, v23;
	v17 =	vld.idx.msk [tilespmem:v17+s3+$0x0], $0xffff  }
0x1b2: {  	v46 =	vperm.xlane v57, v8;
	v25 =	vshll.u32 v43, $0x3;
	v24 =	vor.u32 v2, v24;
	v18 =	vld.idx.msk [tilespmem:v18+s3+$0x0], $0xffff  }
0x1b3: {  	v15 =	vperm.xlane v57, v9;
	v26 =	vshll.u32 v44, $0x3;
	v25 =	vor.u32 v2, v25;
	v20 =	vld.idx.msk [tilespmem:v20+s3+$0x0], $0xffff  }
0x1b4: {  	v47 =	vperm.xlane v61, v1;
	v27 =	vshll.u32 v45, $0x3;
	v26 =	vor.u32 v2, v26;
	v11 =	vld.idx.msk [tilespmem:v11+s3+$0x0], $0xffff  }
0x1b5: {  	v48 =	vperm.xlane v61, v3;
	v28 =	vshll.u32 v46, $0x3;
	v27 =	vor.u32 v2, v27;
	v22 =	vld.idx.msk [tilespmem:v22+s3+$0x0], $0xffff  }
0x1b6: {  	v49 =	vperm.xlane v61, v4;
	v15 =	vshll.u32 v15, $0x3;
	v28 =	vor.u32 v2, v28;
	v23 =	vld.idx.msk [tilespmem:v23+s3+$0x0], $0xffff  }
0x1b7: {  	v50 =	vperm.xlane v61, v5;
	v29 =	vshll.u32 v47, $0x3;
	v15 =	vor.u32 v2, v15;
	v24 =	vld.idx.msk [tilespmem:v24+s3+$0x0], $0xffff  }
0x1b8: {  	v51 =	vperm.xlane v61, v6;
	v30 =	vshll.u32 v48, $0x3;
	v29 =	vor.u32 v2, v29;
	v25 =	vld.idx.msk [tilespmem:v25+s3+$0x0], $0xffff  }
0x1b9: {  	v52 =	vperm.xlane v61, v7;
	v31 =	vshll.u32 v49, $0x3;
	v30 =	vor.u32 v2, v30;
	v26 =	vld.idx.msk [tilespmem:v26+s3+$0x0], $0xffff  }
0x1ba: {  	v53 =	vperm.xlane v61, v8;
	v32 =	vshll.u32 v50, $0x3;
	v31 =	vor.u32 v2, v31;
	v27 =	vld.idx.msk [tilespmem:v27+s3+$0x0], $0xffff  }
0x1bb: {  	v19 =	vperm.xlane v61, v9;
	v33 =	vshll.u32 v51, $0x3;
	v32 =	vor.u32 v2, v32;
	v28 =	vld.idx.msk [tilespmem:v28+s3+$0x0], $0xffff  }
0x1bc: {  	v57 =	vperm.xlane v63, v5;
	v34 =	vshll.u32 v52, $0x3;
	v33 =	vor.u32 v2, v33;
	v15 =	vld.idx.msk [tilespmem:v15+s3+$0x0], $0xffff  }
0x1bd: {  	v21 =	vperm.xlane v63, v9;
	v35 =	vshll.u32 v53, $0x3;
	v34 =	vor.u32 v2, v34;
	v29 =	vld.idx.msk [tilespmem:v29+s3+$0x0], $0xffff  }
0x1be: {  	v54 =	vperm.xlane v63, v1;
	v19 =	vshll.u32 v19, $0x3;
	v35 =	vor.u32 v2, v35;
	v30 =	vld.idx.msk [tilespmem:v30+s3+$0x0], $0xffff  }
0x1bf: {  	v55 =	vperm.xlane v63, v3;
	v39 =	vshll.u32 v57, $0x3;
	v19 =	vor.u32 v2, v19;
	v31 =	vld.idx.msk [tilespmem:v31+s3+$0x0], $0xffff  }
0x1c0: {  	v56 =	vperm.xlane v63, v4;
	v39 =	vor.u32 v2, v39;
	v36 =	vshll.u32 v54, $0x3;
	v32 =	vld.idx.msk [tilespmem:v32+s3+$0x0], $0xffff  }
0x1c1: {  	v58 =	vperm.xlane v63, v6;
	v37 =	vshll.u32 v55, $0x3;
	v36 =	vor.u32 v2, v36;
	v33 =	vld.idx.msk [tilespmem:v33+s3+$0x0], $0xffff  }
0x1c2: {  	v59 =	vperm.xlane v63, v7;
	v38 =	vshll.u32 v56, $0x3;
	v37 =	vor.u32 v2, v37;
	v34 =	vld.idx.msk [tilespmem:v34+s3+$0x0], $0xffff  }
0x1c3: {  	v60 =	vperm.xlane v63, v8;
	v40 =	vshll.u32 v58, $0x3;
	v38 =	vor.u32 v2, v38;
	v35 =	vld.idx.msk [tilespmem:v35+s3+$0x0], $0xffff  }
0x1c4: {  	v41 =	vshll.u32 v59, $0x3;
	v40 =	vor.u32 v2, v40;
	v19 =	vld.idx.msk [tilespmem:v19+s3+$0x0], $0xffff  }
0x1c5: {  	v21 =	vshll.u32 v21, $0x3;
	v63 =	vshll.u32 v60, $0x3;
	v62 =	vor.u32 v2, v41;
	v47 =	vld.idx.msk [tilespmem:v39+s3+$0x0], $0xffff  }
0x1c6: {  	v44 =	vor.u32 v2, v63;
	v61 =	vld.idx.msk [tilespmem:v36+s3+$0x0], $0xffff;
	v12 =	vadd.f32 v17, v12;
	v13 =	vadd.f32 v18, v13  }
0x1c7: {  	v46 =	vor.u32 v2, v21;
	v43 =	vld.idx.msk [tilespmem:v37+s3+$0x0], $0xffff;
	v14 =	vadd.f32 v20, v14;
	v11 =	vadd.f32 v11, v16  }
0x1c8: {  	v45 =	vld.idx.msk [tilespmem:v38+s3+$0x0], $0xffff;
	v51 =	vadd.f32 v33, v29;
	v52 =	vadd.f32 v34, v30  }
0x1c9: {  	v48 =	vld.idx.msk [tilespmem:v40+s3+$0x0], $0xffff;
	v53 =	vadd.f32 v35, v31;
	v19 =	vadd.f32 v19, v32  }
0x1ca: {  	v49 =	vld.idx.msk [tilespmem:v62+s3+$0x0], $0xffff;
	v12 =	vadd.f32 v22, v12;
	v13 =	vadd.f32 v23, v13  }
0x1cb: {  	v50 =	vld.idx.msk [tilespmem:v44+s3+$0x0], $0xffff;
	v14 =	vadd.f32 v24, v14;
	v11 =	vadd.f32 v25, v11  }
0x1cc: {  	v20 =	vld.idx.msk [tilespmem:v46+s3+$0x0], $0xffff;
	v17 =	vadd.f32 v61, v51;
	v18 =	vadd.f32 v43, v52  }
0x1cd: {  	v16 =	vadd.f32 v45, v53;
	v19 =	vadd.f32 v47, v19  }
0x1ce: {  	s28 =	sadd.s32 $0xE, s28;
	v12 =	vadd.f32 v26, v12;
	v13 =	vadd.f32 v27, v13  }
0x1cf: {  	v54 =	vor.u32 s28, v1;
	v14 =	vadd.f32 v28, v14;
	v11 =	vadd.f32 v15, v11  }
0x1d0: {  	v55 =	vadd.s32 v0, v54;
	v17 =	vadd.f32 v48, v17;
	v18 =	vadd.f32 v49, v18  }
0x1d1: {  	v57 =	vshll.u32 v55, $0x3;
	v15 =	vadd.f32 v50, v16;
	v56 =	vadd.f32 v20, v19  }
0x1d2: {  	v58 =	vor.u32 v2, v57;
	v12 =	vadd.f32 v13, v12;
	v11 =	vadd.f32 v11, v14  }
0x1d3: {  	v59 =	vadd.f32 v18, v17;
	v15 =	vadd.f32 v56, v15;
	_ =	sdelay $0x1  }
0x1d4: {  	v11 =	vadd.f32 v11, v12;
	v60 =	vadd.f32 v15, v59;
	_ =	sdelay $0x1  }
0x1d5: {  	v13 =	vld.idx.msk [tilespmem:v58+s3+$0x0], $0xffff;
	v61 =	vperm.xlane v11, v10;
	v15 =	vperm.xlane v60, v10;
	_ =	sdelay $0x1  }
0x1d6: {  	v11 =	vsel vm0, v11, v60;
	v62 =	vsel vm0, v61, v15  }
0x1d7: {  	v63 =	vshll.u32 v54, $0x3;
	v11 =	vadd.f32 v11, v62  }
0x1d8: {  	p0 =	sne.s32 s24, $0x40;
	v12 =	vor.u32 v2, v63  }
.Ltmp0:
0x1d9: {  	v11 =	vadd.f32 v11, v13;
	(pc) =	sbr.rel @p0 .LBB2_3-.Ltmp0, $3  }
0x1da: {  	_ = 	snop  }
0x1db: {  	v11 =	vmul.f32 $3.030303120e-02, v11;
	_ =	sdelay $0x1  }
0x1dc: {  	s24 =	sadd.s32 $0x10, s24;
	s26 =	sadd.s32 $0x200, s26;
	[tilespmem:v12+s16+$0x0] =	vst.idx.msk $0xffff, v11  }
0x1dd: {  	s24 =	smul.u32 $0x1400, s21  }
0x1de: {  	s25 =	sadd.s32 s4, s25  }
0x1df: {  	s25 =	sshll.u32 s25, $0x4;
	s24 =	sshra.s32 s24, $0x2  }
0x1e0: {  	s25 =	sadd.s32 s25, s8;
	s24 =	sadd.s32 $0x14000, s24  }
0x1e1: {  	[hbm4b:s25+s10] =	stream.strided.scatter [tilespmem:s24], [sflag:$0x3], $0x280, s11, s10, $0x38;
	[tilespmem:$0x1F400] =	vst v63  }
0x1e2: {  	s31 =	sadd.s32 $0x280, s23;
	s23 =	simm.s32 $0x0  }
0x1e3: {  	[tilespmem:s13], [sflag:$0x1] =	stream.linear.gather [hbm4b:s31+s23], $0xA00, $0x38;
	[tilespmem:$0x1F400] =	vst v63  }
0x1e4: {  	_ =	swait.ge [sflag:s17], $0xA00  }
0x1e5: {  	s22 =	sor.u32 $0x1, s22;
	[sflag:s17] =	ssyncset.done $0x0  }
0x1e6: {  	s24 =	smul.u32 $0x50, s22;
	s25 =	simm.s32 $0x1EB00;
	[sflag:s17] =	ssyncadd.s32 $0xFFFFF600  }
.LBB2_5:
0x1e7: {  	v11 =	vld [tilespmem:s25+$0xFFFFFF00];
	_ =	sdelay $0x4  }
0x1e8: {  	v12 =	vperm.xlane v11, v1  }
0x1e9: {  	v13 =	vperm.xlane v11, v3  }
0x1ea: {  	v15 =	vld [tilespmem:s25+$0xFFFFFF10];
	v14 =	vperm.xlane v11, v4;
	v16 =	vperm.xlane v11, v5;
	v12 =	vshll.u32 v12, $0x3  }
0x1eb: {  	v17 =	vperm.xlane v11, v6;
	v13 =	vshll.u32 v13, $0x3;
	v12 =	vor.u32 v2, v12  }
0x1ec: {  	v18 =	vperm.xlane v11, v7;
	v14 =	vshll.u32 v14, $0x3;
	v13 =	vor.u32 v2, v13  }
0x1ed: {  	v20 =	vperm.xlane v11, v8;
	v16 =	vshll.u32 v16, $0x3;
	v14 =	vor.u32 v2, v14  }
0x1ee: {  	v19 =	vld [tilespmem:s25+$0xFFFFFF20];
	v11 =	vperm.xlane v11, v9;
	v17 =	vshll.u32 v17, $0x3;
	v16 =	vor.u32 v2, v16  }
0x1ef: {  	v21 =	vld [tilespmem:s25+$0xFFFFFF30];
	v22 =	vperm.xlane v15, v1;
	v18 =	vshll.u32 v18, $0x3;
	v17 =	vor.u32 v2, v17  }
0x1f0: {  	v23 =	vperm.xlane v15, v3;
	v20 =	vshll.u32 v20, $0x3;
	v18 =	vor.u32 v2, v18;
	v12 =	vld.idx.msk [tilespmem:v12+s3+$0x0], $0xffff  }
0x1f1: {  	v24 =	vperm.xlane v15, v4;
	v11 =	vshll.u32 v11, $0x3;
	v20 =	vor.u32 v2, v20;
	v13 =	vld.idx.msk [tilespmem:v13+s3+$0x0], $0xffff  }
0x1f2: {  	v25 =	vperm.xlane v15, v5;
	v22 =	vshll.u32 v22, $0x3;
	v11 =	vor.u32 v2, v11;
	v14 =	vld.idx.msk [tilespmem:v14+s3+$0x0], $0xffff  }
0x1f3: {  	v26 =	vperm.xlane v15, v6;
	v23 =	vshll.u32 v23, $0x3;
	v22 =	vor.u32 v2, v22;
	v16 =	vld.idx.msk [tilespmem:v16+s3+$0x0], $0xffff  }
0x1f4: {  	v27 =	vperm.xlane v15, v7;
	v24 =	vshll.u32 v24, $0x3;
	v23 =	vor.u32 v2, v23;
	v17 =	vld.idx.msk [tilespmem:v17+s3+$0x0], $0xffff  }
0x1f5: {  	v28 =	vperm.xlane v15, v8;
	v25 =	vshll.u32 v25, $0x3;
	v24 =	vor.u32 v2, v24;
	v18 =	vld.idx.msk [tilespmem:v18+s3+$0x0], $0xffff  }
0x1f6: {  	v15 =	vperm.xlane v15, v9;
	v26 =	vshll.u32 v26, $0x3;
	v25 =	vor.u32 v2, v25;
	v20 =	vld.idx.msk [tilespmem:v20+s3+$0x0], $0xffff  }
0x1f7: {  	v29 =	vperm.xlane v19, v1;
	v27 =	vshll.u32 v27, $0x3;
	v26 =	vor.u32 v2, v26;
	v11 =	vld.idx.msk [tilespmem:v11+s3+$0x0], $0xffff  }
0x1f8: {  	v30 =	vperm.xlane v19, v3;
	v28 =	vshll.u32 v28, $0x3;
	v27 =	vor.u32 v2, v27;
	v22 =	vld.idx.msk [tilespmem:v22+s3+$0x0], $0xffff  }
0x1f9: {  	v31 =	vperm.xlane v19, v4;
	v15 =	vshll.u32 v15, $0x3;
	v28 =	vor.u32 v2, v28;
	v23 =	vld.idx.msk [tilespmem:v23+s3+$0x0], $0xffff  }
0x1fa: {  	v32 =	vperm.xlane v19, v5;
	v29 =	vshll.u32 v29, $0x3;
	v15 =	vor.u32 v2, v15;
	v24 =	vld.idx.msk [tilespmem:v24+s3+$0x0], $0xffff  }
0x1fb: {  	v33 =	vperm.xlane v19, v6;
	v30 =	vshll.u32 v30, $0x3;
	v29 =	vor.u32 v2, v29;
	v25 =	vld.idx.msk [tilespmem:v25+s3+$0x0], $0xffff  }
0x1fc: {  	v34 =	vperm.xlane v19, v7;
	v31 =	vshll.u32 v31, $0x3;
	v30 =	vor.u32 v2, v30;
	v26 =	vld.idx.msk [tilespmem:v26+s3+$0x0], $0xffff  }
0x1fd: {  	v35 =	vperm.xlane v19, v8;
	v32 =	vshll.u32 v32, $0x3;
	v31 =	vor.u32 v2, v31;
	v27 =	vld.idx.msk [tilespmem:v27+s3+$0x0], $0xffff  }
0x1fe: {  	v19 =	vperm.xlane v19, v9;
	v33 =	vshll.u32 v33, $0x3;
	v32 =	vor.u32 v2, v32;
	v28 =	vld.idx.msk [tilespmem:v28+s3+$0x0], $0xffff  }
0x1ff: {  	v36 =	vperm.xlane v21, v1;
	v34 =	vshll.u32 v34, $0x3;
	v33 =	vor.u32 v2, v33;
	v15 =	vld.idx.msk [tilespmem:v15+s3+$0x0], $0xffff  }
0x200: {  	v37 =	vperm.xlane v21, v3;
	v35 =	vshll.u32 v35, $0x3;
	v34 =	vor.u32 v2, v34;
	v29 =	vld.idx.msk [tilespmem:v29+s3+$0x0], $0xffff  }
0x201: {  	v38 =	vperm.xlane v21, v4;
	v19 =	vshll.u32 v19, $0x3;
	v35 =	vor.u32 v2, v35;
	v30 =	vld.idx.msk [tilespmem:v30+s3+$0x0], $0xffff  }
0x202: {  	v39 =	vperm.xlane v21, v5;
	v36 =	vshll.u32 v36, $0x3;
	v19 =	vor.u32 v2, v19;
	v31 =	vld.idx.msk [tilespmem:v31+s3+$0x0], $0xffff  }
0x203: {  	v40 =	vperm.xlane v21, v6;
	v37 =	vshll.u32 v37, $0x3;
	v36 =	vor.u32 v2, v36;
	v32 =	vld.idx.msk [tilespmem:v32+s3+$0x0], $0xffff  }
0x204: {  	v41 =	vperm.xlane v21, v7;
	v38 =	vshll.u32 v38, $0x3;
	v37 =	vor.u32 v2, v37;
	v33 =	vld.idx.msk [tilespmem:v33+s3+$0x0], $0xffff  }
0x205: {  	v42 =	vperm.xlane v21, v8;
	v39 =	vshll.u32 v39, $0x3;
	v38 =	vor.u32 v2, v38;
	v34 =	vld.idx.msk [tilespmem:v34+s3+$0x0], $0xffff  }
0x206: {  	v21 =	vperm.xlane v21, v9;
	v40 =	vshll.u32 v40, $0x3;
	v39 =	vor.u32 v2, v39;
	v35 =	vld.idx.msk [tilespmem:v35+s3+$0x0], $0xffff  }
0x207: {  	v41 =	vshll.u32 v41, $0x3;
	v40 =	vor.u32 v2, v40;
	v19 =	vld.idx.msk [tilespmem:v19+s3+$0x0], $0xffff  }
0x208: {  	v58 =	vshll.u32 v42, $0x3;
	v21 =	vshll.u32 v21, $0x3;
	v57 =	vor.u32 v2, v41;
	v56 =	vld.idx.msk [tilespmem:v36+s3+$0x0], $0xffff  }
0x209: {  	v60 =	vor.u32 v2, v58;
	v59 =	vld.idx.msk [tilespmem:v37+s3+$0x0], $0xffff;
	v12 =	vadd.f32 v17, v12;
	v13 =	vadd.f32 v18, v13  }
0x20a: {  	v62 =	vor.u32 v2, v21;
	v61 =	vld.idx.msk [tilespmem:v38+s3+$0x0], $0xffff;
	v14 =	vadd.f32 v20, v14;
	v11 =	vadd.f32 v11, v16  }
0x20b: {  	v63 =	vld.idx.msk [tilespmem:v39+s3+$0x0], $0xffff;
	v41 =	vadd.f32 v33, v29;
	v42 =	vadd.f32 v34, v30  }
0x20c: {  	v38 =	vld.idx.msk [tilespmem:v40+s3+$0x0], $0xffff;
	v43 =	vadd.f32 v35, v31;
	v19 =	vadd.f32 v19, v32  }
0x20d: {  	v39 =	vld.idx.msk [tilespmem:v57+s3+$0x0], $0xffff;
	v12 =	vadd.f32 v22, v12;
	v13 =	vadd.f32 v23, v13  }
0x20e: {  	v40 =	vld.idx.msk [tilespmem:v60+s3+$0x0], $0xffff;
	v14 =	vadd.f32 v24, v14;
	v11 =	vadd.f32 v25, v11  }
0x20f: {  	v20 =	vld.idx.msk [tilespmem:v62+s3+$0x0], $0xffff;
	v17 =	vadd.f32 v56, v41;
	v18 =	vadd.f32 v59, v42  }
0x210: {  	s26 =	sadd.s32 s23, s20;
	v16 =	vadd.f32 v61, v43;
	v19 =	vadd.f32 v63, v19  }
0x211: {  	s28 =	sadd.s32 $0x50, s26;
	v12 =	vadd.f32 v26, v12;
	v13 =	vadd.f32 v27, v13  }
0x212: {  	v44 =	vor.u32 s28, v1;
	v14 =	vadd.f32 v28, v14;
	v11 =	vadd.f32 v15, v11  }
0x213: {  	v45 =	vadd.s32 v0, v44;
	v17 =	vadd.f32 v38, v17;
	v18 =	vadd.f32 v39, v18  }
0x214: {  	v47 =	vshll.u32 v45, $0x3;
	v15 =	vadd.f32 v40, v16;
	v46 =	vadd.f32 v20, v19  }
0x215: {  	v48 =	vor.u32 v2, v47;
	v12 =	vadd.f32 v13, v12;
	v11 =	vadd.f32 v11, v14  }
0x216: {  	v49 =	vadd.f32 v18, v17;
	v15 =	vadd.f32 v46, v15;
	_ =	sdelay $0x1  }
0x217: {  	v11 =	vadd.f32 v11, v12;
	v50 =	vadd.f32 v15, v49;
	_ =	sdelay $0x1  }
0x218: {  	v13 =	vld.idx.msk [tilespmem:v48+s3+$0x0], $0xffff;
	v51 =	vperm.xlane v11, v10;
	v15 =	vperm.xlane v50, v10;
	_ =	sdelay $0x1  }
0x219: {  	v11 =	vsel vm0, v11, v50;
	v52 =	vsel vm0, v51, v15  }
0x21a: {  	v53 =	vshll.u32 v44, $0x3;
	v11 =	vadd.f32 v11, v52  }
0x21b: {  	v12 =	vor.u32 v2, v53  }
0x21c: {  	v11 =	vadd.f32 v11, v13;
	_ =	sdelay $0x1  }
0x21d: {  	v11 =	vmul.f32 $3.030303120e-02, v11;
	_ =	sdelay $0x1  }
0x21e: {  	[tilespmem:v12+s16+$0x0] =	vst.idx.msk $0xffff, v11  }
0x21f: {  	v11 =	vld [tilespmem:s25+$0xFFFFFF40];
	_ =	sdelay $0x4  }
0x220: {  	v54 =	vperm.xlane v11, v1  }
0x221: {  	v55 =	vperm.xlane v11, v3  }
0x222: {  	v57 =	vld [tilespmem:s25+$0xFFFFFF50];
	v56 =	vperm.xlane v11, v4;
	v58 =	vperm.xlane v11, v5;
	v12 =	vshll.u32 v54, $0x3  }
0x223: {  	v59 =	vperm.xlane v11, v6;
	v13 =	vshll.u32 v55, $0x3;
	v12 =	vor.u32 v2, v12  }
0x224: {  	v60 =	vperm.xlane v11, v7;
	v14 =	vshll.u32 v56, $0x3;
	v13 =	vor.u32 v2, v13  }
0x225: {  	v62 =	vperm.xlane v11, v8;
	v16 =	vshll.u32 v58, $0x3;
	v14 =	vor.u32 v2, v14  }
0x226: {  	v61 =	vld [tilespmem:s25+$0xFFFFFF60];
	v11 =	vperm.xlane v11, v9;
	v17 =	vshll.u32 v59, $0x3;
	v16 =	vor.u32 v2, v16  }
0x227: {  	v63 =	vld [tilespmem:s25+$0xFFFFFF70];
	v35 =	vperm.xlane v57, v1;
	v18 =	vshll.u32 v60, $0x3;
	v17 =	vor.u32 v2, v17  }
0x228: {  	v36 =	vperm.xlane v57, v3;
	v20 =	vshll.u32 v62, $0x3;
	v18 =	vor.u32 v2, v18;
	v12 =	vld.idx.msk [tilespmem:v12+s3+$0x0], $0xffff  }
0x229: {  	v37 =	vperm.xlane v57, v4;
	v11 =	vshll.u32 v11, $0x3;
	v20 =	vor.u32 v2, v20;
	v13 =	vld.idx.msk [tilespmem:v13+s3+$0x0], $0xffff  }
0x22a: {  	v38 =	vperm.xlane v57, v5;
	v22 =	vshll.u32 v35, $0x3;
	v11 =	vor.u32 v2, v11;
	v14 =	vld.idx.msk [tilespmem:v14+s3+$0x0], $0xffff  }
0x22b: {  	v39 =	vperm.xlane v57, v6;
	v23 =	vshll.u32 v36, $0x3;
	v22 =	vor.u32 v2, v22;
	v16 =	vld.idx.msk [tilespmem:v16+s3+$0x0], $0xffff  }
0x22c: {  	v40 =	vperm.xlane v57, v7;
	v24 =	vshll.u32 v37, $0x3;
	v23 =	vor.u32 v2, v23;
	v17 =	vld.idx.msk [tilespmem:v17+s3+$0x0], $0xffff  }
0x22d: {  	v41 =	vperm.xlane v57, v8;
	v25 =	vshll.u32 v38, $0x3;
	v24 =	vor.u32 v2, v24;
	v18 =	vld.idx.msk [tilespmem:v18+s3+$0x0], $0xffff  }
0x22e: {  	v15 =	vperm.xlane v57, v9;
	v26 =	vshll.u32 v39, $0x3;
	v25 =	vor.u32 v2, v25;
	v20 =	vld.idx.msk [tilespmem:v20+s3+$0x0], $0xffff  }
0x22f: {  	v42 =	vperm.xlane v61, v1;
	v27 =	vshll.u32 v40, $0x3;
	v26 =	vor.u32 v2, v26;
	v11 =	vld.idx.msk [tilespmem:v11+s3+$0x0], $0xffff  }
0x230: {  	v43 =	vperm.xlane v61, v3;
	v28 =	vshll.u32 v41, $0x3;
	v27 =	vor.u32 v2, v27;
	v22 =	vld.idx.msk [tilespmem:v22+s3+$0x0], $0xffff  }
0x231: {  	v44 =	vperm.xlane v61, v4;
	v15 =	vshll.u32 v15, $0x3;
	v28 =	vor.u32 v2, v28;
	v23 =	vld.idx.msk [tilespmem:v23+s3+$0x0], $0xffff  }
0x232: {  	v45 =	vperm.xlane v61, v5;
	v29 =	vshll.u32 v42, $0x3;
	v15 =	vor.u32 v2, v15;
	v24 =	vld.idx.msk [tilespmem:v24+s3+$0x0], $0xffff  }
0x233: {  	v46 =	vperm.xlane v61, v6;
	v30 =	vshll.u32 v43, $0x3;
	v29 =	vor.u32 v2, v29;
	v25 =	vld.idx.msk [tilespmem:v25+s3+$0x0], $0xffff  }
0x234: {  	v47 =	vperm.xlane v61, v7;
	v31 =	vshll.u32 v44, $0x3;
	v30 =	vor.u32 v2, v30;
	v26 =	vld.idx.msk [tilespmem:v26+s3+$0x0], $0xffff  }
0x235: {  	v48 =	vperm.xlane v61, v8;
	v32 =	vshll.u32 v45, $0x3;
	v31 =	vor.u32 v2, v31;
	v27 =	vld.idx.msk [tilespmem:v27+s3+$0x0], $0xffff  }
0x236: {  	v19 =	vperm.xlane v61, v9;
	v33 =	vshll.u32 v46, $0x3;
	v32 =	vor.u32 v2, v32;
	v28 =	vld.idx.msk [tilespmem:v28+s3+$0x0], $0xffff  }
0x237: {  	v49 =	vperm.xlane v63, v1;
	v34 =	vshll.u32 v47, $0x3;
	v33 =	vor.u32 v2, v33;
	v15 =	vld.idx.msk [tilespmem:v15+s3+$0x0], $0xffff  }
0x238: {  	v50 =	vperm.xlane v63, v3;
	v35 =	vshll.u32 v48, $0x3;
	v34 =	vor.u32 v2, v34;
	v29 =	vld.idx.msk [tilespmem:v29+s3+$0x0], $0xffff  }
0x239: {  	v51 =	vperm.xlane v63, v4;
	v19 =	vshll.u32 v19, $0x3;
	v35 =	vor.u32 v2, v35;
	v30 =	vld.idx.msk [tilespmem:v30+s3+$0x0], $0xffff  }
0x23a: {  	v52 =	vperm.xlane v63, v5;
	v36 =	vshll.u32 v49, $0x3;
	v19 =	vor.u32 v2, v19;
	v31 =	vld.idx.msk [tilespmem:v31+s3+$0x0], $0xffff  }
0x23b: {  	v53 =	vperm.xlane v63, v6;
	v37 =	vshll.u32 v50, $0x3;
	v36 =	vor.u32 v2, v36;
	v32 =	vld.idx.msk [tilespmem:v32+s3+$0x0], $0xffff  }
0x23c: {  	v21 =	vperm.xlane v63, v9;
	v38 =	vshll.u32 v51, $0x3;
	v37 =	vor.u32 v2, v37;
	v33 =	vld.idx.msk [tilespmem:v33+s3+$0x0], $0xffff  }
0x23d: {  	v39 =	vshll.u32 v52, $0x3;
	v54 =	vperm.xlane v63, v7;
	v38 =	vor.u32 v2, v38;
	v34 =	vld.idx.msk [tilespmem:v34+s3+$0x0], $0xffff  }
0x23e: {  	v40 =	vshll.u32 v53, $0x3;
	v55 =	vperm.xlane v63, v8;
	v39 =	vor.u32 v2, v39;
	v35 =	vld.idx.msk [tilespmem:v35+s3+$0x0], $0xffff  }
0x23f: {  	v40 =	vor.u32 v2, v40;
	v41 =	vshll.u32 v54, $0x3;
	v19 =	vld.idx.msk [tilespmem:v19+s3+$0x0], $0xffff  }
0x240: {  	v21 =	vshll.u32 v21, $0x3;
	v58 =	vshll.u32 v55, $0x3;
	v57 =	vor.u32 v2, v41;
	v56 =	vld.idx.msk [tilespmem:v36+s3+$0x0], $0xffff  }
0x241: {  	v60 =	vor.u32 v2, v58;
	v59 =	vld.idx.msk [tilespmem:v37+s3+$0x0], $0xffff;
	v12 =	vadd.f32 v17, v12;
	v13 =	vadd.f32 v18, v13  }
0x242: {  	v62 =	vor.u32 v2, v21;
	v61 =	vld.idx.msk [tilespmem:v38+s3+$0x0], $0xffff;
	v14 =	vadd.f32 v20, v14;
	v11 =	vadd.f32 v11, v16  }
0x243: {  	v63 =	vld.idx.msk [tilespmem:v39+s3+$0x0], $0xffff;
	v41 =	vadd.f32 v33, v29;
	v42 =	vadd.f32 v34, v30  }
0x244: {  	v38 =	vld.idx.msk [tilespmem:v40+s3+$0x0], $0xffff;
	v43 =	vadd.f32 v35, v31;
	v19 =	vadd.f32 v19, v32  }
0x245: {  	v39 =	vld.idx.msk [tilespmem:v57+s3+$0x0], $0xffff;
	v12 =	vadd.f32 v22, v12;
	v13 =	vadd.f32 v23, v13  }
0x246: {  	v40 =	vld.idx.msk [tilespmem:v60+s3+$0x0], $0xffff;
	v14 =	vadd.f32 v24, v14;
	v11 =	vadd.f32 v25, v11  }
0x247: {  	v20 =	vld.idx.msk [tilespmem:v62+s3+$0x0], $0xffff;
	v17 =	vadd.f32 v56, v41;
	v18 =	vadd.f32 v59, v42  }
0x248: {  	v16 =	vadd.f32 v61, v43;
	v19 =	vadd.f32 v63, v19  }
0x249: {  	s29 =	sadd.s32 $0x52, s26;
	v12 =	vadd.f32 v26, v12;
	v13 =	vadd.f32 v27, v13  }
0x24a: {  	v44 =	vor.u32 s29, v1;
	v14 =	vadd.f32 v28, v14;
	v11 =	vadd.f32 v15, v11  }
0x24b: {  	v45 =	vadd.s32 v0, v44;
	v17 =	vadd.f32 v38, v17;
	v18 =	vadd.f32 v39, v18  }
0x24c: {  	v47 =	vshll.u32 v45, $0x3;
	v15 =	vadd.f32 v40, v16;
	v46 =	vadd.f32 v20, v19  }
0x24d: {  	v48 =	vor.u32 v2, v47;
	v12 =	vadd.f32 v13, v12;
	v11 =	vadd.f32 v11, v14  }
0x24e: {  	v49 =	vadd.f32 v18, v17;
	v15 =	vadd.f32 v46, v15;
	_ =	sdelay $0x1  }
0x24f: {  	v11 =	vadd.f32 v11, v12;
	v50 =	vadd.f32 v15, v49;
	_ =	sdelay $0x1  }
0x250: {  	v13 =	vld.idx.msk [tilespmem:v48+s3+$0x0], $0xffff;
	v51 =	vperm.xlane v11, v10;
	v15 =	vperm.xlane v50, v10;
	_ =	sdelay $0x1  }
0x251: {  	v11 =	vsel vm0, v11, v50;
	v52 =	vsel vm0, v51, v15  }
0x252: {  	v53 =	vshll.u32 v44, $0x3;
	v11 =	vadd.f32 v11, v52  }
0x253: {  	v12 =	vor.u32 v2, v53  }
0x254: {  	v11 =	vadd.f32 v11, v13;
	_ =	sdelay $0x1  }
0x255: {  	v11 =	vmul.f32 $3.030303120e-02, v11;
	_ =	sdelay $0x1  }
0x256: {  	[tilespmem:v12+s16+$0x0] =	vst.idx.msk $0xffff, v11  }
0x257: {  	v11 =	vld [tilespmem:s25+$0xFFFFFF80];
	_ =	sdelay $0x4  }
0x258: {  	v54 =	vperm.xlane v11, v1  }
0x259: {  	v55 =	vperm.xlane v11, v3  }
0x25a: {  	v57 =	vld [tilespmem:s25+$0xFFFFFF90];
	v56 =	vperm.xlane v11, v4;
	v58 =	vperm.xlane v11, v5;
	v12 =	vshll.u32 v54, $0x3  }
0x25b: {  	v59 =	vperm.xlane v11, v6;
	v13 =	vshll.u32 v55, $0x3;
	v12 =	vor.u32 v2, v12  }
0x25c: {  	v60 =	vperm.xlane v11, v7;
	v14 =	vshll.u32 v56, $0x3;
	v13 =	vor.u32 v2, v13  }
0x25d: {  	v62 =	vperm.xlane v11, v8;
	v16 =	vshll.u32 v58, $0x3;
	v14 =	vor.u32 v2, v14  }
0x25e: {  	v61 =	vld [tilespmem:s25+$0xFFFFFFA0];
	v11 =	vperm.xlane v11, v9;
	v17 =	vshll.u32 v59, $0x3;
	v16 =	vor.u32 v2, v16  }
0x25f: {  	v63 =	vld [tilespmem:s25+$0xFFFFFFB0];
	v35 =	vperm.xlane v57, v1;
	v18 =	vshll.u32 v60, $0x3;
	v17 =	vor.u32 v2, v17  }
0x260: {  	v36 =	vperm.xlane v57, v3;
	v20 =	vshll.u32 v62, $0x3;
	v18 =	vor.u32 v2, v18;
	v12 =	vld.idx.msk [tilespmem:v12+s3+$0x0], $0xffff  }
0x261: {  	v37 =	vperm.xlane v57, v4;
	v11 =	vshll.u32 v11, $0x3;
	v20 =	vor.u32 v2, v20;
	v13 =	vld.idx.msk [tilespmem:v13+s3+$0x0], $0xffff  }
0x262: {  	v38 =	vperm.xlane v57, v5;
	v22 =	vshll.u32 v35, $0x3;
	v11 =	vor.u32 v2, v11;
	v14 =	vld.idx.msk [tilespmem:v14+s3+$0x0], $0xffff  }
0x263: {  	v39 =	vperm.xlane v57, v6;
	v23 =	vshll.u32 v36, $0x3;
	v22 =	vor.u32 v2, v22;
	v16 =	vld.idx.msk [tilespmem:v16+s3+$0x0], $0xffff  }
0x264: {  	v40 =	vperm.xlane v57, v7;
	v24 =	vshll.u32 v37, $0x3;
	v23 =	vor.u32 v2, v23;
	v17 =	vld.idx.msk [tilespmem:v17+s3+$0x0], $0xffff  }
0x265: {  	v41 =	vperm.xlane v57, v8;
	v25 =	vshll.u32 v38, $0x3;
	v24 =	vor.u32 v2, v24;
	v18 =	vld.idx.msk [tilespmem:v18+s3+$0x0], $0xffff  }
0x266: {  	v15 =	vperm.xlane v57, v9;
	v26 =	vshll.u32 v39, $0x3;
	v25 =	vor.u32 v2, v25;
	v20 =	vld.idx.msk [tilespmem:v20+s3+$0x0], $0xffff  }
0x267: {  	v42 =	vperm.xlane v61, v1;
	v27 =	vshll.u32 v40, $0x3;
	v26 =	vor.u32 v2, v26;
	v11 =	vld.idx.msk [tilespmem:v11+s3+$0x0], $0xffff  }
0x268: {  	v43 =	vperm.xlane v61, v3;
	v28 =	vshll.u32 v41, $0x3;
	v27 =	vor.u32 v2, v27;
	v22 =	vld.idx.msk [tilespmem:v22+s3+$0x0], $0xffff  }
0x269: {  	v44 =	vperm.xlane v61, v4;
	v15 =	vshll.u32 v15, $0x3;
	v28 =	vor.u32 v2, v28;
	v23 =	vld.idx.msk [tilespmem:v23+s3+$0x0], $0xffff  }
0x26a: {  	v45 =	vperm.xlane v61, v5;
	v29 =	vshll.u32 v42, $0x3;
	v15 =	vor.u32 v2, v15;
	v24 =	vld.idx.msk [tilespmem:v24+s3+$0x0], $0xffff  }
0x26b: {  	v46 =	vperm.xlane v61, v6;
	v30 =	vshll.u32 v43, $0x3;
	v29 =	vor.u32 v2, v29;
	v25 =	vld.idx.msk [tilespmem:v25+s3+$0x0], $0xffff  }
0x26c: {  	v47 =	vperm.xlane v61, v7;
	v31 =	vshll.u32 v44, $0x3;
	v30 =	vor.u32 v2, v30;
	v26 =	vld.idx.msk [tilespmem:v26+s3+$0x0], $0xffff  }
0x26d: {  	v48 =	vperm.xlane v61, v8;
	v32 =	vshll.u32 v45, $0x3;
	v31 =	vor.u32 v2, v31;
	v27 =	vld.idx.msk [tilespmem:v27+s3+$0x0], $0xffff  }
0x26e: {  	v19 =	vperm.xlane v61, v9;
	v33 =	vshll.u32 v46, $0x3;
	v32 =	vor.u32 v2, v32;
	v28 =	vld.idx.msk [tilespmem:v28+s3+$0x0], $0xffff  }
0x26f: {  	v49 =	vperm.xlane v63, v1;
	v34 =	vshll.u32 v47, $0x3;
	v33 =	vor.u32 v2, v33;
	v15 =	vld.idx.msk [tilespmem:v15+s3+$0x0], $0xffff  }
0x270: {  	v50 =	vperm.xlane v63, v3;
	v35 =	vshll.u32 v48, $0x3;
	v34 =	vor.u32 v2, v34;
	v29 =	vld.idx.msk [tilespmem:v29+s3+$0x0], $0xffff  }
0x271: {  	v51 =	vperm.xlane v63, v4;
	v19 =	vshll.u32 v19, $0x3;
	v35 =	vor.u32 v2, v35;
	v30 =	vld.idx.msk [tilespmem:v30+s3+$0x0], $0xffff  }
0x272: {  	v52 =	vperm.xlane v63, v5;
	v36 =	vshll.u32 v49, $0x3;
	v19 =	vor.u32 v2, v19;
	v31 =	vld.idx.msk [tilespmem:v31+s3+$0x0], $0xffff  }
0x273: {  	v53 =	vperm.xlane v63, v6;
	v37 =	vshll.u32 v50, $0x3;
	v36 =	vor.u32 v2, v36;
	v32 =	vld.idx.msk [tilespmem:v32+s3+$0x0], $0xffff  }
0x274: {  	v21 =	vperm.xlane v63, v9;
	v38 =	vshll.u32 v51, $0x3;
	v37 =	vor.u32 v2, v37;
	v33 =	vld.idx.msk [tilespmem:v33+s3+$0x0], $0xffff  }
0x275: {  	v39 =	vshll.u32 v52, $0x3;
	v54 =	vperm.xlane v63, v7;
	v38 =	vor.u32 v2, v38;
	v34 =	vld.idx.msk [tilespmem:v34+s3+$0x0], $0xffff  }
0x276: {  	v40 =	vshll.u32 v53, $0x3;
	v55 =	vperm.xlane v63, v8;
	v39 =	vor.u32 v2, v39;
	v35 =	vld.idx.msk [tilespmem:v35+s3+$0x0], $0xffff  }
0x277: {  	v40 =	vor.u32 v2, v40;
	v41 =	vshll.u32 v54, $0x3;
	v19 =	vld.idx.msk [tilespmem:v19+s3+$0x0], $0xffff  }
0x278: {  	v21 =	vshll.u32 v21, $0x3;
	v58 =	vshll.u32 v55, $0x3;
	v57 =	vor.u32 v2, v41;
	v56 =	vld.idx.msk [tilespmem:v36+s3+$0x0], $0xffff  }
0x279: {  	v60 =	vor.u32 v2, v58;
	v59 =	vld.idx.msk [tilespmem:v37+s3+$0x0], $0xffff;
	v12 =	vadd.f32 v17, v12;
	v13 =	vadd.f32 v18, v13  }
0x27a: {  	v62 =	vor.u32 v2, v21;
	v61 =	vld.idx.msk [tilespmem:v38+s3+$0x0], $0xffff;
	v14 =	vadd.f32 v20, v14;
	v11 =	vadd.f32 v11, v16  }
0x27b: {  	v63 =	vld.idx.msk [tilespmem:v39+s3+$0x0], $0xffff;
	v41 =	vadd.f32 v33, v29;
	v42 =	vadd.f32 v34, v30  }
0x27c: {  	v38 =	vld.idx.msk [tilespmem:v40+s3+$0x0], $0xffff;
	v43 =	vadd.f32 v35, v31;
	v19 =	vadd.f32 v19, v32  }
0x27d: {  	v39 =	vld.idx.msk [tilespmem:v57+s3+$0x0], $0xffff;
	v12 =	vadd.f32 v22, v12;
	v13 =	vadd.f32 v23, v13  }
0x27e: {  	v40 =	vld.idx.msk [tilespmem:v60+s3+$0x0], $0xffff;
	v14 =	vadd.f32 v24, v14;
	v11 =	vadd.f32 v25, v11  }
0x27f: {  	v20 =	vld.idx.msk [tilespmem:v62+s3+$0x0], $0xffff;
	v17 =	vadd.f32 v56, v41;
	v18 =	vadd.f32 v59, v42  }
0x280: {  	v16 =	vadd.f32 v61, v43;
	v19 =	vadd.f32 v63, v19  }
0x281: {  	s30 =	sadd.s32 $0x54, s26;
	v12 =	vadd.f32 v26, v12;
	v13 =	vadd.f32 v27, v13  }
0x282: {  	v44 =	vor.u32 s30, v1;
	v14 =	vadd.f32 v28, v14;
	v11 =	vadd.f32 v15, v11  }
0x283: {  	v45 =	vadd.s32 v0, v44;
	v17 =	vadd.f32 v38, v17;
	v18 =	vadd.f32 v39, v18  }
0x284: {  	v47 =	vshll.u32 v45, $0x3;
	v15 =	vadd.f32 v40, v16;
	v46 =	vadd.f32 v20, v19  }
0x285: {  	v48 =	vor.u32 v2, v47;
	v12 =	vadd.f32 v13, v12;
	v11 =	vadd.f32 v11, v14  }
0x286: {  	v49 =	vadd.f32 v18, v17;
	v15 =	vadd.f32 v46, v15;
	_ =	sdelay $0x1  }
0x287: {  	v11 =	vadd.f32 v11, v12;
	v50 =	vadd.f32 v15, v49;
	_ =	sdelay $0x1  }
0x288: {  	v13 =	vld.idx.msk [tilespmem:v48+s3+$0x0], $0xffff;
	v51 =	vperm.xlane v11, v10;
	v15 =	vperm.xlane v50, v10;
	_ =	sdelay $0x1  }
0x289: {  	v11 =	vsel vm0, v11, v50;
	v52 =	vsel vm0, v51, v15  }
0x28a: {  	v53 =	vshll.u32 v44, $0x3;
	v11 =	vadd.f32 v11, v52  }
0x28b: {  	v12 =	vor.u32 v2, v53  }
0x28c: {  	v11 =	vadd.f32 v11, v13;
	_ =	sdelay $0x1  }
0x28d: {  	v11 =	vmul.f32 $3.030303120e-02, v11;
	_ =	sdelay $0x1  }
0x28e: {  	[tilespmem:v12+s16+$0x0] =	vst.idx.msk $0xffff, v11  }
0x28f: {  	v11 =	vld [tilespmem:s25+$0xFFFFFFC0];
	_ =	sdelay $0x4  }
0x290: {  	v54 =	vperm.xlane v11, v1  }
0x291: {  	v55 =	vperm.xlane v11, v3  }
0x292: {  	v57 =	vld [tilespmem:s25+$0xFFFFFFD0];
	v56 =	vperm.xlane v11, v4;
	v58 =	vperm.xlane v11, v5;
	v12 =	vshll.u32 v54, $0x3  }
0x293: {  	v59 =	vperm.xlane v11, v6;
	v13 =	vshll.u32 v55, $0x3;
	v12 =	vor.u32 v2, v12  }
0x294: {  	v60 =	vperm.xlane v11, v7;
	v14 =	vshll.u32 v56, $0x3;
	v13 =	vor.u32 v2, v13  }
0x295: {  	v62 =	vperm.xlane v11, v8;
	v16 =	vshll.u32 v58, $0x3;
	v14 =	vor.u32 v2, v14  }
0x296: {  	v61 =	vld [tilespmem:s25+$0xFFFFFFE0];
	v11 =	vperm.xlane v11, v9;
	v17 =	vshll.u32 v59, $0x3;
	v16 =	vor.u32 v2, v16  }
0x297: {  	v63 =	vld [tilespmem:s25+$0xFFFFFFF0];
	v35 =	vperm.xlane v57, v1;
	v18 =	vshll.u32 v60, $0x3;
	v17 =	vor.u32 v2, v17  }
0x298: {  	v36 =	vperm.xlane v57, v3;
	v20 =	vshll.u32 v62, $0x3;
	v18 =	vor.u32 v2, v18;
	v12 =	vld.idx.msk [tilespmem:v12+s3+$0x0], $0xffff  }
0x299: {  	v37 =	vperm.xlane v57, v4;
	v11 =	vshll.u32 v11, $0x3;
	v20 =	vor.u32 v2, v20;
	v13 =	vld.idx.msk [tilespmem:v13+s3+$0x0], $0xffff  }
0x29a: {  	v38 =	vperm.xlane v57, v5;
	v22 =	vshll.u32 v35, $0x3;
	v11 =	vor.u32 v2, v11;
	v14 =	vld.idx.msk [tilespmem:v14+s3+$0x0], $0xffff  }
0x29b: {  	v39 =	vperm.xlane v57, v6;
	v23 =	vshll.u32 v36, $0x3;
	v22 =	vor.u32 v2, v22;
	v16 =	vld.idx.msk [tilespmem:v16+s3+$0x0], $0xffff  }
0x29c: {  	v40 =	vperm.xlane v57, v7;
	v24 =	vshll.u32 v37, $0x3;
	v23 =	vor.u32 v2, v23;
	v17 =	vld.idx.msk [tilespmem:v17+s3+$0x0], $0xffff  }
0x29d: {  	v41 =	vperm.xlane v57, v8;
	v25 =	vshll.u32 v38, $0x3;
	v24 =	vor.u32 v2, v24;
	v18 =	vld.idx.msk [tilespmem:v18+s3+$0x0], $0xffff  }
0x29e: {  	v15 =	vperm.xlane v57, v9;
	v26 =	vshll.u32 v39, $0x3;
	v25 =	vor.u32 v2, v25;
	v20 =	vld.idx.msk [tilespmem:v20+s3+$0x0], $0xffff  }
0x29f: {  	v42 =	vperm.xlane v61, v1;
	v27 =	vshll.u32 v40, $0x3;
	v26 =	vor.u32 v2, v26;
	v11 =	vld.idx.msk [tilespmem:v11+s3+$0x0], $0xffff  }
0x2a0: {  	v43 =	vperm.xlane v61, v3;
	v28 =	vshll.u32 v41, $0x3;
	v27 =	vor.u32 v2, v27;
	v22 =	vld.idx.msk [tilespmem:v22+s3+$0x0], $0xffff  }
0x2a1: {  	v44 =	vperm.xlane v61, v4;
	v15 =	vshll.u32 v15, $0x3;
	v28 =	vor.u32 v2, v28;
	v23 =	vld.idx.msk [tilespmem:v23+s3+$0x0], $0xffff  }
0x2a2: {  	v45 =	vperm.xlane v61, v5;
	v29 =	vshll.u32 v42, $0x3;
	v15 =	vor.u32 v2, v15;
	v24 =	vld.idx.msk [tilespmem:v24+s3+$0x0], $0xffff  }
0x2a3: {  	v46 =	vperm.xlane v61, v6;
	v30 =	vshll.u32 v43, $0x3;
	v29 =	vor.u32 v2, v29;
	v25 =	vld.idx.msk [tilespmem:v25+s3+$0x0], $0xffff  }
0x2a4: {  	v47 =	vperm.xlane v61, v7;
	v31 =	vshll.u32 v44, $0x3;
	v30 =	vor.u32 v2, v30;
	v26 =	vld.idx.msk [tilespmem:v26+s3+$0x0], $0xffff  }
0x2a5: {  	v48 =	vperm.xlane v61, v8;
	v32 =	vshll.u32 v45, $0x3;
	v31 =	vor.u32 v2, v31;
	v27 =	vld.idx.msk [tilespmem:v27+s3+$0x0], $0xffff  }
0x2a6: {  	v19 =	vperm.xlane v61, v9;
	v33 =	vshll.u32 v46, $0x3;
	v32 =	vor.u32 v2, v32;
	v28 =	vld.idx.msk [tilespmem:v28+s3+$0x0], $0xffff  }
0x2a7: {  	v49 =	vperm.xlane v63, v1;
	v34 =	vshll.u32 v47, $0x3;
	v33 =	vor.u32 v2, v33;
	v15 =	vld.idx.msk [tilespmem:v15+s3+$0x0], $0xffff  }
0x2a8: {  	v50 =	vperm.xlane v63, v3;
	v35 =	vshll.u32 v48, $0x3;
	v34 =	vor.u32 v2, v34;
	v29 =	vld.idx.msk [tilespmem:v29+s3+$0x0], $0xffff  }
0x2a9: {  	v51 =	vperm.xlane v63, v4;
	v19 =	vshll.u32 v19, $0x3;
	v35 =	vor.u32 v2, v35;
	v30 =	vld.idx.msk [tilespmem:v30+s3+$0x0], $0xffff  }
0x2aa: {  	v52 =	vperm.xlane v63, v5;
	v36 =	vshll.u32 v49, $0x3;
	v19 =	vor.u32 v2, v19;
	v31 =	vld.idx.msk [tilespmem:v31+s3+$0x0], $0xffff  }
0x2ab: {  	v53 =	vperm.xlane v63, v6;
	v37 =	vshll.u32 v50, $0x3;
	v36 =	vor.u32 v2, v36;
	v32 =	vld.idx.msk [tilespmem:v32+s3+$0x0], $0xffff  }
0x2ac: {  	v21 =	vperm.xlane v63, v9;
	v38 =	vshll.u32 v51, $0x3;
	v37 =	vor.u32 v2, v37;
	v33 =	vld.idx.msk [tilespmem:v33+s3+$0x0], $0xffff  }
0x2ad: {  	v39 =	vshll.u32 v52, $0x3;
	v54 =	vperm.xlane v63, v7;
	v38 =	vor.u32 v2, v38;
	v34 =	vld.idx.msk [tilespmem:v34+s3+$0x0], $0xffff  }
0x2ae: {  	v40 =	vshll.u32 v53, $0x3;
	v55 =	vperm.xlane v63, v8;
	v39 =	vor.u32 v2, v39;
	v35 =	vld.idx.msk [tilespmem:v35+s3+$0x0], $0xffff  }
0x2af: {  	v40 =	vor.u32 v2, v40;
	v41 =	vshll.u32 v54, $0x3;
	v19 =	vld.idx.msk [tilespmem:v19+s3+$0x0], $0xffff  }
0x2b0: {  	v21 =	vshll.u32 v21, $0x3;
	v58 =	vshll.u32 v55, $0x3;
	v57 =	vor.u32 v2, v41;
	v56 =	vld.idx.msk [tilespmem:v36+s3+$0x0], $0xffff  }
0x2b1: {  	v60 =	vor.u32 v2, v58;
	v59 =	vld.idx.msk [tilespmem:v37+s3+$0x0], $0xffff;
	v12 =	vadd.f32 v17, v12;
	v13 =	vadd.f32 v18, v13  }
0x2b2: {  	v62 =	vor.u32 v2, v21;
	v61 =	vld.idx.msk [tilespmem:v38+s3+$0x0], $0xffff;
	v14 =	vadd.f32 v20, v14;
	v11 =	vadd.f32 v11, v16  }
0x2b3: {  	v63 =	vld.idx.msk [tilespmem:v39+s3+$0x0], $0xffff;
	v41 =	vadd.f32 v33, v29;
	v42 =	vadd.f32 v34, v30  }
0x2b4: {  	v38 =	vld.idx.msk [tilespmem:v40+s3+$0x0], $0xffff;
	v43 =	vadd.f32 v35, v31;
	v19 =	vadd.f32 v19, v32  }
0x2b5: {  	v39 =	vld.idx.msk [tilespmem:v57+s3+$0x0], $0xffff;
	v12 =	vadd.f32 v22, v12;
	v13 =	vadd.f32 v23, v13  }
0x2b6: {  	v40 =	vld.idx.msk [tilespmem:v60+s3+$0x0], $0xffff;
	v14 =	vadd.f32 v24, v14;
	v11 =	vadd.f32 v25, v11  }
0x2b7: {  	v20 =	vld.idx.msk [tilespmem:v62+s3+$0x0], $0xffff;
	v17 =	vadd.f32 v56, v41;
	v18 =	vadd.f32 v59, v42  }
0x2b8: {  	v16 =	vadd.f32 v61, v43;
	v19 =	vadd.f32 v63, v19  }
0x2b9: {  	s31 =	sadd.s32 $0x56, s26;
	v12 =	vadd.f32 v26, v12;
	v13 =	vadd.f32 v27, v13  }
0x2ba: {  	v44 =	vor.u32 s31, v1;
	v14 =	vadd.f32 v28, v14;
	v11 =	vadd.f32 v15, v11  }
0x2bb: {  	v45 =	vadd.s32 v0, v44;
	v17 =	vadd.f32 v38, v17;
	v18 =	vadd.f32 v39, v18  }
0x2bc: {  	v47 =	vshll.u32 v45, $0x3;
	v15 =	vadd.f32 v40, v16;
	v46 =	vadd.f32 v20, v19  }
0x2bd: {  	v48 =	vor.u32 v2, v47;
	v12 =	vadd.f32 v13, v12;
	v11 =	vadd.f32 v11, v14  }
0x2be: {  	v49 =	vadd.f32 v18, v17;
	v15 =	vadd.f32 v46, v15;
	_ =	sdelay $0x1  }
0x2bf: {  	v11 =	vadd.f32 v11, v12;
	v50 =	vadd.f32 v15, v49;
	_ =	sdelay $0x1  }
0x2c0: {  	v13 =	vld.idx.msk [tilespmem:v48+s3+$0x0], $0xffff;
	v51 =	vperm.xlane v11, v10;
	v15 =	vperm.xlane v50, v10;
	_ =	sdelay $0x1  }
0x2c1: {  	v11 =	vsel vm0, v11, v50;
	v52 =	vsel vm0, v51, v15  }
0x2c2: {  	v53 =	vshll.u32 v44, $0x3;
	v11 =	vadd.f32 v11, v52  }
0x2c3: {  	v12 =	vor.u32 v2, v53  }
0x2c4: {  	v11 =	vadd.f32 v11, v13;
	_ =	sdelay $0x1  }
0x2c5: {  	v11 =	vmul.f32 $3.030303120e-02, v11;
	_ =	sdelay $0x1  }
0x2c6: {  	[tilespmem:v12+s16+$0x0] =	vst.idx.msk $0xffff, v11  }
0x2c7: {  	v11 =	vld [tilespmem:s25+$0x0];
	_ =	sdelay $0x4  }
0x2c8: {  	v54 =	vperm.xlane v11, v1  }
0x2c9: {  	v55 =	vperm.xlane v11, v3  }
0x2ca: {  	v57 =	vld [tilespmem:s25+$0x10];
	v56 =	vperm.xlane v11, v4;
	v58 =	vperm.xlane v11, v5;
	v12 =	vshll.u32 v54, $0x3  }
0x2cb: {  	v59 =	vperm.xlane v11, v6;
	v13 =	vshll.u32 v55, $0x3;
	v12 =	vor.u32 v2, v12  }
0x2cc: {  	v60 =	vperm.xlane v11, v7;
	v14 =	vshll.u32 v56, $0x3;
	v13 =	vor.u32 v2, v13  }
0x2cd: {  	v62 =	vperm.xlane v11, v8;
	v16 =	vshll.u32 v58, $0x3;
	v14 =	vor.u32 v2, v14  }
0x2ce: {  	v61 =	vld [tilespmem:s25+$0x20];
	v11 =	vperm.xlane v11, v9;
	v17 =	vshll.u32 v59, $0x3;
	v16 =	vor.u32 v2, v16  }
0x2cf: {  	v63 =	vld [tilespmem:s25+$0x30];
	v35 =	vperm.xlane v57, v1;
	v18 =	vshll.u32 v60, $0x3;
	v17 =	vor.u32 v2, v17  }
0x2d0: {  	v36 =	vperm.xlane v57, v3;
	v20 =	vshll.u32 v62, $0x3;
	v18 =	vor.u32 v2, v18;
	v12 =	vld.idx.msk [tilespmem:v12+s3+$0x0], $0xffff  }
0x2d1: {  	v37 =	vperm.xlane v57, v4;
	v11 =	vshll.u32 v11, $0x3;
	v20 =	vor.u32 v2, v20;
	v13 =	vld.idx.msk [tilespmem:v13+s3+$0x0], $0xffff  }
0x2d2: {  	v38 =	vperm.xlane v57, v5;
	v22 =	vshll.u32 v35, $0x3;
	v11 =	vor.u32 v2, v11;
	v14 =	vld.idx.msk [tilespmem:v14+s3+$0x0], $0xffff  }
0x2d3: {  	v39 =	vperm.xlane v57, v6;
	v23 =	vshll.u32 v36, $0x3;
	v22 =	vor.u32 v2, v22;
	v16 =	vld.idx.msk [tilespmem:v16+s3+$0x0], $0xffff  }
0x2d4: {  	v40 =	vperm.xlane v57, v7;
	v24 =	vshll.u32 v37, $0x3;
	v23 =	vor.u32 v2, v23;
	v17 =	vld.idx.msk [tilespmem:v17+s3+$0x0], $0xffff  }
0x2d5: {  	v41 =	vperm.xlane v57, v8;
	v25 =	vshll.u32 v38, $0x3;
	v24 =	vor.u32 v2, v24;
	v18 =	vld.idx.msk [tilespmem:v18+s3+$0x0], $0xffff  }
0x2d6: {  	v15 =	vperm.xlane v57, v9;
	v26 =	vshll.u32 v39, $0x3;
	v25 =	vor.u32 v2, v25;
	v20 =	vld.idx.msk [tilespmem:v20+s3+$0x0], $0xffff  }
0x2d7: {  	v42 =	vperm.xlane v61, v1;
	v27 =	vshll.u32 v40, $0x3;
	v26 =	vor.u32 v2, v26;
	v11 =	vld.idx.msk [tilespmem:v11+s3+$0x0], $0xffff  }
0x2d8: {  	v43 =	vperm.xlane v61, v3;
	v28 =	vshll.u32 v41, $0x3;
	v27 =	vor.u32 v2, v27;
	v22 =	vld.idx.msk [tilespmem:v22+s3+$0x0], $0xffff  }
0x2d9: {  	v44 =	vperm.xlane v61, v4;
	v15 =	vshll.u32 v15, $0x3;
	v28 =	vor.u32 v2, v28;
	v23 =	vld.idx.msk [tilespmem:v23+s3+$0x0], $0xffff  }
0x2da: {  	v45 =	vperm.xlane v61, v5;
	v29 =	vshll.u32 v42, $0x3;
	v15 =	vor.u32 v2, v15;
	v24 =	vld.idx.msk [tilespmem:v24+s3+$0x0], $0xffff  }
0x2db: {  	v46 =	vperm.xlane v61, v6;
	v30 =	vshll.u32 v43, $0x3;
	v29 =	vor.u32 v2, v29;
	v25 =	vld.idx.msk [tilespmem:v25+s3+$0x0], $0xffff  }
0x2dc: {  	v47 =	vperm.xlane v61, v7;
	v31 =	vshll.u32 v44, $0x3;
	v30 =	vor.u32 v2, v30;
	v26 =	vld.idx.msk [tilespmem:v26+s3+$0x0], $0xffff  }
0x2dd: {  	v48 =	vperm.xlane v61, v8;
	v32 =	vshll.u32 v45, $0x3;
	v31 =	vor.u32 v2, v31;
	v27 =	vld.idx.msk [tilespmem:v27+s3+$0x0], $0xffff  }
0x2de: {  	v19 =	vperm.xlane v61, v9;
	v33 =	vshll.u32 v46, $0x3;
	v32 =	vor.u32 v2, v32;
	v28 =	vld.idx.msk [tilespmem:v28+s3+$0x0], $0xffff  }
0x2df: {  	v49 =	vperm.xlane v63, v1;
	v34 =	vshll.u32 v47, $0x3;
	v33 =	vor.u32 v2, v33;
	v15 =	vld.idx.msk [tilespmem:v15+s3+$0x0], $0xffff  }
0x2e0: {  	v50 =	vperm.xlane v63, v3;
	v35 =	vshll.u32 v48, $0x3;
	v34 =	vor.u32 v2, v34;
	v29 =	vld.idx.msk [tilespmem:v29+s3+$0x0], $0xffff  }
0x2e1: {  	v51 =	vperm.xlane v63, v4;
	v19 =	vshll.u32 v19, $0x3;
	v35 =	vor.u32 v2, v35;
	v30 =	vld.idx.msk [tilespmem:v30+s3+$0x0], $0xffff  }
0x2e2: {  	v52 =	vperm.xlane v63, v5;
	v36 =	vshll.u32 v49, $0x3;
	v19 =	vor.u32 v2, v19;
	v31 =	vld.idx.msk [tilespmem:v31+s3+$0x0], $0xffff  }
0x2e3: {  	v53 =	vperm.xlane v63, v6;
	v37 =	vshll.u32 v50, $0x3;
	v36 =	vor.u32 v2, v36;
	v32 =	vld.idx.msk [tilespmem:v32+s3+$0x0], $0xffff  }
0x2e4: {  	v21 =	vperm.xlane v63, v9;
	v38 =	vshll.u32 v51, $0x3;
	v37 =	vor.u32 v2, v37;
	v33 =	vld.idx.msk [tilespmem:v33+s3+$0x0], $0xffff  }
0x2e5: {  	v39 =	vshll.u32 v52, $0x3;
	v54 =	vperm.xlane v63, v7;
	v38 =	vor.u32 v2, v38;
	v34 =	vld.idx.msk [tilespmem:v34+s3+$0x0], $0xffff  }
0x2e6: {  	v40 =	vshll.u32 v53, $0x3;
	v55 =	vperm.xlane v63, v8;
	v39 =	vor.u32 v2, v39;
	v35 =	vld.idx.msk [tilespmem:v35+s3+$0x0], $0xffff  }
0x2e7: {  	v40 =	vor.u32 v2, v40;
	v41 =	vshll.u32 v54, $0x3;
	v19 =	vld.idx.msk [tilespmem:v19+s3+$0x0], $0xffff  }
0x2e8: {  	v21 =	vshll.u32 v21, $0x3;
	v58 =	vshll.u32 v55, $0x3;
	v57 =	vor.u32 v2, v41;
	v56 =	vld.idx.msk [tilespmem:v36+s3+$0x0], $0xffff  }
0x2e9: {  	v60 =	vor.u32 v2, v58;
	v59 =	vld.idx.msk [tilespmem:v37+s3+$0x0], $0xffff;
	v12 =	vadd.f32 v17, v12;
	v13 =	vadd.f32 v18, v13  }
0x2ea: {  	v62 =	vor.u32 v2, v21;
	v61 =	vld.idx.msk [tilespmem:v38+s3+$0x0], $0xffff;
	v14 =	vadd.f32 v20, v14;
	v11 =	vadd.f32 v11, v16  }
0x2eb: {  	v63 =	vld.idx.msk [tilespmem:v39+s3+$0x0], $0xffff;
	v41 =	vadd.f32 v33, v29;
	v42 =	vadd.f32 v34, v30  }
0x2ec: {  	v38 =	vld.idx.msk [tilespmem:v40+s3+$0x0], $0xffff;
	v43 =	vadd.f32 v35, v31;
	v19 =	vadd.f32 v19, v32  }
0x2ed: {  	v39 =	vld.idx.msk [tilespmem:v57+s3+$0x0], $0xffff;
	v12 =	vadd.f32 v22, v12;
	v13 =	vadd.f32 v23, v13  }
0x2ee: {  	v40 =	vld.idx.msk [tilespmem:v60+s3+$0x0], $0xffff;
	v14 =	vadd.f32 v24, v14;
	v11 =	vadd.f32 v25, v11  }
0x2ef: {  	v20 =	vld.idx.msk [tilespmem:v62+s3+$0x0], $0xffff;
	v17 =	vadd.f32 v56, v41;
	v18 =	vadd.f32 v59, v42  }
0x2f0: {  	v16 =	vadd.f32 v61, v43;
	v19 =	vadd.f32 v63, v19  }
0x2f1: {  	s29 =	sadd.s32 $0x58, s26;
	v12 =	vadd.f32 v26, v12;
	v13 =	vadd.f32 v27, v13  }
0x2f2: {  	v44 =	vor.u32 s29, v1;
	v14 =	vadd.f32 v28, v14;
	v11 =	vadd.f32 v15, v11  }
0x2f3: {  	v45 =	vadd.s32 v0, v44;
	v17 =	vadd.f32 v38, v17;
	v18 =	vadd.f32 v39, v18  }
0x2f4: {  	v47 =	vshll.u32 v45, $0x3;
	v15 =	vadd.f32 v40, v16;
	v46 =	vadd.f32 v20, v19  }
0x2f5: {  	v48 =	vor.u32 v2, v47;
	v12 =	vadd.f32 v13, v12;
	v11 =	vadd.f32 v11, v14  }
0x2f6: {  	v49 =	vadd.f32 v18, v17;
	v15 =	vadd.f32 v46, v15;
	_ =	sdelay $0x1  }
0x2f7: {  	v11 =	vadd.f32 v11, v12;
	v50 =	vadd.f32 v15, v49;
	_ =	sdelay $0x1  }
0x2f8: {  	v13 =	vld.idx.msk [tilespmem:v48+s3+$0x0], $0xffff;
	v51 =	vperm.xlane v11, v10;
	v15 =	vperm.xlane v50, v10;
	_ =	sdelay $0x1  }
0x2f9: {  	v11 =	vsel vm0, v11, v50;
	v52 =	vsel vm0, v51, v15  }
0x2fa: {  	v53 =	vshll.u32 v44, $0x3;
	v11 =	vadd.f32 v11, v52  }
0x2fb: {  	v12 =	vor.u32 v2, v53  }
0x2fc: {  	v11 =	vadd.f32 v11, v13;
	_ =	sdelay $0x1  }
0x2fd: {  	v11 =	vmul.f32 $3.030303120e-02, v11;
	_ =	sdelay $0x1  }
0x2fe: {  	[tilespmem:v12+s16+$0x0] =	vst.idx.msk $0xffff, v11  }
0x2ff: {  	v11 =	vld [tilespmem:s25+$0x40];
	_ =	sdelay $0x4  }
0x300: {  	v54 =	vperm.xlane v11, v1  }
0x301: {  	v55 =	vperm.xlane v11, v3  }
0x302: {  	v57 =	vld [tilespmem:s25+$0x50];
	v56 =	vperm.xlane v11, v4;
	v58 =	vperm.xlane v11, v5;
	v12 =	vshll.u32 v54, $0x3  }
0x303: {  	v59 =	vperm.xlane v11, v6;
	v13 =	vshll.u32 v55, $0x3;
	v12 =	vor.u32 v2, v12  }
0x304: {  	v60 =	vperm.xlane v11, v7;
	v14 =	vshll.u32 v56, $0x3;
	v13 =	vor.u32 v2, v13  }
0x305: {  	v62 =	vperm.xlane v11, v8;
	v16 =	vshll.u32 v58, $0x3;
	v14 =	vor.u32 v2, v14  }
0x306: {  	v61 =	vld [tilespmem:s25+$0x60];
	v11 =	vperm.xlane v11, v9;
	v17 =	vshll.u32 v59, $0x3;
	v16 =	vor.u32 v2, v16  }
0x307: {  	v63 =	vld [tilespmem:s25+$0x70];
	v35 =	vperm.xlane v57, v1;
	v18 =	vshll.u32 v60, $0x3;
	v17 =	vor.u32 v2, v17  }
0x308: {  	v36 =	vperm.xlane v57, v3;
	v20 =	vshll.u32 v62, $0x3;
	v18 =	vor.u32 v2, v18;
	v12 =	vld.idx.msk [tilespmem:v12+s3+$0x0], $0xffff  }
0x309: {  	v37 =	vperm.xlane v57, v4;
	v11 =	vshll.u32 v11, $0x3;
	v20 =	vor.u32 v2, v20;
	v13 =	vld.idx.msk [tilespmem:v13+s3+$0x0], $0xffff  }
0x30a: {  	v38 =	vperm.xlane v57, v5;
	v22 =	vshll.u32 v35, $0x3;
	v11 =	vor.u32 v2, v11;
	v14 =	vld.idx.msk [tilespmem:v14+s3+$0x0], $0xffff  }
0x30b: {  	v39 =	vperm.xlane v57, v6;
	v23 =	vshll.u32 v36, $0x3;
	v22 =	vor.u32 v2, v22;
	v16 =	vld.idx.msk [tilespmem:v16+s3+$0x0], $0xffff  }
0x30c: {  	v40 =	vperm.xlane v57, v7;
	v24 =	vshll.u32 v37, $0x3;
	v23 =	vor.u32 v2, v23;
	v17 =	vld.idx.msk [tilespmem:v17+s3+$0x0], $0xffff  }
0x30d: {  	v41 =	vperm.xlane v57, v8;
	v25 =	vshll.u32 v38, $0x3;
	v24 =	vor.u32 v2, v24;
	v18 =	vld.idx.msk [tilespmem:v18+s3+$0x0], $0xffff  }
0x30e: {  	v15 =	vperm.xlane v57, v9;
	v26 =	vshll.u32 v39, $0x3;
	v25 =	vor.u32 v2, v25;
	v20 =	vld.idx.msk [tilespmem:v20+s3+$0x0], $0xffff  }
0x30f: {  	v42 =	vperm.xlane v61, v1;
	v27 =	vshll.u32 v40, $0x3;
	v26 =	vor.u32 v2, v26;
	v11 =	vld.idx.msk [tilespmem:v11+s3+$0x0], $0xffff  }
0x310: {  	v43 =	vperm.xlane v61, v3;
	v28 =	vshll.u32 v41, $0x3;
	v27 =	vor.u32 v2, v27;
	v22 =	vld.idx.msk [tilespmem:v22+s3+$0x0], $0xffff  }
0x311: {  	v44 =	vperm.xlane v61, v4;
	v15 =	vshll.u32 v15, $0x3;
	v28 =	vor.u32 v2, v28;
	v23 =	vld.idx.msk [tilespmem:v23+s3+$0x0], $0xffff  }
0x312: {  	v45 =	vperm.xlane v61, v5;
	v29 =	vshll.u32 v42, $0x3;
	v15 =	vor.u32 v2, v15;
	v24 =	vld.idx.msk [tilespmem:v24+s3+$0x0], $0xffff  }
0x313: {  	v46 =	vperm.xlane v61, v6;
	v30 =	vshll.u32 v43, $0x3;
	v29 =	vor.u32 v2, v29;
	v25 =	vld.idx.msk [tilespmem:v25+s3+$0x0], $0xffff  }
0x314: {  	v47 =	vperm.xlane v61, v7;
	v31 =	vshll.u32 v44, $0x3;
	v30 =	vor.u32 v2, v30;
	v26 =	vld.idx.msk [tilespmem:v26+s3+$0x0], $0xffff  }
0x315: {  	v48 =	vperm.xlane v61, v8;
	v32 =	vshll.u32 v45, $0x3;
	v31 =	vor.u32 v2, v31;
	v27 =	vld.idx.msk [tilespmem:v27+s3+$0x0], $0xffff  }
0x316: {  	v19 =	vperm.xlane v61, v9;
	v33 =	vshll.u32 v46, $0x3;
	v32 =	vor.u32 v2, v32;
	v28 =	vld.idx.msk [tilespmem:v28+s3+$0x0], $0xffff  }
0x317: {  	v49 =	vperm.xlane v63, v1;
	v34 =	vshll.u32 v47, $0x3;
	v33 =	vor.u32 v2, v33;
	v15 =	vld.idx.msk [tilespmem:v15+s3+$0x0], $0xffff  }
0x318: {  	v50 =	vperm.xlane v63, v3;
	v35 =	vshll.u32 v48, $0x3;
	v34 =	vor.u32 v2, v34;
	v29 =	vld.idx.msk [tilespmem:v29+s3+$0x0], $0xffff  }
0x319: {  	v51 =	vperm.xlane v63, v4;
	v19 =	vshll.u32 v19, $0x3;
	v35 =	vor.u32 v2, v35;
	v30 =	vld.idx.msk [tilespmem:v30+s3+$0x0], $0xffff  }
0x31a: {  	v52 =	vperm.xlane v63, v5;
	v36 =	vshll.u32 v49, $0x3;
	v19 =	vor.u32 v2, v19;
	v31 =	vld.idx.msk [tilespmem:v31+s3+$0x0], $0xffff  }
0x31b: {  	v53 =	vperm.xlane v63, v6;
	v37 =	vshll.u32 v50, $0x3;
	v36 =	vor.u32 v2, v36;
	v32 =	vld.idx.msk [tilespmem:v32+s3+$0x0], $0xffff  }
0x31c: {  	v21 =	vperm.xlane v63, v9;
	v38 =	vshll.u32 v51, $0x3;
	v37 =	vor.u32 v2, v37;
	v33 =	vld.idx.msk [tilespmem:v33+s3+$0x0], $0xffff  }
0x31d: {  	v39 =	vshll.u32 v52, $0x3;
	v54 =	vperm.xlane v63, v7;
	v38 =	vor.u32 v2, v38;
	v34 =	vld.idx.msk [tilespmem:v34+s3+$0x0], $0xffff  }
0x31e: {  	v40 =	vshll.u32 v53, $0x3;
	v55 =	vperm.xlane v63, v8;
	v39 =	vor.u32 v2, v39;
	v35 =	vld.idx.msk [tilespmem:v35+s3+$0x0], $0xffff  }
0x31f: {  	v40 =	vor.u32 v2, v40;
	v41 =	vshll.u32 v54, $0x3;
	v19 =	vld.idx.msk [tilespmem:v19+s3+$0x0], $0xffff  }
0x320: {  	v21 =	vshll.u32 v21, $0x3;
	v58 =	vshll.u32 v55, $0x3;
	v57 =	vor.u32 v2, v41;
	v56 =	vld.idx.msk [tilespmem:v36+s3+$0x0], $0xffff  }
0x321: {  	v60 =	vor.u32 v2, v58;
	v59 =	vld.idx.msk [tilespmem:v37+s3+$0x0], $0xffff;
	v12 =	vadd.f32 v17, v12;
	v13 =	vadd.f32 v18, v13  }
0x322: {  	v62 =	vor.u32 v2, v21;
	v61 =	vld.idx.msk [tilespmem:v38+s3+$0x0], $0xffff;
	v14 =	vadd.f32 v20, v14;
	v11 =	vadd.f32 v11, v16  }
0x323: {  	v63 =	vld.idx.msk [tilespmem:v39+s3+$0x0], $0xffff;
	v41 =	vadd.f32 v33, v29;
	v42 =	vadd.f32 v34, v30  }
0x324: {  	v38 =	vld.idx.msk [tilespmem:v40+s3+$0x0], $0xffff;
	v43 =	vadd.f32 v35, v31;
	v19 =	vadd.f32 v19, v32  }
0x325: {  	v39 =	vld.idx.msk [tilespmem:v57+s3+$0x0], $0xffff;
	v12 =	vadd.f32 v22, v12;
	v13 =	vadd.f32 v23, v13  }
0x326: {  	v40 =	vld.idx.msk [tilespmem:v60+s3+$0x0], $0xffff;
	v14 =	vadd.f32 v24, v14;
	v11 =	vadd.f32 v25, v11  }
0x327: {  	v20 =	vld.idx.msk [tilespmem:v62+s3+$0x0], $0xffff;
	v17 =	vadd.f32 v56, v41;
	v18 =	vadd.f32 v59, v42  }
0x328: {  	v16 =	vadd.f32 v61, v43;
	v19 =	vadd.f32 v63, v19  }
0x329: {  	s30 =	sadd.s32 $0x5A, s26;
	v12 =	vadd.f32 v26, v12;
	v13 =	vadd.f32 v27, v13  }
0x32a: {  	v44 =	vor.u32 s30, v1;
	v14 =	vadd.f32 v28, v14;
	v11 =	vadd.f32 v15, v11  }
0x32b: {  	v45 =	vadd.s32 v0, v44;
	v17 =	vadd.f32 v38, v17;
	v18 =	vadd.f32 v39, v18  }
0x32c: {  	v47 =	vshll.u32 v45, $0x3;
	v15 =	vadd.f32 v40, v16;
	v46 =	vadd.f32 v20, v19  }
0x32d: {  	v48 =	vor.u32 v2, v47;
	v12 =	vadd.f32 v13, v12;
	v11 =	vadd.f32 v11, v14  }
0x32e: {  	v49 =	vadd.f32 v18, v17;
	v15 =	vadd.f32 v46, v15;
	_ =	sdelay $0x1  }
0x32f: {  	v11 =	vadd.f32 v11, v12;
	v50 =	vadd.f32 v15, v49;
	_ =	sdelay $0x1  }
0x330: {  	v13 =	vld.idx.msk [tilespmem:v48+s3+$0x0], $0xffff;
	v51 =	vperm.xlane v11, v10;
	v15 =	vperm.xlane v50, v10;
	_ =	sdelay $0x1  }
0x331: {  	v11 =	vsel vm0, v11, v50;
	v52 =	vsel vm0, v51, v15  }
0x332: {  	v53 =	vshll.u32 v44, $0x3;
	v11 =	vadd.f32 v11, v52  }
0x333: {  	v12 =	vor.u32 v2, v53  }
0x334: {  	v11 =	vadd.f32 v11, v13;
	_ =	sdelay $0x1  }
0x335: {  	v11 =	vmul.f32 $3.030303120e-02, v11;
	_ =	sdelay $0x1  }
0x336: {  	[tilespmem:v12+s16+$0x0] =	vst.idx.msk $0xffff, v11  }
0x337: {  	v11 =	vld [tilespmem:s25+$0x80];
	_ =	sdelay $0x4  }
0x338: {  	v54 =	vperm.xlane v11, v1  }
0x339: {  	v55 =	vperm.xlane v11, v3  }
0x33a: {  	v57 =	vld [tilespmem:s25+$0x90];
	v56 =	vperm.xlane v11, v4;
	v58 =	vperm.xlane v11, v5;
	v12 =	vshll.u32 v54, $0x3  }
0x33b: {  	v59 =	vperm.xlane v11, v6;
	v13 =	vshll.u32 v55, $0x3;
	v12 =	vor.u32 v2, v12  }
0x33c: {  	v60 =	vperm.xlane v11, v7;
	v14 =	vshll.u32 v56, $0x3;
	v13 =	vor.u32 v2, v13  }
0x33d: {  	v62 =	vperm.xlane v11, v8;
	v16 =	vshll.u32 v58, $0x3;
	v14 =	vor.u32 v2, v14  }
0x33e: {  	v61 =	vld [tilespmem:s25+$0xA0];
	v11 =	vperm.xlane v11, v9;
	v17 =	vshll.u32 v59, $0x3;
	v16 =	vor.u32 v2, v16  }
0x33f: {  	v63 =	vld [tilespmem:s25+$0xB0];
	v35 =	vperm.xlane v57, v1;
	v18 =	vshll.u32 v60, $0x3;
	v17 =	vor.u32 v2, v17  }
0x340: {  	v36 =	vperm.xlane v57, v3;
	v20 =	vshll.u32 v62, $0x3;
	v18 =	vor.u32 v2, v18;
	v12 =	vld.idx.msk [tilespmem:v12+s3+$0x0], $0xffff  }
0x341: {  	v37 =	vperm.xlane v57, v4;
	v11 =	vshll.u32 v11, $0x3;
	v20 =	vor.u32 v2, v20;
	v13 =	vld.idx.msk [tilespmem:v13+s3+$0x0], $0xffff  }
0x342: {  	v38 =	vperm.xlane v57, v5;
	v22 =	vshll.u32 v35, $0x3;
	v11 =	vor.u32 v2, v11;
	v14 =	vld.idx.msk [tilespmem:v14+s3+$0x0], $0xffff  }
0x343: {  	v39 =	vperm.xlane v57, v6;
	v23 =	vshll.u32 v36, $0x3;
	v22 =	vor.u32 v2, v22;
	v16 =	vld.idx.msk [tilespmem:v16+s3+$0x0], $0xffff  }
0x344: {  	v40 =	vperm.xlane v57, v7;
	v24 =	vshll.u32 v37, $0x3;
	v23 =	vor.u32 v2, v23;
	v17 =	vld.idx.msk [tilespmem:v17+s3+$0x0], $0xffff  }
0x345: {  	v41 =	vperm.xlane v57, v8;
	v25 =	vshll.u32 v38, $0x3;
	v24 =	vor.u32 v2, v24;
	v18 =	vld.idx.msk [tilespmem:v18+s3+$0x0], $0xffff  }
0x346: {  	v15 =	vperm.xlane v57, v9;
	v26 =	vshll.u32 v39, $0x3;
	v25 =	vor.u32 v2, v25;
	v20 =	vld.idx.msk [tilespmem:v20+s3+$0x0], $0xffff  }
0x347: {  	v42 =	vperm.xlane v61, v1;
	v27 =	vshll.u32 v40, $0x3;
	v26 =	vor.u32 v2, v26;
	v11 =	vld.idx.msk [tilespmem:v11+s3+$0x0], $0xffff  }
0x348: {  	v43 =	vperm.xlane v61, v3;
	v28 =	vshll.u32 v41, $0x3;
	v27 =	vor.u32 v2, v27;
	v22 =	vld.idx.msk [tilespmem:v22+s3+$0x0], $0xffff  }
0x349: {  	v44 =	vperm.xlane v61, v4;
	v15 =	vshll.u32 v15, $0x3;
	v28 =	vor.u32 v2, v28;
	v23 =	vld.idx.msk [tilespmem:v23+s3+$0x0], $0xffff  }
0x34a: {  	v45 =	vperm.xlane v61, v5;
	v29 =	vshll.u32 v42, $0x3;
	v15 =	vor.u32 v2, v15;
	v24 =	vld.idx.msk [tilespmem:v24+s3+$0x0], $0xffff  }
0x34b: {  	v46 =	vperm.xlane v61, v6;
	v30 =	vshll.u32 v43, $0x3;
	v29 =	vor.u32 v2, v29;
	v25 =	vld.idx.msk [tilespmem:v25+s3+$0x0], $0xffff  }
0x34c: {  	v47 =	vperm.xlane v61, v7;
	v31 =	vshll.u32 v44, $0x3;
	v30 =	vor.u32 v2, v30;
	v26 =	vld.idx.msk [tilespmem:v26+s3+$0x0], $0xffff  }
0x34d: {  	v48 =	vperm.xlane v61, v8;
	v32 =	vshll.u32 v45, $0x3;
	v31 =	vor.u32 v2, v31;
	v27 =	vld.idx.msk [tilespmem:v27+s3+$0x0], $0xffff  }
0x34e: {  	v19 =	vperm.xlane v61, v9;
	v33 =	vshll.u32 v46, $0x3;
	v32 =	vor.u32 v2, v32;
	v28 =	vld.idx.msk [tilespmem:v28+s3+$0x0], $0xffff  }
0x34f: {  	v49 =	vperm.xlane v63, v1;
	v34 =	vshll.u32 v47, $0x3;
	v33 =	vor.u32 v2, v33;
	v15 =	vld.idx.msk [tilespmem:v15+s3+$0x0], $0xffff  }
0x350: {  	v50 =	vperm.xlane v63, v3;
	v35 =	vshll.u32 v48, $0x3;
	v34 =	vor.u32 v2, v34;
	v29 =	vld.idx.msk [tilespmem:v29+s3+$0x0], $0xffff  }
0x351: {  	v51 =	vperm.xlane v63, v4;
	v19 =	vshll.u32 v19, $0x3;
	v35 =	vor.u32 v2, v35;
	v30 =	vld.idx.msk [tilespmem:v30+s3+$0x0], $0xffff  }
0x352: {  	v52 =	vperm.xlane v63, v5;
	v36 =	vshll.u32 v49, $0x3;
	v19 =	vor.u32 v2, v19;
	v31 =	vld.idx.msk [tilespmem:v31+s3+$0x0], $0xffff  }
0x353: {  	v53 =	vperm.xlane v63, v6;
	v37 =	vshll.u32 v50, $0x3;
	v36 =	vor.u32 v2, v36;
	v32 =	vld.idx.msk [tilespmem:v32+s3+$0x0], $0xffff  }
0x354: {  	v21 =	vperm.xlane v63, v9;
	v38 =	vshll.u32 v51, $0x3;
	v37 =	vor.u32 v2, v37;
	v33 =	vld.idx.msk [tilespmem:v33+s3+$0x0], $0xffff  }
0x355: {  	v39 =	vshll.u32 v52, $0x3;
	v54 =	vperm.xlane v63, v7;
	v38 =	vor.u32 v2, v38;
	v34 =	vld.idx.msk [tilespmem:v34+s3+$0x0], $0xffff  }
0x356: {  	v40 =	vshll.u32 v53, $0x3;
	v55 =	vperm.xlane v63, v8;
	v39 =	vor.u32 v2, v39;
	v35 =	vld.idx.msk [tilespmem:v35+s3+$0x0], $0xffff  }
0x357: {  	v40 =	vor.u32 v2, v40;
	v41 =	vshll.u32 v54, $0x3;
	v19 =	vld.idx.msk [tilespmem:v19+s3+$0x0], $0xffff  }
0x358: {  	v21 =	vshll.u32 v21, $0x3;
	v58 =	vshll.u32 v55, $0x3;
	v57 =	vor.u32 v2, v41;
	v56 =	vld.idx.msk [tilespmem:v36+s3+$0x0], $0xffff  }
0x359: {  	v60 =	vor.u32 v2, v58;
	v59 =	vld.idx.msk [tilespmem:v37+s3+$0x0], $0xffff;
	v12 =	vadd.f32 v17, v12;
	v13 =	vadd.f32 v18, v13  }
0x35a: {  	v62 =	vor.u32 v2, v21;
	v61 =	vld.idx.msk [tilespmem:v38+s3+$0x0], $0xffff;
	v14 =	vadd.f32 v20, v14;
	v11 =	vadd.f32 v11, v16  }
0x35b: {  	v63 =	vld.idx.msk [tilespmem:v39+s3+$0x0], $0xffff;
	v41 =	vadd.f32 v33, v29;
	v42 =	vadd.f32 v34, v30  }
0x35c: {  	v38 =	vld.idx.msk [tilespmem:v40+s3+$0x0], $0xffff;
	v43 =	vadd.f32 v35, v31;
	v19 =	vadd.f32 v19, v32  }
0x35d: {  	v39 =	vld.idx.msk [tilespmem:v57+s3+$0x0], $0xffff;
	v12 =	vadd.f32 v22, v12;
	v13 =	vadd.f32 v23, v13  }
0x35e: {  	v40 =	vld.idx.msk [tilespmem:v60+s3+$0x0], $0xffff;
	v14 =	vadd.f32 v24, v14;
	v11 =	vadd.f32 v25, v11  }
0x35f: {  	v20 =	vld.idx.msk [tilespmem:v62+s3+$0x0], $0xffff;
	v17 =	vadd.f32 v56, v41;
	v18 =	vadd.f32 v59, v42  }
0x360: {  	v16 =	vadd.f32 v61, v43;
	v19 =	vadd.f32 v63, v19  }
0x361: {  	s31 =	sadd.s32 $0x5C, s26;
	v12 =	vadd.f32 v26, v12;
	v13 =	vadd.f32 v27, v13  }
0x362: {  	v44 =	vor.u32 s31, v1;
	v14 =	vadd.f32 v28, v14;
	v11 =	vadd.f32 v15, v11  }
0x363: {  	v45 =	vadd.s32 v0, v44;
	v17 =	vadd.f32 v38, v17;
	v18 =	vadd.f32 v39, v18  }
0x364: {  	v47 =	vshll.u32 v45, $0x3;
	v15 =	vadd.f32 v40, v16;
	v46 =	vadd.f32 v20, v19  }
0x365: {  	v48 =	vor.u32 v2, v47;
	v12 =	vadd.f32 v13, v12;
	v11 =	vadd.f32 v11, v14  }
0x366: {  	v49 =	vadd.f32 v18, v17;
	v15 =	vadd.f32 v46, v15;
	_ =	sdelay $0x1  }
0x367: {  	v11 =	vadd.f32 v11, v12;
	v50 =	vadd.f32 v15, v49;
	_ =	sdelay $0x1  }
0x368: {  	v13 =	vld.idx.msk [tilespmem:v48+s3+$0x0], $0xffff;
	v51 =	vperm.xlane v11, v10;
	v15 =	vperm.xlane v50, v10;
	_ =	sdelay $0x1  }
0x369: {  	v11 =	vsel vm0, v11, v50;
	v52 =	vsel vm0, v51, v15  }
0x36a: {  	v53 =	vshll.u32 v44, $0x3;
	v11 =	vadd.f32 v11, v52  }
0x36b: {  	v12 =	vor.u32 v2, v53  }
0x36c: {  	v11 =	vadd.f32 v11, v13;
	_ =	sdelay $0x1  }
0x36d: {  	v11 =	vmul.f32 $3.030303120e-02, v11;
	_ =	sdelay $0x1  }
0x36e: {  	[tilespmem:v12+s16+$0x0] =	vst.idx.msk $0xffff, v11  }
0x36f: {  	v11 =	vld [tilespmem:s25+$0xC0];
	_ =	sdelay $0x4  }
0x370: {  	v54 =	vperm.xlane v11, v1  }
0x371: {  	v55 =	vperm.xlane v11, v3  }
0x372: {  	v57 =	vld [tilespmem:s25+$0xD0];
	v56 =	vperm.xlane v11, v4;
	v58 =	vperm.xlane v11, v5;
	v12 =	vshll.u32 v54, $0x3  }
0x373: {  	v59 =	vperm.xlane v11, v6;
	v13 =	vshll.u32 v55, $0x3;
	v12 =	vor.u32 v2, v12  }
0x374: {  	v60 =	vperm.xlane v11, v7;
	v14 =	vshll.u32 v56, $0x3;
	v13 =	vor.u32 v2, v13  }
0x375: {  	v62 =	vperm.xlane v11, v8;
	v16 =	vshll.u32 v58, $0x3;
	v14 =	vor.u32 v2, v14  }
0x376: {  	v61 =	vld [tilespmem:s25+$0xE0];
	v11 =	vperm.xlane v11, v9;
	v17 =	vshll.u32 v59, $0x3;
	v16 =	vor.u32 v2, v16  }
0x377: {  	v63 =	vld [tilespmem:s25+$0xF0];
	v40 =	vperm.xlane v57, v1;
	v18 =	vshll.u32 v60, $0x3;
	v17 =	vor.u32 v2, v17  }
0x378: {  	v41 =	vperm.xlane v57, v3;
	v20 =	vshll.u32 v62, $0x3;
	v18 =	vor.u32 v2, v18;
	v12 =	vld.idx.msk [tilespmem:v12+s3+$0x0], $0xffff  }
0x379: {  	v42 =	vperm.xlane v57, v4;
	v11 =	vshll.u32 v11, $0x3;
	v20 =	vor.u32 v2, v20;
	v13 =	vld.idx.msk [tilespmem:v13+s3+$0x0], $0xffff  }
0x37a: {  	v43 =	vperm.xlane v57, v5;
	v22 =	vshll.u32 v40, $0x3;
	v11 =	vor.u32 v2, v11;
	v14 =	vld.idx.msk [tilespmem:v14+s3+$0x0], $0xffff  }
0x37b: {  	v44 =	vperm.xlane v57, v6;
	v23 =	vshll.u32 v41, $0x3;
	v22 =	vor.u32 v2, v22;
	v16 =	vld.idx.msk [tilespmem:v16+s3+$0x0], $0xffff  }
0x37c: {  	v45 =	vperm.xlane v57, v7;
	v24 =	vshll.u32 v42, $0x3;
	v23 =	vor.u32 v2, v23;
	v17 =	vld.idx.msk [tilespmem:v17+s3+$0x0], $0xffff  }
0x37d: {  	v46 =	vperm.xlane v57, v8;
	v25 =	vshll.u32 v43, $0x3;
	v24 =	vor.u32 v2, v24;
	v18 =	vld.idx.msk [tilespmem:v18+s3+$0x0], $0xffff  }
0x37e: {  	v15 =	vperm.xlane v57, v9;
	v26 =	vshll.u32 v44, $0x3;
	v25 =	vor.u32 v2, v25;
	v20 =	vld.idx.msk [tilespmem:v20+s3+$0x0], $0xffff  }
0x37f: {  	v47 =	vperm.xlane v61, v1;
	v27 =	vshll.u32 v45, $0x3;
	v26 =	vor.u32 v2, v26;
	v11 =	vld.idx.msk [tilespmem:v11+s3+$0x0], $0xffff  }
0x380: {  	v48 =	vperm.xlane v61, v3;
	v28 =	vshll.u32 v46, $0x3;
	v27 =	vor.u32 v2, v27;
	v22 =	vld.idx.msk [tilespmem:v22+s3+$0x0], $0xffff  }
0x381: {  	v49 =	vperm.xlane v61, v4;
	v15 =	vshll.u32 v15, $0x3;
	v28 =	vor.u32 v2, v28;
	v23 =	vld.idx.msk [tilespmem:v23+s3+$0x0], $0xffff  }
0x382: {  	v50 =	vperm.xlane v61, v5;
	v29 =	vshll.u32 v47, $0x3;
	v15 =	vor.u32 v2, v15;
	v24 =	vld.idx.msk [tilespmem:v24+s3+$0x0], $0xffff  }
0x383: {  	v51 =	vperm.xlane v61, v6;
	v30 =	vshll.u32 v48, $0x3;
	v29 =	vor.u32 v2, v29;
	v25 =	vld.idx.msk [tilespmem:v25+s3+$0x0], $0xffff  }
0x384: {  	v52 =	vperm.xlane v61, v7;
	v31 =	vshll.u32 v49, $0x3;
	v30 =	vor.u32 v2, v30;
	v26 =	vld.idx.msk [tilespmem:v26+s3+$0x0], $0xffff  }
0x385: {  	v53 =	vperm.xlane v61, v8;
	v32 =	vshll.u32 v50, $0x3;
	v31 =	vor.u32 v2, v31;
	v27 =	vld.idx.msk [tilespmem:v27+s3+$0x0], $0xffff  }
0x386: {  	v19 =	vperm.xlane v61, v9;
	v33 =	vshll.u32 v51, $0x3;
	v32 =	vor.u32 v2, v32;
	v28 =	vld.idx.msk [tilespmem:v28+s3+$0x0], $0xffff  }
0x387: {  	v57 =	vperm.xlane v63, v5;
	v34 =	vshll.u32 v52, $0x3;
	v33 =	vor.u32 v2, v33;
	v15 =	vld.idx.msk [tilespmem:v15+s3+$0x0], $0xffff  }
0x388: {  	v21 =	vperm.xlane v63, v9;
	v35 =	vshll.u32 v53, $0x3;
	v34 =	vor.u32 v2, v34;
	v29 =	vld.idx.msk [tilespmem:v29+s3+$0x0], $0xffff  }
0x389: {  	v54 =	vperm.xlane v63, v1;
	v19 =	vshll.u32 v19, $0x3;
	v35 =	vor.u32 v2, v35;
	v30 =	vld.idx.msk [tilespmem:v30+s3+$0x0], $0xffff  }
0x38a: {  	v55 =	vperm.xlane v63, v3;
	v39 =	vshll.u32 v57, $0x3;
	v19 =	vor.u32 v2, v19;
	v31 =	vld.idx.msk [tilespmem:v31+s3+$0x0], $0xffff  }
0x38b: {  	v56 =	vperm.xlane v63, v4;
	v39 =	vor.u32 v2, v39;
	v36 =	vshll.u32 v54, $0x3;
	v32 =	vld.idx.msk [tilespmem:v32+s3+$0x0], $0xffff  }
0x38c: {  	v58 =	vperm.xlane v63, v6;
	v37 =	vshll.u32 v55, $0x3;
	v36 =	vor.u32 v2, v36;
	v33 =	vld.idx.msk [tilespmem:v33+s3+$0x0], $0xffff  }
0x38d: {  	v59 =	vperm.xlane v63, v7;
	v38 =	vshll.u32 v56, $0x3;
	v37 =	vor.u32 v2, v37;
	v34 =	vld.idx.msk [tilespmem:v34+s3+$0x0], $0xffff  }
0x38e: {  	v60 =	vperm.xlane v63, v8;
	v40 =	vshll.u32 v58, $0x3;
	v38 =	vor.u32 v2, v38;
	v35 =	vld.idx.msk [tilespmem:v35+s3+$0x0], $0xffff  }
0x38f: {  	v41 =	vshll.u32 v59, $0x3;
	v40 =	vor.u32 v2, v40;
	v19 =	vld.idx.msk [tilespmem:v19+s3+$0x0], $0xffff  }
0x390: {  	v21 =	vshll.u32 v21, $0x3;
	v63 =	vshll.u32 v60, $0x3;
	v62 =	vor.u32 v2, v41;
	v47 =	vld.idx.msk [tilespmem:v39+s3+$0x0], $0xffff  }
0x391: {  	v44 =	vor.u32 v2, v63;
	v61 =	vld.idx.msk [tilespmem:v36+s3+$0x0], $0xffff;
	v12 =	vadd.f32 v17, v12;
	v13 =	vadd.f32 v18, v13  }
0x392: {  	v46 =	vor.u32 v2, v21;
	v43 =	vld.idx.msk [tilespmem:v37+s3+$0x0], $0xffff;
	v14 =	vadd.f32 v20, v14;
	v11 =	vadd.f32 v11, v16  }
0x393: {  	v45 =	vld.idx.msk [tilespmem:v38+s3+$0x0], $0xffff;
	v51 =	vadd.f32 v33, v29;
	v52 =	vadd.f32 v34, v30  }
0x394: {  	v48 =	vld.idx.msk [tilespmem:v40+s3+$0x0], $0xffff;
	v53 =	vadd.f32 v35, v31;
	v19 =	vadd.f32 v19, v32  }
0x395: {  	v49 =	vld.idx.msk [tilespmem:v62+s3+$0x0], $0xffff;
	v12 =	vadd.f32 v22, v12;
	v13 =	vadd.f32 v23, v13  }
0x396: {  	v50 =	vld.idx.msk [tilespmem:v44+s3+$0x0], $0xffff;
	v14 =	vadd.f32 v24, v14;
	v11 =	vadd.f32 v25, v11  }
0x397: {  	v20 =	vld.idx.msk [tilespmem:v46+s3+$0x0], $0xffff;
	v17 =	vadd.f32 v61, v51;
	v18 =	vadd.f32 v43, v52  }
0x398: {  	v16 =	vadd.f32 v45, v53;
	v19 =	vadd.f32 v47, v19  }
0x399: {  	s26 =	sadd.s32 $0x5E, s26;
	v12 =	vadd.f32 v26, v12;
	v13 =	vadd.f32 v27, v13  }
0x39a: {  	v54 =	vor.u32 s26, v1;
	v14 =	vadd.f32 v28, v14;
	v11 =	vadd.f32 v15, v11  }
0x39b: {  	v55 =	vadd.s32 v0, v54;
	v17 =	vadd.f32 v48, v17;
	v18 =	vadd.f32 v49, v18  }
0x39c: {  	v57 =	vshll.u32 v55, $0x3;
	v15 =	vadd.f32 v50, v16;
	v56 =	vadd.f32 v20, v19  }
0x39d: {  	v58 =	vor.u32 v2, v57;
	v12 =	vadd.f32 v13, v12;
	v11 =	vadd.f32 v11, v14  }
0x39e: {  	v59 =	vadd.f32 v18, v17;
	v15 =	vadd.f32 v56, v15;
	_ =	sdelay $0x1  }
0x39f: {  	v11 =	vadd.f32 v11, v12;
	v60 =	vadd.f32 v15, v59;
	_ =	sdelay $0x1  }
0x3a0: {  	v13 =	vld.idx.msk [tilespmem:v58+s3+$0x0], $0xffff;
	v61 =	vperm.xlane v11, v10;
	v15 =	vperm.xlane v60, v10;
	_ =	sdelay $0x1  }
0x3a1: {  	v11 =	vsel vm0, v11, v60;
	v62 =	vsel vm0, v61, v15  }
0x3a2: {  	v63 =	vshll.u32 v54, $0x3;
	v11 =	vadd.f32 v11, v62  }
0x3a3: {  	p0 =	sne.s32 s23, $0x40;
	v12 =	vor.u32 v2, v63  }
.Ltmp1:
0x3a4: {  	v11 =	vadd.f32 v11, v13;
	(pc) =	sbr.rel @p0 .LBB2_5-.Ltmp1, $3  }
0x3a5: {  	_ = 	snop  }
0x3a6: {  	v11 =	vmul.f32 $3.030303120e-02, v11;
	_ =	sdelay $0x1  }
0x3a7: {  	s23 =	sadd.s32 $0x10, s23;
	s25 =	sadd.s32 $0x200, s25;
	[tilespmem:v12+s16+$0x0] =	vst.idx.msk $0xffff, v11  }
0x3a8: {  	s21 =	sadd.s32 $0x1, s21  }
0x3a9: {  	s22 =	smul.u32 $0xA00, s22;
	p0 =	sne.s32 s21, $0x20  }
.Ltmp2:
0x3aa: {  	_ = 	snop;
	(pc) =	sbr.rel @p0 .LBB2_2-.Ltmp2, $4  }
0x3ab: {  	s23 =	sadd.s32 s4, s24  }
0x3ac: {  	s23 =	sshll.u32 s23, $0x4;
	s22 =	sshra.s32 s22, $0x2  }
0x3ad: {  	s20 =	sadd.s32 $0xA0, s20;
	s23 =	sadd.s32 s23, s8;
	s22 =	sadd.s32 $0x14000, s22  }
0x3ae: {  	[hbm4b:s23+s10] =	stream.strided.scatter [tilespmem:s22], [sflag:$0x3], $0x280, s11, s10, $0x38;
	[tilespmem:$0x1F400] =	vst v63  }
0x3af: {  	_ =	swait.ge [sflag:s15], $0xA00  }
0x3b0: {  	[sflag:s15] =	ssyncset.done $0x0  }
0x3b1: {  	[sflag:s15] =	ssyncadd.s32 $0xFFFFF600  }
0x3b2: {  	_ =	swait.ge [sflag:s18], $0x280  }
0x3b3: {  	s20 =	simm.s32 $0x3F;
	[sflag:s18] =	ssyncset.done $0x0  }
.LBB2_8:
0x3b4: {  	p0 =	sne.s32 s20, $0x1;
	s20 =	sadd.s32 $0xFFFFFFFF, s20;
	[sflag:s18] =	ssyncadd.s32 $0xFFFFFD80  }
.Ltmp3:
0x3b5: {  	(pc) =	sbr.rel @p0 .LBB2_8-.Ltmp3, $3  }
0x3b6: {  	_ =	sdelay $0x1  }
0x3b7: {  	_ =	swait.ge [sflag:s18], $0x280  }
0x3b8: {  	[sflag:s18] =	ssyncset.done $0x0  }
0x3b9: {  	s19 =	sadd.s32 $0x1, s19  }
0x3ba: {  	p0 =	sne.s32 s19, s9  }
.Ltmp4:
0x3bb: {  	_ = 	snop;
	(pc) =	sbr.rel @p0 .LBB2_1-.Ltmp4, $2  }
0x3bc: {  	_ =	sdelay $0x2  }
0x3bd: {  	[sflag:s18] =	ssyncadd.s32 $0xFFFFFD80  }
0x3be: {  	_ =	sfence.sel $0x180000  }
0x3bf: {  	[bflag:$0x0] =	sbarrier.arrive $0xFFFF  }
0x3c0: {  	p0 =	sne.s32 s2, $0x0;
	_ =	strace $0x90000047  }
0x3c1: {  	s0 =	sadd.s32 @!p0 $0x100000, s0;
	[bflag:$0x2] =	sbarrier.arrive $0xFFFF  }
0x3c2: {  	[sflag:s0] =	ssyncadd.tile.s32 @!p0 $0x1;
	_ =	shalt  }
.Lfunc_end2:
_tile_overlayer_lowered:
.L_overlay_start_2:
0x3c3: {  	(tag) =	ssettag $0x2  }
0x3c4: {  	s0 =	rddreg [dreg:$0x0];
	s2 =	stileid.u32  }
0x3c5: {  	s1 =	rddreg [dreg:$0x1];
	p0 =	sne.s32 s2, $0x0  }
0x3c6: {  	s3 =	rddreg [dreg:$0x2];
	[bflag:$0x3] =	sbarrier.arrive $0xFFFF;
	s2 =	simm.s32 @!p0 $0x1C04  }
0x3c7: {  	[timem:s3], [sflag:s2] =	dma.local @!p0 [hbm:s0], s1  }
0x3c8: {  	s0 =	simm.s32 @!p0 $0x4  }
0x3c9: {  	_ =	swait.ge @!p0 [sflag:s0], s1  }
0x3ca: {  	s1 =	ssub.s32 @!p0 $0x0, s1;
	[sflag:s0] =	ssyncset.done @!p0 $0x0  }
0x3cb: {  	[sflag:s0] =	ssyncadd.s32 @!p0 s1  }
0x3cc: {  	[bflag:$0x3] =	sbarrier.arrive $0xFFFF  }
0x3cd: {  	_ =	shalt  }

</sc_bundles>
